<compile_context>
chip_gen: v7x
topology: tpu7x:2x2x1
jax: 0.10.2.dev20260603
libtpu: 0.0.44.dev20260713+nightly
codegen_flags: <defaults>
</compile_context>

<pallas_src>
import functools

import jax
import jax.numpy as jnp
from jax import lax
from jax.experimental import pallas as pl
from jax.experimental.pallas import tpu as pltpu
from jax.experimental.pallas import tpu_sc as plsc

N = 10000
E = 320000
D = 128
C = 64

NC = 2
NS = 16
NW = NC * NS
EW = E // NW
K = 80
EWP = 10000
PAD = EWP - EW
NCH = EWP // K
NB = 25
NBLK = NCH // NB
ROWS0 = 624
ZR = 48
TAIL0 = NS * ROWS0
TAIL = N - TAIL0

_F32 = jnp.float32
_I32 = jnp.int32


def _sc_scatter_fn():
    mesh = plsc.VectorSubcoreMesh(
        core_axis_name="c", subcore_axis_name="s", num_cores=NC, num_subcores=NS
    )

    @functools.partial(
        pl.kernel,
        out_type=jax.ShapeDtypeStruct((NC, N, D), _F32),
        mesh=mesh,
        scratch_types=dict(
            idx_v=pltpu.VMEM((NB, 3, K), _I32),
            rows=pltpu.VMEM((K, D), _F32),
            acc=pltpu.VMEM_SHARED((N, D), _F32),
        ),
    )
    def sc_scatter(x_hbm, idx_hbm, out_hbm, idx_v, rows, acc):
        c = lax.axis_index("c")
        s = lax.axis_index("s")
        wid = c * NS + s

        @pl.loop(0, ZR)
        def _(i):
            for j in range(D // 16):
                rows[i, pl.ds(j * 16, 16)] = jnp.zeros((16,), _F32)

        zsrc = rows.at[pl.ds(0, ZR)]
        row0 = s * ROWS0

        @pl.loop(0, ROWS0 // ZR)
        def _(i):
            pltpu.sync_copy(zsrc, acc.at[pl.ds(row0 + i * ZR, ZR)])

        @pl.when(s == NS - 1)
        def _():
            pltpu.sync_copy(rows.at[pl.ds(0, TAIL)], acc.at[pl.ds(TAIL0, TAIL)])

        plsc.subcore_barrier()

        @pl.loop(0, NBLK)
        def _(blk):
            pltpu.sync_copy(idx_hbm.at[wid, blk], idx_v)

            @pl.loop(0, NB)
            def _(gg):
                pltpu.sync_copy(x_hbm.at[idx_v.at[gg, 0]], rows)

                @pl.loop(0, K // 16)
                def _(tt):
                    wvec = lax.bitcast_convert_type(
                        idx_v[gg, 2, pl.ds(tt * 16, 16)], _F32)
                    for l in range(16):
                        wb = jnp.full((16,), wvec[l], dtype=_F32)
                        row = tt * 16 + l
                        for j in range(D // 16):
                            slc = pl.ds(j * 16, 16)
                            rows[row, slc] = rows[row, slc] * wb

                pltpu.sync_copy(rows, acc.at[idx_v.at[gg, 1]], add=True)

        plsc.subcore_barrier()

        obuf = rows.at[pl.ds(0, ZR)]

        @pl.loop(0, ROWS0 // ZR)
        def _(i):
            r0 = row0 + i * ZR
            pltpu.sync_copy(acc.at[pl.ds(r0, ZR)], obuf)
            pltpu.sync_copy(obuf, out_hbm.at[c, pl.ds(r0, ZR)])

        @pl.when(s == NS - 1)
        def _():
            tbuf = rows.at[pl.ds(0, TAIL)]
            pltpu.sync_copy(acc.at[pl.ds(TAIL0, TAIL)], tbuf)
            pltpu.sync_copy(tbuf, out_hbm.at[c, pl.ds(TAIL0, TAIL)])

    return sc_scatter


_SC_SCATTER = _sc_scatter_fn()

BT = 2000


def _dotT(a, w):
    return lax.dot_general(a, w, (((1,), (1,)), ((), ())),
                           preferred_element_type=_F32)


def _layer_body(p_ref, x_ref, wrel_ref, b_ref, wroot_ref, o_ref):
    agg = p_ref[0] + p_ref[1]
    t = _dotT(agg, wrel_ref[...]) + _dotT(x_ref[...], wroot_ref[...]) + b_ref[...]
    o_ref[...] = jnp.maximum(t, 0.0)


def _tc_layer(p, x, w_rel, b_rel, w_root):
    return pl.pallas_call(
        _layer_body,
        grid=(N // BT,),
        in_specs=[
            pl.BlockSpec((NC, BT, D), lambda i: (0, i, 0)),
            pl.BlockSpec((BT, D), lambda i: (i, 0)),
            pl.BlockSpec((D, D), lambda i: (0, 0)),
            pl.BlockSpec((1, D), lambda i: (0, 0)),
            pl.BlockSpec((D, D), lambda i: (0, 0)),
        ],
        out_specs=pl.BlockSpec((BT, D), lambda i: (i, 0)),
        out_shape=jax.ShapeDtypeStruct((N, D), _F32),
    )(p, x, w_rel, b_rel.reshape(1, D), w_root)


def _final_body(p_ref, h_ref, wrel_ref, b_ref, wroot_ref, wfc_ref, bfc_ref, o_ref):
    agg = p_ref[0] + p_ref[1]
    h2 = jnp.maximum(
        _dotT(agg, wrel_ref[...]) + _dotT(h_ref[...], wroot_ref[...]) + b_ref[...],
        0.0,
    )
    o_ref[...] = _dotT(h2, wfc_ref[...]) + bfc_ref[...]


def _tc_final(p, h, w_rel, b_rel, w_root, wfc, bfc):
    return pl.pallas_call(
        _final_body,
        grid=(N // BT,),
        in_specs=[
            pl.BlockSpec((NC, BT, D), lambda i: (0, i, 0)),
            pl.BlockSpec((BT, D), lambda i: (i, 0)),
            pl.BlockSpec((D, D), lambda i: (0, 0)),
            pl.BlockSpec((1, D), lambda i: (0, 0)),
            pl.BlockSpec((D, D), lambda i: (0, 0)),
            pl.BlockSpec((C, D), lambda i: (0, 0)),
            pl.BlockSpec((1, C), lambda i: (0, 0)),
        ],
        out_specs=pl.BlockSpec((BT, C), lambda i: (i, 0)),
        out_shape=jax.ShapeDtypeStruct((N, C), _F32),
    )(p, h, w_rel, b_rel.reshape(1, D), w_root, wfc, bfc.reshape(1, C))


def kernel(x, edge_index, edge_attr, W1_rel, b1_rel, W1_root,
           W2_rel, b2_rel, W2_root, Wfc, bfc):
    pad = ((0, 0), (0, PAD))
    src = jnp.pad(edge_index[0].reshape(NW, EW), pad)
    dst = jnp.pad(edge_index[1].reshape(NW, EW), pad)
    wbits = jnp.pad(
        lax.bitcast_convert_type(edge_attr, _I32).reshape(NW, EW), pad)
    idx = jnp.stack(
        [a.reshape(NW, NCH, K) for a in (src, dst, wbits)], axis=2
    ).reshape(NW, NBLK, NB, 3, K)

    p1 = _SC_SCATTER(x, idx)
    h1 = _tc_layer(p1, x, W1_rel, b1_rel, W1_root)
    p2 = _SC_SCATTER(h1, idx)
    return _tc_final(p2, h1, W2_rel, b2_rel, W2_root, Wfc, bfc)

# --- scband reference (transcript-rebuilt; emitter-appended) ---
"""Pipeline reference for scband-gnn-360777253507 (READ-ONLY COPY).

The authoritative reference and input builder live on the scoring server;
editing this copy changes nothing except your own understanding.
"""

import jax, jax.numpy as jnp
import numpy as np

N = 10000
E = 320000
D = 128
H = 128
C = 64


def setup_inputs(seed: int = 0) -> dict:
    key = jax.random.key(seed)
    ks = jax.random.split(key, 12)
    x = jax.random.normal(ks[0], (N, D), dtype=jnp.float32)
    edge_index = jax.random.randint(ks[1], (2, E), 0, N, dtype=jnp.int32)
    edge_attr = jax.random.uniform(ks[2], (E,), dtype=jnp.float32)
    s1 = 1.0 / np.sqrt(D)
    s2 = 1.0 / np.sqrt(H)
    W1_rel = jax.random.uniform(ks[3], (H, D), minval=-s1, maxval=s1, dtype=jnp.float32)
    b1_rel = jax.random.uniform(ks[4], (H,), minval=-s1, maxval=s1, dtype=jnp.float32)
    W1_root = jax.random.uniform(ks[5], (H, D), minval=-s1, maxval=s1, dtype=jnp.float32)
    W2_rel = jax.random.uniform(ks[6], (H, H), minval=-s2, maxval=s2, dtype=jnp.float32)
    b2_rel = jax.random.uniform(ks[7], (H,), minval=-s2, maxval=s2, dtype=jnp.float32)
    W2_root = jax.random.uniform(ks[8], (H, H), minval=-s2, maxval=s2, dtype=jnp.float32)
    Wfc = jax.random.uniform(ks[9], (C, H), minval=-s2, maxval=s2, dtype=jnp.float32)
    bfc = jax.random.uniform(ks[10], (C,), minval=-s2, maxval=s2, dtype=jnp.float32)
    return {"x": x, "edge_index": edge_index, "edge_attr": edge_attr,
            "W1_rel": W1_rel, "b1_rel": b1_rel, "W1_root": W1_root,
            "W2_rel": W2_rel, "b2_rel": b2_rel, "W2_root": W2_root,
            "Wfc": Wfc, "bfc": bfc}


def _graph_conv(x, edge_index, edge_weight, W_rel, b_rel, W_root):
    # PyG GraphConv: out = lin_rel(sum_{j in N(i)} e_ji * x_j) + lin_root(x_i)
    src = edge_index[0]
    dst = edge_index[1]
    msg = jnp.take(x, src, axis=0) * edge_weight[:, None]
    agg = jax.ops.segment_sum(msg, dst, num_segments=N)
    return agg @ W_rel.T + b_rel + x @ W_root.T


def reference(x, edge_index, edge_attr, W1_rel, b1_rel, W1_root, W2_rel, b2_rel, W2_root, Wfc, bfc):
    h = _graph_conv(x, edge_index, edge_attr, W1_rel, b1_rel, W1_root)
    h = jax.nn.relu(h)
    h = _graph_conv(h, edge_index, edge_attr, W2_rel, b2_rel, W2_root)
    h = jax.nn.relu(h)
    out = h @ Wfc.T + bfc
    return out

if __name__ == "__main__":
    import jax
    _d = setup_inputs()
    print(jax.jit(kernel)(*tuple(_d.values())))

</pallas_src>

<mosaic_0001>
#map = affine_map<(d0, d1) -> (0, 0)>
#map1 = affine_map<(d0, d1) -> (0, 0, 0, 0, 0)>
#map2 = affine_map<(d0, d1) -> (0, 0, 0)>
module attributes {stable_mosaic.version = 14 : i64} {
  func.func @sc_scatter(%arg0: i32, %arg1: i32, %arg2: memref<10000x128xf32, #tpu.memory_space<hbm>>, %arg3: memref<32x5x25x3x80xi32, #tpu.memory_space<hbm>>, %arg4: memref<2x10000x128xf32, #tpu.memory_space<hbm>>, %arg5: memref<10000x128xf32, #tpu.memory_space<vmem_shared>>, %arg6: memref<25x3x80xi32, #tpu.memory_space<vmem>>, %arg7: memref<80x128xf32, #tpu.memory_space<vmem>>) attributes {dimension_semantics = [#tpu.dimension_semantics<core_parallel>, #tpu.dimension_semantics<subcore_parallel>], iteration_bounds = array<i64: 2, 16>, scalar_prefetch = 0 : i64, scratch_operands = 3 : i64, tpu.core_type = #tpu.core_type<sc_vector_subcore>, window_params = [{transform_indices = #map}, {transform_indices = #map1}, {transform_indices = #map2}]} {
    %mul3A = arith.constant 16 : i32
    %mul3A_0 = arith.muli %arg0, %mul3A : i32
    %add3A = arith.addi %mul3A_0, %arg1 : i32
    %scan3A = arith.constant 0 : i32
    %scan3A_1 = arith.constant 48 : i32
    %scan3A_2 = arith.addi %scan3A, %scan3A_1 : i32
    %scan3A_3 = arith.constant 1 : i32
    scf.for %scan3A_30 = %scan3A to %scan3A_2 step %scan3A_3  : i32 {
      %mul3A_31 = arith.constant 1 : i32
      %mul3A_32 = arith.muli %scan3A_30, %mul3A_31 : i32
      %add3A_33 = arith.constant 0 : i32
      %add3A_34 = arith.addi %add3A_33, %mul3A_32 : i32
      %broadcast_in_dim3A = arith.constant 0.000000e+00 : f32
      %broadcast_in_dim3A_35 = vector.broadcast %broadcast_in_dim3A : f32 to vector<16xf32>
      %swap3A = arith.index_cast %add3A_34 : i32 to index
      %swap3A_36 = arith.constant 0 : index
      %swap3A_37 = tpu.vector_load %arg7[%swap3A, %swap3A_36] {strides = array<i32>} : memref<80x128xf32, #tpu.memory_space<vmem>>, vector<1x16xf32>,
      %swap3A_38 = vector.shape_cast %swap3A_37 : vector<1x16xf32> to vector<16xf32>
      %swap3A_39 = vector.shape_cast %broadcast_in_dim3A_35 : vector<16xf32> to vector<1x16xf32>
      tpu.vector_store %arg7[%swap3A, %swap3A_36], %swap3A_39 {strides = array<i32>} : memref<80x128xf32, #tpu.memory_space<vmem>>, vector<1x16xf32>,
      %broadcast_in_dim3A_40 = arith.constant 0.000000e+00 : f32
      %broadcast_in_dim3A_41 = vector.broadcast %broadcast_in_dim3A_40 : f32 to vector<16xf32>
      %swap3A_42 = arith.index_cast %add3A_34 : i32 to index
      %swap3A_43 = arith.constant 16 : index
      %swap3A_44 = tpu.vector_load %arg7[%swap3A_42, %swap3A_43] {strides = array<i32>} : memref<80x128xf32, #tpu.memory_space<vmem>>, vector<1x16xf32>,
      %swap3A_45 = vector.shape_cast %swap3A_44 : vector<1x16xf32> to vector<16xf32>
      %swap3A_46 = vector.shape_cast %broadcast_in_dim3A_41 : vector<16xf32> to vector<1x16xf32>
      tpu.vector_store %arg7[%swap3A_42, %swap3A_43], %swap3A_46 {strides = array<i32>} : memref<80x128xf32, #tpu.memory_space<vmem>>, vector<1x16xf32>,
      %broadcast_in_dim3A_47 = arith.constant 0.000000e+00 : f32
      %broadcast_in_dim3A_48 = vector.broadcast %broadcast_in_dim3A_47 : f32 to vector<16xf32>
      %swap3A_49 = arith.index_cast %add3A_34 : i32 to index
      %swap3A_50 = arith.constant 32 : index
      %swap3A_51 = tpu.vector_load %arg7[%swap3A_49, %swap3A_50] {strides = array<i32>} : memref<80x128xf32, #tpu.memory_space<vmem>>, vector<1x16xf32>,
      %swap3A_52 = vector.shape_cast %swap3A_51 : vector<1x16xf32> to vector<16xf32>
      %swap3A_53 = vector.shape_cast %broadcast_in_dim3A_48 : vector<16xf32> to vector<1x16xf32>
      tpu.vector_store %arg7[%swap3A_49, %swap3A_50], %swap3A_53 {strides = array<i32>} : memref<80x128xf32, #tpu.memory_space<vmem>>, vector<1x16xf32>,
      %broadcast_in_dim3A_54 = arith.constant 0.000000e+00 : f32
      %broadcast_in_dim3A_55 = vector.broadcast %broadcast_in_dim3A_54 : f32 to vector<16xf32>
      %swap3A_56 = arith.index_cast %add3A_34 : i32 to index
      %swap3A_57 = arith.constant 48 : index
      %swap3A_58 = tpu.vector_load %arg7[%swap3A_56, %swap3A_57] {strides = array<i32>} : memref<80x128xf32, #tpu.memory_space<vmem>>, vector<1x16xf32>,
      %swap3A_59 = vector.shape_cast %swap3A_58 : vector<1x16xf32> to vector<16xf32>
      %swap3A_60 = vector.shape_cast %broadcast_in_dim3A_55 : vector<16xf32> to vector<1x16xf32>
      tpu.vector_store %arg7[%swap3A_56, %swap3A_57], %swap3A_60 {strides = array<i32>} : memref<80x128xf32, #tpu.memory_space<vmem>>, vector<1x16xf32>,
      %broadcast_in_dim3A_61 = arith.constant 0.000000e+00 : f32
      %broadcast_in_dim3A_62 = vector.broadcast %broadcast_in_dim3A_61 : f32 to vector<16xf32>
      %swap3A_63 = arith.index_cast %add3A_34 : i32 to index
      %swap3A_64 = arith.constant 64 : index
      %swap3A_65 = tpu.vector_load %arg7[%swap3A_63, %swap3A_64] {strides = array<i32>} : memref<80x128xf32, #tpu.memory_space<vmem>>, vector<1x16xf32>,
      %swap3A_66 = vector.shape_cast %swap3A_65 : vector<1x16xf32> to vector<16xf32>
      %swap3A_67 = vector.shape_cast %broadcast_in_dim3A_62 : vector<16xf32> to vector<1x16xf32>
      tpu.vector_store %arg7[%swap3A_63, %swap3A_64], %swap3A_67 {strides = array<i32>} : memref<80x128xf32, #tpu.memory_space<vmem>>, vector<1x16xf32>,
      %broadcast_in_dim3A_68 = arith.constant 0.000000e+00 : f32
      %broadcast_in_dim3A_69 = vector.broadcast %broadcast_in_dim3A_68 : f32 to vector<16xf32>
      %swap3A_70 = arith.index_cast %add3A_34 : i32 to index
      %swap3A_71 = arith.constant 80 : index
      %swap3A_72 = tpu.vector_load %arg7[%swap3A_70, %swap3A_71] {strides = array<i32>} : memref<80x128xf32, #tpu.memory_space<vmem>>, vector<1x16xf32>,
      %swap3A_73 = vector.shape_cast %swap3A_72 : vector<1x16xf32> to vector<16xf32>
      %swap3A_74 = vector.shape_cast %broadcast_in_dim3A_69 : vector<16xf32> to vector<1x16xf32>
      tpu.vector_store %arg7[%swap3A_70, %swap3A_71], %swap3A_74 {strides = array<i32>} : memref<80x128xf32, #tpu.memory_space<vmem>>, vector<1x16xf32>,
      %broadcast_in_dim3A_75 = arith.constant 0.000000e+00 : f32
      %broadcast_in_dim3A_76 = vector.broadcast %broadcast_in_dim3A_75 : f32 to vector<16xf32>
      %swap3A_77 = arith.index_cast %add3A_34 : i32 to index
      %swap3A_78 = arith.constant 96 : index
      %swap3A_79 = tpu.vector_load %arg7[%swap3A_77, %swap3A_78] {strides = array<i32>} : memref<80x128xf32, #tpu.memory_space<vmem>>, vector<1x16xf32>,
      %swap3A_80 = vector.shape_cast %swap3A_79 : vector<1x16xf32> to vector<16xf32>
      %swap3A_81 = vector.shape_cast %broadcast_in_dim3A_76 : vector<16xf32> to vector<1x16xf32>
      tpu.vector_store %arg7[%swap3A_77, %swap3A_78], %swap3A_81 {strides = array<i32>} : memref<80x128xf32, #tpu.memory_space<vmem>>, vector<1x16xf32>,
      %broadcast_in_dim3A_82 = arith.constant 0.000000e+00 : f32
      %broadcast_in_dim3A_83 = vector.broadcast %broadcast_in_dim3A_82 : f32 to vector<16xf32>
      %swap3A_84 = arith.index_cast %add3A_34 : i32 to index
      %swap3A_85 = arith.constant 112 : index
      %swap3A_86 = tpu.vector_load %arg7[%swap3A_84, %swap3A_85] {strides = array<i32>} : memref<80x128xf32, #tpu.memory_space<vmem>>, vector<1x16xf32>,
      %swap3A_87 = vector.shape_cast %swap3A_86 : vector<1x16xf32> to vector<16xf32>
      %swap3A_88 = vector.shape_cast %broadcast_in_dim3A_83 : vector<16xf32> to vector<1x16xf32>
      tpu.vector_store %arg7[%swap3A_84, %swap3A_85], %swap3A_88 {strides = array<i32>} : memref<80x128xf32, #tpu.memory_space<vmem>>, vector<1x16xf32>,
    }
    %scan3A_4 = arith.constant 48 : i32
    %mul3A_5 = arith.constant 624 : i32
    %mul3A_6 = arith.muli %arg1, %mul3A_5 : i32
    %scan3A_7 = arith.constant 0 : i32
    %scan3A_8 = arith.constant 13 : i32
    %scan3A_9 = arith.addi %scan3A_7, %scan3A_8 : i32
    %scan3A_10 = arith.constant 1 : i32
    scf.for %scan3A_30 = %scan3A_7 to %scan3A_9 step %scan3A_10  : i32 {
      %mul3A_31 = arith.constant 1 : i32
      %mul3A_32 = arith.muli %scan3A_30, %mul3A_31 : i32
      %add3A_33 = arith.constant 0 : i32
      %add3A_34 = arith.addi %add3A_33, %mul3A_32 : i32
      %mul3A_35 = arith.constant 48 : i32
      %mul3A_36 = arith.muli %add3A_34, %mul3A_35 : i32
      %add3A_37 = arith.addi %mul3A_6, %mul3A_36 : i32
      "tpu.region"() ({
        %run_scoped3A = tpu.sem_alloc : memref<!tpu.dma_semaphore, #tpu.memory_space<semaphore_mem>>
        %dma_start3A = arith.constant 0 : i32
        %dma_start3A_38 = arith.constant 0 : i32
        %dma_start3A_39 = tpu.memref_slice %arg7[%dma_start3A, %dma_start3A_38] : memref<80x128xf32, #tpu.memory_space<vmem>> -> memref<48x128xf32, #tpu.memory_space<vmem>>
        %dma_start3A_40 = arith.constant 0 : i32
        %dma_start3A_41 = tpu.memref_slice %arg5[%add3A_37, %dma_start3A_40] : memref<10000x128xf32, #tpu.memory_space<vmem_shared>> -> memref<48x128xf32, #tpu.memory_space<vmem_shared>>
        %dma_start3A_42 = arith.constant 0 : i32
        %dma_start3A_43 = tpu.memref_slice %arg5[%add3A_37, %dma_start3A_42] : memref<10000x128xf32, #tpu.memory_space<vmem_shared>> -> memref<48x128xf32, #tpu.memory_space<vmem_shared>>
        %dma_start3A_44 = arith.constant 0 : i32
        %dma_start3A_45 = arith.constant 0 : i32
        %dma_start3A_46 = tpu.memref_slice %arg7[%dma_start3A_44, %dma_start3A_45] : memref<80x128xf32, #tpu.memory_space<vmem>> -> memref<48x128xf32, #tpu.memory_space<vmem>>
        tpu.enqueue_dma source(%dma_start3A_46 : memref<48x128xf32, #tpu.memory_space<vmem>>) target(%dma_start3A_43 : memref<48x128xf32, #tpu.memory_space<vmem_shared>>) target_semaphore(%run_scoped3A : memref<!tpu.dma_semaphore, #tpu.memory_space<semaphore_mem>>)
        %dma_wait3A = arith.constant 0 : i32
        %dma_wait3A_47 = arith.constant 0 : i32
        %dma_wait3A_48 = tpu.memref_slice %arg7[%dma_wait3A, %dma_wait3A_47] : memref<80x128xf32, #tpu.memory_space<vmem>> -> memref<48x128xf32, #tpu.memory_space<vmem>>
        %dma_wait3A_49 = arith.constant 0 : i32
        %dma_wait3A_50 = tpu.memref_slice %arg5[%add3A_37, %dma_wait3A_49] : memref<10000x128xf32, #tpu.memory_space<vmem_shared>> -> memref<48x128xf32, #tpu.memory_space<vmem_shared>>
        %dma_wait3A_51 = arith.constant 0 : i32
        %dma_wait3A_52 = tpu.memref_slice %arg5[%add3A_37, %dma_wait3A_51] : memref<10000x128xf32, #tpu.memory_space<vmem_shared>> -> memref<48x128xf32, #tpu.memory_space<vmem_shared>>
        %dma_wait3A_53 = arith.constant 0 : i32
        %dma_wait3A_54 = arith.constant 0 : i32
        %dma_wait3A_55 = tpu.memref_slice %arg7[%dma_wait3A_53, %dma_wait3A_54] : memref<80x128xf32, #tpu.memory_space<vmem>> -> memref<48x128xf32, #tpu.memory_space<vmem>>
        tpu.wait_dma2 semaphore(%run_scoped3A : memref<!tpu.dma_semaphore, #tpu.memory_space<semaphore_mem>>) src(%dma_wait3A_55 : memref<48x128xf32, #tpu.memory_space<vmem>>) dst(%dma_wait3A_52 : memref<48x128xf32, #tpu.memory_space<vmem_shared>>)
        tpu.yield
      }) : () -> ()
    }
    %scan3A_11 = arith.constant 13 : i32
    %eq3A = arith.constant 15 : i32
    %eq3A_12 = arith.cmpi eq, %arg1, %eq3A : i32
    %convert_element_type3A = arith.extui %eq3A_12 : i1 to i32
    %cond3A = arith.constant 0 : i32
    %cond3A_13 = arith.cmpi ne, %convert_element_type3A, %cond3A : i32
    scf.if %cond3A_13 {
      "tpu.region"() ({
        %run_scoped3A = tpu.sem_alloc : memref<!tpu.dma_semaphore, #tpu.memory_space<semaphore_mem>>
        %dma_start3A = arith.constant 0 : i32
        %dma_start3A_30 = arith.constant 0 : i32
        %dma_start3A_31 = tpu.memref_slice %arg7[%dma_start3A, %dma_start3A_30] : memref<80x128xf32, #tpu.memory_space<vmem>> -> memref<16x128xf32, #tpu.memory_space<vmem>>
        %dma_start3A_32 = arith.constant 9984 : i32
        %dma_start3A_33 = arith.constant 0 : i32
        %dma_start3A_34 = tpu.memref_slice %arg5[%dma_start3A_32, %dma_start3A_33] : memref<10000x128xf32, #tpu.memory_space<vmem_shared>> -> memref<16x128xf32, #tpu.memory_space<vmem_shared>>
        %dma_start3A_35 = arith.constant 9984 : i32
        %dma_start3A_36 = arith.constant 0 : i32
        %dma_start3A_37 = tpu.memref_slice %arg5[%dma_start3A_35, %dma_start3A_36] : memref<10000x128xf32, #tpu.memory_space<vmem_shared>> -> memref<16x128xf32, #tpu.memory_space<vmem_shared>>
        %dma_start3A_38 = arith.constant 0 : i32
        %dma_start3A_39 = arith.constant 0 : i32
        %dma_start3A_40 = tpu.memref_slice %arg7[%dma_start3A_38, %dma_start3A_39] : memref<80x128xf32, #tpu.memory_space<vmem>> -> memref<16x128xf32, #tpu.memory_space<vmem>>
        tpu.enqueue_dma source(%dma_start3A_40 : memref<16x128xf32, #tpu.memory_space<vmem>>) target(%dma_start3A_37 : memref<16x128xf32, #tpu.memory_space<vmem_shared>>) target_semaphore(%run_scoped3A : memref<!tpu.dma_semaphore, #tpu.memory_space<semaphore_mem>>)
        %dma_wait3A = arith.constant 0 : i32
        %dma_wait3A_41 = arith.constant 0 : i32
        %dma_wait3A_42 = tpu.memref_slice %arg7[%dma_wait3A, %dma_wait3A_41] : memref<80x128xf32, #tpu.memory_space<vmem>> -> memref<16x128xf32, #tpu.memory_space<vmem>>
        %dma_wait3A_43 = arith.constant 9984 : i32
        %dma_wait3A_44 = arith.constant 0 : i32
        %dma_wait3A_45 = tpu.memref_slice %arg5[%dma_wait3A_43, %dma_wait3A_44] : memref<10000x128xf32, #tpu.memory_space<vmem_shared>> -> memref<16x128xf32, #tpu.memory_space<vmem_shared>>
        %dma_wait3A_46 = arith.constant 9984 : i32
        %dma_wait3A_47 = arith.constant 0 : i32
        %dma_wait3A_48 = tpu.memref_slice %arg5[%dma_wait3A_46, %dma_wait3A_47] : memref<10000x128xf32, #tpu.memory_space<vmem_shared>> -> memref<16x128xf32, #tpu.memory_space<vmem_shared>>
        %dma_wait3A_49 = arith.constant 0 : i32
        %dma_wait3A_50 = arith.constant 0 : i32
        %dma_wait3A_51 = tpu.memref_slice %arg7[%dma_wait3A_49, %dma_wait3A_50] : memref<80x128xf32, #tpu.memory_space<vmem>> -> memref<16x128xf32, #tpu.memory_space<vmem>>
        tpu.wait_dma2 semaphore(%run_scoped3A : memref<!tpu.dma_semaphore, #tpu.memory_space<semaphore_mem>>) src(%dma_wait3A_51 : memref<16x128xf32, #tpu.memory_space<vmem>>) dst(%dma_wait3A_48 : memref<16x128xf32, #tpu.memory_space<vmem_shared>>)
        tpu.yield
      }) : () -> ()
    } else {
    }
    %barrier3A = arith.constant 0 : index
    tpu.barrier barrier_id(%barrier3A)
    %scan3A_14 = arith.constant 0 : i32
    %scan3A_15 = arith.constant 5 : i32
    %scan3A_16 = arith.addi %scan3A_14, %scan3A_15 : i32
    %scan3A_17 = arith.constant 1 : i32
    scf.for %scan3A_30 = %scan3A_14 to %scan3A_16 step %scan3A_17  : i32 {
      %mul3A_31 = arith.constant 1 : i32
      %mul3A_32 = arith.muli %scan3A_30, %mul3A_31 : i32
      %add3A_33 = arith.constant 0 : i32
      %add3A_34 = arith.addi %add3A_33, %mul3A_32 : i32
      "tpu.region"() ({
        %run_scoped3A = tpu.sem_alloc : memref<!tpu.dma_semaphore, #tpu.memory_space<semaphore_mem>>
        %dma_start3A = arith.constant 0 : i32
        %dma_start3A_40 = arith.constant 0 : i32
        %dma_start3A_41 = arith.constant 0 : i32
        %dma_start3A_42 = tpu.memref_slice %arg3[%add3A, %add3A_34, %dma_start3A, %dma_start3A_40, %dma_start3A_41] : memref<32x5x25x3x80xi32, #tpu.memory_space<hbm>> -> memref<1x1x25x3x80xi32, #tpu.memory_space<hbm>>
        %dma_start3A_43 = tpu.memref_squeeze %dma_start3A_42 : memref<1x1x25x3x80xi32, #tpu.memory_space<hbm>> -> memref<25x3x80xi32, #tpu.memory_space<hbm>>
        %dma_start3A_44 = arith.constant 0 : i32
        %dma_start3A_45 = arith.constant 0 : i32
        %dma_start3A_46 = arith.constant 0 : i32
        %dma_start3A_47 = tpu.memref_slice %arg3[%add3A, %add3A_34, %dma_start3A_44, %dma_start3A_45, %dma_start3A_46] : memref<32x5x25x3x80xi32, #tpu.memory_space<hbm>> -> memref<1x1x25x3x80xi32, #tpu.memory_space<hbm>>
        %dma_start3A_48 = tpu.memref_squeeze %dma_start3A_47 : memref<1x1x25x3x80xi32, #tpu.memory_space<hbm>> -> memref<25x3x80xi32, #tpu.memory_space<hbm>>
        tpu.enqueue_dma source(%dma_start3A_48 : memref<25x3x80xi32, #tpu.memory_space<hbm>>) target(%arg6 : memref<25x3x80xi32, #tpu.memory_space<vmem>>) target_semaphore(%run_scoped3A : memref<!tpu.dma_semaphore, #tpu.memory_space<semaphore_mem>>)
        %dma_wait3A = arith.constant 0 : i32
        %dma_wait3A_49 = arith.constant 0 : i32
        %dma_wait3A_50 = arith.constant 0 : i32
        %dma_wait3A_51 = tpu.memref_slice %arg3[%add3A, %add3A_34, %dma_wait3A, %dma_wait3A_49, %dma_wait3A_50] : memref<32x5x25x3x80xi32, #tpu.memory_space<hbm>> -> memref<1x1x25x3x80xi32, #tpu.memory_space<hbm>>
        %dma_wait3A_52 = tpu.memref_squeeze %dma_wait3A_51 : memref<1x1x25x3x80xi32, #tpu.memory_space<hbm>> -> memref<25x3x80xi32, #tpu.memory_space<hbm>>
        %dma_wait3A_53 = arith.constant 0 : i32
        %dma_wait3A_54 = arith.constant 0 : i32
        %dma_wait3A_55 = arith.constant 0 : i32
        %dma_wait3A_56 = tpu.memref_slice %arg3[%add3A, %add3A_34, %dma_wait3A_53, %dma_wait3A_54, %dma_wait3A_55] : memref<32x5x25x3x80xi32, #tpu.memory_space<hbm>> -> memref<1x1x25x3x80xi32, #tpu.memory_space<hbm>>
        %dma_wait3A_57 = tpu.memref_squeeze %dma_wait3A_56 : memref<1x1x25x3x80xi32, #tpu.memory_space<hbm>> -> memref<25x3x80xi32, #tpu.memory_space<hbm>>
        tpu.wait_dma2 semaphore(%run_scoped3A : memref<!tpu.dma_semaphore, #tpu.memory_space<semaphore_mem>>) src(%dma_wait3A_57 : memref<25x3x80xi32, #tpu.memory_space<hbm>>) dst(%arg6 : memref<25x3x80xi32, #tpu.memory_space<vmem>>)
        tpu.yield
      }) : () -> ()
      %scan3A_35 = arith.constant 0 : i32
      %scan3A_36 = arith.constant 25 : i32
      %scan3A_37 = arith.addi %scan3A_35, %scan3A_36 : i32
      %scan3A_38 = arith.constant 1 : i32
      scf.for %scan3A_40 = %scan3A_35 to %scan3A_37 step %scan3A_38  : i32 {
        %mul3A_41 = arith.constant 1 : i32
        %mul3A_42 = arith.muli %scan3A_40, %mul3A_41 : i32
        %add3A_43 = arith.constant 0 : i32
        %add3A_44 = arith.addi %add3A_43, %mul3A_42 : i32
        %run_scoped3A = arith.constant 0 : i32
        "tpu.region"() ({
          %run_scoped3A_51 = tpu.sem_alloc : memref<!tpu.dma_semaphore, #tpu.memory_space<semaphore_mem>>
          %dma_start3A = arith.constant 0 : i32
          %dma_start3A_52 = tpu.memref_slice %arg6[%add3A_44, %run_scoped3A, %dma_start3A] : memref<25x3x80xi32, #tpu.memory_space<vmem>> -> memref<1x1x80xi32, #tpu.memory_space<vmem>>
          %dma_start3A_53 = tpu.memref_squeeze %dma_start3A_52 : memref<1x1x80xi32, #tpu.memory_space<vmem>> -> memref<80xi32, #tpu.memory_space<vmem>>
          %dma_start3A_54 = arith.constant 0 : i32
          %dma_start3A_55 = arith.constant 0 : i32
          %dma_start3A_56 = tpu.memref_slice %arg2[%dma_start3A_54, %dma_start3A_55] : memref<10000x128xf32, #tpu.memory_space<hbm>> -> memref<10000x128xf32, #tpu.memory_space<hbm>>
          tpu.enqueue_indirect_dma source(%dma_start3A_56 : memref<10000x128xf32, #tpu.memory_space<hbm>>) target(%arg7 : memref<80x128xf32, #tpu.memory_space<vmem>>) offsets(%dma_start3A_53 : memref<80xi32, #tpu.memory_space<vmem>>) semaphore(%run_scoped3A_51 : memref<!tpu.dma_semaphore, #tpu.memory_space<semaphore_mem>>)
          %dma_wait3A = arith.constant 0 : i32
          %dma_wait3A_57 = tpu.memref_slice %arg6[%add3A_44, %run_scoped3A, %dma_wait3A] : memref<25x3x80xi32, #tpu.memory_space<vmem>> -> memref<1x1x80xi32, #tpu.memory_space<vmem>>
          %dma_wait3A_58 = tpu.memref_squeeze %dma_wait3A_57 : memref<1x1x80xi32, #tpu.memory_space<vmem>> -> memref<80xi32, #tpu.memory_space<vmem>>
          %dma_wait3A_59 = arith.constant 0 : i32
          %dma_wait3A_60 = arith.constant 0 : i32
          %dma_wait3A_61 = tpu.memref_slice %arg2[%dma_wait3A_59, %dma_wait3A_60] : memref<10000x128xf32, #tpu.memory_space<hbm>> -> memref<10000x128xf32, #tpu.memory_space<hbm>>
          tpu.wait_indirect_dma semaphore(%run_scoped3A_51 : memref<!tpu.dma_semaphore, #tpu.memory_space<semaphore_mem>>) src(%dma_wait3A_61 : memref<10000x128xf32, #tpu.memory_space<hbm>>) dst(%arg7 : memref<80x128xf32, #tpu.memory_space<vmem>>)
          tpu.yield
        }) : () -> ()
        %scan3A_45 = arith.constant 0 : i32
        %scan3A_46 = arith.constant 5 : i32
        %scan3A_47 = arith.addi %scan3A_45, %scan3A_46 : i32
        %scan3A_48 = arith.constant 1 : i32
        scf.for %scan3A_51 = %scan3A_45 to %scan3A_47 step %scan3A_48  : i32 {
          %mul3A_52 = arith.constant 1 : i32
          %mul3A_53 = arith.muli %scan3A_51, %mul3A_52 : i32
          %add3A_54 = arith.constant 0 : i32
          %add3A_55 = arith.addi %add3A_54, %mul3A_53 : i32
          %mul3A_56 = arith.constant 16 : i32
          %mul3A_57 = arith.muli %add3A_55, %mul3A_56 : i32
          %get3A = arith.constant 2 : i32
          %get3A_58 = arith.index_cast %add3A_44 : i32 to index
          %get3A_59 = arith.index_cast %get3A : i32 to index
          %get3A_60 = arith.index_cast %mul3A_57 : i32 to index
          %get3A_61 = tpu.vector_load %arg6[%get3A_58, %get3A_59, %get3A_60] {strides = array<i32>} : memref<25x3x80xi32, #tpu.memory_space<vmem>>, vector<1x1x16xi32>,
          %get3A_62 = vector.shape_cast %get3A_61 : vector<1x1x16xi32> to vector<16xi32>
          %bitcast_convert_type3A = tpu.bitcast %get3A_62 : vector<16xi32> -> vector<16xf32>
          %slice3A = vector.extract_strided_slice %bitcast_convert_type3A {offsets = [0], sizes = [1], strides = [1]} : vector<16xf32> to vector<1xf32>
          %squeeze3A = vector.extract %slice3A[0] : f32 from vector<1xf32>
          %broadcast_in_dim3A = vector.broadcast %squeeze3A : f32 to vector<16xf32>
          %mul3A_63 = arith.constant 16 : i32
          %mul3A_64 = arith.muli %add3A_55, %mul3A_63 : i32
          %add3A_65 = arith.constant 0 : i32
          %add3A_66 = arith.addi %mul3A_64, %add3A_65 : i32
          %get3A_67 = arith.index_cast %add3A_66 : i32 to index
          %get3A_68 = arith.constant 0 : index
          %get3A_69 = tpu.vector_load %arg7[%get3A_67, %get3A_68] {strides = array<i32>} : memref<80x128xf32, #tpu.memory_space<vmem>>, vector<1x16xf32>,
          %get3A_70 = vector.shape_cast %get3A_69 : vector<1x16xf32> to vector<16xf32>
          %mul3A_71 = arith.mulf %get3A_70, %broadcast_in_dim3A : vector<16xf32>
          %swap3A = arith.index_cast %add3A_66 : i32 to index
          %swap3A_72 = arith.constant 0 : index
          %swap3A_73 = tpu.vector_load %arg7[%swap3A, %swap3A_72] {strides = array<i32>} : memref<80x128xf32, #tpu.memory_space<vmem>>, vector<1x16xf32>,
          %swap3A_74 = vector.shape_cast %swap3A_73 : vector<1x16xf32> to vector<16xf32>
          %swap3A_75 = vector.shape_cast %mul3A_71 : vector<16xf32> to vector<1x16xf32>
          tpu.vector_store %arg7[%swap3A, %swap3A_72], %swap3A_75 {strides = array<i32>} : memref<80x128xf32, #tpu.memory_space<vmem>>, vector<1x16xf32>,
          %get3A_76 = arith.index_cast %add3A_66 : i32 to index
          %get3A_77 = arith.constant 16 : index
          %get3A_78 = tpu.vector_load %arg7[%get3A_76, %get3A_77] {strides = array<i32>} : memref<80x128xf32, #tpu.memory_space<vmem>>, vector<1x16xf32>,
          %get3A_79 = vector.shape_cast %get3A_78 : vector<1x16xf32> to vector<16xf32>
          %mul3A_80 = arith.mulf %get3A_79, %broadcast_in_dim3A : vector<16xf32>
          %swap3A_81 = arith.index_cast %add3A_66 : i32 to index
          %swap3A_82 = arith.constant 16 : index
          %swap3A_83 = tpu.vector_load %arg7[%swap3A_81, %swap3A_82] {strides = array<i32>} : memref<80x128xf32, #tpu.memory_space<vmem>>, vector<1x16xf32>,
          %swap3A_84 = vector.shape_cast %swap3A_83 : vector<1x16xf32> to vector<16xf32>
          %swap3A_85 = vector.shape_cast %mul3A_80 : vector<16xf32> to vector<1x16xf32>
          tpu.vector_store %arg7[%swap3A_81, %swap3A_82], %swap3A_85 {strides = array<i32>} : memref<80x128xf32, #tpu.memory_space<vmem>>, vector<1x16xf32>,
          %get3A_86 = arith.index_cast %add3A_66 : i32 to index
          %get3A_87 = arith.constant 32 : index
          %get3A_88 = tpu.vector_load %arg7[%get3A_86, %get3A_87] {strides = array<i32>} : memref<80x128xf32, #tpu.memory_space<vmem>>, vector<1x16xf32>,
          %get3A_89 = vector.shape_cast %get3A_88 : vector<1x16xf32> to vector<16xf32>
          %mul3A_90 = arith.mulf %get3A_89, %broadcast_in_dim3A : vector<16xf32>
          %swap3A_91 = arith.index_cast %add3A_66 : i32 to index
          %swap3A_92 = arith.constant 32 : index
          %swap3A_93 = tpu.vector_load %arg7[%swap3A_91, %swap3A_92] {strides = array<i32>} : memref<80x128xf32, #tpu.memory_space<vmem>>, vector<1x16xf32>,
          %swap3A_94 = vector.shape_cast %swap3A_93 : vector<1x16xf32> to vector<16xf32>
          %swap3A_95 = vector.shape_cast %mul3A_90 : vector<16xf32> to vector<1x16xf32>
          tpu.vector_store %arg7[%swap3A_91, %swap3A_92], %swap3A_95 {strides = array<i32>} : memref<80x128xf32, #tpu.memory_space<vmem>>, vector<1x16xf32>,
          %get3A_96 = arith.index_cast %add3A_66 : i32 to index
          %get3A_97 = arith.constant 48 : index
          %get3A_98 = tpu.vector_load %arg7[%get3A_96, %get3A_97] {strides = array<i32>} : memref<80x128xf32, #tpu.memory_space<vmem>>, vector<1x16xf32>,
          %get3A_99 = vector.shape_cast %get3A_98 : vector<1x16xf32> to vector<16xf32>
          %mul3A_100 = arith.mulf %get3A_99, %broadcast_in_dim3A : vector<16xf32>
          %swap3A_101 = arith.index_cast %add3A_66 : i32 to index
          %swap3A_102 = arith.constant 48 : index
          %swap3A_103 = tpu.vector_load %arg7[%swap3A_101, %swap3A_102] {strides = array<i32>} : memref<80x128xf32, #tpu.memory_space<vmem>>, vector<1x16xf32>,
          %swap3A_104 = vector.shape_cast %swap3A_103 : vector<1x16xf32> to vector<16xf32>
          %swap3A_105 = vector.shape_cast %mul3A_100 : vector<16xf32> to vector<1x16xf32>
          tpu.vector_store %arg7[%swap3A_101, %swap3A_102], %swap3A_105 {strides = array<i32>} : memref<80x128xf32, #tpu.memory_space<vmem>>, vector<1x16xf32>,
          %get3A_106 = arith.index_cast %add3A_66 : i32 to index
          %get3A_107 = arith.constant 64 : index
          %get3A_108 = tpu.vector_load %arg7[%get3A_106, %get3A_107] {strides = array<i32>} : memref<80x128xf32, #tpu.memory_space<vmem>>, vector<1x16xf32>,
          %get3A_109 = vector.shape_cast %get3A_108 : vector<1x16xf32> to vector<16xf32>
          %mul3A_110 = arith.mulf %get3A_109, %broadcast_in_dim3A : vector<16xf32>
          %swap3A_111 = arith.index_cast %add3A_66 : i32 to index
          %swap3A_112 = arith.constant 64 : index
          %swap3A_113 = tpu.vector_load %arg7[%swap3A_111, %swap3A_112] {strides = array<i32>} : memref<80x128xf32, #tpu.memory_space<vmem>>, vector<1x16xf32>,
          %swap3A_114 = vector.shape_cast %swap3A_113 : vector<1x16xf32> to vector<16xf32>
          %swap3A_115 = vector.shape_cast %mul3A_110 : vector<16xf32> to vector<1x16xf32>
          tpu.vector_store %arg7[%swap3A_111, %swap3A_112], %swap3A_115 {strides = array<i32>} : memref<80x128xf32, #tpu.memory_space<vmem>>, vector<1x16xf32>,
          %get3A_116 = arith.index_cast %add3A_66 : i32 to index
          %get3A_117 = arith.constant 80 : index
          %get3A_118 = tpu.vector_load %arg7[%get3A_116, %get3A_117] {strides = array<i32>} : memref<80x128xf32, #tpu.memory_space<vmem>>, vector<1x16xf32>,
          %get3A_119 = vector.shape_cast %get3A_118 : vector<1x16xf32> to vector<16xf32>
          %mul3A_120 = arith.mulf %get3A_119, %broadcast_in_dim3A : vector<16xf32>
          %swap3A_121 = arith.index_cast %add3A_66 : i32 to index
          %swap3A_122 = arith.constant 80 : index
          %swap3A_123 = tpu.vector_load %arg7[%swap3A_121, %swap3A_122] {strides = array<i32>} : memref<80x128xf32, #tpu.memory_space<vmem>>, vector<1x16xf32>,
          %swap3A_124 = vector.shape_cast %swap3A_123 : vector<1x16xf32> to vector<16xf32>
          %swap3A_125 = vector.shape_cast %mul3A_120 : vector<16xf32> to vector<1x16xf32>
          tpu.vector_store %arg7[%swap3A_121, %swap3A_122], %swap3A_125 {strides = array<i32>} : memref<80x128xf32, #tpu.memory_space<vmem>>, vector<1x16xf32>,
          %get3A_126 = arith.index_cast %add3A_66 : i32 to index
          %get3A_127 = arith.constant 96 : index
          %get3A_128 = tpu.vector_load %arg7[%get3A_126, %get3A_127] {strides = array<i32>} : memref<80x128xf32, #tpu.memory_space<vmem>>, vector<1x16xf32>,
          %get3A_129 = vector.shape_cast %get3A_128 : vector<1x16xf32> to vector<16xf32>
          %mul3A_130 = arith.mulf %get3A_129, %broadcast_in_dim3A : vector<16xf32>
          %swap3A_131 = arith.index_cast %add3A_66 : i32 to index
          %swap3A_132 = arith.constant 96 : index
          %swap3A_133 = tpu.vector_load %arg7[%swap3A_131, %swap3A_132] {strides = array<i32>} : memref<80x128xf32, #tpu.memory_space<vmem>>, vector<1x16xf32>,
          %swap3A_134 = vector.shape_cast %swap3A_133 : vector<1x16xf32> to vector<16xf32>
          %swap3A_135 = vector.shape_cast %mul3A_130 : vector<16xf32> to vector<1x16xf32>
          tpu.vector_store %arg7[%swap3A_131, %swap3A_132], %swap3A_135 {strides = array<i32>} : memref<80x128xf32, #tpu.memory_space<vmem>>, vector<1x16xf32>,
          %get3A_136 = arith.index_cast %add3A_66 : i32 to index
          %get3A_137 = arith.constant 112 : index
          %get3A_138 = tpu.vector_load %arg7[%get3A_136, %get3A_137] {strides = array<i32>} : memref<80x128xf32, #tpu.memory_space<vmem>>, vector<1x16xf32>,
          %get3A_139 = vector.shape_cast %get3A_138 : vector<1x16xf32> to vector<16xf32>
          %mul3A_140 = arith.mulf %get3A_139, %broadcast_in_dim3A : vector<16xf32>
          %swap3A_141 = arith.index_cast %add3A_66 : i32 to index
          %swap3A_142 = arith.constant 112 : index
          %swap3A_143 = tpu.vector_load %arg7[%swap3A_141, %swap3A_142] {strides = array<i32>} : memref<80x128xf32, #tpu.memory_space<vmem>>, vector<1x16xf32>,
          %swap3A_144 = vector.shape_cast %swap3A_143 : vector<1x16xf32> to vector<16xf32>
          %swap3A_145 = vector.shape_cast %mul3A_140 : vector<16xf32> to vector<1x16xf32>
          tpu.vector_store %arg7[%swap3A_141, %swap3A_142], %swap3A_145 {strides = array<i32>} : memref<80x128xf32, #tpu.memory_space<vmem>>, vector<1x16xf32>,
          %slice3A_146 = vector.extract_strided_slice %bitcast_convert_type3A {offsets = [1], sizes = [1], strides = [1]} : vector<16xf32> to vector<1xf32>
          %squeeze3A_147 = vector.extract %slice3A_146[0] : f32 from vector<1xf32>
          %broadcast_in_dim3A_148 = vector.broadcast %squeeze3A_147 : f32 to vector<16xf32>
          %mul3A_149 = arith.constant 16 : i32
          %mul3A_150 = arith.muli %add3A_55, %mul3A_149 : i32
          %add3A_151 = arith.constant 1 : i32
          %add3A_152 = arith.addi %mul3A_150, %add3A_151 : i32
          %get3A_153 = arith.index_cast %add3A_152 : i32 to index
          %get3A_154 = arith.constant 0 : index
          %get3A_155 = tpu.vector_load %arg7[%get3A_153, %get3A_154] {strides = array<i32>} : memref<80x128xf32, #tpu.memory_space<vmem>>, vector<1x16xf32>,
          %get3A_156 = vector.shape_cast %get3A_155 : vector<1x16xf32> to vector<16xf32>
          %mul3A_157 = arith.mulf %get3A_156, %broadcast_in_dim3A_148 : vector<16xf32>
          %swap3A_158 = arith.index_cast %add3A_152 : i32 to index
          %swap3A_159 = arith.constant 0 : index
          %swap3A_160 = tpu.vector_load %arg7[%swap3A_158, %swap3A_159] {strides = array<i32>} : memref<80x128xf32, #tpu.memory_space<vmem>>, vector<1x16xf32>,
          %swap3A_161 = vector.shape_cast %swap3A_160 : vector<1x16xf32> to vector<16xf32>
          %swap3A_162 = vector.shape_cast %mul3A_157 : vector<16xf32> to vector<1x16xf32>
          tpu.vector_store %arg7[%swap3A_158, %swap3A_159], %swap3A_162 {strides = array<i32>} : memref<80x128xf32, #tpu.memory_space<vmem>>, vector<1x16xf32>,
          %get3A_163 = arith.index_cast %add3A_152 : i32 to index
          %get3A_164 = arith.constant 16 : index
          %get3A_165 = tpu.vector_load %arg7[%get3A_163, %get3A_164] {strides = array<i32>} : memref<80x128xf32, #tpu.memory_space<vmem>>, vector<1x16xf32>,
          %get3A_166 = vector.shape_cast %get3A_165 : vector<1x16xf32> to vector<16xf32>
          %mul3A_167 = arith.mulf %get3A_166, %broadcast_in_dim3A_148 : vector<16xf32>
          %swap3A_168 = arith.index_cast %add3A_152 : i32 to index
          %swap3A_169 = arith.constant 16 : index
          %swap3A_170 = tpu.vector_load %arg7[%swap3A_168, %swap3A_169] {strides = array<i32>} : memref<80x128xf32, #tpu.memory_space<vmem>>, vector<1x16xf32>,
          %swap3A_171 = vector.shape_cast %swap3A_170 : vector<1x16xf32> to vector<16xf32>
          %swap3A_172 = vector.shape_cast %mul3A_167 : vector<16xf32> to vector<1x16xf32>
          tpu.vector_store %arg7[%swap3A_168, %swap3A_169], %swap3A_172 {strides = array<i32>} : memref<80x128xf32, #tpu.memory_space<vmem>>, vector<1x16xf32>,
          %get3A_173 = arith.index_cast %add3A_152 : i32 to index
          %get3A_174 = arith.constant 32 : index
          %get3A_175 = tpu.vector_load %arg7[%get3A_173, %get3A_174] {strides = array<i32>} : memref<80x128xf32, #tpu.memory_space<vmem>>, vector<1x16xf32>,
          %get3A_176 = vector.shape_cast %get3A_175 : vector<1x16xf32> to vector<16xf32>
          %mul3A_177 = arith.mulf %get3A_176, %broadcast_in_dim3A_148 : vector<16xf32>
          %swap3A_178 = arith.index_cast %add3A_152 : i32 to index
          %swap3A_179 = arith.constant 32 : index
          %swap3A_180 = tpu.vector_load %arg7[%swap3A_178, %swap3A_179] {strides = array<i32>} : memref<80x128xf32, #tpu.memory_space<vmem>>, vector<1x16xf32>,
          %swap3A_181 = vector.shape_cast %swap3A_180 : vector<1x16xf32> to vector<16xf32>
          %swap3A_182 = vector.shape_cast %mul3A_177 : vector<16xf32> to vector<1x16xf32>
          tpu.vector_store %arg7[%swap3A_178, %swap3A_179], %swap3A_182 {strides = array<i32>} : memref<80x128xf32, #tpu.memory_space<vmem>>, vector<1x16xf32>,
          %get3A_183 = arith.index_cast %add3A_152 : i32 to index
          %get3A_184 = arith.constant 48 : index
          %get3A_185 = tpu.vector_load %arg7[%get3A_183, %get3A_184] {strides = array<i32>} : memref<80x128xf32, #tpu.memory_space<vmem>>, vector<1x16xf32>,
          %get3A_186 = vector.shape_cast %get3A_185 : vector<1x16xf32> to vector<16xf32>
          %mul3A_187 = arith.mulf %get3A_186, %broadcast_in_dim3A_148 : vector<16xf32>
          %swap3A_188 = arith.index_cast %add3A_152 : i32 to index
          %swap3A_189 = arith.constant 48 : index
          %swap3A_190 = tpu.vector_load %arg7[%swap3A_188, %swap3A_189] {strides = array<i32>} : memref<80x128xf32, #tpu.memory_space<vmem>>, vector<1x16xf32>,
          %swap3A_191 = vector.shape_cast %swap3A_190 : vector<1x16xf32> to vector<16xf32>
          %swap3A_192 = vector.shape_cast %mul3A_187 : vector<16xf32> to vector<1x16xf32>
          tpu.vector_store %arg7[%swap3A_188, %swap3A_189], %swap3A_192 {strides = array<i32>} : memref<80x128xf32, #tpu.memory_space<vmem>>, vector<1x16xf32>,
          %get3A_193 = arith.index_cast %add3A_152 : i32 to index
          %get3A_194 = arith.constant 64 : index
          %get3A_195 = tpu.vector_load %arg7[%get3A_193, %get3A_194] {strides = array<i32>} : memref<80x128xf32, #tpu.memory_space<vmem>>, vector<1x16xf32>,
          %get3A_196 = vector.shape_cast %get3A_195 : vector<1x16xf32> to vector<16xf32>
          %mul3A_197 = arith.mulf %get3A_196, %broadcast_in_dim3A_148 : vector<16xf32>
          %swap3A_198 = arith.index_cast %add3A_152 : i32 to index
          %swap3A_199 = arith.constant 64 : index
          %swap3A_200 = tpu.vector_load %arg7[%swap3A_198, %swap3A_199] {strides = array<i32>} : memref<80x128xf32, #tpu.memory_space<vmem>>, vector<1x16xf32>,
          %swap3A_201 = vector.shape_cast %swap3A_200 : vector<1x16xf32> to vector<16xf32>
          %swap3A_202 = vector.shape_cast %mul3A_197 : vector<16xf32> to vector<1x16xf32>
          tpu.vector_store %arg7[%swap3A_198, %swap3A_199], %swap3A_202 {strides = array<i32>} : memref<80x128xf32, #tpu.memory_space<vmem>>, vector<1x16xf32>,
          %get3A_203 = arith.index_cast %add3A_152 : i32 to index
          %get3A_204 = arith.constant 80 : index
          %get3A_205 = tpu.vector_load %arg7[%get3A_203, %get3A_204] {strides = array<i32>} : memref<80x128xf32, #tpu.memory_space<vmem>>, vector<1x16xf32>,
          %get3A_206 = vector.shape_cast %get3A_205 : vector<1x16xf32> to vector<16xf32>
          %mul3A_207 = arith.mulf %get3A_206, %broadcast_in_dim3A_148 : vector<16xf32>
          %swap3A_208 = arith.index_cast %add3A_152 : i32 to index
          %swap3A_209 = arith.constant 80 : index
          %swap3A_210 = tpu.vector_load %arg7[%swap3A_208, %swap3A_209] {strides = array<i32>} : memref<80x128xf32, #tpu.memory_space<vmem>>, vector<1x16xf32>,
          %swap3A_211 = vector.shape_cast %swap3A_210 : vector<1x16xf32> to vector<16xf32>
          %swap3A_212 = vector.shape_cast %mul3A_207 : vector<16xf32> to vector<1x16xf32>
          tpu.vector_store %arg7[%swap3A_208, %swap3A_209], %swap3A_212 {strides = array<i32>} : memref<80x128xf32, #tpu.memory_space<vmem>>, vector<1x16xf32>,
          %get3A_213 = arith.index_cast %add3A_152 : i32 to index
          %get3A_214 = arith.constant 96 : index
          %get3A_215 = tpu.vector_load %arg7[%get3A_213, %get3A_214] {strides = array<i32>} : memref<80x128xf32, #tpu.memory_space<vmem>>, vector<1x16xf32>,
          %get3A_216 = vector.shape_cast %get3A_215 : vector<1x16xf32> to vector<16xf32>
          %mul3A_217 = arith.mulf %get3A_216, %broadcast_in_dim3A_148 : vector<16xf32>
          %swap3A_218 = arith.index_cast %add3A_152 : i32 to index
          %swap3A_219 = arith.constant 96 : index
          %swap3A_220 = tpu.vector_load %arg7[%swap3A_218, %swap3A_219] {strides = array<i32>} : memref<80x128xf32, #tpu.memory_space<vmem>>, vector<1x16xf32>,
          %swap3A_221 = vector.shape_cast %swap3A_220 : vector<1x16xf32> to vector<16xf32>
          %swap3A_222 = vector.shape_cast %mul3A_217 : vector<16xf32> to vector<1x16xf32>
          tpu.vector_store %arg7[%swap3A_218, %swap3A_219], %swap3A_222 {strides = array<i32>} : memref<80x128xf32, #tpu.memory_space<vmem>>, vector<1x16xf32>,
          %get3A_223 = arith.index_cast %add3A_152 : i32 to index
          %get3A_224 = arith.constant 112 : index
          %get3A_225 = tpu.vector_load %arg7[%get3A_223, %get3A_224] {strides = array<i32>} : memref<80x128xf32, #tpu.memory_space<vmem>>, vector<1x16xf32>,
          %get3A_226 = vector.shape_cast %get3A_225 : vector<1x16xf32> to vector<16xf32>
          %mul3A_227 = arith.mulf %get3A_226, %broadcast_in_dim3A_148 : vector<16xf32>
          %swap3A_228 = arith.index_cast %add3A_152 : i32 to index
          %swap3A_229 = arith.constant 112 : index
          %swap3A_230 = tpu.vector_load %arg7[%swap3A_228, %swap3A_229] {strides = array<i32>} : memref<80x128xf32, #tpu.memory_space<vmem>>, vector<1x16xf32>,
          %swap3A_231 = vector.shape_cast %swap3A_230 : vector<1x16xf32> to vector<16xf32>
          %swap3A_232 = vector.shape_cast %mul3A_227 : vector<16xf32> to vector<1x16xf32>
          tpu.vector_store %arg7[%swap3A_228, %swap3A_229], %swap3A_232 {strides = array<i32>} : memref<80x128xf32, #tpu.memory_space<vmem>>, vector<1x16xf32>,
          %slice3A_233 = vector.extract_strided_slice %bitcast_convert_type3A {offsets = [2], sizes = [1], strides = [1]} : vector<16xf32> to vector<1xf32>
          %squeeze3A_234 = vector.extract %slice3A_233[0] : f32 from vector<1xf32>
          %broadcast_in_dim3A_235 = vector.broadcast %squeeze3A_234 : f32 to vector<16xf32>
          %mul3A_236 = arith.constant 16 : i32
          %mul3A_237 = arith.muli %add3A_55, %mul3A_236 : i32
          %add3A_238 = arith.constant 2 : i32
          %add3A_239 = arith.addi %mul3A_237, %add3A_238 : i32
          %get3A_240 = arith.index_cast %add3A_239 : i32 to index
          %get3A_241 = arith.constant 0 : index
          %get3A_242 = tpu.vector_load %arg7[%get3A_240, %get3A_241] {strides = array<i32>} : memref<80x128xf32, #tpu.memory_space<vmem>>, vector<1x16xf32>,
          %get3A_243 = vector.shape_cast %get3A_242 : vector<1x16xf32> to vector<16xf32>
          %mul3A_244 = arith.mulf %get3A_243, %broadcast_in_dim3A_235 : vector<16xf32>
          %swap3A_245 = arith.index_cast %add3A_239 : i32 to index
          %swap3A_246 = arith.constant 0 : index
          %swap3A_247 = tpu.vector_load %arg7[%swap3A_245, %swap3A_246] {strides = array<i32>} : memref<80x128xf32, #tpu.memory_space<vmem>>, vector<1x16xf32>,
          %swap3A_248 = vector.shape_cast %swap3A_247 : vector<1x16xf32> to vector<16xf32>
          %swap3A_249 = vector.shape_cast %mul3A_244 : vector<16xf32> to vector<1x16xf32>
          tpu.vector_store %arg7[%swap3A_245, %swap3A_246], %swap3A_249 {strides = array<i32>} : memref<80x128xf32, #tpu.memory_space<vmem>>, vector<1x16xf32>,
          %get3A_250 = arith.index_cast %add3A_239 : i32 to index
          %get3A_251 = arith.constant 16 : index
          %get3A_252 = tpu.vector_load %arg7[%get3A_250, %get3A_251] {strides = array<i32>} : memref<80x128xf32, #tpu.memory_space<vmem>>, vector<1x16xf32>,
          %get3A_253 = vector.shape_cast %get3A_252 : vector<1x16xf32> to vector<16xf32>
          %mul3A_254 = arith.mulf %get3A_253, %broadcast_in_dim3A_235 : vector<16xf32>
          %swap3A_255 = arith.index_cast %add3A_239 : i32 to index
          %swap3A_256 = arith.constant 16 : index
          %swap3A_257 = tpu.vector_load %arg7[%swap3A_255, %swap3A_256] {strides = array<i32>} : memref<80x128xf32, #tpu.memory_space<vmem>>, vector<1x16xf32>,
          %swap3A_258 = vector.shape_cast %swap3A_257 : vector<1x16xf32> to vector<16xf32>
          %swap3A_259 = vector.shape_cast %mul3A_254 : vector<16xf32> to vector<1x16xf32>
          tpu.vector_store %arg7[%swap3A_255, %swap3A_256], %swap3A_259 {strides = array<i32>} : memref<80x128xf32, #tpu.memory_space<vmem>>, vector<1x16xf32>,
          %get3A_260 = arith.index_cast %add3A_239 : i32 to index
          %get3A_261 = arith.constant 32 : index
          %get3A_262 = tpu.vector_load %arg7[%get3A_260, %get3A_261] {strides = array<i32>} : memref<80x128xf32, #tpu.memory_space<vmem>>, vector<1x16xf32>,
          %get3A_263 = vector.shape_cast %get3A_262 : vector<1x16xf32> to vector<16xf32>
          %mul3A_264 = arith.mulf %get3A_263, %broadcast_in_dim3A_235 : vector<16xf32>
          %swap3A_265 = arith.index_cast %add3A_239 : i32 to index
          %swap3A_266 = arith.constant 32 : index
          %swap3A_267 = tpu.vector_load %arg7[%swap3A_265, %swap3A_266] {strides = array<i32>} : memref<80x128xf32, #tpu.memory_space<vmem>>, vector<1x16xf32>,
          %swap3A_268 = vector.shape_cast %swap3A_267 : vector<1x16xf32> to vector<16xf32>
          %swap3A_269 = vector.shape_cast %mul3A_264 : vector<16xf32> to vector<1x16xf32>
          tpu.vector_store %arg7[%swap3A_265, %swap3A_266], %swap3A_269 {strides = array<i32>} : memref<80x128xf32, #tpu.memory_space<vmem>>, vector<1x16xf32>,
          %get3A_270 = arith.index_cast %add3A_239 : i32 to index
          %get3A_271 = arith.constant 48 : index
          %get3A_272 = tpu.vector_load %arg7[%get3A_270, %get3A_271] {strides = array<i32>} : memref<80x128xf32, #tpu.memory_space<vmem>>, vector<1x16xf32>,
          %get3A_273 = vector.shape_cast %get3A_272 : vector<1x16xf32> to vector<16xf32>
          %mul3A_274 = arith.mulf %get3A_273, %broadcast_in_dim3A_235 : vector<16xf32>
          %swap3A_275 = arith.index_cast %add3A_239 : i32 to index
          %swap3A_276 = arith.constant 48 : index
          %swap3A_277 = tpu.vector_load %arg7[%swap3A_275, %swap3A_276] {strides = array<i32>} : memref<80x128xf32, #tpu.memory_space<vmem>>, vector<1x16xf32>,
          %swap3A_278 = vector.shape_cast %swap3A_277 : vector<1x16xf32> to vector<16xf32>
          %swap3A_279 = vector.shape_cast %mul3A_274 : vector<16xf32> to vector<1x16xf32>
          tpu.vector_store %arg7[%swap3A_275, %swap3A_276], %swap3A_279 {strides = array<i32>} : memref<80x128xf32, #tpu.memory_space<vmem>>, vector<1x16xf32>,
          %get3A_280 = arith.index_cast %add3A_239 : i32 to index
          %get3A_281 = arith.constant 64 : index
          %get3A_282 = tpu.vector_load %arg7[%get3A_280, %get3A_281] {strides = array<i32>} : memref<80x128xf32, #tpu.memory_space<vmem>>, vector<1x16xf32>,
          %get3A_283 = vector.shape_cast %get3A_282 : vector<1x16xf32> to vector<16xf32>
          %mul3A_284 = arith.mulf %get3A_283, %broadcast_in_dim3A_235 : vector<16xf32>
          %swap3A_285 = arith.index_cast %add3A_239 : i32 to index
          %swap3A_286 = arith.constant 64 : index
          %swap3A_287 = tpu.vector_load %arg7[%swap3A_285, %swap3A_286] {strides = array<i32>} : memref<80x128xf32, #tpu.memory_space<vmem>>, vector<1x16xf32>,
          %swap3A_288 = vector.shape_cast %swap3A_287 : vector<1x16xf32> to vector<16xf32>
          %swap3A_289 = vector.shape_cast %mul3A_284 : vector<16xf32> to vector<1x16xf32>
          tpu.vector_store %arg7[%swap3A_285, %swap3A_286], %swap3A_289 {strides = array<i32>} : memref<80x128xf32, #tpu.memory_space<vmem>>, vector<1x16xf32>,
          %get3A_290 = arith.index_cast %add3A_239 : i32 to index
          %get3A_291 = arith.constant 80 : index
          %get3A_292 = tpu.vector_load %arg7[%get3A_290, %get3A_291] {strides = array<i32>} : memref<80x128xf32, #tpu.memory_space<vmem>>, vector<1x16xf32>,
          %get3A_293 = vector.shape_cast %get3A_292 : vector<1x16xf32> to vector<16xf32>
          %mul3A_294 = arith.mulf %get3A_293, %broadcast_in_dim3A_235 : vector<16xf32>
          %swap3A_295 = arith.index_cast %add3A_239 : i32 to index
          %swap3A_296 = arith.constant 80 : index
          %swap3A_297 = tpu.vector_load %arg7[%swap3A_295, %swap3A_296] {strides = array<i32>} : memref<80x128xf32, #tpu.memory_space<vmem>>, vector<1x16xf32>,
          %swap3A_298 = vector.shape_cast %swap3A_297 : vector<1x16xf32> to vector<16xf32>
          %swap3A_299 = vector.shape_cast %mul3A_294 : vector<16xf32> to vector<1x16xf32>
          tpu.vector_store %arg7[%swap3A_295, %swap3A_296], %swap3A_299 {strides = array<i32>} : memref<80x128xf32, #tpu.memory_space<vmem>>, vector<1x16xf32>,
          %get3A_300 = arith.index_cast %add3A_239 : i32 to index
          %get3A_301 = arith.constant 96 : index
          %get3A_302 = tpu.vector_load %arg7[%get3A_300, %get3A_301] {strides = array<i32>} : memref<80x128xf32, #tpu.memory_space<vmem>>, vector<1x16xf32>,
          %get3A_303 = vector.shape_cast %get3A_302 : vector<1x16xf32> to vector<16xf32>
          %mul3A_304 = arith.mulf %get3A_303, %broadcast_in_dim3A_235 : vector<16xf32>
          %swap3A_305 = arith.index_cast %add3A_239 : i32 to index
          %swap3A_306 = arith.constant 96 : index
          %swap3A_307 = tpu.vector_load %arg7[%swap3A_305, %swap3A_306] {strides = array<i32>} : memref<80x128xf32, #tpu.memory_space<vmem>>, vector<1x16xf32>,
          %swap3A_308 = vector.shape_cast %swap3A_307 : vector<1x16xf32> to vector<16xf32>
          %swap3A_309 = vector.shape_cast %mul3A_304 : vector<16xf32> to vector<1x16xf32>
          tpu.vector_store %arg7[%swap3A_305, %swap3A_306], %swap3A_309 {strides = array<i32>} : memref<80x128xf32, #tpu.memory_space<vmem>>, vector<1x16xf32>,
          %get3A_310 = arith.index_cast %add3A_239 : i32 to index
          %get3A_311 = arith.constant 112 : index
          %get3A_312 = tpu.vector_load %arg7[%get3A_310, %get3A_311] {strides = array<i32>} : memref<80x128xf32, #tpu.memory_space<vmem>>, vector<1x16xf32>,
          %get3A_313 = vector.shape_cast %get3A_312 : vector<1x16xf32> to vector<16xf32>
          %mul3A_314 = arith.mulf %get3A_313, %broadcast_in_dim3A_235 : vector<16xf32>
          %swap3A_315 = arith.index_cast %add3A_239 : i32 to index
          %swap3A_316 = arith.constant 112 : index
          %swap3A_317 = tpu.vector_load %arg7[%swap3A_315, %swap3A_316] {strides = array<i32>} : memref<80x128xf32, #tpu.memory_space<vmem>>, vector<1x16xf32>,
          %swap3A_318 = vector.shape_cast %swap3A_317 : vector<1x16xf32> to vector<16xf32>
          %swap3A_319 = vector.shape_cast %mul3A_314 : vector<16xf32> to vector<1x16xf32>
          tpu.vector_store %arg7[%swap3A_315, %swap3A_316], %swap3A_319 {strides = array<i32>} : memref<80x128xf32, #tpu.memory_space<vmem>>, vector<1x16xf32>,
          %slice3A_320 = vector.extract_strided_slice %bitcast_convert_type3A {offsets = [3], sizes = [1], strides = [1]} : vector<16xf32> to vector<1xf32>
          %squeeze3A_321 = vector.extract %slice3A_320[0] : f32 from vector<1xf32>
          %broadcast_in_dim3A_322 = vector.broadcast %squeeze3A_321 : f32 to vector<16xf32>
          %mul3A_323 = arith.constant 16 : i32
          %mul3A_324 = arith.muli %add3A_55, %mul3A_323 : i32
          %add3A_325 = arith.constant 3 : i32
          %add3A_326 = arith.addi %mul3A_324, %add3A_325 : i32
          %get3A_327 = arith.index_cast %add3A_326 : i32 to index
          %get3A_328 = arith.constant 0 : index
          %get3A_329 = tpu.vector_load %arg7[%get3A_327, %get3A_328] {strides = array<i32>} : memref<80x128xf32, #tpu.memory_space<vmem>>, vector<1x16xf32>,
          %get3A_330 = vector.shape_cast %get3A_329 : vector<1x16xf32> to vector<16xf32>
          %mul3A_331 = arith.mulf %get3A_330, %broadcast_in_dim3A_322 : vector<16xf32>
          %swap3A_332 = arith.index_cast %add3A_326 : i32 to index
          %swap3A_333 = arith.constant 0 : index
          %swap3A_334 = tpu.vector_load %arg7[%swap3A_332, %swap3A_333] {strides = array<i32>} : memref<80x128xf32, #tpu.memory_space<vmem>>, vector<1x16xf32>,
          %swap3A_335 = vector.shape_cast %swap3A_334 : vector<1x16xf32> to vector<16xf32>
          %swap3A_336 = vector.shape_cast %mul3A_331 : vector<16xf32> to vector<1x16xf32>
          tpu.vector_store %arg7[%swap3A_332, %swap3A_333], %swap3A_336 {strides = array<i32>} : memref<80x128xf32, #tpu.memory_space<vmem>>, vector<1x16xf32>,
          %get3A_337 = arith.index_cast %add3A_326 : i32 to index
          %get3A_338 = arith.constant 16 : index
          %get3A_339 = tpu.vector_load %arg7[%get3A_337, %get3A_338] {strides = array<i32>} : memref<80x128xf32, #tpu.memory_space<vmem>>, vector<1x16xf32>,
          %get3A_340 = vector.shape_cast %get3A_339 : vector<1x16xf32> to vector<16xf32>
          %mul3A_341 = arith.mulf %get3A_340, %broadcast_in_dim3A_322 : vector<16xf32>
          %swap3A_342 = arith.index_cast %add3A_326 : i32 to index
          %swap3A_343 = arith.constant 16 : index
          %swap3A_344 = tpu.vector_load %arg7[%swap3A_342, %swap3A_343] {strides = array<i32>} : memref<80x128xf32, #tpu.memory_space<vmem>>, vector<1x16xf32>,
          %swap3A_345 = vector.shape_cast %swap3A_344 : vector<1x16xf32> to vector<16xf32>
          %swap3A_346 = vector.shape_cast %mul3A_341 : vector<16xf32> to vector<1x16xf32>
          tpu.vector_store %arg7[%swap3A_342, %swap3A_343], %swap3A_346 {strides = array<i32>} : memref<80x128xf32, #tpu.memory_space<vmem>>, vector<1x16xf32>,
          %get3A_347 = arith.index_cast %add3A_326 : i32 to index
          %get3A_348 = arith.constant 32 : index
          %get3A_349 = tpu.vector_load %arg7[%get3A_347, %get3A_348] {strides = array<i32>} : memref<80x128xf32, #tpu.memory_space<vmem>>, vector<1x16xf32>,
          %get3A_350 = vector.shape_cast %get3A_349 : vector<1x16xf32> to vector<16xf32>
          %mul3A_351 = arith.mulf %get3A_350, %broadcast_in_dim3A_322 : vector<16xf32>
          %swap3A_352 = arith.index_cast %add3A_326 : i32 to index
          %swap3A_353 = arith.constant 32 : index
          %swap3A_354 = tpu.vector_load %arg7[%swap3A_352, %swap3A_353] {strides = array<i32>} : memref<80x128xf32, #tpu.memory_space<vmem>>, vector<1x16xf32>,
          %swap3A_355 = vector.shape_cast %swap3A_354 : vector<1x16xf32> to vector<16xf32>
          %swap3A_356 = vector.shape_cast %mul3A_351 : vector<16xf32> to vector<1x16xf32>
          tpu.vector_store %arg7[%swap3A_352, %swap3A_353], %swap3A_356 {strides = array<i32>} : memref<80x128xf32, #tpu.memory_space<vmem>>, vector<1x16xf32>,
          %get3A_357 = arith.index_cast %add3A_326 : i32 to index
          %get3A_358 = arith.constant 48 : index
          %get3A_359 = tpu.vector_load %arg7[%get3A_357, %get3A_358] {strides = array<i32>} : memref<80x128xf32, #tpu.memory_space<vmem>>, vector<1x16xf32>,
          %get3A_360 = vector.shape_cast %get3A_359 : vector<1x16xf32> to vector<16xf32>
          %mul3A_361 = arith.mulf %get3A_360, %broadcast_in_dim3A_322 : vector<16xf32>
          %swap3A_362 = arith.index_cast %add3A_326 : i32 to index
          %swap3A_363 = arith.constant 48 : index
          %swap3A_364 = tpu.vector_load %arg7[%swap3A_362, %swap3A_363] {strides = array<i32>} : memref<80x128xf32, #tpu.memory_space<vmem>>, vector<1x16xf32>,
          %swap3A_365 = vector.shape_cast %swap3A_364 : vector<1x16xf32> to vector<16xf32>
          %swap3A_366 = vector.shape_cast %mul3A_361 : vector<16xf32> to vector<1x16xf32>
          tpu.vector_store %arg7[%swap3A_362, %swap3A_363], %swap3A_366 {strides = array<i32>} : memref<80x128xf32, #tpu.memory_space<vmem>>, vector<1x16xf32>,
          %get3A_367 = arith.index_cast %add3A_326 : i32 to index
          %get3A_368 = arith.constant 64 : index
          %get3A_369 = tpu.vector_load %arg7[%get3A_367, %get3A_368] {strides = array<i32>} : memref<80x128xf32, #tpu.memory_space<vmem>>, vector<1x16xf32>,
          %get3A_370 = vector.shape_cast %get3A_369 : vector<1x16xf32> to vector<16xf32>
          %mul3A_371 = arith.mulf %get3A_370, %broadcast_in_dim3A_322 : vector<16xf32>
          %swap3A_372 = arith.index_cast %add3A_326 : i32 to index
          %swap3A_373 = arith.constant 64 : index
          %swap3A_374 = tpu.vector_load %arg7[%swap3A_372, %swap3A_373] {strides = array<i32>} : memref<80x128xf32, #tpu.memory_space<vmem>>, vector<1x16xf32>,
          %swap3A_375 = vector.shape_cast %swap3A_374 : vector<1x16xf32> to vector<16xf32>
          %swap3A_376 = vector.shape_cast %mul3A_371 : vector<16xf32> to vector<1x16xf32>
          tpu.vector_store %arg7[%swap3A_372, %swap3A_373], %swap3A_376 {strides = array<i32>} : memref<80x128xf32, #tpu.memory_space<vmem>>, vector<1x16xf32>,
          %get3A_377 = arith.index_cast %add3A_326 : i32 to index
          %get3A_378 = arith.constant 80 : index
          %get3A_379 = tpu.vector_load %arg7[%get3A_377, %get3A_378] {strides = array<i32>} : memref<80x128xf32, #tpu.memory_space<vmem>>, vector<1x16xf32>,
          %get3A_380 = vector.shape_cast %get3A_379 : vector<1x16xf32> to vector<16xf32>
          %mul3A_381 = arith.mulf %get3A_380, %broadcast_in_dim3A_322 : vector<16xf32>
          %swap3A_382 = arith.index_cast %add3A_326 : i32 to index
          %swap3A_383 = arith.constant 80 : index
          %swap3A_384 = tpu.vector_load %arg7[%swap3A_382, %swap3A_383] {strides = array<i32>} : memref<80x128xf32, #tpu.memory_space<vmem>>, vector<1x16xf32>,
          %swap3A_385 = vector.shape_cast %swap3A_384 : vector<1x16xf32> to vector<16xf32>
          %swap3A_386 = vector.shape_cast %mul3A_381 : vector<16xf32> to vector<1x16xf32>
          tpu.vector_store %arg7[%swap3A_382, %swap3A_383], %swap3A_386 {strides = array<i32>} : memref<80x128xf32, #tpu.memory_space<vmem>>, vector<1x16xf32>,
          %get3A_387 = arith.index_cast %add3A_326 : i32 to index
          %get3A_388 = arith.constant 96 : index
          %get3A_389 = tpu.vector_load %arg7[%get3A_387, %get3A_388] {strides = array<i32>} : memref<80x128xf32, #tpu.memory_space<vmem>>, vector<1x16xf32>,
          %get3A_390 = vector.shape_cast %get3A_389 : vector<1x16xf32> to vector<16xf32>
          %mul3A_391 = arith.mulf %get3A_390, %broadcast_in_dim3A_322 : vector<16xf32>
          %swap3A_392 = arith.index_cast %add3A_326 : i32 to index
          %swap3A_393 = arith.constant 96 : index
          %swap3A_394 = tpu.vector_load %arg7[%swap3A_392, %swap3A_393] {strides = array<i32>} : memref<80x128xf32, #tpu.memory_space<vmem>>, vector<1x16xf32>,
          %swap3A_395 = vector.shape_cast %swap3A_394 : vector<1x16xf32> to vector<16xf32>
          %swap3A_396 = vector.shape_cast %mul3A_391 : vector<16xf32> to vector<1x16xf32>
          tpu.vector_store %arg7[%swap3A_392, %swap3A_393], %swap3A_396 {strides = array<i32>} : memref<80x128xf32, #tpu.memory_space<vmem>>, vector<1x16xf32>,
          %get3A_397 = arith.index_cast %add3A_326 : i32 to index
          %get3A_398 = arith.constant 112 : index
          %get3A_399 = tpu.vector_load %arg7[%get3A_397, %get3A_398] {strides = array<i32>} : memref<80x128xf32, #tpu.memory_space<vmem>>, vector<1x16xf32>,
          %get3A_400 = vector.shape_cast %get3A_399 : vector<1x16xf32> to vector<16xf32>
          %mul3A_401 = arith.mulf %get3A_400, %broadcast_in_dim3A_322 : vector<16xf32>
          %swap3A_402 = arith.index_cast %add3A_326 : i32 to index
          %swap3A_403 = arith.constant 112 : index
          %swap3A_404 = tpu.vector_load %arg7[%swap3A_402, %swap3A_403] {strides = array<i32>} : memref<80x128xf32, #tpu.memory_space<vmem>>, vector<1x16xf32>,
          %swap3A_405 = vector.shape_cast %swap3A_404 : vector<1x16xf32> to vector<16xf32>
          %swap3A_406 = vector.shape_cast %mul3A_401 : vector<16xf32> to vector<1x16xf32>
          tpu.vector_store %arg7[%swap3A_402, %swap3A_403], %swap3A_406 {strides = array<i32>} : memref<80x128xf32, #tpu.memory_space<vmem>>, vector<1x16xf32>,
          %slice3A_407 = vector.extract_strided_slice %bitcast_convert_type3A {offsets = [4], sizes = [1], strides = [1]} : vector<16xf32> to vector<1xf32>
          %squeeze3A_408 = vector.extract %slice3A_407[0] : f32 from vector<1xf32>
          %broadcast_in_dim3A_409 = vector.broadcast %squeeze3A_408 : f32 to vector<16xf32>
          %mul3A_410 = arith.constant 16 : i32
          %mul3A_411 = arith.muli %add3A_55, %mul3A_410 : i32
          %add3A_412 = arith.constant 4 : i32
          %add3A_413 = arith.addi %mul3A_411, %add3A_412 : i32
          %get3A_414 = arith.index_cast %add3A_413 : i32 to index
          %get3A_415 = arith.constant 0 : index
          %get3A_416 = tpu.vector_load %arg7[%get3A_414, %get3A_415] {strides = array<i32>} : memref<80x128xf32, #tpu.memory_space<vmem>>, vector<1x16xf32>,
          %get3A_417 = vector.shape_cast %get3A_416 : vector<1x16xf32> to vector<16xf32>
          %mul3A_418 = arith.mulf %get3A_417, %broadcast_in_dim3A_409 : vector<16xf32>
          %swap3A_419 = arith.index_cast %add3A_413 : i32 to index
          %swap3A_420 = arith.constant 0 : index
          %swap3A_421 = tpu.vector_load %arg7[%swap3A_419, %swap3A_420] {strides = array<i32>} : memref<80x128xf32, #tpu.memory_space<vmem>>, vector<1x16xf32>,
          %swap3A_422 = vector.shape_cast %swap3A_421 : vector<1x16xf32> to vector<16xf32>
          %swap3A_423 = vector.shape_cast %mul3A_418 : vector<16xf32> to vector<1x16xf32>
          tpu.vector_store %arg7[%swap3A_419, %swap3A_420], %swap3A_423 {strides = array<i32>} : memref<80x128xf32, #tpu.memory_space<vmem>>, vector<1x16xf32>,
          %get3A_424 = arith.index_cast %add3A_413 : i32 to index
          %get3A_425 = arith.constant 16 : index
          %get3A_426 = tpu.vector_load %arg7[%get3A_424, %get3A_425] {strides = array<i32>} : memref<80x128xf32, #tpu.memory_space<vmem>>, vector<1x16xf32>,
          %get3A_427 = vector.shape_cast %get3A_426 : vector<1x16xf32> to vector<16xf32>
          %mul3A_428 = arith.mulf %get3A_427, %broadcast_in_dim3A_409 : vector<16xf32>
          %swap3A_429 = arith.index_cast %add3A_413 : i32 to index
          %swap3A_430 = arith.constant 16 : index
          %swap3A_431 = tpu.vector_load %arg7[%swap3A_429, %swap3A_430] {strides = array<i32>} : memref<80x128xf32, #tpu.memory_space<vmem>>, vector<1x16xf32>,
          %swap3A_432 = vector.shape_cast %swap3A_431 : vector<1x16xf32> to vector<16xf32>
          %swap3A_433 = vector.shape_cast %mul3A_428 : vector<16xf32> to vector<1x16xf32>
          tpu.vector_store %arg7[%swap3A_429, %swap3A_430], %swap3A_433 {strides = array<i32>} : memref<80x128xf32, #tpu.memory_space<vmem>>, vector<1x16xf32>,
          %get3A_434 = arith.index_cast %add3A_413 : i32 to index
          %get3A_435 = arith.constant 32 : index
          %get3A_436 = tpu.vector_load %arg7[%get3A_434, %get3A_435] {strides = array<i32>} : memref<80x128xf32, #tpu.memory_space<vmem>>, vector<1x16xf32>,
          %get3A_437 = vector.shape_cast %get3A_436 : vector<1x16xf32> to vector<16xf32>
          %mul3A_438 = arith.mulf %get3A_437, %broadcast_in_dim3A_409 : vector<16xf32>
          %swap3A_439 = arith.index_cast %add3A_413 : i32 to index
          %swap3A_440 = arith.constant 32 : index
          %swap3A_441 = tpu.vector_load %arg7[%swap3A_439, %swap3A_440] {strides = array<i32>} : memref<80x128xf32, #tpu.memory_space<vmem>>, vector<1x16xf32>,
          %swap3A_442 = vector.shape_cast %swap3A_441 : vector<1x16xf32> to vector<16xf32>
          %swap3A_443 = vector.shape_cast %mul3A_438 : vector<16xf32> to vector<1x16xf32>
          tpu.vector_store %arg7[%swap3A_439, %swap3A_440], %swap3A_443 {strides = array<i32>} : memref<80x128xf32, #tpu.memory_space<vmem>>, vector<1x16xf32>,
          %get3A_444 = arith.index_cast %add3A_413 : i32 to index
          %get3A_445 = arith.constant 48 : index
          %get3A_446 = tpu.vector_load %arg7[%get3A_444, %get3A_445] {strides = array<i32>} : memref<80x128xf32, #tpu.memory_space<vmem>>, vector<1x16xf32>,
          %get3A_447 = vector.shape_cast %get3A_446 : vector<1x16xf32> to vector<16xf32>
          %mul3A_448 = arith.mulf %get3A_447, %broadcast_in_dim3A_409 : vector<16xf32>
          %swap3A_449 = arith.index_cast %add3A_413 : i32 to index
          %swap3A_450 = arith.constant 48 : index
          %swap3A_451 = tpu.vector_load %arg7[%swap3A_449, %swap3A_450] {strides = array<i32>} : memref<80x128xf32, #tpu.memory_space<vmem>>, vector<1x16xf32>,
          %swap3A_452 = vector.shape_cast %swap3A_451 : vector<1x16xf32> to vector<16xf32>
          %swap3A_453 = vector.shape_cast %mul3A_448 : vector<16xf32> to vector<1x16xf32>
          tpu.vector_store %arg7[%swap3A_449, %swap3A_450], %swap3A_453 {strides = array<i32>} : memref<80x128xf32, #tpu.memory_space<vmem>>, vector<1x16xf32>,
          %get3A_454 = arith.index_cast %add3A_413 : i32 to index
          %get3A_455 = arith.constant 64 : index
          %get3A_456 = tpu.vector_load %arg7[%get3A_454, %get3A_455] {strides = array<i32>} : memref<80x128xf32, #tpu.memory_space<vmem>>, vector<1x16xf32>,
          %get3A_457 = vector.shape_cast %get3A_456 : vector<1x16xf32> to vector<16xf32>
          %mul3A_458 = arith.mulf %get3A_457, %broadcast_in_dim3A_409 : vector<16xf32>
          %swap3A_459 = arith.index_cast %add3A_413 : i32 to index
          %swap3A_460 = arith.constant 64 : index
          %swap3A_461 = tpu.vector_load %arg7[%swap3A_459, %swap3A_460] {strides = array<i32>} : memref<80x128xf32, #tpu.memory_space<vmem>>, vector<1x16xf32>,
          %swap3A_462 = vector.shape_cast %swap3A_461 : vector<1x16xf32> to vector<16xf32>
          %swap3A_463 = vector.shape_cast %mul3A_458 : vector<16xf32> to vector<1x16xf32>
          tpu.vector_store %arg7[%swap3A_459, %swap3A_460], %swap3A_463 {strides = array<i32>} : memref<80x128xf32, #tpu.memory_space<vmem>>, vector<1x16xf32>,
          %get3A_464 = arith.index_cast %add3A_413 : i32 to index
          %get3A_465 = arith.constant 80 : index
          %get3A_466 = tpu.vector_load %arg7[%get3A_464, %get3A_465] {strides = array<i32>} : memref<80x128xf32, #tpu.memory_space<vmem>>, vector<1x16xf32>,
          %get3A_467 = vector.shape_cast %get3A_466 : vector<1x16xf32> to vector<16xf32>
          %mul3A_468 = arith.mulf %get3A_467, %broadcast_in_dim3A_409 : vector<16xf32>
          %swap3A_469 = arith.index_cast %add3A_413 : i32 to index
          %swap3A_470 = arith.constant 80 : index
          %swap3A_471 = tpu.vector_load %arg7[%swap3A_469, %swap3A_470] {strides = array<i32>} : memref<80x128xf32, #tpu.memory_space<vmem>>, vector<1x16xf32>,
          %swap3A_472 = vector.shape_cast %swap3A_471 : vector<1x16xf32> to vector<16xf32>
          %swap3A_473 = vector.shape_cast %mul3A_468 : vector<16xf32> to vector<1x16xf32>
          tpu.vector_store %arg7[%swap3A_469, %swap3A_470], %swap3A_473 {strides = array<i32>} : memref<80x128xf32, #tpu.memory_space<vmem>>, vector<1x16xf32>,
          %get3A_474 = arith.index_cast %add3A_413 : i32 to index
          %get3A_475 = arith.constant 96 : index
          %get3A_476 = tpu.vector_load %arg7[%get3A_474, %get3A_475] {strides = array<i32>} : memref<80x128xf32, #tpu.memory_space<vmem>>, vector<1x16xf32>,
          %get3A_477 = vector.shape_cast %get3A_476 : vector<1x16xf32> to vector<16xf32>
          %mul3A_478 = arith.mulf %get3A_477, %broadcast_in_dim3A_409 : vector<16xf32>
          %swap3A_479 = arith.index_cast %add3A_413 : i32 to index
          %swap3A_480 = arith.constant 96 : index
          %swap3A_481 = tpu.vector_load %arg7[%swap3A_479, %swap3A_480] {strides = array<i32>} : memref<80x128xf32, #tpu.memory_space<vmem>>, vector<1x16xf32>,
          %swap3A_482 = vector.shape_cast %swap3A_481 : vector<1x16xf32> to vector<16xf32>
          %swap3A_483 = vector.shape_cast %mul3A_478 : vector<16xf32> to vector<1x16xf32>
          tpu.vector_store %arg7[%swap3A_479, %swap3A_480], %swap3A_483 {strides = array<i32>} : memref<80x128xf32, #tpu.memory_space<vmem>>, vector<1x16xf32>,
          %get3A_484 = arith.index_cast %add3A_413 : i32 to index
          %get3A_485 = arith.constant 112 : index
          %get3A_486 = tpu.vector_load %arg7[%get3A_484, %get3A_485] {strides = array<i32>} : memref<80x128xf32, #tpu.memory_space<vmem>>, vector<1x16xf32>,
          %get3A_487 = vector.shape_cast %get3A_486 : vector<1x16xf32> to vector<16xf32>
          %mul3A_488 = arith.mulf %get3A_487, %broadcast_in_dim3A_409 : vector<16xf32>
          %swap3A_489 = arith.index_cast %add3A_413 : i32 to index
          %swap3A_490 = arith.constant 112 : index
          %swap3A_491 = tpu.vector_load %arg7[%swap3A_489, %swap3A_490] {strides = array<i32>} : memref<80x128xf32, #tpu.memory_space<vmem>>, vector<1x16xf32>,
          %swap3A_492 = vector.shape_cast %swap3A_491 : vector<1x16xf32> to vector<16xf32>
          %swap3A_493 = vector.shape_cast %mul3A_488 : vector<16xf32> to vector<1x16xf32>
          tpu.vector_store %arg7[%swap3A_489, %swap3A_490], %swap3A_493 {strides = array<i32>} : memref<80x128xf32, #tpu.memory_space<vmem>>, vector<1x16xf32>,
          %slice3A_494 = vector.extract_strided_slice %bitcast_convert_type3A {offsets = [5], sizes = [1], strides = [1]} : vector<16xf32> to vector<1xf32>
          %squeeze3A_495 = vector.extract %slice3A_494[0] : f32 from vector<1xf32>
          %broadcast_in_dim3A_496 = vector.broadcast %squeeze3A_495 : f32 to vector<16xf32>
          %mul3A_497 = arith.constant 16 : i32
          %mul3A_498 = arith.muli %add3A_55, %mul3A_497 : i32
          %add3A_499 = arith.constant 5 : i32
          %add3A_500 = arith.addi %mul3A_498, %add3A_499 : i32
          %get3A_501 = arith.index_cast %add3A_500 : i32 to index
          %get3A_502 = arith.constant 0 : index
          %get3A_503 = tpu.vector_load %arg7[%get3A_501, %get3A_502] {strides = array<i32>} : memref<80x128xf32, #tpu.memory_space<vmem>>, vector<1x16xf32>,
          %get3A_504 = vector.shape_cast %get3A_503 : vector<1x16xf32> to vector<16xf32>
          %mul3A_505 = arith.mulf %get3A_504, %broadcast_in_dim3A_496 : vector<16xf32>
          %swap3A_506 = arith.index_cast %add3A_500 : i32 to index
          %swap3A_507 = arith.constant 0 : index
          %swap3A_508 = tpu.vector_load %arg7[%swap3A_506, %swap3A_507] {strides = array<i32>} : memref<80x128xf32, #tpu.memory_space<vmem>>, vector<1x16xf32>,
          %swap3A_509 = vector.shape_cast %swap3A_508 : vector<1x16xf32> to vector<16xf32>
          %swap3A_510 = vector.shape_cast %mul3A_505 : vector<16xf32> to vector<1x16xf32>
          tpu.vector_store %arg7[%swap3A_506, %swap3A_507], %swap3A_510 {strides = array<i32>} : memref<80x128xf32, #tpu.memory_space<vmem>>, vector<1x16xf32>,
          %get3A_511 = arith.index_cast %add3A_500 : i32 to index
          %get3A_512 = arith.constant 16 : index
          %get3A_513 = tpu.vector_load %arg7[%get3A_511, %get3A_512] {strides = array<i32>} : memref<80x128xf32, #tpu.memory_space<vmem>>, vector<1x16xf32>,
          %get3A_514 = vector.shape_cast %get3A_513 : vector<1x16xf32> to vector<16xf32>
          %mul3A_515 = arith.mulf %get3A_514, %broadcast_in_dim3A_496 : vector<16xf32>
          %swap3A_516 = arith.index_cast %add3A_500 : i32 to index
          %swap3A_517 = arith.constant 16 : index
          %swap3A_518 = tpu.vector_load %arg7[%swap3A_516, %swap3A_517] {strides = array<i32>} : memref<80x128xf32, #tpu.memory_space<vmem>>, vector<1x16xf32>,
          %swap3A_519 = vector.shape_cast %swap3A_518 : vector<1x16xf32> to vector<16xf32>
          %swap3A_520 = vector.shape_cast %mul3A_515 : vector<16xf32> to vector<1x16xf32>
          tpu.vector_store %arg7[%swap3A_516, %swap3A_517], %swap3A_520 {strides = array<i32>} : memref<80x128xf32, #tpu.memory_space<vmem>>, vector<1x16xf32>,
          %get3A_521 = arith.index_cast %add3A_500 : i32 to index
          %get3A_522 = arith.constant 32 : index
          %get3A_523 = tpu.vector_load %arg7[%get3A_521, %get3A_522] {strides = array<i32>} : memref<80x128xf32, #tpu.memory_space<vmem>>, vector<1x16xf32>,
          %get3A_524 = vector.shape_cast %get3A_523 : vector<1x16xf32> to vector<16xf32>
          %mul3A_525 = arith.mulf %get3A_524, %broadcast_in_dim3A_496 : vector<16xf32>
          %swap3A_526 = arith.index_cast %add3A_500 : i32 to index
          %swap3A_527 = arith.constant 32 : index
          %swap3A_528 = tpu.vector_load %arg7[%swap3A_526, %swap3A_527] {strides = array<i32>} : memref<80x128xf32, #tpu.memory_space<vmem>>, vector<1x16xf32>,
          %swap3A_529 = vector.shape_cast %swap3A_528 : vector<1x16xf32> to vector<16xf32>
          %swap3A_530 = vector.shape_cast %mul3A_525 : vector<16xf32> to vector<1x16xf32>
          tpu.vector_store %arg7[%swap3A_526, %swap3A_527], %swap3A_530 {strides = array<i32>} : memref<80x128xf32, #tpu.memory_space<vmem>>, vector<1x16xf32>,
          %get3A_531 = arith.index_cast %add3A_500 : i32 to index
          %get3A_532 = arith.constant 48 : index
          %get3A_533 = tpu.vector_load %arg7[%get3A_531, %get3A_532] {strides = array<i32>} : memref<80x128xf32, #tpu.memory_space<vmem>>, vector<1x16xf32>,
          %get3A_534 = vector.shape_cast %get3A_533 : vector<1x16xf32> to vector<16xf32>
          %mul3A_535 = arith.mulf %get3A_534, %broadcast_in_dim3A_496 : vector<16xf32>
          %swap3A_536 = arith.index_cast %add3A_500 : i32 to index
          %swap3A_537 = arith.constant 48 : index
          %swap3A_538 = tpu.vector_load %arg7[%swap3A_536, %swap3A_537] {strides = array<i32>} : memref<80x128xf32, #tpu.memory_space<vmem>>, vector<1x16xf32>,
          %swap3A_539 = vector.shape_cast %swap3A_538 : vector<1x16xf32> to vector<16xf32>
          %swap3A_540 = vector.shape_cast %mul3A_535 : vector<16xf32> to vector<1x16xf32>
          tpu.vector_store %arg7[%swap3A_536, %swap3A_537], %swap3A_540 {strides = array<i32>} : memref<80x128xf32, #tpu.memory_space<vmem>>, vector<1x16xf32>,
          %get3A_541 = arith.index_cast %add3A_500 : i32 to index
          %get3A_542 = arith.constant 64 : index
          %get3A_543 = tpu.vector_load %arg7[%get3A_541, %get3A_542] {strides = array<i32>} : memref<80x128xf32, #tpu.memory_space<vmem>>, vector<1x16xf32>,
          %get3A_544 = vector.shape_cast %get3A_543 : vector<1x16xf32> to vector<16xf32>
          %mul3A_545 = arith.mulf %get3A_544, %broadcast_in_dim3A_496 : vector<16xf32>
          %swap3A_546 = arith.index_cast %add3A_500 : i32 to index
          %swap3A_547 = arith.constant 64 : index
          %swap3A_548 = tpu.vector_load %arg7[%swap3A_546, %swap3A_547] {strides = array<i32>} : memref<80x128xf32, #tpu.memory_space<vmem>>, vector<1x16xf32>,
          %swap3A_549 = vector.shape_cast %swap3A_548 : vector<1x16xf32> to vector<16xf32>
          %swap3A_550 = vector.shape_cast %mul3A_545 : vector<16xf32> to vector<1x16xf32>
          tpu.vector_store %arg7[%swap3A_546, %swap3A_547], %swap3A_550 {strides = array<i32>} : memref<80x128xf32, #tpu.memory_space<vmem>>, vector<1x16xf32>,
          %get3A_551 = arith.index_cast %add3A_500 : i32 to index
          %get3A_552 = arith.constant 80 : index
          %get3A_553 = tpu.vector_load %arg7[%get3A_551, %get3A_552] {strides = array<i32>} : memref<80x128xf32, #tpu.memory_space<vmem>>, vector<1x16xf32>,
          %get3A_554 = vector.shape_cast %get3A_553 : vector<1x16xf32> to vector<16xf32>
          %mul3A_555 = arith.mulf %get3A_554, %broadcast_in_dim3A_496 : vector<16xf32>
          %swap3A_556 = arith.index_cast %add3A_500 : i32 to index
          %swap3A_557 = arith.constant 80 : index
          %swap3A_558 = tpu.vector_load %arg7[%swap3A_556, %swap3A_557] {strides = array<i32>} : memref<80x128xf32, #tpu.memory_space<vmem>>, vector<1x16xf32>,
          %swap3A_559 = vector.shape_cast %swap3A_558 : vector<1x16xf32> to vector<16xf32>
          %swap3A_560 = vector.shape_cast %mul3A_555 : vector<16xf32> to vector<1x16xf32>
          tpu.vector_store %arg7[%swap3A_556, %swap3A_557], %swap3A_560 {strides = array<i32>} : memref<80x128xf32, #tpu.memory_space<vmem>>, vector<1x16xf32>,
          %get3A_561 = arith.index_cast %add3A_500 : i32 to index
          %get3A_562 = arith.constant 96 : index
          %get3A_563 = tpu.vector_load %arg7[%get3A_561, %get3A_562] {strides = array<i32>} : memref<80x128xf32, #tpu.memory_space<vmem>>, vector<1x16xf32>,
          %get3A_564 = vector.shape_cast %get3A_563 : vector<1x16xf32> to vector<16xf32>
          %mul3A_565 = arith.mulf %get3A_564, %broadcast_in_dim3A_496 : vector<16xf32>
          %swap3A_566 = arith.index_cast %add3A_500 : i32 to index
          %swap3A_567 = arith.constant 96 : index
          %swap3A_568 = tpu.vector_load %arg7[%swap3A_566, %swap3A_567] {strides = array<i32>} : memref<80x128xf32, #tpu.memory_space<vmem>>, vector<1x16xf32>,
          %swap3A_569 = vector.shape_cast %swap3A_568 : vector<1x16xf32> to vector<16xf32>
          %swap3A_570 = vector.shape_cast %mul3A_565 : vector<16xf32> to vector<1x16xf32>
          tpu.vector_store %arg7[%swap3A_566, %swap3A_567], %swap3A_570 {strides = array<i32>} : memref<80x128xf32, #tpu.memory_space<vmem>>, vector<1x16xf32>,
          %get3A_571 = arith.index_cast %add3A_500 : i32 to index
          %get3A_572 = arith.constant 112 : index
          %get3A_573 = tpu.vector_load %arg7[%get3A_571, %get3A_572] {strides = array<i32>} : memref<80x128xf32, #tpu.memory_space<vmem>>, vector<1x16xf32>,
          %get3A_574 = vector.shape_cast %get3A_573 : vector<1x16xf32> to vector<16xf32>
          %mul3A_575 = arith.mulf %get3A_574, %broadcast_in_dim3A_496 : vector<16xf32>
          %swap3A_576 = arith.index_cast %add3A_500 : i32 to index
          %swap3A_577 = arith.constant 112 : index
          %swap3A_578 = tpu.vector_load %arg7[%swap3A_576, %swap3A_577] {strides = array<i32>} : memref<80x128xf32, #tpu.memory_space<vmem>>, vector<1x16xf32>,
          %swap3A_579 = vector.shape_cast %swap3A_578 : vector<1x16xf32> to vector<16xf32>
          %swap3A_580 = vector.shape_cast %mul3A_575 : vector<16xf32> to vector<1x16xf32>
          tpu.vector_store %arg7[%swap3A_576, %swap3A_577], %swap3A_580 {strides = array<i32>} : memref<80x128xf32, #tpu.memory_space<vmem>>, vector<1x16xf32>,
          %slice3A_581 = vector.extract_strided_slice %bitcast_convert_type3A {offsets = [6], sizes = [1], strides = [1]} : vector<16xf32> to vector<1xf32>
          %squeeze3A_582 = vector.extract %slice3A_581[0] : f32 from vector<1xf32>
          %broadcast_in_dim3A_583 = vector.broadcast %squeeze3A_582 : f32 to vector<16xf32>
          %mul3A_584 = arith.constant 16 : i32
          %mul3A_585 = arith.muli %add3A_55, %mul3A_584 : i32
          %add3A_586 = arith.constant 6 : i32
          %add3A_587 = arith.addi %mul3A_585, %add3A_586 : i32
          %get3A_588 = arith.index_cast %add3A_587 : i32 to index
          %get3A_589 = arith.constant 0 : index
          %get3A_590 = tpu.vector_load %arg7[%get3A_588, %get3A_589] {strides = array<i32>} : memref<80x128xf32, #tpu.memory_space<vmem>>, vector<1x16xf32>,
          %get3A_591 = vector.shape_cast %get3A_590 : vector<1x16xf32> to vector<16xf32>
          %mul3A_592 = arith.mulf %get3A_591, %broadcast_in_dim3A_583 : vector<16xf32>
          %swap3A_593 = arith.index_cast %add3A_587 : i32 to index
          %swap3A_594 = arith.constant 0 : index
          %swap3A_595 = tpu.vector_load %arg7[%swap3A_593, %swap3A_594] {strides = array<i32>} : memref<80x128xf32, #tpu.memory_space<vmem>>, vector<1x16xf32>,
          %swap3A_596 = vector.shape_cast %swap3A_595 : vector<1x16xf32> to vector<16xf32>
          %swap3A_597 = vector.shape_cast %mul3A_592 : vector<16xf32> to vector<1x16xf32>
          tpu.vector_store %arg7[%swap3A_593, %swap3A_594], %swap3A_597 {strides = array<i32>} : memref<80x128xf32, #tpu.memory_space<vmem>>, vector<1x16xf32>,
          %get3A_598 = arith.index_cast %add3A_587 : i32 to index
          %get3A_599 = arith.constant 16 : index
          %get3A_600 = tpu.vector_load %arg7[%get3A_598, %get3A_599] {strides = array<i32>} : memref<80x128xf32, #tpu.memory_space<vmem>>, vector<1x16xf32>,
          %get3A_601 = vector.shape_cast %get3A_600 : vector<1x16xf32> to vector<16xf32>
          %mul3A_602 = arith.mulf %get3A_601, %broadcast_in_dim3A_583 : vector<16xf32>
          %swap3A_603 = arith.index_cast %add3A_587 : i32 to index
          %swap3A_604 = arith.constant 16 : index
          %swap3A_605 = tpu.vector_load %arg7[%swap3A_603, %swap3A_604] {strides = array<i32>} : memref<80x128xf32, #tpu.memory_space<vmem>>, vector<1x16xf32>,
          %swap3A_606 = vector.shape_cast %swap3A_605 : vector<1x16xf32> to vector<16xf32>
          %swap3A_607 = vector.shape_cast %mul3A_602 : vector<16xf32> to vector<1x16xf32>
          tpu.vector_store %arg7[%swap3A_603, %swap3A_604], %swap3A_607 {strides = array<i32>} : memref<80x128xf32, #tpu.memory_space<vmem>>, vector<1x16xf32>,
          %get3A_608 = arith.index_cast %add3A_587 : i32 to index
          %get3A_609 = arith.constant 32 : index
          %get3A_610 = tpu.vector_load %arg7[%get3A_608, %get3A_609] {strides = array<i32>} : memref<80x128xf32, #tpu.memory_space<vmem>>, vector<1x16xf32>,
          %get3A_611 = vector.shape_cast %get3A_610 : vector<1x16xf32> to vector<16xf32>
          %mul3A_612 = arith.mulf %get3A_611, %broadcast_in_dim3A_583 : vector<16xf32>
          %swap3A_613 = arith.index_cast %add3A_587 : i32 to index
          %swap3A_614 = arith.constant 32 : index
          %swap3A_615 = tpu.vector_load %arg7[%swap3A_613, %swap3A_614] {strides = array<i32>} : memref<80x128xf32, #tpu.memory_space<vmem>>, vector<1x16xf32>,
          %swap3A_616 = vector.shape_cast %swap3A_615 : vector<1x16xf32> to vector<16xf32>
          %swap3A_617 = vector.shape_cast %mul3A_612 : vector<16xf32> to vector<1x16xf32>
          tpu.vector_store %arg7[%swap3A_613, %swap3A_614], %swap3A_617 {strides = array<i32>} : memref<80x128xf32, #tpu.memory_space<vmem>>, vector<1x16xf32>,
          %get3A_618 = arith.index_cast %add3A_587 : i32 to index
          %get3A_619 = arith.constant 48 : index
          %get3A_620 = tpu.vector_load %arg7[%get3A_618, %get3A_619] {strides = array<i32>} : memref<80x128xf32, #tpu.memory_space<vmem>>, vector<1x16xf32>,
          %get3A_621 = vector.shape_cast %get3A_620 : vector<1x16xf32> to vector<16xf32>
          %mul3A_622 = arith.mulf %get3A_621, %broadcast_in_dim3A_583 : vector<16xf32>
          %swap3A_623 = arith.index_cast %add3A_587 : i32 to index
          %swap3A_624 = arith.constant 48 : index
          %swap3A_625 = tpu.vector_load %arg7[%swap3A_623, %swap3A_624] {strides = array<i32>} : memref<80x128xf32, #tpu.memory_space<vmem>>, vector<1x16xf32>,
          %swap3A_626 = vector.shape_cast %swap3A_625 : vector<1x16xf32> to vector<16xf32>
          %swap3A_627 = vector.shape_cast %mul3A_622 : vector<16xf32> to vector<1x16xf32>
          tpu.vector_store %arg7[%swap3A_623, %swap3A_624], %swap3A_627 {strides = array<i32>} : memref<80x128xf32, #tpu.memory_space<vmem>>, vector<1x16xf32>,
          %get3A_628 = arith.index_cast %add3A_587 : i32 to index
          %get3A_629 = arith.constant 64 : index
          %get3A_630 = tpu.vector_load %arg7[%get3A_628, %get3A_629] {strides = array<i32>} : memref<80x128xf32, #tpu.memory_space<vmem>>, vector<1x16xf32>,
          %get3A_631 = vector.shape_cast %get3A_630 : vector<1x16xf32> to vector<16xf32>
          %mul3A_632 = arith.mulf %get3A_631, %broadcast_in_dim3A_583 : vector<16xf32>
          %swap3A_633 = arith.index_cast %add3A_587 : i32 to index
          %swap3A_634 = arith.constant 64 : index
          %swap3A_635 = tpu.vector_load %arg7[%swap3A_633, %swap3A_634] {strides = array<i32>} : memref<80x128xf32, #tpu.memory_space<vmem>>, vector<1x16xf32>,
          %swap3A_636 = vector.shape_cast %swap3A_635 : vector<1x16xf32> to vector<16xf32>
          %swap3A_637 = vector.shape_cast %mul3A_632 : vector<16xf32> to vector<1x16xf32>
          tpu.vector_store %arg7[%swap3A_633, %swap3A_634], %swap3A_637 {strides = array<i32>} : memref<80x128xf32, #tpu.memory_space<vmem>>, vector<1x16xf32>,
          %get3A_638 = arith.index_cast %add3A_587 : i32 to index
          %get3A_639 = arith.constant 80 : index
          %get3A_640 = tpu.vector_load %arg7[%get3A_638, %get3A_639] {strides = array<i32>} : memref<80x128xf32, #tpu.memory_space<vmem>>, vector<1x16xf32>,
          %get3A_641 = vector.shape_cast %get3A_640 : vector<1x16xf32> to vector<16xf32>
          %mul3A_642 = arith.mulf %get3A_641, %broadcast_in_dim3A_583 : vector<16xf32>
          %swap3A_643 = arith.index_cast %add3A_587 : i32 to index
          %swap3A_644 = arith.constant 80 : index
          %swap3A_645 = tpu.vector_load %arg7[%swap3A_643, %swap3A_644] {strides = array<i32>} : memref<80x128xf32, #tpu.memory_space<vmem>>, vector<1x16xf32>,
          %swap3A_646 = vector.shape_cast %swap3A_645 : vector<1x16xf32> to vector<16xf32>
          %swap3A_647 = vector.shape_cast %mul3A_642 : vector<16xf32> to vector<1x16xf32>
          tpu.vector_store %arg7[%swap3A_643, %swap3A_644], %swap3A_647 {strides = array<i32>} : memref<80x128xf32, #tpu.memory_space<vmem>>, vector<1x16xf32>,
          %get3A_648 = arith.index_cast %add3A_587 : i32 to index
          %get3A_649 = arith.constant 96 : index
          %get3A_650 = tpu.vector_load %arg7[%get3A_648, %get3A_649] {strides = array<i32>} : memref<80x128xf32, #tpu.memory_space<vmem>>, vector<1x16xf32>,
          %get3A_651 = vector.shape_cast %get3A_650 : vector<1x16xf32> to vector<16xf32>
          %mul3A_652 = arith.mulf %get3A_651, %broadcast_in_dim3A_583 : vector<16xf32>
          %swap3A_653 = arith.index_cast %add3A_587 : i32 to index
          %swap3A_654 = arith.constant 96 : index
          %swap3A_655 = tpu.vector_load %arg7[%swap3A_653, %swap3A_654] {strides = array<i32>} : memref<80x128xf32, #tpu.memory_space<vmem>>, vector<1x16xf32>,
          %swap3A_656 = vector.shape_cast %swap3A_655 : vector<1x16xf32> to vector<16xf32>
          %swap3A_657 = vector.shape_cast %mul3A_652 : vector<16xf32> to vector<1x16xf32>
          tpu.vector_store %arg7[%swap3A_653, %swap3A_654], %swap3A_657 {strides = array<i32>} : memref<80x128xf32, #tpu.memory_space<vmem>>, vector<1x16xf32>,
          %get3A_658 = arith.index_cast %add3A_587 : i32 to index
          %get3A_659 = arith.constant 112 : index
          %get3A_660 = tpu.vector_load %arg7[%get3A_658, %get3A_659] {strides = array<i32>} : memref<80x128xf32, #tpu.memory_space<vmem>>, vector<1x16xf32>,
          %get3A_661 = vector.shape_cast %get3A_660 : vector<1x16xf32> to vector<16xf32>
          %mul3A_662 = arith.mulf %get3A_661, %broadcast_in_dim3A_583 : vector<16xf32>
          %swap3A_663 = arith.index_cast %add3A_587 : i32 to index
          %swap3A_664 = arith.constant 112 : index
          %swap3A_665 = tpu.vector_load %arg7[%swap3A_663, %swap3A_664] {strides = array<i32>} : memref<80x128xf32, #tpu.memory_space<vmem>>, vector<1x16xf32>,
          %swap3A_666 = vector.shape_cast %swap3A_665 : vector<1x16xf32> to vector<16xf32>
          %swap3A_667 = vector.shape_cast %mul3A_662 : vector<16xf32> to vector<1x16xf32>
          tpu.vector_store %arg7[%swap3A_663, %swap3A_664], %swap3A_667 {strides = array<i32>} : memref<80x128xf32, #tpu.memory_space<vmem>>, vector<1x16xf32>,
          %slice3A_668 = vector.extract_strided_slice %bitcast_convert_type3A {offsets = [7], sizes = [1], strides = [1]} : vector<16xf32> to vector<1xf32>
          %squeeze3A_669 = vector.extract %slice3A_668[0] : f32 from vector<1xf32>
          %broadcast_in_dim3A_670 = vector.broadcast %squeeze3A_669 : f32 to vector<16xf32>
          %mul3A_671 = arith.constant 16 : i32
          %mul3A_672 = arith.muli %add3A_55, %mul3A_671 : i32
          %add3A_673 = arith.constant 7 : i32
          %add3A_674 = arith.addi %mul3A_672, %add3A_673 : i32
          %get3A_675 = arith.index_cast %add3A_674 : i32 to index
          %get3A_676 = arith.constant 0 : index
          %get3A_677 = tpu.vector_load %arg7[%get3A_675, %get3A_676] {strides = array<i32>} : memref<80x128xf32, #tpu.memory_space<vmem>>, vector<1x16xf32>,
          %get3A_678 = vector.shape_cast %get3A_677 : vector<1x16xf32> to vector<16xf32>
          %mul3A_679 = arith.mulf %get3A_678, %broadcast_in_dim3A_670 : vector<16xf32>
          %swap3A_680 = arith.index_cast %add3A_674 : i32 to index
          %swap3A_681 = arith.constant 0 : index
          %swap3A_682 = tpu.vector_load %arg7[%swap3A_680, %swap3A_681] {strides = array<i32>} : memref<80x128xf32, #tpu.memory_space<vmem>>, vector<1x16xf32>,
          %swap3A_683 = vector.shape_cast %swap3A_682 : vector<1x16xf32> to vector<16xf32>
          %swap3A_684 = vector.shape_cast %mul3A_679 : vector<16xf32> to vector<1x16xf32>
          tpu.vector_store %arg7[%swap3A_680, %swap3A_681], %swap3A_684 {strides = array<i32>} : memref<80x128xf32, #tpu.memory_space<vmem>>, vector<1x16xf32>,
          %get3A_685 = arith.index_cast %add3A_674 : i32 to index
          %get3A_686 = arith.constant 16 : index
          %get3A_687 = tpu.vector_load %arg7[%get3A_685, %get3A_686] {strides = array<i32>} : memref<80x128xf32, #tpu.memory_space<vmem>>, vector<1x16xf32>,
          %get3A_688 = vector.shape_cast %get3A_687 : vector<1x16xf32> to vector<16xf32>
          %mul3A_689 = arith.mulf %get3A_688, %broadcast_in_dim3A_670 : vector<16xf32>
          %swap3A_690 = arith.index_cast %add3A_674 : i32 to index
          %swap3A_691 = arith.constant 16 : index
          %swap3A_692 = tpu.vector_load %arg7[%swap3A_690, %swap3A_691] {strides = array<i32>} : memref<80x128xf32, #tpu.memory_space<vmem>>, vector<1x16xf32>,
          %swap3A_693 = vector.shape_cast %swap3A_692 : vector<1x16xf32> to vector<16xf32>
          %swap3A_694 = vector.shape_cast %mul3A_689 : vector<16xf32> to vector<1x16xf32>
          tpu.vector_store %arg7[%swap3A_690, %swap3A_691], %swap3A_694 {strides = array<i32>} : memref<80x128xf32, #tpu.memory_space<vmem>>, vector<1x16xf32>,
          %get3A_695 = arith.index_cast %add3A_674 : i32 to index
          %get3A_696 = arith.constant 32 : index
          %get3A_697 = tpu.vector_load %arg7[%get3A_695, %get3A_696] {strides = array<i32>} : memref<80x128xf32, #tpu.memory_space<vmem>>, vector<1x16xf32>,
          %get3A_698 = vector.shape_cast %get3A_697 : vector<1x16xf32> to vector<16xf32>
          %mul3A_699 = arith.mulf %get3A_698, %broadcast_in_dim3A_670 : vector<16xf32>
          %swap3A_700 = arith.index_cast %add3A_674 : i32 to index
          %swap3A_701 = arith.constant 32 : index
          %swap3A_702 = tpu.vector_load %arg7[%swap3A_700, %swap3A_701] {strides = array<i32>} : memref<80x128xf32, #tpu.memory_space<vmem>>, vector<1x16xf32>,
          %swap3A_703 = vector.shape_cast %swap3A_702 : vector<1x16xf32> to vector<16xf32>
          %swap3A_704 = vector.shape_cast %mul3A_699 : vector<16xf32> to vector<1x16xf32>
          tpu.vector_store %arg7[%swap3A_700, %swap3A_701], %swap3A_704 {strides = array<i32>} : memref<80x128xf32, #tpu.memory_space<vmem>>, vector<1x16xf32>,
          %get3A_705 = arith.index_cast %add3A_674 : i32 to index
          %get3A_706 = arith.constant 48 : index
          %get3A_707 = tpu.vector_load %arg7[%get3A_705, %get3A_706] {strides = array<i32>} : memref<80x128xf32, #tpu.memory_space<vmem>>, vector<1x16xf32>,
          %get3A_708 = vector.shape_cast %get3A_707 : vector<1x16xf32> to vector<16xf32>
          %mul3A_709 = arith.mulf %get3A_708, %broadcast_in_dim3A_670 : vector<16xf32>
          %swap3A_710 = arith.index_cast %add3A_674 : i32 to index
          %swap3A_711 = arith.constant 48 : index
          %swap3A_712 = tpu.vector_load %arg7[%swap3A_710, %swap3A_711] {strides = array<i32>} : memref<80x128xf32, #tpu.memory_space<vmem>>, vector<1x16xf32>,
          %swap3A_713 = vector.shape_cast %swap3A_712 : vector<1x16xf32> to vector<16xf32>
          %swap3A_714 = vector.shape_cast %mul3A_709 : vector<16xf32> to vector<1x16xf32>
          tpu.vector_store %arg7[%swap3A_710, %swap3A_711], %swap3A_714 {strides = array<i32>} : memref<80x128xf32, #tpu.memory_space<vmem>>, vector<1x16xf32>,
          %get3A_715 = arith.index_cast %add3A_674 : i32 to index
          %get3A_716 = arith.constant 64 : index
          %get3A_717 = tpu.vector_load %arg7[%get3A_715, %get3A_716] {strides = array<i32>} : memref<80x128xf32, #tpu.memory_space<vmem>>, vector<1x16xf32>,
          %get3A_718 = vector.shape_cast %get3A_717 : vector<1x16xf32> to vector<16xf32>
          %mul3A_719 = arith.mulf %get3A_718, %broadcast_in_dim3A_670 : vector<16xf32>
          %swap3A_720 = arith.index_cast %add3A_674 : i32 to index
          %swap3A_721 = arith.constant 64 : index
          %swap3A_722 = tpu.vector_load %arg7[%swap3A_720, %swap3A_721] {strides = array<i32>} : memref<80x128xf32, #tpu.memory_space<vmem>>, vector<1x16xf32>,
          %swap3A_723 = vector.shape_cast %swap3A_722 : vector<1x16xf32> to vector<16xf32>
          %swap3A_724 = vector.shape_cast %mul3A_719 : vector<16xf32> to vector<1x16xf32>
          tpu.vector_store %arg7[%swap3A_720, %swap3A_721], %swap3A_724 {strides = array<i32>} : memref<80x128xf32, #tpu.memory_space<vmem>>, vector<1x16xf32>,
          %get3A_725 = arith.index_cast %add3A_674 : i32 to index
          %get3A_726 = arith.constant 80 : index
          %get3A_727 = tpu.vector_load %arg7[%get3A_725, %get3A_726] {strides = array<i32>} : memref<80x128xf32, #tpu.memory_space<vmem>>, vector<1x16xf32>,
          %get3A_728 = vector.shape_cast %get3A_727 : vector<1x16xf32> to vector<16xf32>
          %mul3A_729 = arith.mulf %get3A_728, %broadcast_in_dim3A_670 : vector<16xf32>
          %swap3A_730 = arith.index_cast %add3A_674 : i32 to index
          %swap3A_731 = arith.constant 80 : index
          %swap3A_732 = tpu.vector_load %arg7[%swap3A_730, %swap3A_731] {strides = array<i32>} : memref<80x128xf32, #tpu.memory_space<vmem>>, vector<1x16xf32>,
          %swap3A_733 = vector.shape_cast %swap3A_732 : vector<1x16xf32> to vector<16xf32>
          %swap3A_734 = vector.shape_cast %mul3A_729 : vector<16xf32> to vector<1x16xf32>
          tpu.vector_store %arg7[%swap3A_730, %swap3A_731], %swap3A_734 {strides = array<i32>} : memref<80x128xf32, #tpu.memory_space<vmem>>, vector<1x16xf32>,
          %get3A_735 = arith.index_cast %add3A_674 : i32 to index
          %get3A_736 = arith.constant 96 : index
          %get3A_737 = tpu.vector_load %arg7[%get3A_735, %get3A_736] {strides = array<i32>} : memref<80x128xf32, #tpu.memory_space<vmem>>, vector<1x16xf32>,
          %get3A_738 = vector.shape_cast %get3A_737 : vector<1x16xf32> to vector<16xf32>
          %mul3A_739 = arith.mulf %get3A_738, %broadcast_in_dim3A_670 : vector<16xf32>
          %swap3A_740 = arith.index_cast %add3A_674 : i32 to index
          %swap3A_741 = arith.constant 96 : index
          %swap3A_742 = tpu.vector_load %arg7[%swap3A_740, %swap3A_741] {strides = array<i32>} : memref<80x128xf32, #tpu.memory_space<vmem>>, vector<1x16xf32>,
          %swap3A_743 = vector.shape_cast %swap3A_742 : vector<1x16xf32> to vector<16xf32>
          %swap3A_744 = vector.shape_cast %mul3A_739 : vector<16xf32> to vector<1x16xf32>
          tpu.vector_store %arg7[%swap3A_740, %swap3A_741], %swap3A_744 {strides = array<i32>} : memref<80x128xf32, #tpu.memory_space<vmem>>, vector<1x16xf32>,
          %get3A_745 = arith.index_cast %add3A_674 : i32 to index
          %get3A_746 = arith.constant 112 : index
          %get3A_747 = tpu.vector_load %arg7[%get3A_745, %get3A_746] {strides = array<i32>} : memref<80x128xf32, #tpu.memory_space<vmem>>, vector<1x16xf32>,
          %get3A_748 = vector.shape_cast %get3A_747 : vector<1x16xf32> to vector<16xf32>
          %mul3A_749 = arith.mulf %get3A_748, %broadcast_in_dim3A_670 : vector<16xf32>
          %swap3A_750 = arith.index_cast %add3A_674 : i32 to index
          %swap3A_751 = arith.constant 112 : index
          %swap3A_752 = tpu.vector_load %arg7[%swap3A_750, %swap3A_751] {strides = array<i32>} : memref<80x128xf32, #tpu.memory_space<vmem>>, vector<1x16xf32>,
          %swap3A_753 = vector.shape_cast %swap3A_752 : vector<1x16xf32> to vector<16xf32>
          %swap3A_754 = vector.shape_cast %mul3A_749 : vector<16xf32> to vector<1x16xf32>
          tpu.vector_store %arg7[%swap3A_750, %swap3A_751], %swap3A_754 {strides = array<i32>} : memref<80x128xf32, #tpu.memory_space<vmem>>, vector<1x16xf32>,
          %slice3A_755 = vector.extract_strided_slice %bitcast_convert_type3A {offsets = [8], sizes = [1], strides = [1]} : vector<16xf32> to vector<1xf32>
          %squeeze3A_756 = vector.extract %slice3A_755[0] : f32 from vector<1xf32>
          %broadcast_in_dim3A_757 = vector.broadcast %squeeze3A_756 : f32 to vector<16xf32>
          %mul3A_758 = arith.constant 16 : i32
          %mul3A_759 = arith.muli %add3A_55, %mul3A_758 : i32
          %add3A_760 = arith.constant 8 : i32
          %add3A_761 = arith.addi %mul3A_759, %add3A_760 : i32
          %get3A_762 = arith.index_cast %add3A_761 : i32 to index
          %get3A_763 = arith.constant 0 : index
          %get3A_764 = tpu.vector_load %arg7[%get3A_762, %get3A_763] {strides = array<i32>} : memref<80x128xf32, #tpu.memory_space<vmem>>, vector<1x16xf32>,
          %get3A_765 = vector.shape_cast %get3A_764 : vector<1x16xf32> to vector<16xf32>
          %mul3A_766 = arith.mulf %get3A_765, %broadcast_in_dim3A_757 : vector<16xf32>
          %swap3A_767 = arith.index_cast %add3A_761 : i32 to index
          %swap3A_768 = arith.constant 0 : index
          %swap3A_769 = tpu.vector_load %arg7[%swap3A_767, %swap3A_768] {strides = array<i32>} : memref<80x128xf32, #tpu.memory_space<vmem>>, vector<1x16xf32>,
          %swap3A_770 = vector.shape_cast %swap3A_769 : vector<1x16xf32> to vector<16xf32>
          %swap3A_771 = vector.shape_cast %mul3A_766 : vector<16xf32> to vector<1x16xf32>
          tpu.vector_store %arg7[%swap3A_767, %swap3A_768], %swap3A_771 {strides = array<i32>} : memref<80x128xf32, #tpu.memory_space<vmem>>, vector<1x16xf32>,
          %get3A_772 = arith.index_cast %add3A_761 : i32 to index
          %get3A_773 = arith.constant 16 : index
          %get3A_774 = tpu.vector_load %arg7[%get3A_772, %get3A_773] {strides = array<i32>} : memref<80x128xf32, #tpu.memory_space<vmem>>, vector<1x16xf32>,
          %get3A_775 = vector.shape_cast %get3A_774 : vector<1x16xf32> to vector<16xf32>
          %mul3A_776 = arith.mulf %get3A_775, %broadcast_in_dim3A_757 : vector<16xf32>
          %swap3A_777 = arith.index_cast %add3A_761 : i32 to index
          %swap3A_778 = arith.constant 16 : index
          %swap3A_779 = tpu.vector_load %arg7[%swap3A_777, %swap3A_778] {strides = array<i32>} : memref<80x128xf32, #tpu.memory_space<vmem>>, vector<1x16xf32>,
          %swap3A_780 = vector.shape_cast %swap3A_779 : vector<1x16xf32> to vector<16xf32>
          %swap3A_781 = vector.shape_cast %mul3A_776 : vector<16xf32> to vector<1x16xf32>
          tpu.vector_store %arg7[%swap3A_777, %swap3A_778], %swap3A_781 {strides = array<i32>} : memref<80x128xf32, #tpu.memory_space<vmem>>, vector<1x16xf32>,
          %get3A_782 = arith.index_cast %add3A_761 : i32 to index
          %get3A_783 = arith.constant 32 : index
          %get3A_784 = tpu.vector_load %arg7[%get3A_782, %get3A_783] {strides = array<i32>} : memref<80x128xf32, #tpu.memory_space<vmem>>, vector<1x16xf32>,
          %get3A_785 = vector.shape_cast %get3A_784 : vector<1x16xf32> to vector<16xf32>
          %mul3A_786 = arith.mulf %get3A_785, %broadcast_in_dim3A_757 : vector<16xf32>
          %swap3A_787 = arith.index_cast %add3A_761 : i32 to index
          %swap3A_788 = arith.constant 32 : index
          %swap3A_789 = tpu.vector_load %arg7[%swap3A_787, %swap3A_788] {strides = array<i32>} : memref<80x128xf32, #tpu.memory_space<vmem>>, vector<1x16xf32>,
          %swap3A_790 = vector.shape_cast %swap3A_789 : vector<1x16xf32> to vector<16xf32>
          %swap3A_791 = vector.shape_cast %mul3A_786 : vector<16xf32> to vector<1x16xf32>
          tpu.vector_store %arg7[%swap3A_787, %swap3A_788], %swap3A_791 {strides = array<i32>} : memref<80x128xf32, #tpu.memory_space<vmem>>, vector<1x16xf32>,
          %get3A_792 = arith.index_cast %add3A_761 : i32 to index
          %get3A_793 = arith.constant 48 : index
          %get3A_794 = tpu.vector_load %arg7[%get3A_792, %get3A_793] {strides = array<i32>} : memref<80x128xf32, #tpu.memory_space<vmem>>, vector<1x16xf32>,
          %get3A_795 = vector.shape_cast %get3A_794 : vector<1x16xf32> to vector<16xf32>
          %mul3A_796 = arith.mulf %get3A_795, %broadcast_in_dim3A_757 : vector<16xf32>
          %swap3A_797 = arith.index_cast %add3A_761 : i32 to index
          %swap3A_798 = arith.constant 48 : index
          %swap3A_799 = tpu.vector_load %arg7[%swap3A_797, %swap3A_798] {strides = array<i32>} : memref<80x128xf32, #tpu.memory_space<vmem>>, vector<1x16xf32>,
          %swap3A_800 = vector.shape_cast %swap3A_799 : vector<1x16xf32> to vector<16xf32>
          %swap3A_801 = vector.shape_cast %mul3A_796 : vector<16xf32> to vector<1x16xf32>
          tpu.vector_store %arg7[%swap3A_797, %swap3A_798], %swap3A_801 {strides = array<i32>} : memref<80x128xf32, #tpu.memory_space<vmem>>, vector<1x16xf32>,
          %get3A_802 = arith.index_cast %add3A_761 : i32 to index
          %get3A_803 = arith.constant 64 : index
          %get3A_804 = tpu.vector_load %arg7[%get3A_802, %get3A_803] {strides = array<i32>} : memref<80x128xf32, #tpu.memory_space<vmem>>, vector<1x16xf32>,
          %get3A_805 = vector.shape_cast %get3A_804 : vector<1x16xf32> to vector<16xf32>
          %mul3A_806 = arith.mulf %get3A_805, %broadcast_in_dim3A_757 : vector<16xf32>
          %swap3A_807 = arith.index_cast %add3A_761 : i32 to index
          %swap3A_808 = arith.constant 64 : index
          %swap3A_809 = tpu.vector_load %arg7[%swap3A_807, %swap3A_808] {strides = array<i32>} : memref<80x128xf32, #tpu.memory_space<vmem>>, vector<1x16xf32>,
          %swap3A_810 = vector.shape_cast %swap3A_809 : vector<1x16xf32> to vector<16xf32>
          %swap3A_811 = vector.shape_cast %mul3A_806 : vector<16xf32> to vector<1x16xf32>
          tpu.vector_store %arg7[%swap3A_807, %swap3A_808], %swap3A_811 {strides = array<i32>} : memref<80x128xf32, #tpu.memory_space<vmem>>, vector<1x16xf32>,
          %get3A_812 = arith.index_cast %add3A_761 : i32 to index
          %get3A_813 = arith.constant 80 : index
          %get3A_814 = tpu.vector_load %arg7[%get3A_812, %get3A_813] {strides = array<i32>} : memref<80x128xf32, #tpu.memory_space<vmem>>, vector<1x16xf32>,
          %get3A_815 = vector.shape_cast %get3A_814 : vector<1x16xf32> to vector<16xf32>
          %mul3A_816 = arith.mulf %get3A_815, %broadcast_in_dim3A_757 : vector<16xf32>
          %swap3A_817 = arith.index_cast %add3A_761 : i32 to index
          %swap3A_818 = arith.constant 80 : index
          %swap3A_819 = tpu.vector_load %arg7[%swap3A_817, %swap3A_818] {strides = array<i32>} : memref<80x128xf32, #tpu.memory_space<vmem>>, vector<1x16xf32>,
          %swap3A_820 = vector.shape_cast %swap3A_819 : vector<1x16xf32> to vector<16xf32>
          %swap3A_821 = vector.shape_cast %mul3A_816 : vector<16xf32> to vector<1x16xf32>
          tpu.vector_store %arg7[%swap3A_817, %swap3A_818], %swap3A_821 {strides = array<i32>} : memref<80x128xf32, #tpu.memory_space<vmem>>, vector<1x16xf32>,
          %get3A_822 = arith.index_cast %add3A_761 : i32 to index
          %get3A_823 = arith.constant 96 : index
          %get3A_824 = tpu.vector_load %arg7[%get3A_822, %get3A_823] {strides = array<i32>} : memref<80x128xf32, #tpu.memory_space<vmem>>, vector<1x16xf32>,
          %get3A_825 = vector.shape_cast %get3A_824 : vector<1x16xf32> to vector<16xf32>
          %mul3A_826 = arith.mulf %get3A_825, %broadcast_in_dim3A_757 : vector<16xf32>
          %swap3A_827 = arith.index_cast %add3A_761 : i32 to index
          %swap3A_828 = arith.constant 96 : index
          %swap3A_829 = tpu.vector_load %arg7[%swap3A_827, %swap3A_828] {strides = array<i32>} : memref<80x128xf32, #tpu.memory_space<vmem>>, vector<1x16xf32>,
          %swap3A_830 = vector.shape_cast %swap3A_829 : vector<1x16xf32> to vector<16xf32>
          %swap3A_831 = vector.shape_cast %mul3A_826 : vector<16xf32> to vector<1x16xf32>
          tpu.vector_store %arg7[%swap3A_827, %swap3A_828], %swap3A_831 {strides = array<i32>} : memref<80x128xf32, #tpu.memory_space<vmem>>, vector<1x16xf32>,
          %get3A_832 = arith.index_cast %add3A_761 : i32 to index
          %get3A_833 = arith.constant 112 : index
          %get3A_834 = tpu.vector_load %arg7[%get3A_832, %get3A_833] {strides = array<i32>} : memref<80x128xf32, #tpu.memory_space<vmem>>, vector<1x16xf32>,
          %get3A_835 = vector.shape_cast %get3A_834 : vector<1x16xf32> to vector<16xf32>
          %mul3A_836 = arith.mulf %get3A_835, %broadcast_in_dim3A_757 : vector<16xf32>
          %swap3A_837 = arith.index_cast %add3A_761 : i32 to index
          %swap3A_838 = arith.constant 112 : index
          %swap3A_839 = tpu.vector_load %arg7[%swap3A_837, %swap3A_838] {strides = array<i32>} : memref<80x128xf32, #tpu.memory_space<vmem>>, vector<1x16xf32>,
          %swap3A_840 = vector.shape_cast %swap3A_839 : vector<1x16xf32> to vector<16xf32>
          %swap3A_841 = vector.shape_cast %mul3A_836 : vector<16xf32> to vector<1x16xf32>
          tpu.vector_store %arg7[%swap3A_837, %swap3A_838], %swap3A_841 {strides = array<i32>} : memref<80x128xf32, #tpu.memory_space<vmem>>, vector<1x16xf32>,
          %slice3A_842 = vector.extract_strided_slice %bitcast_convert_type3A {offsets = [9], sizes = [1], strides = [1]} : vector<16xf32> to vector<1xf32>
          %squeeze3A_843 = vector.extract %slice3A_842[0] : f32 from vector<1xf32>
          %broadcast_in_dim3A_844 = vector.broadcast %squeeze3A_843 : f32 to vector<16xf32>
          %mul3A_845 = arith.constant 16 : i32
          %mul3A_846 = arith.muli %add3A_55, %mul3A_845 : i32
          %add3A_847 = arith.constant 9 : i32
          %add3A_848 = arith.addi %mul3A_846, %add3A_847 : i32
          %get3A_849 = arith.index_cast %add3A_848 : i32 to index
          %get3A_850 = arith.constant 0 : index
          %get3A_851 = tpu.vector_load %arg7[%get3A_849, %get3A_850] {strides = array<i32>} : memref<80x128xf32, #tpu.memory_space<vmem>>, vector<1x16xf32>,
          %get3A_852 = vector.shape_cast %get3A_851 : vector<1x16xf32> to vector<16xf32>
          %mul3A_853 = arith.mulf %get3A_852, %broadcast_in_dim3A_844 : vector<16xf32>
          %swap3A_854 = arith.index_cast %add3A_848 : i32 to index
          %swap3A_855 = arith.constant 0 : index
          %swap3A_856 = tpu.vector_load %arg7[%swap3A_854, %swap3A_855] {strides = array<i32>} : memref<80x128xf32, #tpu.memory_space<vmem>>, vector<1x16xf32>,
          %swap3A_857 = vector.shape_cast %swap3A_856 : vector<1x16xf32> to vector<16xf32>
          %swap3A_858 = vector.shape_cast %mul3A_853 : vector<16xf32> to vector<1x16xf32>
          tpu.vector_store %arg7[%swap3A_854, %swap3A_855], %swap3A_858 {strides = array<i32>} : memref<80x128xf32, #tpu.memory_space<vmem>>, vector<1x16xf32>,
          %get3A_859 = arith.index_cast %add3A_848 : i32 to index
          %get3A_860 = arith.constant 16 : index
          %get3A_861 = tpu.vector_load %arg7[%get3A_859, %get3A_860] {strides = array<i32>} : memref<80x128xf32, #tpu.memory_space<vmem>>, vector<1x16xf32>,
          %get3A_862 = vector.shape_cast %get3A_861 : vector<1x16xf32> to vector<16xf32>
          %mul3A_863 = arith.mulf %get3A_862, %broadcast_in_dim3A_844 : vector<16xf32>
          %swap3A_864 = arith.index_cast %add3A_848 : i32 to index
          %swap3A_865 = arith.constant 16 : index
          %swap3A_866 = tpu.vector_load %arg7[%swap3A_864, %swap3A_865] {strides = array<i32>} : memref<80x128xf32, #tpu.memory_space<vmem>>, vector<1x16xf32>,
          %swap3A_867 = vector.shape_cast %swap3A_866 : vector<1x16xf32> to vector<16xf32>
          %swap3A_868 = vector.shape_cast %mul3A_863 : vector<16xf32> to vector<1x16xf32>
          tpu.vector_store %arg7[%swap3A_864, %swap3A_865], %swap3A_868 {strides = array<i32>} : memref<80x128xf32, #tpu.memory_space<vmem>>, vector<1x16xf32>,
          %get3A_869 = arith.index_cast %add3A_848 : i32 to index
          %get3A_870 = arith.constant 32 : index
          %get3A_871 = tpu.vector_load %arg7[%get3A_869, %get3A_870] {strides = array<i32>} : memref<80x128xf32, #tpu.memory_space<vmem>>, vector<1x16xf32>,
          %get3A_872 = vector.shape_cast %get3A_871 : vector<1x16xf32> to vector<16xf32>
          %mul3A_873 = arith.mulf %get3A_872, %broadcast_in_dim3A_844 : vector<16xf32>
          %swap3A_874 = arith.index_cast %add3A_848 : i32 to index
          %swap3A_875 = arith.constant 32 : index
          %swap3A_876 = tpu.vector_load %arg7[%swap3A_874, %swap3A_875] {strides = array<i32>} : memref<80x128xf32, #tpu.memory_space<vmem>>, vector<1x16xf32>,
          %swap3A_877 = vector.shape_cast %swap3A_876 : vector<1x16xf32> to vector<16xf32>
          %swap3A_878 = vector.shape_cast %mul3A_873 : vector<16xf32> to vector<1x16xf32>
          tpu.vector_store %arg7[%swap3A_874, %swap3A_875], %swap3A_878 {strides = array<i32>} : memref<80x128xf32, #tpu.memory_space<vmem>>, vector<1x16xf32>,
          %get3A_879 = arith.index_cast %add3A_848 : i32 to index
          %get3A_880 = arith.constant 48 : index
          %get3A_881 = tpu.vector_load %arg7[%get3A_879, %get3A_880] {strides = array<i32>} : memref<80x128xf32, #tpu.memory_space<vmem>>, vector<1x16xf32>,
          %get3A_882 = vector.shape_cast %get3A_881 : vector<1x16xf32> to vector<16xf32>
          %mul3A_883 = arith.mulf %get3A_882, %broadcast_in_dim3A_844 : vector<16xf32>
          %swap3A_884 = arith.index_cast %add3A_848 : i32 to index
          %swap3A_885 = arith.constant 48 : index
          %swap3A_886 = tpu.vector_load %arg7[%swap3A_884, %swap3A_885] {strides = array<i32>} : memref<80x128xf32, #tpu.memory_space<vmem>>, vector<1x16xf32>,
          %swap3A_887 = vector.shape_cast %swap3A_886 : vector<1x16xf32> to vector<16xf32>
          %swap3A_888 = vector.shape_cast %mul3A_883 : vector<16xf32> to vector<1x16xf32>
          tpu.vector_store %arg7[%swap3A_884, %swap3A_885], %swap3A_888 {strides = array<i32>} : memref<80x128xf32, #tpu.memory_space<vmem>>, vector<1x16xf32>,
          %get3A_889 = arith.index_cast %add3A_848 : i32 to index
          %get3A_890 = arith.constant 64 : index
          %get3A_891 = tpu.vector_load %arg7[%get3A_889, %get3A_890] {strides = array<i32>} : memref<80x128xf32, #tpu.memory_space<vmem>>, vector<1x16xf32>,
          %get3A_892 = vector.shape_cast %get3A_891 : vector<1x16xf32> to vector<16xf32>
          %mul3A_893 = arith.mulf %get3A_892, %broadcast_in_dim3A_844 : vector<16xf32>
          %swap3A_894 = arith.index_cast %add3A_848 : i32 to index
          %swap3A_895 = arith.constant 64 : index
          %swap3A_896 = tpu.vector_load %arg7[%swap3A_894, %swap3A_895] {strides = array<i32>} : memref<80x128xf32, #tpu.memory_space<vmem>>, vector<1x16xf32>,
          %swap3A_897 = vector.shape_cast %swap3A_896 : vector<1x16xf32> to vector<16xf32>
          %swap3A_898 = vector.shape_cast %mul3A_893 : vector<16xf32> to vector<1x16xf32>
          tpu.vector_store %arg7[%swap3A_894, %swap3A_895], %swap3A_898 {strides = array<i32>} : memref<80x128xf32, #tpu.memory_space<vmem>>, vector<1x16xf32>,
          %get3A_899 = arith.index_cast %add3A_848 : i32 to index
          %get3A_900 = arith.constant 80 : index
          %get3A_901 = tpu.vector_load %arg7[%get3A_899, %get3A_900] {strides = array<i32>} : memref<80x128xf32, #tpu.memory_space<vmem>>, vector<1x16xf32>,
          %get3A_902 = vector.shape_cast %get3A_901 : vector<1x16xf32> to vector<16xf32>
          %mul3A_903 = arith.mulf %get3A_902, %broadcast_in_dim3A_844 : vector<16xf32>
          %swap3A_904 = arith.index_cast %add3A_848 : i32 to index
          %swap3A_905 = arith.constant 80 : index
          %swap3A_906 = tpu.vector_load %arg7[%swap3A_904, %swap3A_905] {strides = array<i32>} : memref<80x128xf32, #tpu.memory_space<vmem>>, vector<1x16xf32>,
          %swap3A_907 = vector.shape_cast %swap3A_906 : vector<1x16xf32> to vector<16xf32>
          %swap3A_908 = vector.shape_cast %mul3A_903 : vector<16xf32> to vector<1x16xf32>
          tpu.vector_store %arg7[%swap3A_904, %swap3A_905], %swap3A_908 {strides = array<i32>} : memref<80x128xf32, #tpu.memory_space<vmem>>, vector<1x16xf32>,
          %get3A_909 = arith.index_cast %add3A_848 : i32 to index
          %get3A_910 = arith.constant 96 : index
          %get3A_911 = tpu.vector_load %arg7[%get3A_909, %get3A_910] {strides = array<i32>} : memref<80x128xf32, #tpu.memory_space<vmem>>, vector<1x16xf32>,
          %get3A_912 = vector.shape_cast %get3A_911 : vector<1x16xf32> to vector<16xf32>
          %mul3A_913 = arith.mulf %get3A_912, %broadcast_in_dim3A_844 : vector<16xf32>
          %swap3A_914 = arith.index_cast %add3A_848 : i32 to index
          %swap3A_915 = arith.constant 96 : index
          %swap3A_916 = tpu.vector_load %arg7[%swap3A_914, %swap3A_915] {strides = array<i32>} : memref<80x128xf32, #tpu.memory_space<vmem>>, vector<1x16xf32>,
          %swap3A_917 = vector.shape_cast %swap3A_916 : vector<1x16xf32> to vector<16xf32>
          %swap3A_918 = vector.shape_cast %mul3A_913 : vector<16xf32> to vector<1x16xf32>
          tpu.vector_store %arg7[%swap3A_914, %swap3A_915], %swap3A_918 {strides = array<i32>} : memref<80x128xf32, #tpu.memory_space<vmem>>, vector<1x16xf32>,
          %get3A_919 = arith.index_cast %add3A_848 : i32 to index
          %get3A_920 = arith.constant 112 : index
          %get3A_921 = tpu.vector_load %arg7[%get3A_919, %get3A_920] {strides = array<i32>} : memref<80x128xf32, #tpu.memory_space<vmem>>, vector<1x16xf32>,
          %get3A_922 = vector.shape_cast %get3A_921 : vector<1x16xf32> to vector<16xf32>
          %mul3A_923 = arith.mulf %get3A_922, %broadcast_in_dim3A_844 : vector<16xf32>
          %swap3A_924 = arith.index_cast %add3A_848 : i32 to index
          %swap3A_925 = arith.constant 112 : index
          %swap3A_926 = tpu.vector_load %arg7[%swap3A_924, %swap3A_925] {strides = array<i32>} : memref<80x128xf32, #tpu.memory_space<vmem>>, vector<1x16xf32>,
          %swap3A_927 = vector.shape_cast %swap3A_926 : vector<1x16xf32> to vector<16xf32>
          %swap3A_928 = vector.shape_cast %mul3A_923 : vector<16xf32> to vector<1x16xf32>
          tpu.vector_store %arg7[%swap3A_924, %swap3A_925], %swap3A_928 {strides = array<i32>} : memref<80x128xf32, #tpu.memory_space<vmem>>, vector<1x16xf32>,
          %slice3A_929 = vector.extract_strided_slice %bitcast_convert_type3A {offsets = [10], sizes = [1], strides = [1]} : vector<16xf32> to vector<1xf32>
          %squeeze3A_930 = vector.extract %slice3A_929[0] : f32 from vector<1xf32>
          %broadcast_in_dim3A_931 = vector.broadcast %squeeze3A_930 : f32 to vector<16xf32>
          %mul3A_932 = arith.constant 16 : i32
          %mul3A_933 = arith.muli %add3A_55, %mul3A_932 : i32
          %add3A_934 = arith.constant 10 : i32
          %add3A_935 = arith.addi %mul3A_933, %add3A_934 : i32
          %get3A_936 = arith.index_cast %add3A_935 : i32 to index
          %get3A_937 = arith.constant 0 : index
          %get3A_938 = tpu.vector_load %arg7[%get3A_936, %get3A_937] {strides = array<i32>} : memref<80x128xf32, #tpu.memory_space<vmem>>, vector<1x16xf32>,
          %get3A_939 = vector.shape_cast %get3A_938 : vector<1x16xf32> to vector<16xf32>
          %mul3A_940 = arith.mulf %get3A_939, %broadcast_in_dim3A_931 : vector<16xf32>
          %swap3A_941 = arith.index_cast %add3A_935 : i32 to index
          %swap3A_942 = arith.constant 0 : index
          %swap3A_943 = tpu.vector_load %arg7[%swap3A_941, %swap3A_942] {strides = array<i32>} : memref<80x128xf32, #tpu.memory_space<vmem>>, vector<1x16xf32>,
          %swap3A_944 = vector.shape_cast %swap3A_943 : vector<1x16xf32> to vector<16xf32>
          %swap3A_945 = vector.shape_cast %mul3A_940 : vector<16xf32> to vector<1x16xf32>
          tpu.vector_store %arg7[%swap3A_941, %swap3A_942], %swap3A_945 {strides = array<i32>} : memref<80x128xf32, #tpu.memory_space<vmem>>, vector<1x16xf32>,
          %get3A_946 = arith.index_cast %add3A_935 : i32 to index
          %get3A_947 = arith.constant 16 : index
          %get3A_948 = tpu.vector_load %arg7[%get3A_946, %get3A_947] {strides = array<i32>} : memref<80x128xf32, #tpu.memory_space<vmem>>, vector<1x16xf32>,
          %get3A_949 = vector.shape_cast %get3A_948 : vector<1x16xf32> to vector<16xf32>
          %mul3A_950 = arith.mulf %get3A_949, %broadcast_in_dim3A_931 : vector<16xf32>
          %swap3A_951 = arith.index_cast %add3A_935 : i32 to index
          %swap3A_952 = arith.constant 16 : index
          %swap3A_953 = tpu.vector_load %arg7[%swap3A_951, %swap3A_952] {strides = array<i32>} : memref<80x128xf32, #tpu.memory_space<vmem>>, vector<1x16xf32>,
          %swap3A_954 = vector.shape_cast %swap3A_953 : vector<1x16xf32> to vector<16xf32>
          %swap3A_955 = vector.shape_cast %mul3A_950 : vector<16xf32> to vector<1x16xf32>
          tpu.vector_store %arg7[%swap3A_951, %swap3A_952], %swap3A_955 {strides = array<i32>} : memref<80x128xf32, #tpu.memory_space<vmem>>, vector<1x16xf32>,
          %get3A_956 = arith.index_cast %add3A_935 : i32 to index
          %get3A_957 = arith.constant 32 : index
          %get3A_958 = tpu.vector_load %arg7[%get3A_956, %get3A_957] {strides = array<i32>} : memref<80x128xf32, #tpu.memory_space<vmem>>, vector<1x16xf32>,
          %get3A_959 = vector.shape_cast %get3A_958 : vector<1x16xf32> to vector<16xf32>
          %mul3A_960 = arith.mulf %get3A_959, %broadcast_in_dim3A_931 : vector<16xf32>
          %swap3A_961 = arith.index_cast %add3A_935 : i32 to index
          %swap3A_962 = arith.constant 32 : index
          %swap3A_963 = tpu.vector_load %arg7[%swap3A_961, %swap3A_962] {strides = array<i32>} : memref<80x128xf32, #tpu.memory_space<vmem>>, vector<1x16xf32>,
          %swap3A_964 = vector.shape_cast %swap3A_963 : vector<1x16xf32> to vector<16xf32>
          %swap3A_965 = vector.shape_cast %mul3A_960 : vector<16xf32> to vector<1x16xf32>
          tpu.vector_store %arg7[%swap3A_961, %swap3A_962], %swap3A_965 {strides = array<i32>} : memref<80x128xf32, #tpu.memory_space<vmem>>, vector<1x16xf32>,
          %get3A_966 = arith.index_cast %add3A_935 : i32 to index
          %get3A_967 = arith.constant 48 : index
          %get3A_968 = tpu.vector_load %arg7[%get3A_966, %get3A_967] {strides = array<i32>} : memref<80x128xf32, #tpu.memory_space<vmem>>, vector<1x16xf32>,
          %get3A_969 = vector.shape_cast %get3A_968 : vector<1x16xf32> to vector<16xf32>
          %mul3A_970 = arith.mulf %get3A_969, %broadcast_in_dim3A_931 : vector<16xf32>
          %swap3A_971 = arith.index_cast %add3A_935 : i32 to index
          %swap3A_972 = arith.constant 48 : index
          %swap3A_973 = tpu.vector_load %arg7[%swap3A_971, %swap3A_972] {strides = array<i32>} : memref<80x128xf32, #tpu.memory_space<vmem>>, vector<1x16xf32>,
          %swap3A_974 = vector.shape_cast %swap3A_973 : vector<1x16xf32> to vector<16xf32>
          %swap3A_975 = vector.shape_cast %mul3A_970 : vector<16xf32> to vector<1x16xf32>
          tpu.vector_store %arg7[%swap3A_971, %swap3A_972], %swap3A_975 {strides = array<i32>} : memref<80x128xf32, #tpu.memory_space<vmem>>, vector<1x16xf32>,
          %get3A_976 = arith.index_cast %add3A_935 : i32 to index
          %get3A_977 = arith.constant 64 : index
          %get3A_978 = tpu.vector_load %arg7[%get3A_976, %get3A_977] {strides = array<i32>} : memref<80x128xf32, #tpu.memory_space<vmem>>, vector<1x16xf32>,
          %get3A_979 = vector.shape_cast %get3A_978 : vector<1x16xf32> to vector<16xf32>
          %mul3A_980 = arith.mulf %get3A_979, %broadcast_in_dim3A_931 : vector<16xf32>
          %swap3A_981 = arith.index_cast %add3A_935 : i32 to index
          %swap3A_982 = arith.constant 64 : index
          %swap3A_983 = tpu.vector_load %arg7[%swap3A_981, %swap3A_982] {strides = array<i32>} : memref<80x128xf32, #tpu.memory_space<vmem>>, vector<1x16xf32>,
          %swap3A_984 = vector.shape_cast %swap3A_983 : vector<1x16xf32> to vector<16xf32>
          %swap3A_985 = vector.shape_cast %mul3A_980 : vector<16xf32> to vector<1x16xf32>
          tpu.vector_store %arg7[%swap3A_981, %swap3A_982], %swap3A_985 {strides = array<i32>} : memref<80x128xf32, #tpu.memory_space<vmem>>, vector<1x16xf32>,
          %get3A_986 = arith.index_cast %add3A_935 : i32 to index
          %get3A_987 = arith.constant 80 : index
          %get3A_988 = tpu.vector_load %arg7[%get3A_986, %get3A_987] {strides = array<i32>} : memref<80x128xf32, #tpu.memory_space<vmem>>, vector<1x16xf32>,
          %get3A_989 = vector.shape_cast %get3A_988 : vector<1x16xf32> to vector<16xf32>
          %mul3A_990 = arith.mulf %get3A_989, %broadcast_in_dim3A_931 : vector<16xf32>
          %swap3A_991 = arith.index_cast %add3A_935 : i32 to index
          %swap3A_992 = arith.constant 80 : index
          %swap3A_993 = tpu.vector_load %arg7[%swap3A_991, %swap3A_992] {strides = array<i32>} : memref<80x128xf32, #tpu.memory_space<vmem>>, vector<1x16xf32>,
          %swap3A_994 = vector.shape_cast %swap3A_993 : vector<1x16xf32> to vector<16xf32>
          %swap3A_995 = vector.shape_cast %mul3A_990 : vector<16xf32> to vector<1x16xf32>
          tpu.vector_store %arg7[%swap3A_991, %swap3A_992], %swap3A_995 {strides = array<i32>} : memref<80x128xf32, #tpu.memory_space<vmem>>, vector<1x16xf32>,
          %get3A_996 = arith.index_cast %add3A_935 : i32 to index
          %get3A_997 = arith.constant 96 : index
          %get3A_998 = tpu.vector_load %arg7[%get3A_996, %get3A_997] {strides = array<i32>} : memref<80x128xf32, #tpu.memory_space<vmem>>, vector<1x16xf32>,
          %get3A_999 = vector.shape_cast %get3A_998 : vector<1x16xf32> to vector<16xf32>
          %mul3A_1000 = arith.mulf %get3A_999, %broadcast_in_dim3A_931 : vector<16xf32>
          %swap3A_1001 = arith.index_cast %add3A_935 : i32 to index
          %swap3A_1002 = arith.constant 96 : index
          %swap3A_1003 = tpu.vector_load %arg7[%swap3A_1001, %swap3A_1002] {strides = array<i32>} : memref<80x128xf32, #tpu.memory_space<vmem>>, vector<1x16xf32>,
          %swap3A_1004 = vector.shape_cast %swap3A_1003 : vector<1x16xf32> to vector<16xf32>
          %swap3A_1005 = vector.shape_cast %mul3A_1000 : vector<16xf32> to vector<1x16xf32>
          tpu.vector_store %arg7[%swap3A_1001, %swap3A_1002], %swap3A_1005 {strides = array<i32>} : memref<80x128xf32, #tpu.memory_space<vmem>>, vector<1x16xf32>,
          %get3A_1006 = arith.index_cast %add3A_935 : i32 to index
          %get3A_1007 = arith.constant 112 : index
          %get3A_1008 = tpu.vector_load %arg7[%get3A_1006, %get3A_1007] {strides = array<i32>} : memref<80x128xf32, #tpu.memory_space<vmem>>, vector<1x16xf32>,
          %get3A_1009 = vector.shape_cast %get3A_1008 : vector<1x16xf32> to vector<16xf32>
          %mul3A_1010 = arith.mulf %get3A_1009, %broadcast_in_dim3A_931 : vector<16xf32>
          %swap3A_1011 = arith.index_cast %add3A_935 : i32 to index
          %swap3A_1012 = arith.constant 112 : index
          %swap3A_1013 = tpu.vector_load %arg7[%swap3A_1011, %swap3A_1012] {strides = array<i32>} : memref<80x128xf32, #tpu.memory_space<vmem>>, vector<1x16xf32>,
          %swap3A_1014 = vector.shape_cast %swap3A_1013 : vector<1x16xf32> to vector<16xf32>
          %swap3A_1015 = vector.shape_cast %mul3A_1010 : vector<16xf32> to vector<1x16xf32>
          tpu.vector_store %arg7[%swap3A_1011, %swap3A_1012], %swap3A_1015 {strides = array<i32>} : memref<80x128xf32, #tpu.memory_space<vmem>>, vector<1x16xf32>,
          %slice3A_1016 = vector.extract_strided_slice %bitcast_convert_type3A {offsets = [11], sizes = [1], strides = [1]} : vector<16xf32> to vector<1xf32>
          %squeeze3A_1017 = vector.extract %slice3A_1016[0] : f32 from vector<1xf32>
          %broadcast_in_dim3A_1018 = vector.broadcast %squeeze3A_1017 : f32 to vector<16xf32>
          %mul3A_1019 = arith.constant 16 : i32
          %mul3A_1020 = arith.muli %add3A_55, %mul3A_1019 : i32
          %add3A_1021 = arith.constant 11 : i32
          %add3A_1022 = arith.addi %mul3A_1020, %add3A_1021 : i32
          %get3A_1023 = arith.index_cast %add3A_1022 : i32 to index
          %get3A_1024 = arith.constant 0 : index
          %get3A_1025 = tpu.vector_load %arg7[%get3A_1023, %get3A_1024] {strides = array<i32>} : memref<80x128xf32, #tpu.memory_space<vmem>>, vector<1x16xf32>,
          %get3A_1026 = vector.shape_cast %get3A_1025 : vector<1x16xf32> to vector<16xf32>
          %mul3A_1027 = arith.mulf %get3A_1026, %broadcast_in_dim3A_1018 : vector<16xf32>
          %swap3A_1028 = arith.index_cast %add3A_1022 : i32 to index
          %swap3A_1029 = arith.constant 0 : index
          %swap3A_1030 = tpu.vector_load %arg7[%swap3A_1028, %swap3A_1029] {strides = array<i32>} : memref<80x128xf32, #tpu.memory_space<vmem>>, vector<1x16xf32>,
          %swap3A_1031 = vector.shape_cast %swap3A_1030 : vector<1x16xf32> to vector<16xf32>
          %swap3A_1032 = vector.shape_cast %mul3A_1027 : vector<16xf32> to vector<1x16xf32>
          tpu.vector_store %arg7[%swap3A_1028, %swap3A_1029], %swap3A_1032 {strides = array<i32>} : memref<80x128xf32, #tpu.memory_space<vmem>>, vector<1x16xf32>,
          %get3A_1033 = arith.index_cast %add3A_1022 : i32 to index
          %get3A_1034 = arith.constant 16 : index
          %get3A_1035 = tpu.vector_load %arg7[%get3A_1033, %get3A_1034] {strides = array<i32>} : memref<80x128xf32, #tpu.memory_space<vmem>>, vector<1x16xf32>,
          %get3A_1036 = vector.shape_cast %get3A_1035 : vector<1x16xf32> to vector<16xf32>
          %mul3A_1037 = arith.mulf %get3A_1036, %broadcast_in_dim3A_1018 : vector<16xf32>
          %swap3A_1038 = arith.index_cast %add3A_1022 : i32 to index
          %swap3A_1039 = arith.constant 16 : index
          %swap3A_1040 = tpu.vector_load %arg7[%swap3A_1038, %swap3A_1039] {strides = array<i32>} : memref<80x128xf32, #tpu.memory_space<vmem>>, vector<1x16xf32>,
          %swap3A_1041 = vector.shape_cast %swap3A_1040 : vector<1x16xf32> to vector<16xf32>
          %swap3A_1042 = vector.shape_cast %mul3A_1037 : vector<16xf32> to vector<1x16xf32>
          tpu.vector_store %arg7[%swap3A_1038, %swap3A_1039], %swap3A_1042 {strides = array<i32>} : memref<80x128xf32, #tpu.memory_space<vmem>>, vector<1x16xf32>,
          %get3A_1043 = arith.index_cast %add3A_1022 : i32 to index
          %get3A_1044 = arith.constant 32 : index
          %get3A_1045 = tpu.vector_load %arg7[%get3A_1043, %get3A_1044] {strides = array<i32>} : memref<80x128xf32, #tpu.memory_space<vmem>>, vector<1x16xf32>,
          %get3A_1046 = vector.shape_cast %get3A_1045 : vector<1x16xf32> to vector<16xf32>
          %mul3A_1047 = arith.mulf %get3A_1046, %broadcast_in_dim3A_1018 : vector<16xf32>
          %swap3A_1048 = arith.index_cast %add3A_1022 : i32 to index
          %swap3A_1049 = arith.constant 32 : index
          %swap3A_1050 = tpu.vector_load %arg7[%swap3A_1048, %swap3A_1049] {strides = array<i32>} : memref<80x128xf32, #tpu.memory_space<vmem>>, vector<1x16xf32>,
          %swap3A_1051 = vector.shape_cast %swap3A_1050 : vector<1x16xf32> to vector<16xf32>
          %swap3A_1052 = vector.shape_cast %mul3A_1047 : vector<16xf32> to vector<1x16xf32>
          tpu.vector_store %arg7[%swap3A_1048, %swap3A_1049], %swap3A_1052 {strides = array<i32>} : memref<80x128xf32, #tpu.memory_space<vmem>>, vector<1x16xf32>,
          %get3A_1053 = arith.index_cast %add3A_1022 : i32 to index
          %get3A_1054 = arith.constant 48 : index
          %get3A_1055 = tpu.vector_load %arg7[%get3A_1053, %get3A_1054] {strides = array<i32>} : memref<80x128xf32, #tpu.memory_space<vmem>>, vector<1x16xf32>,
          %get3A_1056 = vector.shape_cast %get3A_1055 : vector<1x16xf32> to vector<16xf32>
          %mul3A_1057 = arith.mulf %get3A_1056, %broadcast_in_dim3A_1018 : vector<16xf32>
          %swap3A_1058 = arith.index_cast %add3A_1022 : i32 to index
          %swap3A_1059 = arith.constant 48 : index
          %swap3A_1060 = tpu.vector_load %arg7[%swap3A_1058, %swap3A_1059] {strides = array<i32>} : memref<80x128xf32, #tpu.memory_space<vmem>>, vector<1x16xf32>,
          %swap3A_1061 = vector.shape_cast %swap3A_1060 : vector<1x16xf32> to vector<16xf32>
          %swap3A_1062 = vector.shape_cast %mul3A_1057 : vector<16xf32> to vector<1x16xf32>
          tpu.vector_store %arg7[%swap3A_1058, %swap3A_1059], %swap3A_1062 {strides = array<i32>} : memref<80x128xf32, #tpu.memory_space<vmem>>, vector<1x16xf32>,
          %get3A_1063 = arith.index_cast %add3A_1022 : i32 to index
          %get3A_1064 = arith.constant 64 : index
          %get3A_1065 = tpu.vector_load %arg7[%get3A_1063, %get3A_1064] {strides = array<i32>} : memref<80x128xf32, #tpu.memory_space<vmem>>, vector<1x16xf32>,
          %get3A_1066 = vector.shape_cast %get3A_1065 : vector<1x16xf32> to vector<16xf32>
          %mul3A_1067 = arith.mulf %get3A_1066, %broadcast_in_dim3A_1018 : vector<16xf32>
          %swap3A_1068 = arith.index_cast %add3A_1022 : i32 to index
          %swap3A_1069 = arith.constant 64 : index
          %swap3A_1070 = tpu.vector_load %arg7[%swap3A_1068, %swap3A_1069] {strides = array<i32>} : memref<80x128xf32, #tpu.memory_space<vmem>>, vector<1x16xf32>,
          %swap3A_1071 = vector.shape_cast %swap3A_1070 : vector<1x16xf32> to vector<16xf32>
          %swap3A_1072 = vector.shape_cast %mul3A_1067 : vector<16xf32> to vector<1x16xf32>
          tpu.vector_store %arg7[%swap3A_1068, %swap3A_1069], %swap3A_1072 {strides = array<i32>} : memref<80x128xf32, #tpu.memory_space<vmem>>, vector<1x16xf32>,
          %get3A_1073 = arith.index_cast %add3A_1022 : i32 to index
          %get3A_1074 = arith.constant 80 : index
          %get3A_1075 = tpu.vector_load %arg7[%get3A_1073, %get3A_1074] {strides = array<i32>} : memref<80x128xf32, #tpu.memory_space<vmem>>, vector<1x16xf32>,
          %get3A_1076 = vector.shape_cast %get3A_1075 : vector<1x16xf32> to vector<16xf32>
          %mul3A_1077 = arith.mulf %get3A_1076, %broadcast_in_dim3A_1018 : vector<16xf32>
          %swap3A_1078 = arith.index_cast %add3A_1022 : i32 to index
          %swap3A_1079 = arith.constant 80 : index
          %swap3A_1080 = tpu.vector_load %arg7[%swap3A_1078, %swap3A_1079] {strides = array<i32>} : memref<80x128xf32, #tpu.memory_space<vmem>>, vector<1x16xf32>,
          %swap3A_1081 = vector.shape_cast %swap3A_1080 : vector<1x16xf32> to vector<16xf32>
          %swap3A_1082 = vector.shape_cast %mul3A_1077 : vector<16xf32> to vector<1x16xf32>
          tpu.vector_store %arg7[%swap3A_1078, %swap3A_1079], %swap3A_1082 {strides = array<i32>} : memref<80x128xf32, #tpu.memory_space<vmem>>, vector<1x16xf32>,
          %get3A_1083 = arith.index_cast %add3A_1022 : i32 to index
          %get3A_1084 = arith.constant 96 : index
          %get3A_1085 = tpu.vector_load %arg7[%get3A_1083, %get3A_1084] {strides = array<i32>} : memref<80x128xf32, #tpu.memory_space<vmem>>, vector<1x16xf32>,
          %get3A_1086 = vector.shape_cast %get3A_1085 : vector<1x16xf32> to vector<16xf32>
          %mul3A_1087 = arith.mulf %get3A_1086, %broadcast_in_dim3A_1018 : vector<16xf32>
          %swap3A_1088 = arith.index_cast %add3A_1022 : i32 to index
          %swap3A_1089 = arith.constant 96 : index
          %swap3A_1090 = tpu.vector_load %arg7[%swap3A_1088, %swap3A_1089] {strides = array<i32>} : memref<80x128xf32, #tpu.memory_space<vmem>>, vector<1x16xf32>,
          %swap3A_1091 = vector.shape_cast %swap3A_1090 : vector<1x16xf32> to vector<16xf32>
          %swap3A_1092 = vector.shape_cast %mul3A_1087 : vector<16xf32> to vector<1x16xf32>
          tpu.vector_store %arg7[%swap3A_1088, %swap3A_1089], %swap3A_1092 {strides = array<i32>} : memref<80x128xf32, #tpu.memory_space<vmem>>, vector<1x16xf32>,
          %get3A_1093 = arith.index_cast %add3A_1022 : i32 to index
          %get3A_1094 = arith.constant 112 : index
          %get3A_1095 = tpu.vector_load %arg7[%get3A_1093, %get3A_1094] {strides = array<i32>} : memref<80x128xf32, #tpu.memory_space<vmem>>, vector<1x16xf32>,
          %get3A_1096 = vector.shape_cast %get3A_1095 : vector<1x16xf32> to vector<16xf32>
          %mul3A_1097 = arith.mulf %get3A_1096, %broadcast_in_dim3A_1018 : vector<16xf32>
          %swap3A_1098 = arith.index_cast %add3A_1022 : i32 to index
          %swap3A_1099 = arith.constant 112 : index
          %swap3A_1100 = tpu.vector_load %arg7[%swap3A_1098, %swap3A_1099] {strides = array<i32>} : memref<80x128xf32, #tpu.memory_space<vmem>>, vector<1x16xf32>,
          %swap3A_1101 = vector.shape_cast %swap3A_1100 : vector<1x16xf32> to vector<16xf32>
          %swap3A_1102 = vector.shape_cast %mul3A_1097 : vector<16xf32> to vector<1x16xf32>
          tpu.vector_store %arg7[%swap3A_1098, %swap3A_1099], %swap3A_1102 {strides = array<i32>} : memref<80x128xf32, #tpu.memory_space<vmem>>, vector<1x16xf32>,
          %slice3A_1103 = vector.extract_strided_slice %bitcast_convert_type3A {offsets = [12], sizes = [1], strides = [1]} : vector<16xf32> to vector<1xf32>
          %squeeze3A_1104 = vector.extract %slice3A_1103[0] : f32 from vector<1xf32>
          %broadcast_in_dim3A_1105 = vector.broadcast %squeeze3A_1104 : f32 to vector<16xf32>
          %mul3A_1106 = arith.constant 16 : i32
          %mul3A_1107 = arith.muli %add3A_55, %mul3A_1106 : i32
          %add3A_1108 = arith.constant 12 : i32
          %add3A_1109 = arith.addi %mul3A_1107, %add3A_1108 : i32
          %get3A_1110 = arith.index_cast %add3A_1109 : i32 to index
          %get3A_1111 = arith.constant 0 : index
          %get3A_1112 = tpu.vector_load %arg7[%get3A_1110, %get3A_1111] {strides = array<i32>} : memref<80x128xf32, #tpu.memory_space<vmem>>, vector<1x16xf32>,
          %get3A_1113 = vector.shape_cast %get3A_1112 : vector<1x16xf32> to vector<16xf32>
          %mul3A_1114 = arith.mulf %get3A_1113, %broadcast_in_dim3A_1105 : vector<16xf32>
          %swap3A_1115 = arith.index_cast %add3A_1109 : i32 to index
          %swap3A_1116 = arith.constant 0 : index
          %swap3A_1117 = tpu.vector_load %arg7[%swap3A_1115, %swap3A_1116] {strides = array<i32>} : memref<80x128xf32, #tpu.memory_space<vmem>>, vector<1x16xf32>,
          %swap3A_1118 = vector.shape_cast %swap3A_1117 : vector<1x16xf32> to vector<16xf32>
          %swap3A_1119 = vector.shape_cast %mul3A_1114 : vector<16xf32> to vector<1x16xf32>
          tpu.vector_store %arg7[%swap3A_1115, %swap3A_1116], %swap3A_1119 {strides = array<i32>} : memref<80x128xf32, #tpu.memory_space<vmem>>, vector<1x16xf32>,
          %get3A_1120 = arith.index_cast %add3A_1109 : i32 to index
          %get3A_1121 = arith.constant 16 : index
          %get3A_1122 = tpu.vector_load %arg7[%get3A_1120, %get3A_1121] {strides = array<i32>} : memref<80x128xf32, #tpu.memory_space<vmem>>, vector<1x16xf32>,
          %get3A_1123 = vector.shape_cast %get3A_1122 : vector<1x16xf32> to vector<16xf32>
          %mul3A_1124 = arith.mulf %get3A_1123, %broadcast_in_dim3A_1105 : vector<16xf32>
          %swap3A_1125 = arith.index_cast %add3A_1109 : i32 to index
          %swap3A_1126 = arith.constant 16 : index
          %swap3A_1127 = tpu.vector_load %arg7[%swap3A_1125, %swap3A_1126] {strides = array<i32>} : memref<80x128xf32, #tpu.memory_space<vmem>>, vector<1x16xf32>,
          %swap3A_1128 = vector.shape_cast %swap3A_1127 : vector<1x16xf32> to vector<16xf32>
          %swap3A_1129 = vector.shape_cast %mul3A_1124 : vector<16xf32> to vector<1x16xf32>
          tpu.vector_store %arg7[%swap3A_1125, %swap3A_1126], %swap3A_1129 {strides = array<i32>} : memref<80x128xf32, #tpu.memory_space<vmem>>, vector<1x16xf32>,
          %get3A_1130 = arith.index_cast %add3A_1109 : i32 to index
          %get3A_1131 = arith.constant 32 : index
          %get3A_1132 = tpu.vector_load %arg7[%get3A_1130, %get3A_1131] {strides = array<i32>} : memref<80x128xf32, #tpu.memory_space<vmem>>, vector<1x16xf32>,
          %get3A_1133 = vector.shape_cast %get3A_1132 : vector<1x16xf32> to vector<16xf32>
          %mul3A_1134 = arith.mulf %get3A_1133, %broadcast_in_dim3A_1105 : vector<16xf32>
          %swap3A_1135 = arith.index_cast %add3A_1109 : i32 to index
          %swap3A_1136 = arith.constant 32 : index
          %swap3A_1137 = tpu.vector_load %arg7[%swap3A_1135, %swap3A_1136] {strides = array<i32>} : memref<80x128xf32, #tpu.memory_space<vmem>>, vector<1x16xf32>,
          %swap3A_1138 = vector.shape_cast %swap3A_1137 : vector<1x16xf32> to vector<16xf32>
          %swap3A_1139 = vector.shape_cast %mul3A_1134 : vector<16xf32> to vector<1x16xf32>
          tpu.vector_store %arg7[%swap3A_1135, %swap3A_1136], %swap3A_1139 {strides = array<i32>} : memref<80x128xf32, #tpu.memory_space<vmem>>, vector<1x16xf32>,
          %get3A_1140 = arith.index_cast %add3A_1109 : i32 to index
          %get3A_1141 = arith.constant 48 : index
          %get3A_1142 = tpu.vector_load %arg7[%get3A_1140, %get3A_1141] {strides = array<i32>} : memref<80x128xf32, #tpu.memory_space<vmem>>, vector<1x16xf32>,
          %get3A_1143 = vector.shape_cast %get3A_1142 : vector<1x16xf32> to vector<16xf32>
          %mul3A_1144 = arith.mulf %get3A_1143, %broadcast_in_dim3A_1105 : vector<16xf32>
          %swap3A_1145 = arith.index_cast %add3A_1109 : i32 to index
          %swap3A_1146 = arith.constant 48 : index
          %swap3A_1147 = tpu.vector_load %arg7[%swap3A_1145, %swap3A_1146] {strides = array<i32>} : memref<80x128xf32, #tpu.memory_space<vmem>>, vector<1x16xf32>,
          %swap3A_1148 = vector.shape_cast %swap3A_1147 : vector<1x16xf32> to vector<16xf32>
          %swap3A_1149 = vector.shape_cast %mul3A_1144 : vector<16xf32> to vector<1x16xf32>
          tpu.vector_store %arg7[%swap3A_1145, %swap3A_1146], %swap3A_1149 {strides = array<i32>} : memref<80x128xf32, #tpu.memory_space<vmem>>, vector<1x16xf32>,
          %get3A_1150 = arith.index_cast %add3A_1109 : i32 to index
          %get3A_1151 = arith.constant 64 : index
          %get3A_1152 = tpu.vector_load %arg7[%get3A_1150, %get3A_1151] {strides = array<i32>} : memref<80x128xf32, #tpu.memory_space<vmem>>, vector<1x16xf32>,
          %get3A_1153 = vector.shape_cast %get3A_1152 : vector<1x16xf32> to vector<16xf32>
          %mul3A_1154 = arith.mulf %get3A_1153, %broadcast_in_dim3A_1105 : vector<16xf32>
          %swap3A_1155 = arith.index_cast %add3A_1109 : i32 to index
          %swap3A_1156 = arith.constant 64 : index
          %swap3A_1157 = tpu.vector_load %arg7[%swap3A_1155, %swap3A_1156] {strides = array<i32>} : memref<80x128xf32, #tpu.memory_space<vmem>>, vector<1x16xf32>,
          %swap3A_1158 = vector.shape_cast %swap3A_1157 : vector<1x16xf32> to vector<16xf32>
          %swap3A_1159 = vector.shape_cast %mul3A_1154 : vector<16xf32> to vector<1x16xf32>
          tpu.vector_store %arg7[%swap3A_1155, %swap3A_1156], %swap3A_1159 {strides = array<i32>} : memref<80x128xf32, #tpu.memory_space<vmem>>, vector<1x16xf32>,
          %get3A_1160 = arith.index_cast %add3A_1109 : i32 to index
          %get3A_1161 = arith.constant 80 : index
          %get3A_1162 = tpu.vector_load %arg7[%get3A_1160, %get3A_1161] {strides = array<i32>} : memref<80x128xf32, #tpu.memory_space<vmem>>, vector<1x16xf32>,
          %get3A_1163 = vector.shape_cast %get3A_1162 : vector<1x16xf32> to vector<16xf32>
          %mul3A_1164 = arith.mulf %get3A_1163, %broadcast_in_dim3A_1105 : vector<16xf32>
          %swap3A_1165 = arith.index_cast %add3A_1109 : i32 to index
          %swap3A_1166 = arith.constant 80 : index
          %swap3A_1167 = tpu.vector_load %arg7[%swap3A_1165, %swap3A_1166] {strides = array<i32>} : memref<80x128xf32, #tpu.memory_space<vmem>>, vector<1x16xf32>,
          %swap3A_1168 = vector.shape_cast %swap3A_1167 : vector<1x16xf32> to vector<16xf32>
          %swap3A_1169 = vector.shape_cast %mul3A_1164 : vector<16xf32> to vector<1x16xf32>
          tpu.vector_store %arg7[%swap3A_1165, %swap3A_1166], %swap3A_1169 {strides = array<i32>} : memref<80x128xf32, #tpu.memory_space<vmem>>, vector<1x16xf32>,
          %get3A_1170 = arith.index_cast %add3A_1109 : i32 to index
          %get3A_1171 = arith.constant 96 : index
          %get3A_1172 = tpu.vector_load %arg7[%get3A_1170, %get3A_1171] {strides = array<i32>} : memref<80x128xf32, #tpu.memory_space<vmem>>, vector<1x16xf32>,
          %get3A_1173 = vector.shape_cast %get3A_1172 : vector<1x16xf32> to vector<16xf32>
          %mul3A_1174 = arith.mulf %get3A_1173, %broadcast_in_dim3A_1105 : vector<16xf32>
          %swap3A_1175 = arith.index_cast %add3A_1109 : i32 to index
          %swap3A_1176 = arith.constant 96 : index
          %swap3A_1177 = tpu.vector_load %arg7[%swap3A_1175, %swap3A_1176] {strides = array<i32>} : memref<80x128xf32, #tpu.memory_space<vmem>>, vector<1x16xf32>,
          %swap3A_1178 = vector.shape_cast %swap3A_1177 : vector<1x16xf32> to vector<16xf32>
          %swap3A_1179 = vector.shape_cast %mul3A_1174 : vector<16xf32> to vector<1x16xf32>
          tpu.vector_store %arg7[%swap3A_1175, %swap3A_1176], %swap3A_1179 {strides = array<i32>} : memref<80x128xf32, #tpu.memory_space<vmem>>, vector<1x16xf32>,
          %get3A_1180 = arith.index_cast %add3A_1109 : i32 to index
          %get3A_1181 = arith.constant 112 : index
          %get3A_1182 = tpu.vector_load %arg7[%get3A_1180, %get3A_1181] {strides = array<i32>} : memref<80x128xf32, #tpu.memory_space<vmem>>, vector<1x16xf32>,
          %get3A_1183 = vector.shape_cast %get3A_1182 : vector<1x16xf32> to vector<16xf32>
          %mul3A_1184 = arith.mulf %get3A_1183, %broadcast_in_dim3A_1105 : vector<16xf32>
          %swap3A_1185 = arith.index_cast %add3A_1109 : i32 to index
          %swap3A_1186 = arith.constant 112 : index
          %swap3A_1187 = tpu.vector_load %arg7[%swap3A_1185, %swap3A_1186] {strides = array<i32>} : memref<80x128xf32, #tpu.memory_space<vmem>>, vector<1x16xf32>,
          %swap3A_1188 = vector.shape_cast %swap3A_1187 : vector<1x16xf32> to vector<16xf32>
          %swap3A_1189 = vector.shape_cast %mul3A_1184 : vector<16xf32> to vector<1x16xf32>
          tpu.vector_store %arg7[%swap3A_1185, %swap3A_1186], %swap3A_1189 {strides = array<i32>} : memref<80x128xf32, #tpu.memory_space<vmem>>, vector<1x16xf32>,
          %slice3A_1190 = vector.extract_strided_slice %bitcast_convert_type3A {offsets = [13], sizes = [1], strides = [1]} : vector<16xf32> to vector<1xf32>
          %squeeze3A_1191 = vector.extract %slice3A_1190[0] : f32 from vector<1xf32>
          %broadcast_in_dim3A_1192 = vector.broadcast %squeeze3A_1191 : f32 to vector<16xf32>
          %mul3A_1193 = arith.constant 16 : i32
          %mul3A_1194 = arith.muli %add3A_55, %mul3A_1193 : i32
          %add3A_1195 = arith.constant 13 : i32
          %add3A_1196 = arith.addi %mul3A_1194, %add3A_1195 : i32
          %get3A_1197 = arith.index_cast %add3A_1196 : i32 to index
          %get3A_1198 = arith.constant 0 : index
          %get3A_1199 = tpu.vector_load %arg7[%get3A_1197, %get3A_1198] {strides = array<i32>} : memref<80x128xf32, #tpu.memory_space<vmem>>, vector<1x16xf32>,
          %get3A_1200 = vector.shape_cast %get3A_1199 : vector<1x16xf32> to vector<16xf32>
          %mul3A_1201 = arith.mulf %get3A_1200, %broadcast_in_dim3A_1192 : vector<16xf32>
          %swap3A_1202 = arith.index_cast %add3A_1196 : i32 to index
          %swap3A_1203 = arith.constant 0 : index
          %swap3A_1204 = tpu.vector_load %arg7[%swap3A_1202, %swap3A_1203] {strides = array<i32>} : memref<80x128xf32, #tpu.memory_space<vmem>>, vector<1x16xf32>,
          %swap3A_1205 = vector.shape_cast %swap3A_1204 : vector<1x16xf32> to vector<16xf32>
          %swap3A_1206 = vector.shape_cast %mul3A_1201 : vector<16xf32> to vector<1x16xf32>
          tpu.vector_store %arg7[%swap3A_1202, %swap3A_1203], %swap3A_1206 {strides = array<i32>} : memref<80x128xf32, #tpu.memory_space<vmem>>, vector<1x16xf32>,
          %get3A_1207 = arith.index_cast %add3A_1196 : i32 to index
          %get3A_1208 = arith.constant 16 : index
          %get3A_1209 = tpu.vector_load %arg7[%get3A_1207, %get3A_1208] {strides = array<i32>} : memref<80x128xf32, #tpu.memory_space<vmem>>, vector<1x16xf32>,
          %get3A_1210 = vector.shape_cast %get3A_1209 : vector<1x16xf32> to vector<16xf32>
          %mul3A_1211 = arith.mulf %get3A_1210, %broadcast_in_dim3A_1192 : vector<16xf32>
          %swap3A_1212 = arith.index_cast %add3A_1196 : i32 to index
          %swap3A_1213 = arith.constant 16 : index
          %swap3A_1214 = tpu.vector_load %arg7[%swap3A_1212, %swap3A_1213] {strides = array<i32>} : memref<80x128xf32, #tpu.memory_space<vmem>>, vector<1x16xf32>,
          %swap3A_1215 = vector.shape_cast %swap3A_1214 : vector<1x16xf32> to vector<16xf32>
          %swap3A_1216 = vector.shape_cast %mul3A_1211 : vector<16xf32> to vector<1x16xf32>
          tpu.vector_store %arg7[%swap3A_1212, %swap3A_1213], %swap3A_1216 {strides = array<i32>} : memref<80x128xf32, #tpu.memory_space<vmem>>, vector<1x16xf32>,
          %get3A_1217 = arith.index_cast %add3A_1196 : i32 to index
          %get3A_1218 = arith.constant 32 : index
          %get3A_1219 = tpu.vector_load %arg7[%get3A_1217, %get3A_1218] {strides = array<i32>} : memref<80x128xf32, #tpu.memory_space<vmem>>, vector<1x16xf32>,
          %get3A_1220 = vector.shape_cast %get3A_1219 : vector<1x16xf32> to vector<16xf32>
          %mul3A_1221 = arith.mulf %get3A_1220, %broadcast_in_dim3A_1192 : vector<16xf32>
          %swap3A_1222 = arith.index_cast %add3A_1196 : i32 to index
          %swap3A_1223 = arith.constant 32 : index
          %swap3A_1224 = tpu.vector_load %arg7[%swap3A_1222, %swap3A_1223] {strides = array<i32>} : memref<80x128xf32, #tpu.memory_space<vmem>>, vector<1x16xf32>,
          %swap3A_1225 = vector.shape_cast %swap3A_1224 : vector<1x16xf32> to vector<16xf32>
          %swap3A_1226 = vector.shape_cast %mul3A_1221 : vector<16xf32> to vector<1x16xf32>
          tpu.vector_store %arg7[%swap3A_1222, %swap3A_1223], %swap3A_1226 {strides = array<i32>} : memref<80x128xf32, #tpu.memory_space<vmem>>, vector<1x16xf32>,
          %get3A_1227 = arith.index_cast %add3A_1196 : i32 to index
          %get3A_1228 = arith.constant 48 : index
          %get3A_1229 = tpu.vector_load %arg7[%get3A_1227, %get3A_1228] {strides = array<i32>} : memref<80x128xf32, #tpu.memory_space<vmem>>, vector<1x16xf32>,
          %get3A_1230 = vector.shape_cast %get3A_1229 : vector<1x16xf32> to vector<16xf32>
          %mul3A_1231 = arith.mulf %get3A_1230, %broadcast_in_dim3A_1192 : vector<16xf32>
          %swap3A_1232 = arith.index_cast %add3A_1196 : i32 to index
          %swap3A_1233 = arith.constant 48 : index
          %swap3A_1234 = tpu.vector_load %arg7[%swap3A_1232, %swap3A_1233] {strides = array<i32>} : memref<80x128xf32, #tpu.memory_space<vmem>>, vector<1x16xf32>,
          %swap3A_1235 = vector.shape_cast %swap3A_1234 : vector<1x16xf32> to vector<16xf32>
          %swap3A_1236 = vector.shape_cast %mul3A_1231 : vector<16xf32> to vector<1x16xf32>
          tpu.vector_store %arg7[%swap3A_1232, %swap3A_1233], %swap3A_1236 {strides = array<i32>} : memref<80x128xf32, #tpu.memory_space<vmem>>, vector<1x16xf32>,
          %get3A_1237 = arith.index_cast %add3A_1196 : i32 to index
          %get3A_1238 = arith.constant 64 : index
          %get3A_1239 = tpu.vector_load %arg7[%get3A_1237, %get3A_1238] {strides = array<i32>} : memref<80x128xf32, #tpu.memory_space<vmem>>, vector<1x16xf32>,
          %get3A_1240 = vector.shape_cast %get3A_1239 : vector<1x16xf32> to vector<16xf32>
          %mul3A_1241 = arith.mulf %get3A_1240, %broadcast_in_dim3A_1192 : vector<16xf32>
          %swap3A_1242 = arith.index_cast %add3A_1196 : i32 to index
          %swap3A_1243 = arith.constant 64 : index
          %swap3A_1244 = tpu.vector_load %arg7[%swap3A_1242, %swap3A_1243] {strides = array<i32>} : memref<80x128xf32, #tpu.memory_space<vmem>>, vector<1x16xf32>,
          %swap3A_1245 = vector.shape_cast %swap3A_1244 : vector<1x16xf32> to vector<16xf32>
          %swap3A_1246 = vector.shape_cast %mul3A_1241 : vector<16xf32> to vector<1x16xf32>
          tpu.vector_store %arg7[%swap3A_1242, %swap3A_1243], %swap3A_1246 {strides = array<i32>} : memref<80x128xf32, #tpu.memory_space<vmem>>, vector<1x16xf32>,
          %get3A_1247 = arith.index_cast %add3A_1196 : i32 to index
          %get3A_1248 = arith.constant 80 : index
          %get3A_1249 = tpu.vector_load %arg7[%get3A_1247, %get3A_1248] {strides = array<i32>} : memref<80x128xf32, #tpu.memory_space<vmem>>, vector<1x16xf32>,
          %get3A_1250 = vector.shape_cast %get3A_1249 : vector<1x16xf32> to vector<16xf32>
          %mul3A_1251 = arith.mulf %get3A_1250, %broadcast_in_dim3A_1192 : vector<16xf32>
          %swap3A_1252 = arith.index_cast %add3A_1196 : i32 to index
          %swap3A_1253 = arith.constant 80 : index
          %swap3A_1254 = tpu.vector_load %arg7[%swap3A_1252, %swap3A_1253] {strides = array<i32>} : memref<80x128xf32, #tpu.memory_space<vmem>>, vector<1x16xf32>,
          %swap3A_1255 = vector.shape_cast %swap3A_1254 : vector<1x16xf32> to vector<16xf32>
          %swap3A_1256 = vector.shape_cast %mul3A_1251 : vector<16xf32> to vector<1x16xf32>
          tpu.vector_store %arg7[%swap3A_1252, %swap3A_1253], %swap3A_1256 {strides = array<i32>} : memref<80x128xf32, #tpu.memory_space<vmem>>, vector<1x16xf32>,
          %get3A_1257 = arith.index_cast %add3A_1196 : i32 to index
          %get3A_1258 = arith.constant 96 : index
          %get3A_1259 = tpu.vector_load %arg7[%get3A_1257, %get3A_1258] {strides = array<i32>} : memref<80x128xf32, #tpu.memory_space<vmem>>, vector<1x16xf32>,
          %get3A_1260 = vector.shape_cast %get3A_1259 : vector<1x16xf32> to vector<16xf32>
          %mul3A_1261 = arith.mulf %get3A_1260, %broadcast_in_dim3A_1192 : vector<16xf32>
          %swap3A_1262 = arith.index_cast %add3A_1196 : i32 to index
          %swap3A_1263 = arith.constant 96 : index
          %swap3A_1264 = tpu.vector_load %arg7[%swap3A_1262, %swap3A_1263] {strides = array<i32>} : memref<80x128xf32, #tpu.memory_space<vmem>>, vector<1x16xf32>,
          %swap3A_1265 = vector.shape_cast %swap3A_1264 : vector<1x16xf32> to vector<16xf32>
          %swap3A_1266 = vector.shape_cast %mul3A_1261 : vector<16xf32> to vector<1x16xf32>
          tpu.vector_store %arg7[%swap3A_1262, %swap3A_1263], %swap3A_1266 {strides = array<i32>} : memref<80x128xf32, #tpu.memory_space<vmem>>, vector<1x16xf32>,
          %get3A_1267 = arith.index_cast %add3A_1196 : i32 to index
          %get3A_1268 = arith.constant 112 : index
          %get3A_1269 = tpu.vector_load %arg7[%get3A_1267, %get3A_1268] {strides = array<i32>} : memref<80x128xf32, #tpu.memory_space<vmem>>, vector<1x16xf32>,
          %get3A_1270 = vector.shape_cast %get3A_1269 : vector<1x16xf32> to vector<16xf32>
          %mul3A_1271 = arith.mulf %get3A_1270, %broadcast_in_dim3A_1192 : vector<16xf32>
          %swap3A_1272 = arith.index_cast %add3A_1196 : i32 to index
          %swap3A_1273 = arith.constant 112 : index
          %swap3A_1274 = tpu.vector_load %arg7[%swap3A_1272, %swap3A_1273] {strides = array<i32>} : memref<80x128xf32, #tpu.memory_space<vmem>>, vector<1x16xf32>,
          %swap3A_1275 = vector.shape_cast %swap3A_1274 : vector<1x16xf32> to vector<16xf32>
          %swap3A_1276 = vector.shape_cast %mul3A_1271 : vector<16xf32> to vector<1x16xf32>
          tpu.vector_store %arg7[%swap3A_1272, %swap3A_1273], %swap3A_1276 {strides = array<i32>} : memref<80x128xf32, #tpu.memory_space<vmem>>, vector<1x16xf32>,
          %slice3A_1277 = vector.extract_strided_slice %bitcast_convert_type3A {offsets = [14], sizes = [1], strides = [1]} : vector<16xf32> to vector<1xf32>
          %squeeze3A_1278 = vector.extract %slice3A_1277[0] : f32 from vector<1xf32>
          %broadcast_in_dim3A_1279 = vector.broadcast %squeeze3A_1278 : f32 to vector<16xf32>
          %mul3A_1280 = arith.constant 16 : i32
          %mul3A_1281 = arith.muli %add3A_55, %mul3A_1280 : i32
          %add3A_1282 = arith.constant 14 : i32
          %add3A_1283 = arith.addi %mul3A_1281, %add3A_1282 : i32
          %get3A_1284 = arith.index_cast %add3A_1283 : i32 to index
          %get3A_1285 = arith.constant 0 : index
          %get3A_1286 = tpu.vector_load %arg7[%get3A_1284, %get3A_1285] {strides = array<i32>} : memref<80x128xf32, #tpu.memory_space<vmem>>, vector<1x16xf32>,
          %get3A_1287 = vector.shape_cast %get3A_1286 : vector<1x16xf32> to vector<16xf32>
          %mul3A_1288 = arith.mulf %get3A_1287, %broadcast_in_dim3A_1279 : vector<16xf32>
          %swap3A_1289 = arith.index_cast %add3A_1283 : i32 to index
          %swap3A_1290 = arith.constant 0 : index
          %swap3A_1291 = tpu.vector_load %arg7[%swap3A_1289, %swap3A_1290] {strides = array<i32>} : memref<80x128xf32, #tpu.memory_space<vmem>>, vector<1x16xf32>,
          %swap3A_1292 = vector.shape_cast %swap3A_1291 : vector<1x16xf32> to vector<16xf32>
          %swap3A_1293 = vector.shape_cast %mul3A_1288 : vector<16xf32> to vector<1x16xf32>
          tpu.vector_store %arg7[%swap3A_1289, %swap3A_1290], %swap3A_1293 {strides = array<i32>} : memref<80x128xf32, #tpu.memory_space<vmem>>, vector<1x16xf32>,
          %get3A_1294 = arith.index_cast %add3A_1283 : i32 to index
          %get3A_1295 = arith.constant 16 : index
          %get3A_1296 = tpu.vector_load %arg7[%get3A_1294, %get3A_1295] {strides = array<i32>} : memref<80x128xf32, #tpu.memory_space<vmem>>, vector<1x16xf32>,
          %get3A_1297 = vector.shape_cast %get3A_1296 : vector<1x16xf32> to vector<16xf32>
          %mul3A_1298 = arith.mulf %get3A_1297, %broadcast_in_dim3A_1279 : vector<16xf32>
          %swap3A_1299 = arith.index_cast %add3A_1283 : i32 to index
          %swap3A_1300 = arith.constant 16 : index
          %swap3A_1301 = tpu.vector_load %arg7[%swap3A_1299, %swap3A_1300] {strides = array<i32>} : memref<80x128xf32, #tpu.memory_space<vmem>>, vector<1x16xf32>,
          %swap3A_1302 = vector.shape_cast %swap3A_1301 : vector<1x16xf32> to vector<16xf32>
          %swap3A_1303 = vector.shape_cast %mul3A_1298 : vector<16xf32> to vector<1x16xf32>
          tpu.vector_store %arg7[%swap3A_1299, %swap3A_1300], %swap3A_1303 {strides = array<i32>} : memref<80x128xf32, #tpu.memory_space<vmem>>, vector<1x16xf32>,
          %get3A_1304 = arith.index_cast %add3A_1283 : i32 to index
          %get3A_1305 = arith.constant 32 : index
          %get3A_1306 = tpu.vector_load %arg7[%get3A_1304, %get3A_1305] {strides = array<i32>} : memref<80x128xf32, #tpu.memory_space<vmem>>, vector<1x16xf32>,
          %get3A_1307 = vector.shape_cast %get3A_1306 : vector<1x16xf32> to vector<16xf32>
          %mul3A_1308 = arith.mulf %get3A_1307, %broadcast_in_dim3A_1279 : vector<16xf32>
          %swap3A_1309 = arith.index_cast %add3A_1283 : i32 to index
          %swap3A_1310 = arith.constant 32 : index
          %swap3A_1311 = tpu.vector_load %arg7[%swap3A_1309, %swap3A_1310] {strides = array<i32>} : memref<80x128xf32, #tpu.memory_space<vmem>>, vector<1x16xf32>,
          %swap3A_1312 = vector.shape_cast %swap3A_1311 : vector<1x16xf32> to vector<16xf32>
          %swap3A_1313 = vector.shape_cast %mul3A_1308 : vector<16xf32> to vector<1x16xf32>
          tpu.vector_store %arg7[%swap3A_1309, %swap3A_1310], %swap3A_1313 {strides = array<i32>} : memref<80x128xf32, #tpu.memory_space<vmem>>, vector<1x16xf32>,
          %get3A_1314 = arith.index_cast %add3A_1283 : i32 to index
          %get3A_1315 = arith.constant 48 : index
          %get3A_1316 = tpu.vector_load %arg7[%get3A_1314, %get3A_1315] {strides = array<i32>} : memref<80x128xf32, #tpu.memory_space<vmem>>, vector<1x16xf32>,
          %get3A_1317 = vector.shape_cast %get3A_1316 : vector<1x16xf32> to vector<16xf32>
          %mul3A_1318 = arith.mulf %get3A_1317, %broadcast_in_dim3A_1279 : vector<16xf32>
          %swap3A_1319 = arith.index_cast %add3A_1283 : i32 to index
          %swap3A_1320 = arith.constant 48 : index
          %swap3A_1321 = tpu.vector_load %arg7[%swap3A_1319, %swap3A_1320] {strides = array<i32>} : memref<80x128xf32, #tpu.memory_space<vmem>>, vector<1x16xf32>,
          %swap3A_1322 = vector.shape_cast %swap3A_1321 : vector<1x16xf32> to vector<16xf32>
          %swap3A_1323 = vector.shape_cast %mul3A_1318 : vector<16xf32> to vector<1x16xf32>
          tpu.vector_store %arg7[%swap3A_1319, %swap3A_1320], %swap3A_1323 {strides = array<i32>} : memref<80x128xf32, #tpu.memory_space<vmem>>, vector<1x16xf32>,
          %get3A_1324 = arith.index_cast %add3A_1283 : i32 to index
          %get3A_1325 = arith.constant 64 : index
          %get3A_1326 = tpu.vector_load %arg7[%get3A_1324, %get3A_1325] {strides = array<i32>} : memref<80x128xf32, #tpu.memory_space<vmem>>, vector<1x16xf32>,
          %get3A_1327 = vector.shape_cast %get3A_1326 : vector<1x16xf32> to vector<16xf32>
          %mul3A_1328 = arith.mulf %get3A_1327, %broadcast_in_dim3A_1279 : vector<16xf32>
          %swap3A_1329 = arith.index_cast %add3A_1283 : i32 to index
          %swap3A_1330 = arith.constant 64 : index
          %swap3A_1331 = tpu.vector_load %arg7[%swap3A_1329, %swap3A_1330] {strides = array<i32>} : memref<80x128xf32, #tpu.memory_space<vmem>>, vector<1x16xf32>,
          %swap3A_1332 = vector.shape_cast %swap3A_1331 : vector<1x16xf32> to vector<16xf32>
          %swap3A_1333 = vector.shape_cast %mul3A_1328 : vector<16xf32> to vector<1x16xf32>
          tpu.vector_store %arg7[%swap3A_1329, %swap3A_1330], %swap3A_1333 {strides = array<i32>} : memref<80x128xf32, #tpu.memory_space<vmem>>, vector<1x16xf32>,
          %get3A_1334 = arith.index_cast %add3A_1283 : i32 to index
          %get3A_1335 = arith.constant 80 : index
          %get3A_1336 = tpu.vector_load %arg7[%get3A_1334, %get3A_1335] {strides = array<i32>} : memref<80x128xf32, #tpu.memory_space<vmem>>, vector<1x16xf32>,
          %get3A_1337 = vector.shape_cast %get3A_1336 : vector<1x16xf32> to vector<16xf32>
          %mul3A_1338 = arith.mulf %get3A_1337, %broadcast_in_dim3A_1279 : vector<16xf32>
          %swap3A_1339 = arith.index_cast %add3A_1283 : i32 to index
          %swap3A_1340 = arith.constant 80 : index
          %swap3A_1341 = tpu.vector_load %arg7[%swap3A_1339, %swap3A_1340] {strides = array<i32>} : memref<80x128xf32, #tpu.memory_space<vmem>>, vector<1x16xf32>,
          %swap3A_1342 = vector.shape_cast %swap3A_1341 : vector<1x16xf32> to vector<16xf32>
          %swap3A_1343 = vector.shape_cast %mul3A_1338 : vector<16xf32> to vector<1x16xf32>
          tpu.vector_store %arg7[%swap3A_1339, %swap3A_1340], %swap3A_1343 {strides = array<i32>} : memref<80x128xf32, #tpu.memory_space<vmem>>, vector<1x16xf32>,
          %get3A_1344 = arith.index_cast %add3A_1283 : i32 to index
          %get3A_1345 = arith.constant 96 : index
          %get3A_1346 = tpu.vector_load %arg7[%get3A_1344, %get3A_1345] {strides = array<i32>} : memref<80x128xf32, #tpu.memory_space<vmem>>, vector<1x16xf32>,
          %get3A_1347 = vector.shape_cast %get3A_1346 : vector<1x16xf32> to vector<16xf32>
          %mul3A_1348 = arith.mulf %get3A_1347, %broadcast_in_dim3A_1279 : vector<16xf32>
          %swap3A_1349 = arith.index_cast %add3A_1283 : i32 to index
          %swap3A_1350 = arith.constant 96 : index
          %swap3A_1351 = tpu.vector_load %arg7[%swap3A_1349, %swap3A_1350] {strides = array<i32>} : memref<80x128xf32, #tpu.memory_space<vmem>>, vector<1x16xf32>,
          %swap3A_1352 = vector.shape_cast %swap3A_1351 : vector<1x16xf32> to vector<16xf32>
          %swap3A_1353 = vector.shape_cast %mul3A_1348 : vector<16xf32> to vector<1x16xf32>
          tpu.vector_store %arg7[%swap3A_1349, %swap3A_1350], %swap3A_1353 {strides = array<i32>} : memref<80x128xf32, #tpu.memory_space<vmem>>, vector<1x16xf32>,
          %get3A_1354 = arith.index_cast %add3A_1283 : i32 to index
          %get3A_1355 = arith.constant 112 : index
          %get3A_1356 = tpu.vector_load %arg7[%get3A_1354, %get3A_1355] {strides = array<i32>} : memref<80x128xf32, #tpu.memory_space<vmem>>, vector<1x16xf32>,
          %get3A_1357 = vector.shape_cast %get3A_1356 : vector<1x16xf32> to vector<16xf32>
          %mul3A_1358 = arith.mulf %get3A_1357, %broadcast_in_dim3A_1279 : vector<16xf32>
          %swap3A_1359 = arith.index_cast %add3A_1283 : i32 to index
          %swap3A_1360 = arith.constant 112 : index
          %swap3A_1361 = tpu.vector_load %arg7[%swap3A_1359, %swap3A_1360] {strides = array<i32>} : memref<80x128xf32, #tpu.memory_space<vmem>>, vector<1x16xf32>,
          %swap3A_1362 = vector.shape_cast %swap3A_1361 : vector<1x16xf32> to vector<16xf32>
          %swap3A_1363 = vector.shape_cast %mul3A_1358 : vector<16xf32> to vector<1x16xf32>
          tpu.vector_store %arg7[%swap3A_1359, %swap3A_1360], %swap3A_1363 {strides = array<i32>} : memref<80x128xf32, #tpu.memory_space<vmem>>, vector<1x16xf32>,
          %slice3A_1364 = vector.extract_strided_slice %bitcast_convert_type3A {offsets = [15], sizes = [1], strides = [1]} : vector<16xf32> to vector<1xf32>
          %squeeze3A_1365 = vector.extract %slice3A_1364[0] : f32 from vector<1xf32>
          %broadcast_in_dim3A_1366 = vector.broadcast %squeeze3A_1365 : f32 to vector<16xf32>
          %mul3A_1367 = arith.constant 16 : i32
          %mul3A_1368 = arith.muli %add3A_55, %mul3A_1367 : i32
          %add3A_1369 = arith.constant 15 : i32
          %add3A_1370 = arith.addi %mul3A_1368, %add3A_1369 : i32
          %get3A_1371 = arith.index_cast %add3A_1370 : i32 to index
          %get3A_1372 = arith.constant 0 : index
          %get3A_1373 = tpu.vector_load %arg7[%get3A_1371, %get3A_1372] {strides = array<i32>} : memref<80x128xf32, #tpu.memory_space<vmem>>, vector<1x16xf32>,
          %get3A_1374 = vector.shape_cast %get3A_1373 : vector<1x16xf32> to vector<16xf32>
          %mul3A_1375 = arith.mulf %get3A_1374, %broadcast_in_dim3A_1366 : vector<16xf32>
          %swap3A_1376 = arith.index_cast %add3A_1370 : i32 to index
          %swap3A_1377 = arith.constant 0 : index
          %swap3A_1378 = tpu.vector_load %arg7[%swap3A_1376, %swap3A_1377] {strides = array<i32>} : memref<80x128xf32, #tpu.memory_space<vmem>>, vector<1x16xf32>,
          %swap3A_1379 = vector.shape_cast %swap3A_1378 : vector<1x16xf32> to vector<16xf32>
          %swap3A_1380 = vector.shape_cast %mul3A_1375 : vector<16xf32> to vector<1x16xf32>
          tpu.vector_store %arg7[%swap3A_1376, %swap3A_1377], %swap3A_1380 {strides = array<i32>} : memref<80x128xf32, #tpu.memory_space<vmem>>, vector<1x16xf32>,
          %get3A_1381 = arith.index_cast %add3A_1370 : i32 to index
          %get3A_1382 = arith.constant 16 : index
          %get3A_1383 = tpu.vector_load %arg7[%get3A_1381, %get3A_1382] {strides = array<i32>} : memref<80x128xf32, #tpu.memory_space<vmem>>, vector<1x16xf32>,
          %get3A_1384 = vector.shape_cast %get3A_1383 : vector<1x16xf32> to vector<16xf32>
          %mul3A_1385 = arith.mulf %get3A_1384, %broadcast_in_dim3A_1366 : vector<16xf32>
          %swap3A_1386 = arith.index_cast %add3A_1370 : i32 to index
          %swap3A_1387 = arith.constant 16 : index
          %swap3A_1388 = tpu.vector_load %arg7[%swap3A_1386, %swap3A_1387] {strides = array<i32>} : memref<80x128xf32, #tpu.memory_space<vmem>>, vector<1x16xf32>,
          %swap3A_1389 = vector.shape_cast %swap3A_1388 : vector<1x16xf32> to vector<16xf32>
          %swap3A_1390 = vector.shape_cast %mul3A_1385 : vector<16xf32> to vector<1x16xf32>
          tpu.vector_store %arg7[%swap3A_1386, %swap3A_1387], %swap3A_1390 {strides = array<i32>} : memref<80x128xf32, #tpu.memory_space<vmem>>, vector<1x16xf32>,
          %get3A_1391 = arith.index_cast %add3A_1370 : i32 to index
          %get3A_1392 = arith.constant 32 : index
          %get3A_1393 = tpu.vector_load %arg7[%get3A_1391, %get3A_1392] {strides = array<i32>} : memref<80x128xf32, #tpu.memory_space<vmem>>, vector<1x16xf32>,
          %get3A_1394 = vector.shape_cast %get3A_1393 : vector<1x16xf32> to vector<16xf32>
          %mul3A_1395 = arith.mulf %get3A_1394, %broadcast_in_dim3A_1366 : vector<16xf32>
          %swap3A_1396 = arith.index_cast %add3A_1370 : i32 to index
          %swap3A_1397 = arith.constant 32 : index
          %swap3A_1398 = tpu.vector_load %arg7[%swap3A_1396, %swap3A_1397] {strides = array<i32>} : memref<80x128xf32, #tpu.memory_space<vmem>>, vector<1x16xf32>,
          %swap3A_1399 = vector.shape_cast %swap3A_1398 : vector<1x16xf32> to vector<16xf32>
          %swap3A_1400 = vector.shape_cast %mul3A_1395 : vector<16xf32> to vector<1x16xf32>
          tpu.vector_store %arg7[%swap3A_1396, %swap3A_1397], %swap3A_1400 {strides = array<i32>} : memref<80x128xf32, #tpu.memory_space<vmem>>, vector<1x16xf32>,
          %get3A_1401 = arith.index_cast %add3A_1370 : i32 to index
          %get3A_1402 = arith.constant 48 : index
          %get3A_1403 = tpu.vector_load %arg7[%get3A_1401, %get3A_1402] {strides = array<i32>} : memref<80x128xf32, #tpu.memory_space<vmem>>, vector<1x16xf32>,
          %get3A_1404 = vector.shape_cast %get3A_1403 : vector<1x16xf32> to vector<16xf32>
          %mul3A_1405 = arith.mulf %get3A_1404, %broadcast_in_dim3A_1366 : vector<16xf32>
          %swap3A_1406 = arith.index_cast %add3A_1370 : i32 to index
          %swap3A_1407 = arith.constant 48 : index
          %swap3A_1408 = tpu.vector_load %arg7[%swap3A_1406, %swap3A_1407] {strides = array<i32>} : memref<80x128xf32, #tpu.memory_space<vmem>>, vector<1x16xf32>,
          %swap3A_1409 = vector.shape_cast %swap3A_1408 : vector<1x16xf32> to vector<16xf32>
          %swap3A_1410 = vector.shape_cast %mul3A_1405 : vector<16xf32> to vector<1x16xf32>
          tpu.vector_store %arg7[%swap3A_1406, %swap3A_1407], %swap3A_1410 {strides = array<i32>} : memref<80x128xf32, #tpu.memory_space<vmem>>, vector<1x16xf32>,
          %get3A_1411 = arith.index_cast %add3A_1370 : i32 to index
          %get3A_1412 = arith.constant 64 : index
          %get3A_1413 = tpu.vector_load %arg7[%get3A_1411, %get3A_1412] {strides = array<i32>} : memref<80x128xf32, #tpu.memory_space<vmem>>, vector<1x16xf32>,
          %get3A_1414 = vector.shape_cast %get3A_1413 : vector<1x16xf32> to vector<16xf32>
          %mul3A_1415 = arith.mulf %get3A_1414, %broadcast_in_dim3A_1366 : vector<16xf32>
          %swap3A_1416 = arith.index_cast %add3A_1370 : i32 to index
          %swap3A_1417 = arith.constant 64 : index
          %swap3A_1418 = tpu.vector_load %arg7[%swap3A_1416, %swap3A_1417] {strides = array<i32>} : memref<80x128xf32, #tpu.memory_space<vmem>>, vector<1x16xf32>,
          %swap3A_1419 = vector.shape_cast %swap3A_1418 : vector<1x16xf32> to vector<16xf32>
          %swap3A_1420 = vector.shape_cast %mul3A_1415 : vector<16xf32> to vector<1x16xf32>
          tpu.vector_store %arg7[%swap3A_1416, %swap3A_1417], %swap3A_1420 {strides = array<i32>} : memref<80x128xf32, #tpu.memory_space<vmem>>, vector<1x16xf32>,
          %get3A_1421 = arith.index_cast %add3A_1370 : i32 to index
          %get3A_1422 = arith.constant 80 : index
          %get3A_1423 = tpu.vector_load %arg7[%get3A_1421, %get3A_1422] {strides = array<i32>} : memref<80x128xf32, #tpu.memory_space<vmem>>, vector<1x16xf32>,
          %get3A_1424 = vector.shape_cast %get3A_1423 : vector<1x16xf32> to vector<16xf32>
          %mul3A_1425 = arith.mulf %get3A_1424, %broadcast_in_dim3A_1366 : vector<16xf32>
          %swap3A_1426 = arith.index_cast %add3A_1370 : i32 to index
          %swap3A_1427 = arith.constant 80 : index
          %swap3A_1428 = tpu.vector_load %arg7[%swap3A_1426, %swap3A_1427] {strides = array<i32>} : memref<80x128xf32, #tpu.memory_space<vmem>>, vector<1x16xf32>,
          %swap3A_1429 = vector.shape_cast %swap3A_1428 : vector<1x16xf32> to vector<16xf32>
          %swap3A_1430 = vector.shape_cast %mul3A_1425 : vector<16xf32> to vector<1x16xf32>
          tpu.vector_store %arg7[%swap3A_1426, %swap3A_1427], %swap3A_1430 {strides = array<i32>} : memref<80x128xf32, #tpu.memory_space<vmem>>, vector<1x16xf32>,
          %get3A_1431 = arith.index_cast %add3A_1370 : i32 to index
          %get3A_1432 = arith.constant 96 : index
          %get3A_1433 = tpu.vector_load %arg7[%get3A_1431, %get3A_1432] {strides = array<i32>} : memref<80x128xf32, #tpu.memory_space<vmem>>, vector<1x16xf32>,
          %get3A_1434 = vector.shape_cast %get3A_1433 : vector<1x16xf32> to vector<16xf32>
          %mul3A_1435 = arith.mulf %get3A_1434, %broadcast_in_dim3A_1366 : vector<16xf32>
          %swap3A_1436 = arith.index_cast %add3A_1370 : i32 to index
          %swap3A_1437 = arith.constant 96 : index
          %swap3A_1438 = tpu.vector_load %arg7[%swap3A_1436, %swap3A_1437] {strides = array<i32>} : memref<80x128xf32, #tpu.memory_space<vmem>>, vector<1x16xf32>,
          %swap3A_1439 = vector.shape_cast %swap3A_1438 : vector<1x16xf32> to vector<16xf32>
          %swap3A_1440 = vector.shape_cast %mul3A_1435 : vector<16xf32> to vector<1x16xf32>
          tpu.vector_store %arg7[%swap3A_1436, %swap3A_1437], %swap3A_1440 {strides = array<i32>} : memref<80x128xf32, #tpu.memory_space<vmem>>, vector<1x16xf32>,
          %get3A_1441 = arith.index_cast %add3A_1370 : i32 to index
          %get3A_1442 = arith.constant 112 : index
          %get3A_1443 = tpu.vector_load %arg7[%get3A_1441, %get3A_1442] {strides = array<i32>} : memref<80x128xf32, #tpu.memory_space<vmem>>, vector<1x16xf32>,
          %get3A_1444 = vector.shape_cast %get3A_1443 : vector<1x16xf32> to vector<16xf32>
          %mul3A_1445 = arith.mulf %get3A_1444, %broadcast_in_dim3A_1366 : vector<16xf32>
          %swap3A_1446 = arith.index_cast %add3A_1370 : i32 to index
          %swap3A_1447 = arith.constant 112 : index
          %swap3A_1448 = tpu.vector_load %arg7[%swap3A_1446, %swap3A_1447] {strides = array<i32>} : memref<80x128xf32, #tpu.memory_space<vmem>>, vector<1x16xf32>,
          %swap3A_1449 = vector.shape_cast %swap3A_1448 : vector<1x16xf32> to vector<16xf32>
          %swap3A_1450 = vector.shape_cast %mul3A_1445 : vector<16xf32> to vector<1x16xf32>
          tpu.vector_store %arg7[%swap3A_1446, %swap3A_1447], %swap3A_1450 {strides = array<i32>} : memref<80x128xf32, #tpu.memory_space<vmem>>, vector<1x16xf32>,
        }
        %scan3A_49 = arith.constant 5 : i32
        %run_scoped3A_50 = arith.constant 1 : i32
        "tpu.region"() ({
          %run_scoped3A_51 = tpu.sem_alloc : memref<!tpu.dma_semaphore, #tpu.memory_space<semaphore_mem>>
          %dma_start3A = arith.constant 0 : i32
          %dma_start3A_52 = tpu.memref_slice %arg6[%add3A_44, %run_scoped3A_50, %dma_start3A] : memref<25x3x80xi32, #tpu.memory_space<vmem>> -> memref<1x1x80xi32, #tpu.memory_space<vmem>>
          %dma_start3A_53 = tpu.memref_squeeze %dma_start3A_52 : memref<1x1x80xi32, #tpu.memory_space<vmem>> -> memref<80xi32, #tpu.memory_space<vmem>>
          %dma_start3A_54 = arith.constant 0 : i32
          %dma_start3A_55 = arith.constant 0 : i32
          %dma_start3A_56 = tpu.memref_slice %arg5[%dma_start3A_54, %dma_start3A_55] : memref<10000x128xf32, #tpu.memory_space<vmem_shared>> -> memref<10000x128xf32, #tpu.memory_space<vmem_shared>>
          tpu.enqueue_indirect_dma source(%arg7 : memref<80x128xf32, #tpu.memory_space<vmem>>) target(%dma_start3A_56 : memref<10000x128xf32, #tpu.memory_space<vmem_shared>>) offsets(%dma_start3A_53 : memref<80xi32, #tpu.memory_space<vmem>>) semaphore(%run_scoped3A_51 : memref<!tpu.dma_semaphore, #tpu.memory_space<semaphore_mem>>) {add = true}
          %dma_wait3A = arith.constant 0 : i32
          %dma_wait3A_57 = tpu.memref_slice %arg6[%add3A_44, %run_scoped3A_50, %dma_wait3A] : memref<25x3x80xi32, #tpu.memory_space<vmem>> -> memref<1x1x80xi32, #tpu.memory_space<vmem>>
          %dma_wait3A_58 = tpu.memref_squeeze %dma_wait3A_57 : memref<1x1x80xi32, #tpu.memory_space<vmem>> -> memref<80xi32, #tpu.memory_space<vmem>>
          %dma_wait3A_59 = arith.constant 0 : i32
          %dma_wait3A_60 = arith.constant 0 : i32
          %dma_wait3A_61 = tpu.memref_slice %arg5[%dma_wait3A_59, %dma_wait3A_60] : memref<10000x128xf32, #tpu.memory_space<vmem_shared>> -> memref<10000x128xf32, #tpu.memory_space<vmem_shared>>
          tpu.wait_indirect_dma semaphore(%run_scoped3A_51 : memref<!tpu.dma_semaphore, #tpu.memory_space<semaphore_mem>>) src(%arg7 : memref<80x128xf32, #tpu.memory_space<vmem>>) dst(%dma_wait3A_61 : memref<10000x128xf32, #tpu.memory_space<vmem_shared>>)
          tpu.yield
        }) : () -> ()
      }
      %scan3A_39 = arith.constant 25 : i32
    }
    %scan3A_18 = arith.constant 5 : i32
    %barrier3A_19 = arith.constant 0 : index
    tpu.barrier barrier_id(%barrier3A_19)
    %scan3A_20 = arith.constant 0 : i32
    %scan3A_21 = arith.constant 13 : i32
    %scan3A_22 = arith.addi %scan3A_20, %scan3A_21 : i32
    %scan3A_23 = arith.constant 1 : i32
    scf.for %scan3A_30 = %scan3A_20 to %scan3A_22 step %scan3A_23  : i32 {
      %mul3A_31 = arith.constant 1 : i32
      %mul3A_32 = arith.muli %scan3A_30, %mul3A_31 : i32
      %add3A_33 = arith.constant 0 : i32
      %add3A_34 = arith.addi %add3A_33, %mul3A_32 : i32
      %mul3A_35 = arith.constant 48 : i32
      %mul3A_36 = arith.muli %add3A_34, %mul3A_35 : i32
      %add3A_37 = arith.addi %mul3A_6, %mul3A_36 : i32
      "tpu.region"() ({
        %run_scoped3A = tpu.sem_alloc : memref<!tpu.dma_semaphore, #tpu.memory_space<semaphore_mem>>
        %dma_start3A = arith.constant 0 : i32
        %dma_start3A_38 = arith.constant 0 : i32
        %dma_start3A_39 = tpu.memref_slice %arg7[%dma_start3A, %dma_start3A_38] : memref<80x128xf32, #tpu.memory_space<vmem>> -> memref<48x128xf32, #tpu.memory_space<vmem>>
        %dma_start3A_40 = arith.constant 0 : i32
        %dma_start3A_41 = tpu.memref_slice %arg5[%add3A_37, %dma_start3A_40] : memref<10000x128xf32, #tpu.memory_space<vmem_shared>> -> memref<48x128xf32, #tpu.memory_space<vmem_shared>>
        %dma_start3A_42 = arith.constant 0 : i32
        %dma_start3A_43 = arith.constant 0 : i32
        %dma_start3A_44 = tpu.memref_slice %arg7[%dma_start3A_42, %dma_start3A_43] : memref<80x128xf32, #tpu.memory_space<vmem>> -> memref<48x128xf32, #tpu.memory_space<vmem>>
        %dma_start3A_45 = arith.constant 0 : i32
        %dma_start3A_46 = tpu.memref_slice %arg5[%add3A_37, %dma_start3A_45] : memref<10000x128xf32, #tpu.memory_space<vmem_shared>> -> memref<48x128xf32, #tpu.memory_space<vmem_shared>>
        tpu.enqueue_dma source(%dma_start3A_46 : memref<48x128xf32, #tpu.memory_space<vmem_shared>>) target(%dma_start3A_44 : memref<48x128xf32, #tpu.memory_space<vmem>>) target_semaphore(%run_scoped3A : memref<!tpu.dma_semaphore, #tpu.memory_space<semaphore_mem>>)
        %dma_wait3A = arith.constant 0 : i32
        %dma_wait3A_47 = arith.constant 0 : i32
        %dma_wait3A_48 = tpu.memref_slice %arg7[%dma_wait3A, %dma_wait3A_47] : memref<80x128xf32, #tpu.memory_space<vmem>> -> memref<48x128xf32, #tpu.memory_space<vmem>>
        %dma_wait3A_49 = arith.constant 0 : i32
        %dma_wait3A_50 = tpu.memref_slice %arg5[%add3A_37, %dma_wait3A_49] : memref<10000x128xf32, #tpu.memory_space<vmem_shared>> -> memref<48x128xf32, #tpu.memory_space<vmem_shared>>
        %dma_wait3A_51 = arith.constant 0 : i32
        %dma_wait3A_52 = arith.constant 0 : i32
        %dma_wait3A_53 = tpu.memref_slice %arg7[%dma_wait3A_51, %dma_wait3A_52] : memref<80x128xf32, #tpu.memory_space<vmem>> -> memref<48x128xf32, #tpu.memory_space<vmem>>
        %dma_wait3A_54 = arith.constant 0 : i32
        %dma_wait3A_55 = tpu.memref_slice %arg5[%add3A_37, %dma_wait3A_54] : memref<10000x128xf32, #tpu.memory_space<vmem_shared>> -> memref<48x128xf32, #tpu.memory_space<vmem_shared>>
        tpu.wait_dma2 semaphore(%run_scoped3A : memref<!tpu.dma_semaphore, #tpu.memory_space<semaphore_mem>>) src(%dma_wait3A_55 : memref<48x128xf32, #tpu.memory_space<vmem_shared>>) dst(%dma_wait3A_53 : memref<48x128xf32, #tpu.memory_space<vmem>>)
        tpu.yield
      }) : () -> ()
      "tpu.region"() ({
        %run_scoped3A = tpu.sem_alloc : memref<!tpu.dma_semaphore, #tpu.memory_space<semaphore_mem>>
        %dma_start3A = arith.constant 0 : i32
        %dma_start3A_38 = arith.constant 0 : i32
        %dma_start3A_39 = tpu.memref_slice %arg7[%dma_start3A, %dma_start3A_38] : memref<80x128xf32, #tpu.memory_space<vmem>> -> memref<48x128xf32, #tpu.memory_space<vmem>>
        %dma_start3A_40 = arith.constant 0 : i32
        %dma_start3A_41 = tpu.memref_slice %arg4[%arg0, %add3A_37, %dma_start3A_40] : memref<2x10000x128xf32, #tpu.memory_space<hbm>> -> memref<1x48x128xf32, #tpu.memory_space<hbm>>
        %dma_start3A_42 = tpu.memref_squeeze %dma_start3A_41 : memref<1x48x128xf32, #tpu.memory_space<hbm>> -> memref<48x128xf32, #tpu.memory_space<hbm>>
        %dma_start3A_43 = arith.constant 0 : i32
        %dma_start3A_44 = tpu.memref_slice %arg4[%arg0, %add3A_37, %dma_start3A_43] : memref<2x10000x128xf32, #tpu.memory_space<hbm>> -> memref<1x48x128xf32, #tpu.memory_space<hbm>>
        %dma_start3A_45 = tpu.memref_squeeze %dma_start3A_44 : memref<1x48x128xf32, #tpu.memory_space<hbm>> -> memref<48x128xf32, #tpu.memory_space<hbm>>
        %dma_start3A_46 = arith.constant 0 : i32
        %dma_start3A_47 = arith.constant 0 : i32
        %dma_start3A_48 = tpu.memref_slice %arg7[%dma_start3A_46, %dma_start3A_47] : memref<80x128xf32, #tpu.memory_space<vmem>> -> memref<48x128xf32, #tpu.memory_space<vmem>>
        tpu.enqueue_dma source(%dma_start3A_48 : memref<48x128xf32, #tpu.memory_space<vmem>>) target(%dma_start3A_45 : memref<48x128xf32, #tpu.memory_space<hbm>>) target_semaphore(%run_scoped3A : memref<!tpu.dma_semaphore, #tpu.memory_space<semaphore_mem>>)
        %dma_wait3A = arith.constant 0 : i32
        %dma_wait3A_49 = arith.constant 0 : i32
        %dma_wait3A_50 = tpu.memref_slice %arg7[%dma_wait3A, %dma_wait3A_49] : memref<80x128xf32, #tpu.memory_space<vmem>> -> memref<48x128xf32, #tpu.memory_space<vmem>>
        %dma_wait3A_51 = arith.constant 0 : i32
        %dma_wait3A_52 = tpu.memref_slice %arg4[%arg0, %add3A_37, %dma_wait3A_51] : memref<2x10000x128xf32, #tpu.memory_space<hbm>> -> memref<1x48x128xf32, #tpu.memory_space<hbm>>
        %dma_wait3A_53 = tpu.memref_squeeze %dma_wait3A_52 : memref<1x48x128xf32, #tpu.memory_space<hbm>> -> memref<48x128xf32, #tpu.memory_space<hbm>>
        %dma_wait3A_54 = arith.constant 0 : i32
        %dma_wait3A_55 = tpu.memref_slice %arg4[%arg0, %add3A_37, %dma_wait3A_54] : memref<2x10000x128xf32, #tpu.memory_space<hbm>> -> memref<1x48x128xf32, #tpu.memory_space<hbm>>
        %dma_wait3A_56 = tpu.memref_squeeze %dma_wait3A_55 : memref<1x48x128xf32, #tpu.memory_space<hbm>> -> memref<48x128xf32, #tpu.memory_space<hbm>>
        %dma_wait3A_57 = arith.constant 0 : i32
        %dma_wait3A_58 = arith.constant 0 : i32
        %dma_wait3A_59 = tpu.memref_slice %arg7[%dma_wait3A_57, %dma_wait3A_58] : memref<80x128xf32, #tpu.memory_space<vmem>> -> memref<48x128xf32, #tpu.memory_space<vmem>>
        tpu.wait_dma2 semaphore(%run_scoped3A : memref<!tpu.dma_semaphore, #tpu.memory_space<semaphore_mem>>) src(%dma_wait3A_59 : memref<48x128xf32, #tpu.memory_space<vmem>>) dst(%dma_wait3A_56 : memref<48x128xf32, #tpu.memory_space<hbm>>)
        tpu.yield
      }) : () -> ()
    }
    %scan3A_24 = arith.constant 13 : i32
    %eq3A_25 = arith.constant 15 : i32
    %eq3A_26 = arith.cmpi eq, %arg1, %eq3A_25 : i32
    %convert_element_type3A_27 = arith.extui %eq3A_26 : i1 to i32
    %cond3A_28 = arith.constant 0 : i32
    %cond3A_29 = arith.cmpi ne, %convert_element_type3A_27, %cond3A_28 : i32
    scf.if %cond3A_29 {
      "tpu.region"() ({
        %run_scoped3A = tpu.sem_alloc : memref<!tpu.dma_semaphore, #tpu.memory_space<semaphore_mem>>
        %dma_start3A = arith.constant 0 : i32
        %dma_start3A_30 = arith.constant 0 : i32
        %dma_start3A_31 = tpu.memref_slice %arg7[%dma_start3A, %dma_start3A_30] : memref<80x128xf32, #tpu.memory_space<vmem>> -> memref<16x128xf32, #tpu.memory_space<vmem>>
        %dma_start3A_32 = arith.constant 9984 : i32
        %dma_start3A_33 = arith.constant 0 : i32
        %dma_start3A_34 = tpu.memref_slice %arg5[%dma_start3A_32, %dma_start3A_33] : memref<10000x128xf32, #tpu.memory_space<vmem_shared>> -> memref<16x128xf32, #tpu.memory_space<vmem_shared>>
        %dma_start3A_35 = arith.constant 0 : i32
        %dma_start3A_36 = arith.constant 0 : i32
        %dma_start3A_37 = tpu.memref_slice %arg7[%dma_start3A_35, %dma_start3A_36] : memref<80x128xf32, #tpu.memory_space<vmem>> -> memref<16x128xf32, #tpu.memory_space<vmem>>
        %dma_start3A_38 = arith.constant 9984 : i32
        %dma_start3A_39 = arith.constant 0 : i32
        %dma_start3A_40 = tpu.memref_slice %arg5[%dma_start3A_38, %dma_start3A_39] : memref<10000x128xf32, #tpu.memory_space<vmem_shared>> -> memref<16x128xf32, #tpu.memory_space<vmem_shared>>
        tpu.enqueue_dma source(%dma_start3A_40 : memref<16x128xf32, #tpu.memory_space<vmem_shared>>) target(%dma_start3A_37 : memref<16x128xf32, #tpu.memory_space<vmem>>) target_semaphore(%run_scoped3A : memref<!tpu.dma_semaphore, #tpu.memory_space<semaphore_mem>>)
        %dma_wait3A = arith.constant 0 : i32
        %dma_wait3A_41 = arith.constant 0 : i32
        %dma_wait3A_42 = tpu.memref_slice %arg7[%dma_wait3A, %dma_wait3A_41] : memref<80x128xf32, #tpu.memory_space<vmem>> -> memref<16x128xf32, #tpu.memory_space<vmem>>
        %dma_wait3A_43 = arith.constant 9984 : i32
        %dma_wait3A_44 = arith.constant 0 : i32
        %dma_wait3A_45 = tpu.memref_slice %arg5[%dma_wait3A_43, %dma_wait3A_44] : memref<10000x128xf32, #tpu.memory_space<vmem_shared>> -> memref<16x128xf32, #tpu.memory_space<vmem_shared>>
        %dma_wait3A_46 = arith.constant 0 : i32
        %dma_wait3A_47 = arith.constant 0 : i32
        %dma_wait3A_48 = tpu.memref_slice %arg7[%dma_wait3A_46, %dma_wait3A_47] : memref<80x128xf32, #tpu.memory_space<vmem>> -> memref<16x128xf32, #tpu.memory_space<vmem>>
        %dma_wait3A_49 = arith.constant 9984 : i32
        %dma_wait3A_50 = arith.constant 0 : i32
        %dma_wait3A_51 = tpu.memref_slice %arg5[%dma_wait3A_49, %dma_wait3A_50] : memref<10000x128xf32, #tpu.memory_space<vmem_shared>> -> memref<16x128xf32, #tpu.memory_space<vmem_shared>>
        tpu.wait_dma2 semaphore(%run_scoped3A : memref<!tpu.dma_semaphore, #tpu.memory_space<semaphore_mem>>) src(%dma_wait3A_51 : memref<16x128xf32, #tpu.memory_space<vmem_shared>>) dst(%dma_wait3A_48 : memref<16x128xf32, #tpu.memory_space<vmem>>)
        tpu.yield
      }) : () -> ()
      "tpu.region"() ({
        %run_scoped3A = tpu.sem_alloc : memref<!tpu.dma_semaphore, #tpu.memory_space<semaphore_mem>>
        %dma_start3A = arith.constant 0 : i32
        %dma_start3A_30 = arith.constant 0 : i32
        %dma_start3A_31 = tpu.memref_slice %arg7[%dma_start3A, %dma_start3A_30] : memref<80x128xf32, #tpu.memory_space<vmem>> -> memref<16x128xf32, #tpu.memory_space<vmem>>
        %dma_start3A_32 = arith.constant 9984 : i32
        %dma_start3A_33 = arith.constant 0 : i32
        %dma_start3A_34 = tpu.memref_slice %arg4[%arg0, %dma_start3A_32, %dma_start3A_33] : memref<2x10000x128xf32, #tpu.memory_space<hbm>> -> memref<1x16x128xf32, #tpu.memory_space<hbm>>
        %dma_start3A_35 = tpu.memref_squeeze %dma_start3A_34 : memref<1x16x128xf32, #tpu.memory_space<hbm>> -> memref<16x128xf32, #tpu.memory_space<hbm>>
        %dma_start3A_36 = arith.constant 9984 : i32
        %dma_start3A_37 = arith.constant 0 : i32
        %dma_start3A_38 = tpu.memref_slice %arg4[%arg0, %dma_start3A_36, %dma_start3A_37] : memref<2x10000x128xf32, #tpu.memory_space<hbm>> -> memref<1x16x128xf32, #tpu.memory_space<hbm>>
        %dma_start3A_39 = tpu.memref_squeeze %dma_start3A_38 : memref<1x16x128xf32, #tpu.memory_space<hbm>> -> memref<16x128xf32, #tpu.memory_space<hbm>>
        %dma_start3A_40 = arith.constant 0 : i32
        %dma_start3A_41 = arith.constant 0 : i32
        %dma_start3A_42 = tpu.memref_slice %arg7[%dma_start3A_40, %dma_start3A_41] : memref<80x128xf32, #tpu.memory_space<vmem>> -> memref<16x128xf32, #tpu.memory_space<vmem>>
        tpu.enqueue_dma source(%dma_start3A_42 : memref<16x128xf32, #tpu.memory_space<vmem>>) target(%dma_start3A_39 : memref<16x128xf32, #tpu.memory_space<hbm>>) target_semaphore(%run_scoped3A : memref<!tpu.dma_semaphore, #tpu.memory_space<semaphore_mem>>)
        %dma_wait3A = arith.constant 0 : i32
        %dma_wait3A_43 = arith.constant 0 : i32
        %dma_wait3A_44 = tpu.memref_slice %arg7[%dma_wait3A, %dma_wait3A_43] : memref<80x128xf32, #tpu.memory_space<vmem>> -> memref<16x128xf32, #tpu.memory_space<vmem>>
        %dma_wait3A_45 = arith.constant 9984 : i32
        %dma_wait3A_46 = arith.constant 0 : i32
        %dma_wait3A_47 = tpu.memref_slice %arg4[%arg0, %dma_wait3A_45, %dma_wait3A_46] : memref<2x10000x128xf32, #tpu.memory_space<hbm>> -> memref<1x16x128xf32, #tpu.memory_space<hbm>>
        %dma_wait3A_48 = tpu.memref_squeeze %dma_wait3A_47 : memref<1x16x128xf32, #tpu.memory_space<hbm>> -> memref<16x128xf32, #tpu.memory_space<hbm>>
        %dma_wait3A_49 = arith.constant 9984 : i32
        %dma_wait3A_50 = arith.constant 0 : i32
        %dma_wait3A_51 = tpu.memref_slice %arg4[%arg0, %dma_wait3A_49, %dma_wait3A_50] : memref<2x10000x128xf32, #tpu.memory_space<hbm>> -> memref<1x16x128xf32, #tpu.memory_space<hbm>>
        %dma_wait3A_52 = tpu.memref_squeeze %dma_wait3A_51 : memref<1x16x128xf32, #tpu.memory_space<hbm>> -> memref<16x128xf32, #tpu.memory_space<hbm>>
        %dma_wait3A_53 = arith.constant 0 : i32
        %dma_wait3A_54 = arith.constant 0 : i32
        %dma_wait3A_55 = tpu.memref_slice %arg7[%dma_wait3A_53, %dma_wait3A_54] : memref<80x128xf32, #tpu.memory_space<vmem>> -> memref<16x128xf32, #tpu.memory_space<vmem>>
        tpu.wait_dma2 semaphore(%run_scoped3A : memref<!tpu.dma_semaphore, #tpu.memory_space<semaphore_mem>>) src(%dma_wait3A_55 : memref<16x128xf32, #tpu.memory_space<vmem>>) dst(%dma_wait3A_52 : memref<16x128xf32, #tpu.memory_space<hbm>>)
        tpu.yield
      }) : () -> ()
    } else {
    }
    return
  }
}

#map = affine_map<(d0, d1) -> (0, 0)>
#map1 = affine_map<(d0, d1) -> (0, 0, 0, 0, 0)>
#map2 = affine_map<(d0, d1) -> (0, 0, 0)>
module attributes {stable_mosaic.version = 14 : i64} {
  func.func @sc_scatter(%arg0: i32, %arg1: i32, %arg2: memref<10000x128xf32, #tpu.memory_space<hbm>>, %arg3: memref<32x5x25x3x80xi32, #tpu.memory_space<hbm>>, %arg4: memref<2x10000x128xf32, #tpu.memory_space<hbm>>, %arg5: memref<10000x128xf32, #tpu.memory_space<vmem_shared>>, %arg6: memref<25x3x80xi32, #tpu.memory_space<vmem>>, %arg7: memref<80x128xf32, #tpu.memory_space<vmem>>) attributes {dimension_semantics = [#tpu.dimension_semantics<core_parallel>, #tpu.dimension_semantics<subcore_parallel>], iteration_bounds = array<i64: 2, 16>, scalar_prefetch = 0 : i64, scratch_operands = 3 : i64, tpu.core_type = #tpu.core_type<sc_vector_subcore>, window_params = [{transform_indices = #map}, {transform_indices = #map1}, {transform_indices = #map2}]} {
    %mul3A = arith.constant 16 : i32
    %mul3A_0 = arith.muli %arg0, %mul3A : i32
    %add3A = arith.addi %mul3A_0, %arg1 : i32
    %scan3A = arith.constant 0 : i32
    %scan3A_1 = arith.constant 48 : i32
    %scan3A_2 = arith.addi %scan3A, %scan3A_1 : i32
    %scan3A_3 = arith.constant 1 : i32
    scf.for %scan3A_30 = %scan3A to %scan3A_2 step %scan3A_3  : i32 {
      %mul3A_31 = arith.constant 1 : i32
      %mul3A_32 = arith.muli %scan3A_30, %mul3A_31 : i32
      %add3A_33 = arith.constant 0 : i32
      %add3A_34 = arith.addi %add3A_33, %mul3A_32 : i32
      %broadcast_in_dim3A = arith.constant 0.000000e+00 : f32
      %broadcast_in_dim3A_35 = vector.broadcast %broadcast_in_dim3A : f32 to vector<16xf32>
      %swap3A = arith.index_cast %add3A_34 : i32 to index
      %swap3A_36 = arith.constant 0 : index
      %swap3A_37 = tpu.vector_load %arg7[%swap3A, %swap3A_36] {strides = array<i32>} : memref<80x128xf32, #tpu.memory_space<vmem>>, vector<1x16xf32>,
      %swap3A_38 = vector.shape_cast %swap3A_37 : vector<1x16xf32> to vector<16xf32>
      %swap3A_39 = vector.shape_cast %broadcast_in_dim3A_35 : vector<16xf32> to vector<1x16xf32>
      tpu.vector_store %arg7[%swap3A, %swap3A_36], %swap3A_39 {strides = array<i32>} : memref<80x128xf32, #tpu.memory_space<vmem>>, vector<1x16xf32>,
      %broadcast_in_dim3A_40 = arith.constant 0.000000e+00 : f32
      %broadcast_in_dim3A_41 = vector.broadcast %broadcast_in_dim3A_40 : f32 to vector<16xf32>
      %swap3A_42 = arith.index_cast %add3A_34 : i32 to index
      %swap3A_43 = arith.constant 16 : index
      %swap3A_44 = tpu.vector_load %arg7[%swap3A_42, %swap3A_43] {strides = array<i32>} : memref<80x128xf32, #tpu.memory_space<vmem>>, vector<1x16xf32>,
      %swap3A_45 = vector.shape_cast %swap3A_44 : vector<1x16xf32> to vector<16xf32>
      %swap3A_46 = vector.shape_cast %broadcast_in_dim3A_41 : vector<16xf32> to vector<1x16xf32>
      tpu.vector_store %arg7[%swap3A_42, %swap3A_43], %swap3A_46 {strides = array<i32>} : memref<80x128xf32, #tpu.memory_space<vmem>>, vector<1x16xf32>,
      %broadcast_in_dim3A_47 = arith.constant 0.000000e+00 : f32
      %broadcast_in_dim3A_48 = vector.broadcast %broadcast_in_dim3A_47 : f32 to vector<16xf32>
      %swap3A_49 = arith.index_cast %add3A_34 : i32 to index
      %swap3A_50 = arith.constant 32 : index
      %swap3A_51 = tpu.vector_load %arg7[%swap3A_49, %swap3A_50] {strides = array<i32>} : memref<80x128xf32, #tpu.memory_space<vmem>>, vector<1x16xf32>,
      %swap3A_52 = vector.shape_cast %swap3A_51 : vector<1x16xf32> to vector<16xf32>
      %swap3A_53 = vector.shape_cast %broadcast_in_dim3A_48 : vector<16xf32> to vector<1x16xf32>
      tpu.vector_store %arg7[%swap3A_49, %swap3A_50], %swap3A_53 {strides = array<i32>} : memref<80x128xf32, #tpu.memory_space<vmem>>, vector<1x16xf32>,
      %broadcast_in_dim3A_54 = arith.constant 0.000000e+00 : f32
      %broadcast_in_dim3A_55 = vector.broadcast %broadcast_in_dim3A_54 : f32 to vector<16xf32>
      %swap3A_56 = arith.index_cast %add3A_34 : i32 to index
      %swap3A_57 = arith.constant 48 : index
      %swap3A_58 = tpu.vector_load %arg7[%swap3A_56, %swap3A_57] {strides = array<i32>} : memref<80x128xf32, #tpu.memory_space<vmem>>, vector<1x16xf32>,
      %swap3A_59 = vector.shape_cast %swap3A_58 : vector<1x16xf32> to vector<16xf32>
      %swap3A_60 = vector.shape_cast %broadcast_in_dim3A_55 : vector<16xf32> to vector<1x16xf32>
      tpu.vector_store %arg7[%swap3A_56, %swap3A_57], %swap3A_60 {strides = array<i32>} : memref<80x128xf32, #tpu.memory_space<vmem>>, vector<1x16xf32>,
      %broadcast_in_dim3A_61 = arith.constant 0.000000e+00 : f32
      %broadcast_in_dim3A_62 = vector.broadcast %broadcast_in_dim3A_61 : f32 to vector<16xf32>
      %swap3A_63 = arith.index_cast %add3A_34 : i32 to index
      %swap3A_64 = arith.constant 64 : index
      %swap3A_65 = tpu.vector_load %arg7[%swap3A_63, %swap3A_64] {strides = array<i32>} : memref<80x128xf32, #tpu.memory_space<vmem>>, vector<1x16xf32>,
      %swap3A_66 = vector.shape_cast %swap3A_65 : vector<1x16xf32> to vector<16xf32>
      %swap3A_67 = vector.shape_cast %broadcast_in_dim3A_62 : vector<16xf32> to vector<1x16xf32>
      tpu.vector_store %arg7[%swap3A_63, %swap3A_64], %swap3A_67 {strides = array<i32>} : memref<80x128xf32, #tpu.memory_space<vmem>>, vector<1x16xf32>,
      %broadcast_in_dim3A_68 = arith.constant 0.000000e+00 : f32
      %broadcast_in_dim3A_69 = vector.broadcast %broadcast_in_dim3A_68 : f32 to vector<16xf32>
      %swap3A_70 = arith.index_cast %add3A_34 : i32 to index
      %swap3A_71 = arith.constant 80 : index
      %swap3A_72 = tpu.vector_load %arg7[%swap3A_70, %swap3A_71] {strides = array<i32>} : memref<80x128xf32, #tpu.memory_space<vmem>>, vector<1x16xf32>,
      %swap3A_73 = vector.shape_cast %swap3A_72 : vector<1x16xf32> to vector<16xf32>
      %swap3A_74 = vector.shape_cast %broadcast_in_dim3A_69 : vector<16xf32> to vector<1x16xf32>
      tpu.vector_store %arg7[%swap3A_70, %swap3A_71], %swap3A_74 {strides = array<i32>} : memref<80x128xf32, #tpu.memory_space<vmem>>, vector<1x16xf32>,
      %broadcast_in_dim3A_75 = arith.constant 0.000000e+00 : f32
      %broadcast_in_dim3A_76 = vector.broadcast %broadcast_in_dim3A_75 : f32 to vector<16xf32>
      %swap3A_77 = arith.index_cast %add3A_34 : i32 to index
      %swap3A_78 = arith.constant 96 : index
      %swap3A_79 = tpu.vector_load %arg7[%swap3A_77, %swap3A_78] {strides = array<i32>} : memref<80x128xf32, #tpu.memory_space<vmem>>, vector<1x16xf32>,
      %swap3A_80 = vector.shape_cast %swap3A_79 : vector<1x16xf32> to vector<16xf32>
      %swap3A_81 = vector.shape_cast %broadcast_in_dim3A_76 : vector<16xf32> to vector<1x16xf32>
      tpu.vector_store %arg7[%swap3A_77, %swap3A_78], %swap3A_81 {strides = array<i32>} : memref<80x128xf32, #tpu.memory_space<vmem>>, vector<1x16xf32>,
      %broadcast_in_dim3A_82 = arith.constant 0.000000e+00 : f32
      %broadcast_in_dim3A_83 = vector.broadcast %broadcast_in_dim3A_82 : f32 to vector<16xf32>
      %swap3A_84 = arith.index_cast %add3A_34 : i32 to index
      %swap3A_85 = arith.constant 112 : index
      %swap3A_86 = tpu.vector_load %arg7[%swap3A_84, %swap3A_85] {strides = array<i32>} : memref<80x128xf32, #tpu.memory_space<vmem>>, vector<1x16xf32>,
      %swap3A_87 = vector.shape_cast %swap3A_86 : vector<1x16xf32> to vector<16xf32>
      %swap3A_88 = vector.shape_cast %broadcast_in_dim3A_83 : vector<16xf32> to vector<1x16xf32>
      tpu.vector_store %arg7[%swap3A_84, %swap3A_85], %swap3A_88 {strides = array<i32>} : memref<80x128xf32, #tpu.memory_space<vmem>>, vector<1x16xf32>,
    }
    %scan3A_4 = arith.constant 48 : i32
    %mul3A_5 = arith.constant 624 : i32
    %mul3A_6 = arith.muli %arg1, %mul3A_5 : i32
    %scan3A_7 = arith.constant 0 : i32
    %scan3A_8 = arith.constant 13 : i32
    %scan3A_9 = arith.addi %scan3A_7, %scan3A_8 : i32
    %scan3A_10 = arith.constant 1 : i32
    scf.for %scan3A_30 = %scan3A_7 to %scan3A_9 step %scan3A_10  : i32 {
      %mul3A_31 = arith.constant 1 : i32
      %mul3A_32 = arith.muli %scan3A_30, %mul3A_31 : i32
      %add3A_33 = arith.constant 0 : i32
      %add3A_34 = arith.addi %add3A_33, %mul3A_32 : i32
      %mul3A_35 = arith.constant 48 : i32
      %mul3A_36 = arith.muli %add3A_34, %mul3A_35 : i32
      %add3A_37 = arith.addi %mul3A_6, %mul3A_36 : i32
      "tpu.region"() ({
        %run_scoped3A = tpu.sem_alloc : memref<!tpu.dma_semaphore, #tpu.memory_space<semaphore_mem>>
        %dma_start3A = arith.constant 0 : i32
        %dma_start3A_38 = arith.constant 0 : i32
        %dma_start3A_39 = tpu.memref_slice %arg7[%dma_start3A, %dma_start3A_38] : memref<80x128xf32, #tpu.memory_space<vmem>> -> memref<48x128xf32, #tpu.memory_space<vmem>>
        %dma_start3A_40 = arith.constant 0 : i32
        %dma_start3A_41 = tpu.memref_slice %arg5[%add3A_37, %dma_start3A_40] : memref<10000x128xf32, #tpu.memory_space<vmem_shared>> -> memref<48x128xf32, #tpu.memory_space<vmem_shared>>
        %dma_start3A_42 = arith.constant 0 : i32
        %dma_start3A_43 = tpu.memref_slice %arg5[%add3A_37, %dma_start3A_42] : memref<10000x128xf32, #tpu.memory_space<vmem_shared>> -> memref<48x128xf32, #tpu.memory_space<vmem_shared>>
        %dma_start3A_44 = arith.constant 0 : i32
        %dma_start3A_45 = arith.constant 0 : i32
        %dma_start3A_46 = tpu.memref_slice %arg7[%dma_start3A_44, %dma_start3A_45] : memref<80x128xf32, #tpu.memory_space<vmem>> -> memref<48x128xf32, #tpu.memory_space<vmem>>
        tpu.enqueue_dma source(%dma_start3A_46 : memref<48x128xf32, #tpu.memory_space<vmem>>) target(%dma_start3A_43 : memref<48x128xf32, #tpu.memory_space<vmem_shared>>) target_semaphore(%run_scoped3A : memref<!tpu.dma_semaphore, #tpu.memory_space<semaphore_mem>>)
        %dma_wait3A = arith.constant 0 : i32
        %dma_wait3A_47 = arith.constant 0 : i32
        %dma_wait3A_48 = tpu.memref_slice %arg7[%dma_wait3A, %dma_wait3A_47] : memref<80x128xf32, #tpu.memory_space<vmem>> -> memref<48x128xf32, #tpu.memory_space<vmem>>
        %dma_wait3A_49 = arith.constant 0 : i32
        %dma_wait3A_50 = tpu.memref_slice %arg5[%add3A_37, %dma_wait3A_49] : memref<10000x128xf32, #tpu.memory_space<vmem_shared>> -> memref<48x128xf32, #tpu.memory_space<vmem_shared>>
        %dma_wait3A_51 = arith.constant 0 : i32
        %dma_wait3A_52 = tpu.memref_slice %arg5[%add3A_37, %dma_wait3A_51] : memref<10000x128xf32, #tpu.memory_space<vmem_shared>> -> memref<48x128xf32, #tpu.memory_space<vmem_shared>>
        %dma_wait3A_53 = arith.constant 0 : i32
        %dma_wait3A_54 = arith.constant 0 : i32
        %dma_wait3A_55 = tpu.memref_slice %arg7[%dma_wait3A_53, %dma_wait3A_54] : memref<80x128xf32, #tpu.memory_space<vmem>> -> memref<48x128xf32, #tpu.memory_space<vmem>>
        tpu.wait_dma2 semaphore(%run_scoped3A : memref<!tpu.dma_semaphore, #tpu.memory_space<semaphore_mem>>) src(%dma_wait3A_55 : memref<48x128xf32, #tpu.memory_space<vmem>>) dst(%dma_wait3A_52 : memref<48x128xf32, #tpu.memory_space<vmem_shared>>)
        tpu.yield
      }) : () -> ()
    }
    %scan3A_11 = arith.constant 13 : i32
    %eq3A = arith.constant 15 : i32
    %eq3A_12 = arith.cmpi eq, %arg1, %eq3A : i32
    %convert_element_type3A = arith.extui %eq3A_12 : i1 to i32
    %cond3A = arith.constant 0 : i32
    %cond3A_13 = arith.cmpi ne, %convert_element_type3A, %cond3A : i32
    scf.if %cond3A_13 {
      "tpu.region"() ({
        %run_scoped3A = tpu.sem_alloc : memref<!tpu.dma_semaphore, #tpu.memory_space<semaphore_mem>>
        %dma_start3A = arith.constant 0 : i32
        %dma_start3A_30 = arith.constant 0 : i32
        %dma_start3A_31 = tpu.memref_slice %arg7[%dma_start3A, %dma_start3A_30] : memref<80x128xf32, #tpu.memory_space<vmem>> -> memref<16x128xf32, #tpu.memory_space<vmem>>
        %dma_start3A_32 = arith.constant 9984 : i32
        %dma_start3A_33 = arith.constant 0 : i32
        %dma_start3A_34 = tpu.memref_slice %arg5[%dma_start3A_32, %dma_start3A_33] : memref<10000x128xf32, #tpu.memory_space<vmem_shared>> -> memref<16x128xf32, #tpu.memory_space<vmem_shared>>
        %dma_start3A_35 = arith.constant 9984 : i32
        %dma_start3A_36 = arith.constant 0 : i32
        %dma_start3A_37 = tpu.memref_slice %arg5[%dma_start3A_35, %dma_start3A_36] : memref<10000x128xf32, #tpu.memory_space<vmem_shared>> -> memref<16x128xf32, #tpu.memory_space<vmem_shared>>
        %dma_start3A_38 = arith.constant 0 : i32
        %dma_start3A_39 = arith.constant 0 : i32
        %dma_start3A_40 = tpu.memref_slice %arg7[%dma_start3A_38, %dma_start3A_39] : memref<80x128xf32, #tpu.memory_space<vmem>> -> memref<16x128xf32, #tpu.memory_space<vmem>>
        tpu.enqueue_dma source(%dma_start3A_40 : memref<16x128xf32, #tpu.memory_space<vmem>>) target(%dma_start3A_37 : memref<16x128xf32, #tpu.memory_space<vmem_shared>>) target_semaphore(%run_scoped3A : memref<!tpu.dma_semaphore, #tpu.memory_space<semaphore_mem>>)
        %dma_wait3A = arith.constant 0 : i32
        %dma_wait3A_41 = arith.constant 0 : i32
        %dma_wait3A_42 = tpu.memref_slice %arg7[%dma_wait3A, %dma_wait3A_41] : memref<80x128xf32, #tpu.memory_space<vmem>> -> memref<16x128xf32, #tpu.memory_space<vmem>>
        %dma_wait3A_43 = arith.constant 9984 : i32
        %dma_wait3A_44 = arith.constant 0 : i32
        %dma_wait3A_45 = tpu.memref_slice %arg5[%dma_wait3A_43, %dma_wait3A_44] : memref<10000x128xf32, #tpu.memory_space<vmem_shared>> -> memref<16x128xf32, #tpu.memory_space<vmem_shared>>
        %dma_wait3A_46 = arith.constant 9984 : i32
        %dma_wait3A_47 = arith.constant 0 : i32
        %dma_wait3A_48 = tpu.memref_slice %arg5[%dma_wait3A_46, %dma_wait3A_47] : memref<10000x128xf32, #tpu.memory_space<vmem_shared>> -> memref<16x128xf32, #tpu.memory_space<vmem_shared>>
        %dma_wait3A_49 = arith.constant 0 : i32
        %dma_wait3A_50 = arith.constant 0 : i32
        %dma_wait3A_51 = tpu.memref_slice %arg7[%dma_wait3A_49, %dma_wait3A_50] : memref<80x128xf32, #tpu.memory_space<vmem>> -> memref<16x128xf32, #tpu.memory_space<vmem>>
        tpu.wait_dma2 semaphore(%run_scoped3A : memref<!tpu.dma_semaphore, #tpu.memory_space<semaphore_mem>>) src(%dma_wait3A_51 : memref<16x128xf32, #tpu.memory_space<vmem>>) dst(%dma_wait3A_48 : memref<16x128xf32, #tpu.memory_space<vmem_shared>>)
        tpu.yield
      }) : () -> ()
    } else {
    }
    %barrier3A = arith.constant 0 : index
    tpu.barrier barrier_id(%barrier3A)
    %scan3A_14 = arith.constant 0 : i32
    %scan3A_15 = arith.constant 5 : i32
    %scan3A_16 = arith.addi %scan3A_14, %scan3A_15 : i32
    %scan3A_17 = arith.constant 1 : i32
    scf.for %scan3A_30 = %scan3A_14 to %scan3A_16 step %scan3A_17  : i32 {
      %mul3A_31 = arith.constant 1 : i32
      %mul3A_32 = arith.muli %scan3A_30, %mul3A_31 : i32
      %add3A_33 = arith.constant 0 : i32
      %add3A_34 = arith.addi %add3A_33, %mul3A_32 : i32
      "tpu.region"() ({
        %run_scoped3A = tpu.sem_alloc : memref<!tpu.dma_semaphore, #tpu.memory_space<semaphore_mem>>
        %dma_start3A = arith.constant 0 : i32
        %dma_start3A_40 = arith.constant 0 : i32
        %dma_start3A_41 = arith.constant 0 : i32
        %dma_start3A_42 = tpu.memref_slice %arg3[%add3A, %add3A_34, %dma_start3A, %dma_start3A_40, %dma_start3A_41] : memref<32x5x25x3x80xi32, #tpu.memory_space<hbm>> -> memref<1x1x25x3x80xi32, #tpu.memory_space<hbm>>
        %dma_start3A_43 = tpu.memref_squeeze %dma_start3A_42 : memref<1x1x25x3x80xi32, #tpu.memory_space<hbm>> -> memref<25x3x80xi32, #tpu.memory_space<hbm>>
        %dma_start3A_44 = arith.constant 0 : i32
        %dma_start3A_45 = arith.constant 0 : i32
        %dma_start3A_46 = arith.constant 0 : i32
        %dma_start3A_47 = tpu.memref_slice %arg3[%add3A, %add3A_34, %dma_start3A_44, %dma_start3A_45, %dma_start3A_46] : memref<32x5x25x3x80xi32, #tpu.memory_space<hbm>> -> memref<1x1x25x3x80xi32, #tpu.memory_space<hbm>>
        %dma_start3A_48 = tpu.memref_squeeze %dma_start3A_47 : memref<1x1x25x3x80xi32, #tpu.memory_space<hbm>> -> memref<25x3x80xi32, #tpu.memory_space<hbm>>
        tpu.enqueue_dma source(%dma_start3A_48 : memref<25x3x80xi32, #tpu.memory_space<hbm>>) target(%arg6 : memref<25x3x80xi32, #tpu.memory_space<vmem>>) target_semaphore(%run_scoped3A : memref<!tpu.dma_semaphore, #tpu.memory_space<semaphore_mem>>)
        %dma_wait3A = arith.constant 0 : i32
        %dma_wait3A_49 = arith.constant 0 : i32
        %dma_wait3A_50 = arith.constant 0 : i32
        %dma_wait3A_51 = tpu.memref_slice %arg3[%add3A, %add3A_34, %dma_wait3A, %dma_wait3A_49, %dma_wait3A_50] : memref<32x5x25x3x80xi32, #tpu.memory_space<hbm>> -> memref<1x1x25x3x80xi32, #tpu.memory_space<hbm>>
        %dma_wait3A_52 = tpu.memref_squeeze %dma_wait3A_51 : memref<1x1x25x3x80xi32, #tpu.memory_space<hbm>> -> memref<25x3x80xi32, #tpu.memory_space<hbm>>
        %dma_wait3A_53 = arith.constant 0 : i32
        %dma_wait3A_54 = arith.constant 0 : i32
        %dma_wait3A_55 = arith.constant 0 : i32
        %dma_wait3A_56 = tpu.memref_slice %arg3[%add3A, %add3A_34, %dma_wait3A_53, %dma_wait3A_54, %dma_wait3A_55] : memref<32x5x25x3x80xi32, #tpu.memory_space<hbm>> -> memref<1x1x25x3x80xi32, #tpu.memory_space<hbm>>
        %dma_wait3A_57 = tpu.memref_squeeze %dma_wait3A_56 : memref<1x1x25x3x80xi32, #tpu.memory_space<hbm>> -> memref<25x3x80xi32, #tpu.memory_space<hbm>>
        tpu.wait_dma2 semaphore(%run_scoped3A : memref<!tpu.dma_semaphore, #tpu.memory_space<semaphore_mem>>) src(%dma_wait3A_57 : memref<25x3x80xi32, #tpu.memory_space<hbm>>) dst(%arg6 : memref<25x3x80xi32, #tpu.memory_space<vmem>>)
        tpu.yield
      }) : () -> ()
      %scan3A_35 = arith.constant 0 : i32
      %scan3A_36 = arith.constant 25 : i32
      %scan3A_37 = arith.addi %scan3A_35, %scan3A_36 : i32
      %scan3A_38 = arith.constant 1 : i32
      scf.for %scan3A_40 = %scan3A_35 to %scan3A_37 step %scan3A_38  : i32 {
        %mul3A_41 = arith.constant 1 : i32
        %mul3A_42 = arith.muli %scan3A_40, %mul3A_41 : i32
        %add3A_43 = arith.constant 0 : i32
        %add3A_44 = arith.addi %add3A_43, %mul3A_42 : i32
        %run_scoped3A = arith.constant 0 : i32
        "tpu.region"() ({
          %run_scoped3A_51 = tpu.sem_alloc : memref<!tpu.dma_semaphore, #tpu.memory_space<semaphore_mem>>
          %dma_start3A = arith.constant 0 : i32
          %dma_start3A_52 = tpu.memref_slice %arg6[%add3A_44, %run_scoped3A, %dma_start3A] : memref<25x3x80xi32, #tpu.memory_space<vmem>> -> memref<1x1x80xi32, #tpu.memory_space<vmem>>
          %dma_start3A_53 = tpu.memref_squeeze %dma_start3A_52 : memref<1x1x80xi32, #tpu.memory_space<vmem>> -> memref<80xi32, #tpu.memory_space<vmem>>
          %dma_start3A_54 = arith.constant 0 : i32
          %dma_start3A_55 = arith.constant 0 : i32
          %dma_start3A_56 = tpu.memref_slice %arg2[%dma_start3A_54, %dma_start3A_55] : memref<10000x128xf32, #tpu.memory_space<hbm>> -> memref<10000x128xf32, #tpu.memory_space<hbm>>
          tpu.enqueue_indirect_dma source(%dma_start3A_56 : memref<10000x128xf32, #tpu.memory_space<hbm>>) target(%arg7 : memref<80x128xf32, #tpu.memory_space<vmem>>) offsets(%dma_start3A_53 : memref<80xi32, #tpu.memory_space<vmem>>) semaphore(%run_scoped3A_51 : memref<!tpu.dma_semaphore, #tpu.memory_space<semaphore_mem>>)
          %dma_wait3A = arith.constant 0 : i32
          %dma_wait3A_57 = tpu.memref_slice %arg6[%add3A_44, %run_scoped3A, %dma_wait3A] : memref<25x3x80xi32, #tpu.memory_space<vmem>> -> memref<1x1x80xi32, #tpu.memory_space<vmem>>
          %dma_wait3A_58 = tpu.memref_squeeze %dma_wait3A_57 : memref<1x1x80xi32, #tpu.memory_space<vmem>> -> memref<80xi32, #tpu.memory_space<vmem>>
          %dma_wait3A_59 = arith.constant 0 : i32
          %dma_wait3A_60 = arith.constant 0 : i32
          %dma_wait3A_61 = tpu.memref_slice %arg2[%dma_wait3A_59, %dma_wait3A_60] : memref<10000x128xf32, #tpu.memory_space<hbm>> -> memref<10000x128xf32, #tpu.memory_space<hbm>>
          tpu.wait_indirect_dma semaphore(%run_scoped3A_51 : memref<!tpu.dma_semaphore, #tpu.memory_space<semaphore_mem>>) src(%dma_wait3A_61 : memref<10000x128xf32, #tpu.memory_space<hbm>>) dst(%arg7 : memref<80x128xf32, #tpu.memory_space<vmem>>)
          tpu.yield
        }) : () -> ()
        %scan3A_45 = arith.constant 0 : i32
        %scan3A_46 = arith.constant 5 : i32
        %scan3A_47 = arith.addi %scan3A_45, %scan3A_46 : i32
        %scan3A_48 = arith.constant 1 : i32
        scf.for %scan3A_51 = %scan3A_45 to %scan3A_47 step %scan3A_48  : i32 {
          %mul3A_52 = arith.constant 1 : i32
          %mul3A_53 = arith.muli %scan3A_51, %mul3A_52 : i32
          %add3A_54 = arith.constant 0 : i32
          %add3A_55 = arith.addi %add3A_54, %mul3A_53 : i32
          %mul3A_56 = arith.constant 16 : i32
          %mul3A_57 = arith.muli %add3A_55, %mul3A_56 : i32
          %get3A = arith.constant 2 : i32
          %get3A_58 = arith.index_cast %add3A_44 : i32 to index
          %get3A_59 = arith.index_cast %get3A : i32 to index
          %get3A_60 = arith.index_cast %mul3A_57 : i32 to index
          %get3A_61 = tpu.vector_load %arg6[%get3A_58, %get3A_59, %get3A_60] {strides = array<i32>} : memref<25x3x80xi32, #tpu.memory_space<vmem>>, vector<1x1x16xi32>,
          %get3A_62 = vector.shape_cast %get3A_61 : vector<1x1x16xi32> to vector<16xi32>
          %bitcast_convert_type3A = tpu.bitcast %get3A_62 : vector<16xi32> -> vector<16xf32>
          %slice3A = vector.extract_strided_slice %bitcast_convert_type3A {offsets = [0], sizes = [1], strides = [1]} : vector<16xf32> to vector<1xf32>
          %squeeze3A = vector.extract %slice3A[0] : f32 from vector<1xf32>
          %broadcast_in_dim3A = vector.broadcast %squeeze3A : f32 to vector<16xf32>
          %mul3A_63 = arith.constant 16 : i32
          %mul3A_64 = arith.muli %add3A_55, %mul3A_63 : i32
          %add3A_65 = arith.constant 0 : i32
          %add3A_66 = arith.addi %mul3A_64, %add3A_65 : i32
          %get3A_67 = arith.index_cast %add3A_66 : i32 to index
          %get3A_68 = arith.constant 0 : index
          %get3A_69 = tpu.vector_load %arg7[%get3A_67, %get3A_68] {strides = array<i32>} : memref<80x128xf32, #tpu.memory_space<vmem>>, vector<1x16xf32>,
          %get3A_70 = vector.shape_cast %get3A_69 : vector<1x16xf32> to vector<16xf32>
          %mul3A_71 = arith.mulf %get3A_70, %broadcast_in_dim3A : vector<16xf32>
          %swap3A = arith.index_cast %add3A_66 : i32 to index
          %swap3A_72 = arith.constant 0 : index
          %swap3A_73 = tpu.vector_load %arg7[%swap3A, %swap3A_72] {strides = array<i32>} : memref<80x128xf32, #tpu.memory_space<vmem>>, vector<1x16xf32>,
          %swap3A_74 = vector.shape_cast %swap3A_73 : vector<1x16xf32> to vector<16xf32>
          %swap3A_75 = vector.shape_cast %mul3A_71 : vector<16xf32> to vector<1x16xf32>
          tpu.vector_store %arg7[%swap3A, %swap3A_72], %swap3A_75 {strides = array<i32>} : memref<80x128xf32, #tpu.memory_space<vmem>>, vector<1x16xf32>,
          %get3A_76 = arith.index_cast %add3A_66 : i32 to index
          %get3A_77 = arith.constant 16 : index
          %get3A_78 = tpu.vector_load %arg7[%get3A_76, %get3A_77] {strides = array<i32>} : memref<80x128xf32, #tpu.memory_space<vmem>>, vector<1x16xf32>,
          %get3A_79 = vector.shape_cast %get3A_78 : vector<1x16xf32> to vector<16xf32>
          %mul3A_80 = arith.mulf %get3A_79, %broadcast_in_dim3A : vector<16xf32>
          %swap3A_81 = arith.index_cast %add3A_66 : i32 to index
          %swap3A_82 = arith.constant 16 : index
          %swap3A_83 = tpu.vector_load %arg7[%swap3A_81, %swap3A_82] {strides = array<i32>} : memref<80x128xf32, #tpu.memory_space<vmem>>, vector<1x16xf32>,
          %swap3A_84 = vector.shape_cast %swap3A_83 : vector<1x16xf32> to vector<16xf32>
          %swap3A_85 = vector.shape_cast %mul3A_80 : vector<16xf32> to vector<1x16xf32>
          tpu.vector_store %arg7[%swap3A_81, %swap3A_82], %swap3A_85 {strides = array<i32>} : memref<80x128xf32, #tpu.memory_space<vmem>>, vector<1x16xf32>,
          %get3A_86 = arith.index_cast %add3A_66 : i32 to index
          %get3A_87 = arith.constant 32 : index
          %get3A_88 = tpu.vector_load %arg7[%get3A_86, %get3A_87] {strides = array<i32>} : memref<80x128xf32, #tpu.memory_space<vmem>>, vector<1x16xf32>,
          %get3A_89 = vector.shape_cast %get3A_88 : vector<1x16xf32> to vector<16xf32>
          %mul3A_90 = arith.mulf %get3A_89, %broadcast_in_dim3A : vector<16xf32>
          %swap3A_91 = arith.index_cast %add3A_66 : i32 to index
          %swap3A_92 = arith.constant 32 : index
          %swap3A_93 = tpu.vector_load %arg7[%swap3A_91, %swap3A_92] {strides = array<i32>} : memref<80x128xf32, #tpu.memory_space<vmem>>, vector<1x16xf32>,
          %swap3A_94 = vector.shape_cast %swap3A_93 : vector<1x16xf32> to vector<16xf32>
          %swap3A_95 = vector.shape_cast %mul3A_90 : vector<16xf32> to vector<1x16xf32>
          tpu.vector_store %arg7[%swap3A_91, %swap3A_92], %swap3A_95 {strides = array<i32>} : memref<80x128xf32, #tpu.memory_space<vmem>>, vector<1x16xf32>,
          %get3A_96 = arith.index_cast %add3A_66 : i32 to index
          %get3A_97 = arith.constant 48 : index
          %get3A_98 = tpu.vector_load %arg7[%get3A_96, %get3A_97] {strides = array<i32>} : memref<80x128xf32, #tpu.memory_space<vmem>>, vector<1x16xf32>,
          %get3A_99 = vector.shape_cast %get3A_98 : vector<1x16xf32> to vector<16xf32>
          %mul3A_100 = arith.mulf %get3A_99, %broadcast_in_dim3A : vector<16xf32>
          %swap3A_101 = arith.index_cast %add3A_66 : i32 to index
          %swap3A_102 = arith.constant 48 : index
          %swap3A_103 = tpu.vector_load %arg7[%swap3A_101, %swap3A_102] {strides = array<i32>} : memref<80x128xf32, #tpu.memory_space<vmem>>, vector<1x16xf32>,
          %swap3A_104 = vector.shape_cast %swap3A_103 : vector<1x16xf32> to vector<16xf32>
          %swap3A_105 = vector.shape_cast %mul3A_100 : vector<16xf32> to vector<1x16xf32>
          tpu.vector_store %arg7[%swap3A_101, %swap3A_102], %swap3A_105 {strides = array<i32>} : memref<80x128xf32, #tpu.memory_space<vmem>>, vector<1x16xf32>,
          %get3A_106 = arith.index_cast %add3A_66 : i32 to index
          %get3A_107 = arith.constant 64 : index
          %get3A_108 = tpu.vector_load %arg7[%get3A_106, %get3A_107] {strides = array<i32>} : memref<80x128xf32, #tpu.memory_space<vmem>>, vector<1x16xf32>,
          %get3A_109 = vector.shape_cast %get3A_108 : vector<1x16xf32> to vector<16xf32>
          %mul3A_110 = arith.mulf %get3A_109, %broadcast_in_dim3A : vector<16xf32>
          %swap3A_111 = arith.index_cast %add3A_66 : i32 to index
          %swap3A_112 = arith.constant 64 : index
          %swap3A_113 = tpu.vector_load %arg7[%swap3A_111, %swap3A_112] {strides = array<i32>} : memref<80x128xf32, #tpu.memory_space<vmem>>, vector<1x16xf32>,
          %swap3A_114 = vector.shape_cast %swap3A_113 : vector<1x16xf32> to vector<16xf32>
          %swap3A_115 = vector.shape_cast %mul3A_110 : vector<16xf32> to vector<1x16xf32>
          tpu.vector_store %arg7[%swap3A_111, %swap3A_112], %swap3A_115 {strides = array<i32>} : memref<80x128xf32, #tpu.memory_space<vmem>>, vector<1x16xf32>,
          %get3A_116 = arith.index_cast %add3A_66 : i32 to index
          %get3A_117 = arith.constant 80 : index
          %get3A_118 = tpu.vector_load %arg7[%get3A_116, %get3A_117] {strides = array<i32>} : memref<80x128xf32, #tpu.memory_space<vmem>>, vector<1x16xf32>,
          %get3A_119 = vector.shape_cast %get3A_118 : vector<1x16xf32> to vector<16xf32>
          %mul3A_120 = arith.mulf %get3A_119, %broadcast_in_dim3A : vector<16xf32>
          %swap3A_121 = arith.index_cast %add3A_66 : i32 to index
          %swap3A_122 = arith.constant 80 : index
          %swap3A_123 = tpu.vector_load %arg7[%swap3A_121, %swap3A_122] {strides = array<i32>} : memref<80x128xf32, #tpu.memory_space<vmem>>, vector<1x16xf32>,
          %swap3A_124 = vector.shape_cast %swap3A_123 : vector<1x16xf32> to vector<16xf32>
          %swap3A_125 = vector.shape_cast %mul3A_120 : vector<16xf32> to vector<1x16xf32>
          tpu.vector_store %arg7[%swap3A_121, %swap3A_122], %swap3A_125 {strides = array<i32>} : memref<80x128xf32, #tpu.memory_space<vmem>>, vector<1x16xf32>,
          %get3A_126 = arith.index_cast %add3A_66 : i32 to index
          %get3A_127 = arith.constant 96 : index
          %get3A_128 = tpu.vector_load %arg7[%get3A_126, %get3A_127] {strides = array<i32>} : memref<80x128xf32, #tpu.memory_space<vmem>>, vector<1x16xf32>,
          %get3A_129 = vector.shape_cast %get3A_128 : vector<1x16xf32> to vector<16xf32>
          %mul3A_130 = arith.mulf %get3A_129, %broadcast_in_dim3A : vector<16xf32>
          %swap3A_131 = arith.index_cast %add3A_66 : i32 to index
          %swap3A_132 = arith.constant 96 : index
          %swap3A_133 = tpu.vector_load %arg7[%swap3A_131, %swap3A_132] {strides = array<i32>} : memref<80x128xf32, #tpu.memory_space<vmem>>, vector<1x16xf32>,
          %swap3A_134 = vector.shape_cast %swap3A_133 : vector<1x16xf32> to vector<16xf32>
          %swap3A_135 = vector.shape_cast %mul3A_130 : vector<16xf32> to vector<1x16xf32>
          tpu.vector_store %arg7[%swap3A_131, %swap3A_132], %swap3A_135 {strides = array<i32>} : memref<80x128xf32, #tpu.memory_space<vmem>>, vector<1x16xf32>,
          %get3A_136 = arith.index_cast %add3A_66 : i32 to index
          %get3A_137 = arith.constant 112 : index
          %get3A_138 = tpu.vector_load %arg7[%get3A_136, %get3A_137] {strides = array<i32>} : memref<80x128xf32, #tpu.memory_space<vmem>>, vector<1x16xf32>,
          %get3A_139 = vector.shape_cast %get3A_138 : vector<1x16xf32> to vector<16xf32>
          %mul3A_140 = arith.mulf %get3A_139, %broadcast_in_dim3A : vector<16xf32>
          %swap3A_141 = arith.index_cast %add3A_66 : i32 to index
          %swap3A_142 = arith.constant 112 : index
          %swap3A_143 = tpu.vector_load %arg7[%swap3A_141, %swap3A_142] {strides = array<i32>} : memref<80x128xf32, #tpu.memory_space<vmem>>, vector<1x16xf32>,
          %swap3A_144 = vector.shape_cast %swap3A_143 : vector<1x16xf32> to vector<16xf32>
          %swap3A_145 = vector.shape_cast %mul3A_140 : vector<16xf32> to vector<1x16xf32>
          tpu.vector_store %arg7[%swap3A_141, %swap3A_142], %swap3A_145 {strides = array<i32>} : memref<80x128xf32, #tpu.memory_space<vmem>>, vector<1x16xf32>,
          %slice3A_146 = vector.extract_strided_slice %bitcast_convert_type3A {offsets = [1], sizes = [1], strides = [1]} : vector<16xf32> to vector<1xf32>
          %squeeze3A_147 = vector.extract %slice3A_146[0] : f32 from vector<1xf32>
          %broadcast_in_dim3A_148 = vector.broadcast %squeeze3A_147 : f32 to vector<16xf32>
          %mul3A_149 = arith.constant 16 : i32
          %mul3A_150 = arith.muli %add3A_55, %mul3A_149 : i32
          %add3A_151 = arith.constant 1 : i32
          %add3A_152 = arith.addi %mul3A_150, %add3A_151 : i32
          %get3A_153 = arith.index_cast %add3A_152 : i32 to index
          %get3A_154 = arith.constant 0 : index
          %get3A_155 = tpu.vector_load %arg7[%get3A_153, %get3A_154] {strides = array<i32>} : memref<80x128xf32, #tpu.memory_space<vmem>>, vector<1x16xf32>,
          %get3A_156 = vector.shape_cast %get3A_155 : vector<1x16xf32> to vector<16xf32>
          %mul3A_157 = arith.mulf %get3A_156, %broadcast_in_dim3A_148 : vector<16xf32>
          %swap3A_158 = arith.index_cast %add3A_152 : i32 to index
          %swap3A_159 = arith.constant 0 : index
          %swap3A_160 = tpu.vector_load %arg7[%swap3A_158, %swap3A_159] {strides = array<i32>} : memref<80x128xf32, #tpu.memory_space<vmem>>, vector<1x16xf32>,
          %swap3A_161 = vector.shape_cast %swap3A_160 : vector<1x16xf32> to vector<16xf32>
          %swap3A_162 = vector.shape_cast %mul3A_157 : vector<16xf32> to vector<1x16xf32>
          tpu.vector_store %arg7[%swap3A_158, %swap3A_159], %swap3A_162 {strides = array<i32>} : memref<80x128xf32, #tpu.memory_space<vmem>>, vector<1x16xf32>,
          %get3A_163 = arith.index_cast %add3A_152 : i32 to index
          %get3A_164 = arith.constant 16 : index
          %get3A_165 = tpu.vector_load %arg7[%get3A_163, %get3A_164] {strides = array<i32>} : memref<80x128xf32, #tpu.memory_space<vmem>>, vector<1x16xf32>,
          %get3A_166 = vector.shape_cast %get3A_165 : vector<1x16xf32> to vector<16xf32>
          %mul3A_167 = arith.mulf %get3A_166, %broadcast_in_dim3A_148 : vector<16xf32>
          %swap3A_168 = arith.index_cast %add3A_152 : i32 to index
          %swap3A_169 = arith.constant 16 : index
          %swap3A_170 = tpu.vector_load %arg7[%swap3A_168, %swap3A_169] {strides = array<i32>} : memref<80x128xf32, #tpu.memory_space<vmem>>, vector<1x16xf32>,
          %swap3A_171 = vector.shape_cast %swap3A_170 : vector<1x16xf32> to vector<16xf32>
          %swap3A_172 = vector.shape_cast %mul3A_167 : vector<16xf32> to vector<1x16xf32>
          tpu.vector_store %arg7[%swap3A_168, %swap3A_169], %swap3A_172 {strides = array<i32>} : memref<80x128xf32, #tpu.memory_space<vmem>>, vector<1x16xf32>,
          %get3A_173 = arith.index_cast %add3A_152 : i32 to index
          %get3A_174 = arith.constant 32 : index
          %get3A_175 = tpu.vector_load %arg7[%get3A_173, %get3A_174] {strides = array<i32>} : memref<80x128xf32, #tpu.memory_space<vmem>>, vector<1x16xf32>,
          %get3A_176 = vector.shape_cast %get3A_175 : vector<1x16xf32> to vector<16xf32>
          %mul3A_177 = arith.mulf %get3A_176, %broadcast_in_dim3A_148 : vector<16xf32>
          %swap3A_178 = arith.index_cast %add3A_152 : i32 to index
          %swap3A_179 = arith.constant 32 : index
          %swap3A_180 = tpu.vector_load %arg7[%swap3A_178, %swap3A_179] {strides = array<i32>} : memref<80x128xf32, #tpu.memory_space<vmem>>, vector<1x16xf32>,
          %swap3A_181 = vector.shape_cast %swap3A_180 : vector<1x16xf32> to vector<16xf32>
          %swap3A_182 = vector.shape_cast %mul3A_177 : vector<16xf32> to vector<1x16xf32>
          tpu.vector_store %arg7[%swap3A_178, %swap3A_179], %swap3A_182 {strides = array<i32>} : memref<80x128xf32, #tpu.memory_space<vmem>>, vector<1x16xf32>,
          %get3A_183 = arith.index_cast %add3A_152 : i32 to index
          %get3A_184 = arith.constant 48 : index
          %get3A_185 = tpu.vector_load %arg7[%get3A_183, %get3A_184] {strides = array<i32>} : memref<80x128xf32, #tpu.memory_space<vmem>>, vector<1x16xf32>,
          %get3A_186 = vector.shape_cast %get3A_185 : vector<1x16xf32> to vector<16xf32>
          %mul3A_187 = arith.mulf %get3A_186, %broadcast_in_dim3A_148 : vector<16xf32>
          %swap3A_188 = arith.index_cast %add3A_152 : i32 to index
          %swap3A_189 = arith.constant 48 : index
          %swap3A_190 = tpu.vector_load %arg7[%swap3A_188, %swap3A_189] {strides = array<i32>} : memref<80x128xf32, #tpu.memory_space<vmem>>, vector<1x16xf32>,
          %swap3A_191 = vector.shape_cast %swap3A_190 : vector<1x16xf32> to vector<16xf32>
          %swap3A_192 = vector.shape_cast %mul3A_187 : vector<16xf32> to vector<1x16xf32>
          tpu.vector_store %arg7[%swap3A_188, %swap3A_189], %swap3A_192 {strides = array<i32>} : memref<80x128xf32, #tpu.memory_space<vmem>>, vector<1x16xf32>,
          %get3A_193 = arith.index_cast %add3A_152 : i32 to index
          %get3A_194 = arith.constant 64 : index
          %get3A_195 = tpu.vector_load %arg7[%get3A_193, %get3A_194] {strides = array<i32>} : memref<80x128xf32, #tpu.memory_space<vmem>>, vector<1x16xf32>,
          %get3A_196 = vector.shape_cast %get3A_195 : vector<1x16xf32> to vector<16xf32>
          %mul3A_197 = arith.mulf %get3A_196, %broadcast_in_dim3A_148 : vector<16xf32>
          %swap3A_198 = arith.index_cast %add3A_152 : i32 to index
          %swap3A_199 = arith.constant 64 : index
          %swap3A_200 = tpu.vector_load %arg7[%swap3A_198, %swap3A_199] {strides = array<i32>} : memref<80x128xf32, #tpu.memory_space<vmem>>, vector<1x16xf32>,
          %swap3A_201 = vector.shape_cast %swap3A_200 : vector<1x16xf32> to vector<16xf32>
          %swap3A_202 = vector.shape_cast %mul3A_197 : vector<16xf32> to vector<1x16xf32>
          tpu.vector_store %arg7[%swap3A_198, %swap3A_199], %swap3A_202 {strides = array<i32>} : memref<80x128xf32, #tpu.memory_space<vmem>>, vector<1x16xf32>,
          %get3A_203 = arith.index_cast %add3A_152 : i32 to index
          %get3A_204 = arith.constant 80 : index
          %get3A_205 = tpu.vector_load %arg7[%get3A_203, %get3A_204] {strides = array<i32>} : memref<80x128xf32, #tpu.memory_space<vmem>>, vector<1x16xf32>,
          %get3A_206 = vector.shape_cast %get3A_205 : vector<1x16xf32> to vector<16xf32>
          %mul3A_207 = arith.mulf %get3A_206, %broadcast_in_dim3A_148 : vector<16xf32>
          %swap3A_208 = arith.index_cast %add3A_152 : i32 to index
          %swap3A_209 = arith.constant 80 : index
          %swap3A_210 = tpu.vector_load %arg7[%swap3A_208, %swap3A_209] {strides = array<i32>} : memref<80x128xf32, #tpu.memory_space<vmem>>, vector<1x16xf32>,
          %swap3A_211 = vector.shape_cast %swap3A_210 : vector<1x16xf32> to vector<16xf32>
          %swap3A_212 = vector.shape_cast %mul3A_207 : vector<16xf32> to vector<1x16xf32>
          tpu.vector_store %arg7[%swap3A_208, %swap3A_209], %swap3A_212 {strides = array<i32>} : memref<80x128xf32, #tpu.memory_space<vmem>>, vector<1x16xf32>,
          %get3A_213 = arith.index_cast %add3A_152 : i32 to index
          %get3A_214 = arith.constant 96 : index
          %get3A_215 = tpu.vector_load %arg7[%get3A_213, %get3A_214] {strides = array<i32>} : memref<80x128xf32, #tpu.memory_space<vmem>>, vector<1x16xf32>,
          %get3A_216 = vector.shape_cast %get3A_215 : vector<1x16xf32> to vector<16xf32>
          %mul3A_217 = arith.mulf %get3A_216, %broadcast_in_dim3A_148 : vector<16xf32>
          %swap3A_218 = arith.index_cast %add3A_152 : i32 to index
          %swap3A_219 = arith.constant 96 : index
          %swap3A_220 = tpu.vector_load %arg7[%swap3A_218, %swap3A_219] {strides = array<i32>} : memref<80x128xf32, #tpu.memory_space<vmem>>, vector<1x16xf32>,
          %swap3A_221 = vector.shape_cast %swap3A_220 : vector<1x16xf32> to vector<16xf32>
          %swap3A_222 = vector.shape_cast %mul3A_217 : vector<16xf32> to vector<1x16xf32>
          tpu.vector_store %arg7[%swap3A_218, %swap3A_219], %swap3A_222 {strides = array<i32>} : memref<80x128xf32, #tpu.memory_space<vmem>>, vector<1x16xf32>,
          %get3A_223 = arith.index_cast %add3A_152 : i32 to index
          %get3A_224 = arith.constant 112 : index
          %get3A_225 = tpu.vector_load %arg7[%get3A_223, %get3A_224] {strides = array<i32>} : memref<80x128xf32, #tpu.memory_space<vmem>>, vector<1x16xf32>,
          %get3A_226 = vector.shape_cast %get3A_225 : vector<1x16xf32> to vector<16xf32>
          %mul3A_227 = arith.mulf %get3A_226, %broadcast_in_dim3A_148 : vector<16xf32>
          %swap3A_228 = arith.index_cast %add3A_152 : i32 to index
          %swap3A_229 = arith.constant 112 : index
          %swap3A_230 = tpu.vector_load %arg7[%swap3A_228, %swap3A_229] {strides = array<i32>} : memref<80x128xf32, #tpu.memory_space<vmem>>, vector<1x16xf32>,
          %swap3A_231 = vector.shape_cast %swap3A_230 : vector<1x16xf32> to vector<16xf32>
          %swap3A_232 = vector.shape_cast %mul3A_227 : vector<16xf32> to vector<1x16xf32>
          tpu.vector_store %arg7[%swap3A_228, %swap3A_229], %swap3A_232 {strides = array<i32>} : memref<80x128xf32, #tpu.memory_space<vmem>>, vector<1x16xf32>,
          %slice3A_233 = vector.extract_strided_slice %bitcast_convert_type3A {offsets = [2], sizes = [1], strides = [1]} : vector<16xf32> to vector<1xf32>
          %squeeze3A_234 = vector.extract %slice3A_233[0] : f32 from vector<1xf32>
          %broadcast_in_dim3A_235 = vector.broadcast %squeeze3A_234 : f32 to vector<16xf32>
          %mul3A_236 = arith.constant 16 : i32
          %mul3A_237 = arith.muli %add3A_55, %mul3A_236 : i32
          %add3A_238 = arith.constant 2 : i32
          %add3A_239 = arith.addi %mul3A_237, %add3A_238 : i32
          %get3A_240 = arith.index_cast %add3A_239 : i32 to index
          %get3A_241 = arith.constant 0 : index
          %get3A_242 = tpu.vector_load %arg7[%get3A_240, %get3A_241] {strides = array<i32>} : memref<80x128xf32, #tpu.memory_space<vmem>>, vector<1x16xf32>,
          %get3A_243 = vector.shape_cast %get3A_242 : vector<1x16xf32> to vector<16xf32>
          %mul3A_244 = arith.mulf %get3A_243, %broadcast_in_dim3A_235 : vector<16xf32>
          %swap3A_245 = arith.index_cast %add3A_239 : i32 to index
          %swap3A_246 = arith.constant 0 : index
          %swap3A_247 = tpu.vector_load %arg7[%swap3A_245, %swap3A_246] {strides = array<i32>} : memref<80x128xf32, #tpu.memory_space<vmem>>, vector<1x16xf32>,
          %swap3A_248 = vector.shape_cast %swap3A_247 : vector<1x16xf32> to vector<16xf32>
          %swap3A_249 = vector.shape_cast %mul3A_244 : vector<16xf32> to vector<1x16xf32>
          tpu.vector_store %arg7[%swap3A_245, %swap3A_246], %swap3A_249 {strides = array<i32>} : memref<80x128xf32, #tpu.memory_space<vmem>>, vector<1x16xf32>,
          %get3A_250 = arith.index_cast %add3A_239 : i32 to index
          %get3A_251 = arith.constant 16 : index
          %get3A_252 = tpu.vector_load %arg7[%get3A_250, %get3A_251] {strides = array<i32>} : memref<80x128xf32, #tpu.memory_space<vmem>>, vector<1x16xf32>,
          %get3A_253 = vector.shape_cast %get3A_252 : vector<1x16xf32> to vector<16xf32>
          %mul3A_254 = arith.mulf %get3A_253, %broadcast_in_dim3A_235 : vector<16xf32>
          %swap3A_255 = arith.index_cast %add3A_239 : i32 to index
          %swap3A_256 = arith.constant 16 : index
          %swap3A_257 = tpu.vector_load %arg7[%swap3A_255, %swap3A_256] {strides = array<i32>} : memref<80x128xf32, #tpu.memory_space<vmem>>, vector<1x16xf32>,
          %swap3A_258 = vector.shape_cast %swap3A_257 : vector<1x16xf32> to vector<16xf32>
          %swap3A_259 = vector.shape_cast %mul3A_254 : vector<16xf32> to vector<1x16xf32>
          tpu.vector_store %arg7[%swap3A_255, %swap3A_256], %swap3A_259 {strides = array<i32>} : memref<80x128xf32, #tpu.memory_space<vmem>>, vector<1x16xf32>,
          %get3A_260 = arith.index_cast %add3A_239 : i32 to index
          %get3A_261 = arith.constant 32 : index
          %get3A_262 = tpu.vector_load %arg7[%get3A_260, %get3A_261] {strides = array<i32>} : memref<80x128xf32, #tpu.memory_space<vmem>>, vector<1x16xf32>,
          %get3A_263 = vector.shape_cast %get3A_262 : vector<1x16xf32> to vector<16xf32>
          %mul3A_264 = arith.mulf %get3A_263, %broadcast_in_dim3A_235 : vector<16xf32>
          %swap3A_265 = arith.index_cast %add3A_239 : i32 to index
          %swap3A_266 = arith.constant 32 : index
          %swap3A_267 = tpu.vector_load %arg7[%swap3A_265, %swap3A_266] {strides = array<i32>} : memref<80x128xf32, #tpu.memory_space<vmem>>, vector<1x16xf32>,
          %swap3A_268 = vector.shape_cast %swap3A_267 : vector<1x16xf32> to vector<16xf32>
          %swap3A_269 = vector.shape_cast %mul3A_264 : vector<16xf32> to vector<1x16xf32>
          tpu.vector_store %arg7[%swap3A_265, %swap3A_266], %swap3A_269 {strides = array<i32>} : memref<80x128xf32, #tpu.memory_space<vmem>>, vector<1x16xf32>,
          %get3A_270 = arith.index_cast %add3A_239 : i32 to index
          %get3A_271 = arith.constant 48 : index
          %get3A_272 = tpu.vector_load %arg7[%get3A_270, %get3A_271] {strides = array<i32>} : memref<80x128xf32, #tpu.memory_space<vmem>>, vector<1x16xf32>,
          %get3A_273 = vector.shape_cast %get3A_272 : vector<1x16xf32> to vector<16xf32>
          %mul3A_274 = arith.mulf %get3A_273, %broadcast_in_dim3A_235 : vector<16xf32>
          %swap3A_275 = arith.index_cast %add3A_239 : i32 to index
          %swap3A_276 = arith.constant 48 : index
          %swap3A_277 = tpu.vector_load %arg7[%swap3A_275, %swap3A_276] {strides = array<i32>} : memref<80x128xf32, #tpu.memory_space<vmem>>, vector<1x16xf32>,
          %swap3A_278 = vector.shape_cast %swap3A_277 : vector<1x16xf32> to vector<16xf32>
          %swap3A_279 = vector.shape_cast %mul3A_274 : vector<16xf32> to vector<1x16xf32>
          tpu.vector_store %arg7[%swap3A_275, %swap3A_276], %swap3A_279 {strides = array<i32>} : memref<80x128xf32, #tpu.memory_space<vmem>>, vector<1x16xf32>,
          %get3A_280 = arith.index_cast %add3A_239 : i32 to index
          %get3A_281 = arith.constant 64 : index
          %get3A_282 = tpu.vector_load %arg7[%get3A_280, %get3A_281] {strides = array<i32>} : memref<80x128xf32, #tpu.memory_space<vmem>>, vector<1x16xf32>,
          %get3A_283 = vector.shape_cast %get3A_282 : vector<1x16xf32> to vector<16xf32>
          %mul3A_284 = arith.mulf %get3A_283, %broadcast_in_dim3A_235 : vector<16xf32>
          %swap3A_285 = arith.index_cast %add3A_239 : i32 to index
          %swap3A_286 = arith.constant 64 : index
          %swap3A_287 = tpu.vector_load %arg7[%swap3A_285, %swap3A_286] {strides = array<i32>} : memref<80x128xf32, #tpu.memory_space<vmem>>, vector<1x16xf32>,
          %swap3A_288 = vector.shape_cast %swap3A_287 : vector<1x16xf32> to vector<16xf32>
          %swap3A_289 = vector.shape_cast %mul3A_284 : vector<16xf32> to vector<1x16xf32>
          tpu.vector_store %arg7[%swap3A_285, %swap3A_286], %swap3A_289 {strides = array<i32>} : memref<80x128xf32, #tpu.memory_space<vmem>>, vector<1x16xf32>,
          %get3A_290 = arith.index_cast %add3A_239 : i32 to index
          %get3A_291 = arith.constant 80 : index
          %get3A_292 = tpu.vector_load %arg7[%get3A_290, %get3A_291] {strides = array<i32>} : memref<80x128xf32, #tpu.memory_space<vmem>>, vector<1x16xf32>,
          %get3A_293 = vector.shape_cast %get3A_292 : vector<1x16xf32> to vector<16xf32>
          %mul3A_294 = arith.mulf %get3A_293, %broadcast_in_dim3A_235 : vector<16xf32>
          %swap3A_295 = arith.index_cast %add3A_239 : i32 to index
          %swap3A_296 = arith.constant 80 : index
          %swap3A_297 = tpu.vector_load %arg7[%swap3A_295, %swap3A_296] {strides = array<i32>} : memref<80x128xf32, #tpu.memory_space<vmem>>, vector<1x16xf32>,
          %swap3A_298 = vector.shape_cast %swap3A_297 : vector<1x16xf32> to vector<16xf32>
          %swap3A_299 = vector.shape_cast %mul3A_294 : vector<16xf32> to vector<1x16xf32>
          tpu.vector_store %arg7[%swap3A_295, %swap3A_296], %swap3A_299 {strides = array<i32>} : memref<80x128xf32, #tpu.memory_space<vmem>>, vector<1x16xf32>,
          %get3A_300 = arith.index_cast %add3A_239 : i32 to index
          %get3A_301 = arith.constant 96 : index
          %get3A_302 = tpu.vector_load %arg7[%get3A_300, %get3A_301] {strides = array<i32>} : memref<80x128xf32, #tpu.memory_space<vmem>>, vector<1x16xf32>,
          %get3A_303 = vector.shape_cast %get3A_302 : vector<1x16xf32> to vector<16xf32>
          %mul3A_304 = arith.mulf %get3A_303, %broadcast_in_dim3A_235 : vector<16xf32>
          %swap3A_305 = arith.index_cast %add3A_239 : i32 to index
          %swap3A_306 = arith.constant 96 : index
          %swap3A_307 = tpu.vector_load %arg7[%swap3A_305, %swap3A_306] {strides = array<i32>} : memref<80x128xf32, #tpu.memory_space<vmem>>, vector<1x16xf32>,
          %swap3A_308 = vector.shape_cast %swap3A_307 : vector<1x16xf32> to vector<16xf32>
          %swap3A_309 = vector.shape_cast %mul3A_304 : vector<16xf32> to vector<1x16xf32>
          tpu.vector_store %arg7[%swap3A_305, %swap3A_306], %swap3A_309 {strides = array<i32>} : memref<80x128xf32, #tpu.memory_space<vmem>>, vector<1x16xf32>,
          %get3A_310 = arith.index_cast %add3A_239 : i32 to index
          %get3A_311 = arith.constant 112 : index
          %get3A_312 = tpu.vector_load %arg7[%get3A_310, %get3A_311] {strides = array<i32>} : memref<80x128xf32, #tpu.memory_space<vmem>>, vector<1x16xf32>,
          %get3A_313 = vector.shape_cast %get3A_312 : vector<1x16xf32> to vector<16xf32>
          %mul3A_314 = arith.mulf %get3A_313, %broadcast_in_dim3A_235 : vector<16xf32>
          %swap3A_315 = arith.index_cast %add3A_239 : i32 to index
          %swap3A_316 = arith.constant 112 : index
          %swap3A_317 = tpu.vector_load %arg7[%swap3A_315, %swap3A_316] {strides = array<i32>} : memref<80x128xf32, #tpu.memory_space<vmem>>, vector<1x16xf32>,
          %swap3A_318 = vector.shape_cast %swap3A_317 : vector<1x16xf32> to vector<16xf32>
          %swap3A_319 = vector.shape_cast %mul3A_314 : vector<16xf32> to vector<1x16xf32>
          tpu.vector_store %arg7[%swap3A_315, %swap3A_316], %swap3A_319 {strides = array<i32>} : memref<80x128xf32, #tpu.memory_space<vmem>>, vector<1x16xf32>,
          %slice3A_320 = vector.extract_strided_slice %bitcast_convert_type3A {offsets = [3], sizes = [1], strides = [1]} : vector<16xf32> to vector<1xf32>
          %squeeze3A_321 = vector.extract %slice3A_320[0] : f32 from vector<1xf32>
          %broadcast_in_dim3A_322 = vector.broadcast %squeeze3A_321 : f32 to vector<16xf32>
          %mul3A_323 = arith.constant 16 : i32
          %mul3A_324 = arith.muli %add3A_55, %mul3A_323 : i32
          %add3A_325 = arith.constant 3 : i32
          %add3A_326 = arith.addi %mul3A_324, %add3A_325 : i32
          %get3A_327 = arith.index_cast %add3A_326 : i32 to index
          %get3A_328 = arith.constant 0 : index
          %get3A_329 = tpu.vector_load %arg7[%get3A_327, %get3A_328] {strides = array<i32>} : memref<80x128xf32, #tpu.memory_space<vmem>>, vector<1x16xf32>,
          %get3A_330 = vector.shape_cast %get3A_329 : vector<1x16xf32> to vector<16xf32>
          %mul3A_331 = arith.mulf %get3A_330, %broadcast_in_dim3A_322 : vector<16xf32>
          %swap3A_332 = arith.index_cast %add3A_326 : i32 to index
          %swap3A_333 = arith.constant 0 : index
          %swap3A_334 = tpu.vector_load %arg7[%swap3A_332, %swap3A_333] {strides = array<i32>} : memref<80x128xf32, #tpu.memory_space<vmem>>, vector<1x16xf32>,
          %swap3A_335 = vector.shape_cast %swap3A_334 : vector<1x16xf32> to vector<16xf32>
          %swap3A_336 = vector.shape_cast %mul3A_331 : vector<16xf32> to vector<1x16xf32>
          tpu.vector_store %arg7[%swap3A_332, %swap3A_333], %swap3A_336 {strides = array<i32>} : memref<80x128xf32, #tpu.memory_space<vmem>>, vector<1x16xf32>,
          %get3A_337 = arith.index_cast %add3A_326 : i32 to index
          %get3A_338 = arith.constant 16 : index
          %get3A_339 = tpu.vector_load %arg7[%get3A_337, %get3A_338] {strides = array<i32>} : memref<80x128xf32, #tpu.memory_space<vmem>>, vector<1x16xf32>,
          %get3A_340 = vector.shape_cast %get3A_339 : vector<1x16xf32> to vector<16xf32>
          %mul3A_341 = arith.mulf %get3A_340, %broadcast_in_dim3A_322 : vector<16xf32>
          %swap3A_342 = arith.index_cast %add3A_326 : i32 to index
          %swap3A_343 = arith.constant 16 : index
          %swap3A_344 = tpu.vector_load %arg7[%swap3A_342, %swap3A_343] {strides = array<i32>} : memref<80x128xf32, #tpu.memory_space<vmem>>, vector<1x16xf32>,
          %swap3A_345 = vector.shape_cast %swap3A_344 : vector<1x16xf32> to vector<16xf32>
          %swap3A_346 = vector.shape_cast %mul3A_341 : vector<16xf32> to vector<1x16xf32>
          tpu.vector_store %arg7[%swap3A_342, %swap3A_343], %swap3A_346 {strides = array<i32>} : memref<80x128xf32, #tpu.memory_space<vmem>>, vector<1x16xf32>,
          %get3A_347 = arith.index_cast %add3A_326 : i32 to index
          %get3A_348 = arith.constant 32 : index
          %get3A_349 = tpu.vector_load %arg7[%get3A_347, %get3A_348] {strides = array<i32>} : memref<80x128xf32, #tpu.memory_space<vmem>>, vector<1x16xf32>,
          %get3A_350 = vector.shape_cast %get3A_349 : vector<1x16xf32> to vector<16xf32>
          %mul3A_351 = arith.mulf %get3A_350, %broadcast_in_dim3A_322 : vector<16xf32>
          %swap3A_352 = arith.index_cast %add3A_326 : i32 to index
          %swap3A_353 = arith.constant 32 : index
          %swap3A_354 = tpu.vector_load %arg7[%swap3A_352, %swap3A_353] {strides = array<i32>} : memref<80x128xf32, #tpu.memory_space<vmem>>, vector<1x16xf32>,
          %swap3A_355 = vector.shape_cast %swap3A_354 : vector<1x16xf32> to vector<16xf32>
          %swap3A_356 = vector.shape_cast %mul3A_351 : vector<16xf32> to vector<1x16xf32>
          tpu.vector_store %arg7[%swap3A_352, %swap3A_353], %swap3A_356 {strides = array<i32>} : memref<80x128xf32, #tpu.memory_space<vmem>>, vector<1x16xf32>,
          %get3A_357 = arith.index_cast %add3A_326 : i32 to index
          %get3A_358 = arith.constant 48 : index
          %get3A_359 = tpu.vector_load %arg7[%get3A_357, %get3A_358] {strides = array<i32>} : memref<80x128xf32, #tpu.memory_space<vmem>>, vector<1x16xf32>,
          %get3A_360 = vector.shape_cast %get3A_359 : vector<1x16xf32> to vector<16xf32>
          %mul3A_361 = arith.mulf %get3A_360, %broadcast_in_dim3A_322 : vector<16xf32>
          %swap3A_362 = arith.index_cast %add3A_326 : i32 to index
          %swap3A_363 = arith.constant 48 : index
          %swap3A_364 = tpu.vector_load %arg7[%swap3A_362, %swap3A_363] {strides = array<i32>} : memref<80x128xf32, #tpu.memory_space<vmem>>, vector<1x16xf32>,
          %swap3A_365 = vector.shape_cast %swap3A_364 : vector<1x16xf32> to vector<16xf32>
          %swap3A_366 = vector.shape_cast %mul3A_361 : vector<16xf32> to vector<1x16xf32>
          tpu.vector_store %arg7[%swap3A_362, %swap3A_363], %swap3A_366 {strides = array<i32>} : memref<80x128xf32, #tpu.memory_space<vmem>>, vector<1x16xf32>,
          %get3A_367 = arith.index_cast %add3A_326 : i32 to index
          %get3A_368 = arith.constant 64 : index
          %get3A_369 = tpu.vector_load %arg7[%get3A_367, %get3A_368] {strides = array<i32>} : memref<80x128xf32, #tpu.memory_space<vmem>>, vector<1x16xf32>,
          %get3A_370 = vector.shape_cast %get3A_369 : vector<1x16xf32> to vector<16xf32>
          %mul3A_371 = arith.mulf %get3A_370, %broadcast_in_dim3A_322 : vector<16xf32>
          %swap3A_372 = arith.index_cast %add3A_326 : i32 to index
          %swap3A_373 = arith.constant 64 : index
          %swap3A_374 = tpu.vector_load %arg7[%swap3A_372, %swap3A_373] {strides = array<i32>} : memref<80x128xf32, #tpu.memory_space<vmem>>, vector<1x16xf32>,
          %swap3A_375 = vector.shape_cast %swap3A_374 : vector<1x16xf32> to vector<16xf32>
          %swap3A_376 = vector.shape_cast %mul3A_371 : vector<16xf32> to vector<1x16xf32>
          tpu.vector_store %arg7[%swap3A_372, %swap3A_373], %swap3A_376 {strides = array<i32>} : memref<80x128xf32, #tpu.memory_space<vmem>>, vector<1x16xf32>,
          %get3A_377 = arith.index_cast %add3A_326 : i32 to index
          %get3A_378 = arith.constant 80 : index
          %get3A_379 = tpu.vector_load %arg7[%get3A_377, %get3A_378] {strides = array<i32>} : memref<80x128xf32, #tpu.memory_space<vmem>>, vector<1x16xf32>,
          %get3A_380 = vector.shape_cast %get3A_379 : vector<1x16xf32> to vector<16xf32>
          %mul3A_381 = arith.mulf %get3A_380, %broadcast_in_dim3A_322 : vector<16xf32>
          %swap3A_382 = arith.index_cast %add3A_326 : i32 to index
          %swap3A_383 = arith.constant 80 : index
          %swap3A_384 = tpu.vector_load %arg7[%swap3A_382, %swap3A_383] {strides = array<i32>} : memref<80x128xf32, #tpu.memory_space<vmem>>, vector<1x16xf32>,
          %swap3A_385 = vector.shape_cast %swap3A_384 : vector<1x16xf32> to vector<16xf32>
          %swap3A_386 = vector.shape_cast %mul3A_381 : vector<16xf32> to vector<1x16xf32>
          tpu.vector_store %arg7[%swap3A_382, %swap3A_383], %swap3A_386 {strides = array<i32>} : memref<80x128xf32, #tpu.memory_space<vmem>>, vector<1x16xf32>,
          %get3A_387 = arith.index_cast %add3A_326 : i32 to index
          %get3A_388 = arith.constant 96 : index
          %get3A_389 = tpu.vector_load %arg7[%get3A_387, %get3A_388] {strides = array<i32>} : memref<80x128xf32, #tpu.memory_space<vmem>>, vector<1x16xf32>,
          %get3A_390 = vector.shape_cast %get3A_389 : vector<1x16xf32> to vector<16xf32>
          %mul3A_391 = arith.mulf %get3A_390, %broadcast_in_dim3A_322 : vector<16xf32>
          %swap3A_392 = arith.index_cast %add3A_326 : i32 to index
          %swap3A_393 = arith.constant 96 : index
          %swap3A_394 = tpu.vector_load %arg7[%swap3A_392, %swap3A_393] {strides = array<i32>} : memref<80x128xf32, #tpu.memory_space<vmem>>, vector<1x16xf32>,
          %swap3A_395 = vector.shape_cast %swap3A_394 : vector<1x16xf32> to vector<16xf32>
          %swap3A_396 = vector.shape_cast %mul3A_391 : vector<16xf32> to vector<1x16xf32>
          tpu.vector_store %arg7[%swap3A_392, %swap3A_393], %swap3A_396 {strides = array<i32>} : memref<80x128xf32, #tpu.memory_space<vmem>>, vector<1x16xf32>,
          %get3A_397 = arith.index_cast %add3A_326 : i32 to index
          %get3A_398 = arith.constant 112 : index
          %get3A_399 = tpu.vector_load %arg7[%get3A_397, %get3A_398] {strides = array<i32>} : memref<80x128xf32, #tpu.memory_space<vmem>>, vector<1x16xf32>,
          %get3A_400 = vector.shape_cast %get3A_399 : vector<1x16xf32> to vector<16xf32>
          %mul3A_401 = arith.mulf %get3A_400, %broadcast_in_dim3A_322 : vector<16xf32>
          %swap3A_402 = arith.index_cast %add3A_326 : i32 to index
          %swap3A_403 = arith.constant 112 : index
          %swap3A_404 = tpu.vector_load %arg7[%swap3A_402, %swap3A_403] {strides = array<i32>} : memref<80x128xf32, #tpu.memory_space<vmem>>, vector<1x16xf32>,
          %swap3A_405 = vector.shape_cast %swap3A_404 : vector<1x16xf32> to vector<16xf32>
          %swap3A_406 = vector.shape_cast %mul3A_401 : vector<16xf32> to vector<1x16xf32>
          tpu.vector_store %arg7[%swap3A_402, %swap3A_403], %swap3A_406 {strides = array<i32>} : memref<80x128xf32, #tpu.memory_space<vmem>>, vector<1x16xf32>,
          %slice3A_407 = vector.extract_strided_slice %bitcast_convert_type3A {offsets = [4], sizes = [1], strides = [1]} : vector<16xf32> to vector<1xf32>
          %squeeze3A_408 = vector.extract %slice3A_407[0] : f32 from vector<1xf32>
          %broadcast_in_dim3A_409 = vector.broadcast %squeeze3A_408 : f32 to vector<16xf32>
          %mul3A_410 = arith.constant 16 : i32
          %mul3A_411 = arith.muli %add3A_55, %mul3A_410 : i32
          %add3A_412 = arith.constant 4 : i32
          %add3A_413 = arith.addi %mul3A_411, %add3A_412 : i32
          %get3A_414 = arith.index_cast %add3A_413 : i32 to index
          %get3A_415 = arith.constant 0 : index
          %get3A_416 = tpu.vector_load %arg7[%get3A_414, %get3A_415] {strides = array<i32>} : memref<80x128xf32, #tpu.memory_space<vmem>>, vector<1x16xf32>,
          %get3A_417 = vector.shape_cast %get3A_416 : vector<1x16xf32> to vector<16xf32>
          %mul3A_418 = arith.mulf %get3A_417, %broadcast_in_dim3A_409 : vector<16xf32>
          %swap3A_419 = arith.index_cast %add3A_413 : i32 to index
          %swap3A_420 = arith.constant 0 : index
          %swap3A_421 = tpu.vector_load %arg7[%swap3A_419, %swap3A_420] {strides = array<i32>} : memref<80x128xf32, #tpu.memory_space<vmem>>, vector<1x16xf32>,
          %swap3A_422 = vector.shape_cast %swap3A_421 : vector<1x16xf32> to vector<16xf32>
          %swap3A_423 = vector.shape_cast %mul3A_418 : vector<16xf32> to vector<1x16xf32>
          tpu.vector_store %arg7[%swap3A_419, %swap3A_420], %swap3A_423 {strides = array<i32>} : memref<80x128xf32, #tpu.memory_space<vmem>>, vector<1x16xf32>,
          %get3A_424 = arith.index_cast %add3A_413 : i32 to index
          %get3A_425 = arith.constant 16 : index
          %get3A_426 = tpu.vector_load %arg7[%get3A_424, %get3A_425] {strides = array<i32>} : memref<80x128xf32, #tpu.memory_space<vmem>>, vector<1x16xf32>,
          %get3A_427 = vector.shape_cast %get3A_426 : vector<1x16xf32> to vector<16xf32>
          %mul3A_428 = arith.mulf %get3A_427, %broadcast_in_dim3A_409 : vector<16xf32>
          %swap3A_429 = arith.index_cast %add3A_413 : i32 to index
          %swap3A_430 = arith.constant 16 : index
          %swap3A_431 = tpu.vector_load %arg7[%swap3A_429, %swap3A_430] {strides = array<i32>} : memref<80x128xf32, #tpu.memory_space<vmem>>, vector<1x16xf32>,
          %swap3A_432 = vector.shape_cast %swap3A_431 : vector<1x16xf32> to vector<16xf32>
          %swap3A_433 = vector.shape_cast %mul3A_428 : vector<16xf32> to vector<1x16xf32>
          tpu.vector_store %arg7[%swap3A_429, %swap3A_430], %swap3A_433 {strides = array<i32>} : memref<80x128xf32, #tpu.memory_space<vmem>>, vector<1x16xf32>,
          %get3A_434 = arith.index_cast %add3A_413 : i32 to index
          %get3A_435 = arith.constant 32 : index
          %get3A_436 = tpu.vector_load %arg7[%get3A_434, %get3A_435] {strides = array<i32>} : memref<80x128xf32, #tpu.memory_space<vmem>>, vector<1x16xf32>,
          %get3A_437 = vector.shape_cast %get3A_436 : vector<1x16xf32> to vector<16xf32>
          %mul3A_438 = arith.mulf %get3A_437, %broadcast_in_dim3A_409 : vector<16xf32>
          %swap3A_439 = arith.index_cast %add3A_413 : i32 to index
          %swap3A_440 = arith.constant 32 : index
          %swap3A_441 = tpu.vector_load %arg7[%swap3A_439, %swap3A_440] {strides = array<i32>} : memref<80x128xf32, #tpu.memory_space<vmem>>, vector<1x16xf32>,
          %swap3A_442 = vector.shape_cast %swap3A_441 : vector<1x16xf32> to vector<16xf32>
          %swap3A_443 = vector.shape_cast %mul3A_438 : vector<16xf32> to vector<1x16xf32>
          tpu.vector_store %arg7[%swap3A_439, %swap3A_440], %swap3A_443 {strides = array<i32>} : memref<80x128xf32, #tpu.memory_space<vmem>>, vector<1x16xf32>,
          %get3A_444 = arith.index_cast %add3A_413 : i32 to index
          %get3A_445 = arith.constant 48 : index
          %get3A_446 = tpu.vector_load %arg7[%get3A_444, %get3A_445] {strides = array<i32>} : memref<80x128xf32, #tpu.memory_space<vmem>>, vector<1x16xf32>,
          %get3A_447 = vector.shape_cast %get3A_446 : vector<1x16xf32> to vector<16xf32>
          %mul3A_448 = arith.mulf %get3A_447, %broadcast_in_dim3A_409 : vector<16xf32>
          %swap3A_449 = arith.index_cast %add3A_413 : i32 to index
          %swap3A_450 = arith.constant 48 : index
          %swap3A_451 = tpu.vector_load %arg7[%swap3A_449, %swap3A_450] {strides = array<i32>} : memref<80x128xf32, #tpu.memory_space<vmem>>, vector<1x16xf32>,
          %swap3A_452 = vector.shape_cast %swap3A_451 : vector<1x16xf32> to vector<16xf32>
          %swap3A_453 = vector.shape_cast %mul3A_448 : vector<16xf32> to vector<1x16xf32>
          tpu.vector_store %arg7[%swap3A_449, %swap3A_450], %swap3A_453 {strides = array<i32>} : memref<80x128xf32, #tpu.memory_space<vmem>>, vector<1x16xf32>,
          %get3A_454 = arith.index_cast %add3A_413 : i32 to index
          %get3A_455 = arith.constant 64 : index
          %get3A_456 = tpu.vector_load %arg7[%get3A_454, %get3A_455] {strides = array<i32>} : memref<80x128xf32, #tpu.memory_space<vmem>>, vector<1x16xf32>,
          %get3A_457 = vector.shape_cast %get3A_456 : vector<1x16xf32> to vector<16xf32>
          %mul3A_458 = arith.mulf %get3A_457, %broadcast_in_dim3A_409 : vector<16xf32>
          %swap3A_459 = arith.index_cast %add3A_413 : i32 to index
          %swap3A_460 = arith.constant 64 : index
          %swap3A_461 = tpu.vector_load %arg7[%swap3A_459, %swap3A_460] {strides = array<i32>} : memref<80x128xf32, #tpu.memory_space<vmem>>, vector<1x16xf32>,
          %swap3A_462 = vector.shape_cast %swap3A_461 : vector<1x16xf32> to vector<16xf32>
          %swap3A_463 = vector.shape_cast %mul3A_458 : vector<16xf32> to vector<1x16xf32>
          tpu.vector_store %arg7[%swap3A_459, %swap3A_460], %swap3A_463 {strides = array<i32>} : memref<80x128xf32, #tpu.memory_space<vmem>>, vector<1x16xf32>,
          %get3A_464 = arith.index_cast %add3A_413 : i32 to index
          %get3A_465 = arith.constant 80 : index
          %get3A_466 = tpu.vector_load %arg7[%get3A_464, %get3A_465] {strides = array<i32>} : memref<80x128xf32, #tpu.memory_space<vmem>>, vector<1x16xf32>,
          %get3A_467 = vector.shape_cast %get3A_466 : vector<1x16xf32> to vector<16xf32>
          %mul3A_468 = arith.mulf %get3A_467, %broadcast_in_dim3A_409 : vector<16xf32>
          %swap3A_469 = arith.index_cast %add3A_413 : i32 to index
          %swap3A_470 = arith.constant 80 : index
          %swap3A_471 = tpu.vector_load %arg7[%swap3A_469, %swap3A_470] {strides = array<i32>} : memref<80x128xf32, #tpu.memory_space<vmem>>, vector<1x16xf32>,
          %swap3A_472 = vector.shape_cast %swap3A_471 : vector<1x16xf32> to vector<16xf32>
          %swap3A_473 = vector.shape_cast %mul3A_468 : vector<16xf32> to vector<1x16xf32>
          tpu.vector_store %arg7[%swap3A_469, %swap3A_470], %swap3A_473 {strides = array<i32>} : memref<80x128xf32, #tpu.memory_space<vmem>>, vector<1x16xf32>,
          %get3A_474 = arith.index_cast %add3A_413 : i32 to index
          %get3A_475 = arith.constant 96 : index
          %get3A_476 = tpu.vector_load %arg7[%get3A_474, %get3A_475] {strides = array<i32>} : memref<80x128xf32, #tpu.memory_space<vmem>>, vector<1x16xf32>,
          %get3A_477 = vector.shape_cast %get3A_476 : vector<1x16xf32> to vector<16xf32>
          %mul3A_478 = arith.mulf %get3A_477, %broadcast_in_dim3A_409 : vector<16xf32>
          %swap3A_479 = arith.index_cast %add3A_413 : i32 to index
          %swap3A_480 = arith.constant 96 : index
          %swap3A_481 = tpu.vector_load %arg7[%swap3A_479, %swap3A_480] {strides = array<i32>} : memref<80x128xf32, #tpu.memory_space<vmem>>, vector<1x16xf32>,
          %swap3A_482 = vector.shape_cast %swap3A_481 : vector<1x16xf32> to vector<16xf32>
          %swap3A_483 = vector.shape_cast %mul3A_478 : vector<16xf32> to vector<1x16xf32>
          tpu.vector_store %arg7[%swap3A_479, %swap3A_480], %swap3A_483 {strides = array<i32>} : memref<80x128xf32, #tpu.memory_space<vmem>>, vector<1x16xf32>,
          %get3A_484 = arith.index_cast %add3A_413 : i32 to index
          %get3A_485 = arith.constant 112 : index
          %get3A_486 = tpu.vector_load %arg7[%get3A_484, %get3A_485] {strides = array<i32>} : memref<80x128xf32, #tpu.memory_space<vmem>>, vector<1x16xf32>,
          %get3A_487 = vector.shape_cast %get3A_486 : vector<1x16xf32> to vector<16xf32>
          %mul3A_488 = arith.mulf %get3A_487, %broadcast_in_dim3A_409 : vector<16xf32>
          %swap3A_489 = arith.index_cast %add3A_413 : i32 to index
          %swap3A_490 = arith.constant 112 : index
          %swap3A_491 = tpu.vector_load %arg7[%swap3A_489, %swap3A_490] {strides = array<i32>} : memref<80x128xf32, #tpu.memory_space<vmem>>, vector<1x16xf32>,
          %swap3A_492 = vector.shape_cast %swap3A_491 : vector<1x16xf32> to vector<16xf32>
          %swap3A_493 = vector.shape_cast %mul3A_488 : vector<16xf32> to vector<1x16xf32>
          tpu.vector_store %arg7[%swap3A_489, %swap3A_490], %swap3A_493 {strides = array<i32>} : memref<80x128xf32, #tpu.memory_space<vmem>>, vector<1x16xf32>,
          %slice3A_494 = vector.extract_strided_slice %bitcast_convert_type3A {offsets = [5], sizes = [1], strides = [1]} : vector<16xf32> to vector<1xf32>
          %squeeze3A_495 = vector.extract %slice3A_494[0] : f32 from vector<1xf32>
          %broadcast_in_dim3A_496 = vector.broadcast %squeeze3A_495 : f32 to vector<16xf32>
          %mul3A_497 = arith.constant 16 : i32
          %mul3A_498 = arith.muli %add3A_55, %mul3A_497 : i32
          %add3A_499 = arith.constant 5 : i32
          %add3A_500 = arith.addi %mul3A_498, %add3A_499 : i32
          %get3A_501 = arith.index_cast %add3A_500 : i32 to index
          %get3A_502 = arith.constant 0 : index
          %get3A_503 = tpu.vector_load %arg7[%get3A_501, %get3A_502] {strides = array<i32>} : memref<80x128xf32, #tpu.memory_space<vmem>>, vector<1x16xf32>,
          %get3A_504 = vector.shape_cast %get3A_503 : vector<1x16xf32> to vector<16xf32>
          %mul3A_505 = arith.mulf %get3A_504, %broadcast_in_dim3A_496 : vector<16xf32>
          %swap3A_506 = arith.index_cast %add3A_500 : i32 to index
          %swap3A_507 = arith.constant 0 : index
          %swap3A_508 = tpu.vector_load %arg7[%swap3A_506, %swap3A_507] {strides = array<i32>} : memref<80x128xf32, #tpu.memory_space<vmem>>, vector<1x16xf32>,
          %swap3A_509 = vector.shape_cast %swap3A_508 : vector<1x16xf32> to vector<16xf32>
          %swap3A_510 = vector.shape_cast %mul3A_505 : vector<16xf32> to vector<1x16xf32>
          tpu.vector_store %arg7[%swap3A_506, %swap3A_507], %swap3A_510 {strides = array<i32>} : memref<80x128xf32, #tpu.memory_space<vmem>>, vector<1x16xf32>,
          %get3A_511 = arith.index_cast %add3A_500 : i32 to index
          %get3A_512 = arith.constant 16 : index
          %get3A_513 = tpu.vector_load %arg7[%get3A_511, %get3A_512] {strides = array<i32>} : memref<80x128xf32, #tpu.memory_space<vmem>>, vector<1x16xf32>,
          %get3A_514 = vector.shape_cast %get3A_513 : vector<1x16xf32> to vector<16xf32>
          %mul3A_515 = arith.mulf %get3A_514, %broadcast_in_dim3A_496 : vector<16xf32>
          %swap3A_516 = arith.index_cast %add3A_500 : i32 to index
          %swap3A_517 = arith.constant 16 : index
          %swap3A_518 = tpu.vector_load %arg7[%swap3A_516, %swap3A_517] {strides = array<i32>} : memref<80x128xf32, #tpu.memory_space<vmem>>, vector<1x16xf32>,
          %swap3A_519 = vector.shape_cast %swap3A_518 : vector<1x16xf32> to vector<16xf32>
          %swap3A_520 = vector.shape_cast %mul3A_515 : vector<16xf32> to vector<1x16xf32>
          tpu.vector_store %arg7[%swap3A_516, %swap3A_517], %swap3A_520 {strides = array<i32>} : memref<80x128xf32, #tpu.memory_space<vmem>>, vector<1x16xf32>,
          %get3A_521 = arith.index_cast %add3A_500 : i32 to index
          %get3A_522 = arith.constant 32 : index
          %get3A_523 = tpu.vector_load %arg7[%get3A_521, %get3A_522] {strides = array<i32>} : memref<80x128xf32, #tpu.memory_space<vmem>>, vector<1x16xf32>,
          %get3A_524 = vector.shape_cast %get3A_523 : vector<1x16xf32> to vector<16xf32>
          %mul3A_525 = arith.mulf %get3A_524, %broadcast_in_dim3A_496 : vector<16xf32>
          %swap3A_526 = arith.index_cast %add3A_500 : i32 to index
          %swap3A_527 = arith.constant 32 : index
          %swap3A_528 = tpu.vector_load %arg7[%swap3A_526, %swap3A_527] {strides = array<i32>} : memref<80x128xf32, #tpu.memory_space<vmem>>, vector<1x16xf32>,
          %swap3A_529 = vector.shape_cast %swap3A_528 : vector<1x16xf32> to vector<16xf32>
          %swap3A_530 = vector.shape_cast %mul3A_525 : vector<16xf32> to vector<1x16xf32>
          tpu.vector_store %arg7[%swap3A_526, %swap3A_527], %swap3A_530 {strides = array<i32>} : memref<80x128xf32, #tpu.memory_space<vmem>>, vector<1x16xf32>,
          %get3A_531 = arith.index_cast %add3A_500 : i32 to index
          %get3A_532 = arith.constant 48 : index
          %get3A_533 = tpu.vector_load %arg7[%get3A_531, %get3A_532] {strides = array<i32>} : memref<80x128xf32, #tpu.memory_space<vmem>>, vector<1x16xf32>,
          %get3A_534 = vector.shape_cast %get3A_533 : vector<1x16xf32> to vector<16xf32>
          %mul3A_535 = arith.mulf %get3A_534, %broadcast_in_dim3A_496 : vector<16xf32>
          %swap3A_536 = arith.index_cast %add3A_500 : i32 to index
          %swap3A_537 = arith.constant 48 : index
          %swap3A_538 = tpu.vector_load %arg7[%swap3A_536, %swap3A_537] {strides = array<i32>} : memref<80x128xf32, #tpu.memory_space<vmem>>, vector<1x16xf32>,
          %swap3A_539 = vector.shape_cast %swap3A_538 : vector<1x16xf32> to vector<16xf32>
          %swap3A_540 = vector.shape_cast %mul3A_535 : vector<16xf32> to vector<1x16xf32>
          tpu.vector_store %arg7[%swap3A_536, %swap3A_537], %swap3A_540 {strides = array<i32>} : memref<80x128xf32, #tpu.memory_space<vmem>>, vector<1x16xf32>,
          %get3A_541 = arith.index_cast %add3A_500 : i32 to index
          %get3A_542 = arith.constant 64 : index
          %get3A_543 = tpu.vector_load %arg7[%get3A_541, %get3A_542] {strides = array<i32>} : memref<80x128xf32, #tpu.memory_space<vmem>>, vector<1x16xf32>,
          %get3A_544 = vector.shape_cast %get3A_543 : vector<1x16xf32> to vector<16xf32>
          %mul3A_545 = arith.mulf %get3A_544, %broadcast_in_dim3A_496 : vector<16xf32>
          %swap3A_546 = arith.index_cast %add3A_500 : i32 to index
          %swap3A_547 = arith.constant 64 : index
          %swap3A_548 = tpu.vector_load %arg7[%swap3A_546, %swap3A_547] {strides = array<i32>} : memref<80x128xf32, #tpu.memory_space<vmem>>, vector<1x16xf32>,
          %swap3A_549 = vector.shape_cast %swap3A_548 : vector<1x16xf32> to vector<16xf32>
          %swap3A_550 = vector.shape_cast %mul3A_545 : vector<16xf32> to vector<1x16xf32>
          tpu.vector_store %arg7[%swap3A_546, %swap3A_547], %swap3A_550 {strides = array<i32>} : memref<80x128xf32, #tpu.memory_space<vmem>>, vector<1x16xf32>,
          %get3A_551 = arith.index_cast %add3A_500 : i32 to index
          %get3A_552 = arith.constant 80 : index
          %get3A_553 = tpu.vector_load %arg7[%get3A_551, %get3A_552] {strides = array<i32>} : memref<80x128xf32, #tpu.memory_space<vmem>>, vector<1x16xf32>,
          %get3A_554 = vector.shape_cast %get3A_553 : vector<1x16xf32> to vector<16xf32>
          %mul3A_555 = arith.mulf %get3A_554, %broadcast_in_dim3A_496 : vector<16xf32>
          %swap3A_556 = arith.index_cast %add3A_500 : i32 to index
          %swap3A_557 = arith.constant 80 : index
          %swap3A_558 = tpu.vector_load %arg7[%swap3A_556, %swap3A_557] {strides = array<i32>} : memref<80x128xf32, #tpu.memory_space<vmem>>, vector<1x16xf32>,
          %swap3A_559 = vector.shape_cast %swap3A_558 : vector<1x16xf32> to vector<16xf32>
          %swap3A_560 = vector.shape_cast %mul3A_555 : vector<16xf32> to vector<1x16xf32>
          tpu.vector_store %arg7[%swap3A_556, %swap3A_557], %swap3A_560 {strides = array<i32>} : memref<80x128xf32, #tpu.memory_space<vmem>>, vector<1x16xf32>,
          %get3A_561 = arith.index_cast %add3A_500 : i32 to index
          %get3A_562 = arith.constant 96 : index
          %get3A_563 = tpu.vector_load %arg7[%get3A_561, %get3A_562] {strides = array<i32>} : memref<80x128xf32, #tpu.memory_space<vmem>>, vector<1x16xf32>,
          %get3A_564 = vector.shape_cast %get3A_563 : vector<1x16xf32> to vector<16xf32>
          %mul3A_565 = arith.mulf %get3A_564, %broadcast_in_dim3A_496 : vector<16xf32>
          %swap3A_566 = arith.index_cast %add3A_500 : i32 to index
          %swap3A_567 = arith.constant 96 : index
          %swap3A_568 = tpu.vector_load %arg7[%swap3A_566, %swap3A_567] {strides = array<i32>} : memref<80x128xf32, #tpu.memory_space<vmem>>, vector<1x16xf32>,
          %swap3A_569 = vector.shape_cast %swap3A_568 : vector<1x16xf32> to vector<16xf32>
          %swap3A_570 = vector.shape_cast %mul3A_565 : vector<16xf32> to vector<1x16xf32>
          tpu.vector_store %arg7[%swap3A_566, %swap3A_567], %swap3A_570 {strides = array<i32>} : memref<80x128xf32, #tpu.memory_space<vmem>>, vector<1x16xf32>,
          %get3A_571 = arith.index_cast %add3A_500 : i32 to index
          %get3A_572 = arith.constant 112 : index
          %get3A_573 = tpu.vector_load %arg7[%get3A_571, %get3A_572] {strides = array<i32>} : memref<80x128xf32, #tpu.memory_space<vmem>>, vector<1x16xf32>,
          %get3A_574 = vector.shape_cast %get3A_573 : vector<1x16xf32> to vector<16xf32>
          %mul3A_575 = arith.mulf %get3A_574, %broadcast_in_dim3A_496 : vector<16xf32>
          %swap3A_576 = arith.index_cast %add3A_500 : i32 to index
          %swap3A_577 = arith.constant 112 : index
          %swap3A_578 = tpu.vector_load %arg7[%swap3A_576, %swap3A_577] {strides = array<i32>} : memref<80x128xf32, #tpu.memory_space<vmem>>, vector<1x16xf32>,
          %swap3A_579 = vector.shape_cast %swap3A_578 : vector<1x16xf32> to vector<16xf32>
          %swap3A_580 = vector.shape_cast %mul3A_575 : vector<16xf32> to vector<1x16xf32>
          tpu.vector_store %arg7[%swap3A_576, %swap3A_577], %swap3A_580 {strides = array<i32>} : memref<80x128xf32, #tpu.memory_space<vmem>>, vector<1x16xf32>,
          %slice3A_581 = vector.extract_strided_slice %bitcast_convert_type3A {offsets = [6], sizes = [1], strides = [1]} : vector<16xf32> to vector<1xf32>
          %squeeze3A_582 = vector.extract %slice3A_581[0] : f32 from vector<1xf32>
          %broadcast_in_dim3A_583 = vector.broadcast %squeeze3A_582 : f32 to vector<16xf32>
          %mul3A_584 = arith.constant 16 : i32
          %mul3A_585 = arith.muli %add3A_55, %mul3A_584 : i32
          %add3A_586 = arith.constant 6 : i32
          %add3A_587 = arith.addi %mul3A_585, %add3A_586 : i32
          %get3A_588 = arith.index_cast %add3A_587 : i32 to index
          %get3A_589 = arith.constant 0 : index
          %get3A_590 = tpu.vector_load %arg7[%get3A_588, %get3A_589] {strides = array<i32>} : memref<80x128xf32, #tpu.memory_space<vmem>>, vector<1x16xf32>,
          %get3A_591 = vector.shape_cast %get3A_590 : vector<1x16xf32> to vector<16xf32>
          %mul3A_592 = arith.mulf %get3A_591, %broadcast_in_dim3A_583 : vector<16xf32>
          %swap3A_593 = arith.index_cast %add3A_587 : i32 to index
          %swap3A_594 = arith.constant 0 : index
          %swap3A_595 = tpu.vector_load %arg7[%swap3A_593, %swap3A_594] {strides = array<i32>} : memref<80x128xf32, #tpu.memory_space<vmem>>, vector<1x16xf32>,
          %swap3A_596 = vector.shape_cast %swap3A_595 : vector<1x16xf32> to vector<16xf32>
          %swap3A_597 = vector.shape_cast %mul3A_592 : vector<16xf32> to vector<1x16xf32>
          tpu.vector_store %arg7[%swap3A_593, %swap3A_594], %swap3A_597 {strides = array<i32>} : memref<80x128xf32, #tpu.memory_space<vmem>>, vector<1x16xf32>,
          %get3A_598 = arith.index_cast %add3A_587 : i32 to index
          %get3A_599 = arith.constant 16 : index
          %get3A_600 = tpu.vector_load %arg7[%get3A_598, %get3A_599] {strides = array<i32>} : memref<80x128xf32, #tpu.memory_space<vmem>>, vector<1x16xf32>,
          %get3A_601 = vector.shape_cast %get3A_600 : vector<1x16xf32> to vector<16xf32>
          %mul3A_602 = arith.mulf %get3A_601, %broadcast_in_dim3A_583 : vector<16xf32>
          %swap3A_603 = arith.index_cast %add3A_587 : i32 to index
          %swap3A_604 = arith.constant 16 : index
          %swap3A_605 = tpu.vector_load %arg7[%swap3A_603, %swap3A_604] {strides = array<i32>} : memref<80x128xf32, #tpu.memory_space<vmem>>, vector<1x16xf32>,
          %swap3A_606 = vector.shape_cast %swap3A_605 : vector<1x16xf32> to vector<16xf32>
          %swap3A_607 = vector.shape_cast %mul3A_602 : vector<16xf32> to vector<1x16xf32>
          tpu.vector_store %arg7[%swap3A_603, %swap3A_604], %swap3A_607 {strides = array<i32>} : memref<80x128xf32, #tpu.memory_space<vmem>>, vector<1x16xf32>,
          %get3A_608 = arith.index_cast %add3A_587 : i32 to index
          %get3A_609 = arith.constant 32 : index
          %get3A_610 = tpu.vector_load %arg7[%get3A_608, %get3A_609] {strides = array<i32>} : memref<80x128xf32, #tpu.memory_space<vmem>>, vector<1x16xf32>,
          %get3A_611 = vector.shape_cast %get3A_610 : vector<1x16xf32> to vector<16xf32>
          %mul3A_612 = arith.mulf %get3A_611, %broadcast_in_dim3A_583 : vector<16xf32>
          %swap3A_613 = arith.index_cast %add3A_587 : i32 to index
          %swap3A_614 = arith.constant 32 : index
          %swap3A_615 = tpu.vector_load %arg7[%swap3A_613, %swap3A_614] {strides = array<i32>} : memref<80x128xf32, #tpu.memory_space<vmem>>, vector<1x16xf32>,
          %swap3A_616 = vector.shape_cast %swap3A_615 : vector<1x16xf32> to vector<16xf32>
          %swap3A_617 = vector.shape_cast %mul3A_612 : vector<16xf32> to vector<1x16xf32>
          tpu.vector_store %arg7[%swap3A_613, %swap3A_614], %swap3A_617 {strides = array<i32>} : memref<80x128xf32, #tpu.memory_space<vmem>>, vector<1x16xf32>,
          %get3A_618 = arith.index_cast %add3A_587 : i32 to index
          %get3A_619 = arith.constant 48 : index
          %get3A_620 = tpu.vector_load %arg7[%get3A_618, %get3A_619] {strides = array<i32>} : memref<80x128xf32, #tpu.memory_space<vmem>>, vector<1x16xf32>,
          %get3A_621 = vector.shape_cast %get3A_620 : vector<1x16xf32> to vector<16xf32>
          %mul3A_622 = arith.mulf %get3A_621, %broadcast_in_dim3A_583 : vector<16xf32>
          %swap3A_623 = arith.index_cast %add3A_587 : i32 to index
          %swap3A_624 = arith.constant 48 : index
          %swap3A_625 = tpu.vector_load %arg7[%swap3A_623, %swap3A_624] {strides = array<i32>} : memref<80x128xf32, #tpu.memory_space<vmem>>, vector<1x16xf32>,
          %swap3A_626 = vector.shape_cast %swap3A_625 : vector<1x16xf32> to vector<16xf32>
          %swap3A_627 = vector.shape_cast %mul3A_622 : vector<16xf32> to vector<1x16xf32>
          tpu.vector_store %arg7[%swap3A_623, %swap3A_624], %swap3A_627 {strides = array<i32>} : memref<80x128xf32, #tpu.memory_space<vmem>>, vector<1x16xf32>,
          %get3A_628 = arith.index_cast %add3A_587 : i32 to index
          %get3A_629 = arith.constant 64 : index
          %get3A_630 = tpu.vector_load %arg7[%get3A_628, %get3A_629] {strides = array<i32>} : memref<80x128xf32, #tpu.memory_space<vmem>>, vector<1x16xf32>,
          %get3A_631 = vector.shape_cast %get3A_630 : vector<1x16xf32> to vector<16xf32>
          %mul3A_632 = arith.mulf %get3A_631, %broadcast_in_dim3A_583 : vector<16xf32>
          %swap3A_633 = arith.index_cast %add3A_587 : i32 to index
          %swap3A_634 = arith.constant 64 : index
          %swap3A_635 = tpu.vector_load %arg7[%swap3A_633, %swap3A_634] {strides = array<i32>} : memref<80x128xf32, #tpu.memory_space<vmem>>, vector<1x16xf32>,
          %swap3A_636 = vector.shape_cast %swap3A_635 : vector<1x16xf32> to vector<16xf32>
          %swap3A_637 = vector.shape_cast %mul3A_632 : vector<16xf32> to vector<1x16xf32>
          tpu.vector_store %arg7[%swap3A_633, %swap3A_634], %swap3A_637 {strides = array<i32>} : memref<80x128xf32, #tpu.memory_space<vmem>>, vector<1x16xf32>,
          %get3A_638 = arith.index_cast %add3A_587 : i32 to index
          %get3A_639 = arith.constant 80 : index
          %get3A_640 = tpu.vector_load %arg7[%get3A_638, %get3A_639] {strides = array<i32>} : memref<80x128xf32, #tpu.memory_space<vmem>>, vector<1x16xf32>,
          %get3A_641 = vector.shape_cast %get3A_640 : vector<1x16xf32> to vector<16xf32>
          %mul3A_642 = arith.mulf %get3A_641, %broadcast_in_dim3A_583 : vector<16xf32>
          %swap3A_643 = arith.index_cast %add3A_587 : i32 to index
          %swap3A_644 = arith.constant 80 : index
          %swap3A_645 = tpu.vector_load %arg7[%swap3A_643, %swap3A_644] {strides = array<i32>} : memref<80x128xf32, #tpu.memory_space<vmem>>, vector<1x16xf32>,
          %swap3A_646 = vector.shape_cast %swap3A_645 : vector<1x16xf32> to vector<16xf32>
          %swap3A_647 = vector.shape_cast %mul3A_642 : vector<16xf32> to vector<1x16xf32>
          tpu.vector_store %arg7[%swap3A_643, %swap3A_644], %swap3A_647 {strides = array<i32>} : memref<80x128xf32, #tpu.memory_space<vmem>>, vector<1x16xf32>,
          %get3A_648 = arith.index_cast %add3A_587 : i32 to index
          %get3A_649 = arith.constant 96 : index
          %get3A_650 = tpu.vector_load %arg7[%get3A_648, %get3A_649] {strides = array<i32>} : memref<80x128xf32, #tpu.memory_space<vmem>>, vector<1x16xf32>,
          %get3A_651 = vector.shape_cast %get3A_650 : vector<1x16xf32> to vector<16xf32>
          %mul3A_652 = arith.mulf %get3A_651, %broadcast_in_dim3A_583 : vector<16xf32>
          %swap3A_653 = arith.index_cast %add3A_587 : i32 to index
          %swap3A_654 = arith.constant 96 : index
          %swap3A_655 = tpu.vector_load %arg7[%swap3A_653, %swap3A_654] {strides = array<i32>} : memref<80x128xf32, #tpu.memory_space<vmem>>, vector<1x16xf32>,
          %swap3A_656 = vector.shape_cast %swap3A_655 : vector<1x16xf32> to vector<16xf32>
          %swap3A_657 = vector.shape_cast %mul3A_652 : vector<16xf32> to vector<1x16xf32>
          tpu.vector_store %arg7[%swap3A_653, %swap3A_654], %swap3A_657 {strides = array<i32>} : memref<80x128xf32, #tpu.memory_space<vmem>>, vector<1x16xf32>,
          %get3A_658 = arith.index_cast %add3A_587 : i32 to index
          %get3A_659 = arith.constant 112 : index
          %get3A_660 = tpu.vector_load %arg7[%get3A_658, %get3A_659] {strides = array<i32>} : memref<80x128xf32, #tpu.memory_space<vmem>>, vector<1x16xf32>,
          %get3A_661 = vector.shape_cast %get3A_660 : vector<1x16xf32> to vector<16xf32>
          %mul3A_662 = arith.mulf %get3A_661, %broadcast_in_dim3A_583 : vector<16xf32>
          %swap3A_663 = arith.index_cast %add3A_587 : i32 to index
          %swap3A_664 = arith.constant 112 : index
          %swap3A_665 = tpu.vector_load %arg7[%swap3A_663, %swap3A_664] {strides = array<i32>} : memref<80x128xf32, #tpu.memory_space<vmem>>, vector<1x16xf32>,
          %swap3A_666 = vector.shape_cast %swap3A_665 : vector<1x16xf32> to vector<16xf32>
          %swap3A_667 = vector.shape_cast %mul3A_662 : vector<16xf32> to vector<1x16xf32>
          tpu.vector_store %arg7[%swap3A_663, %swap3A_664], %swap3A_667 {strides = array<i32>} : memref<80x128xf32, #tpu.memory_space<vmem>>, vector<1x16xf32>,
          %slice3A_668 = vector.extract_strided_slice %bitcast_convert_type3A {offsets = [7], sizes = [1], strides = [1]} : vector<16xf32> to vector<1xf32>
          %squeeze3A_669 = vector.extract %slice3A_668[0] : f32 from vector<1xf32>
          %broadcast_in_dim3A_670 = vector.broadcast %squeeze3A_669 : f32 to vector<16xf32>
          %mul3A_671 = arith.constant 16 : i32
          %mul3A_672 = arith.muli %add3A_55, %mul3A_671 : i32
          %add3A_673 = arith.constant 7 : i32
          %add3A_674 = arith.addi %mul3A_672, %add3A_673 : i32
          %get3A_675 = arith.index_cast %add3A_674 : i32 to index
          %get3A_676 = arith.constant 0 : index
          %get3A_677 = tpu.vector_load %arg7[%get3A_675, %get3A_676] {strides = array<i32>} : memref<80x128xf32, #tpu.memory_space<vmem>>, vector<1x16xf32>,
          %get3A_678 = vector.shape_cast %get3A_677 : vector<1x16xf32> to vector<16xf32>
          %mul3A_679 = arith.mulf %get3A_678, %broadcast_in_dim3A_670 : vector<16xf32>
          %swap3A_680 = arith.index_cast %add3A_674 : i32 to index
          %swap3A_681 = arith.constant 0 : index
          %swap3A_682 = tpu.vector_load %arg7[%swap3A_680, %swap3A_681] {strides = array<i32>} : memref<80x128xf32, #tpu.memory_space<vmem>>, vector<1x16xf32>,
          %swap3A_683 = vector.shape_cast %swap3A_682 : vector<1x16xf32> to vector<16xf32>
          %swap3A_684 = vector.shape_cast %mul3A_679 : vector<16xf32> to vector<1x16xf32>
          tpu.vector_store %arg7[%swap3A_680, %swap3A_681], %swap3A_684 {strides = array<i32>} : memref<80x128xf32, #tpu.memory_space<vmem>>, vector<1x16xf32>,
          %get3A_685 = arith.index_cast %add3A_674 : i32 to index
          %get3A_686 = arith.constant 16 : index
          %get3A_687 = tpu.vector_load %arg7[%get3A_685, %get3A_686] {strides = array<i32>} : memref<80x128xf32, #tpu.memory_space<vmem>>, vector<1x16xf32>,
          %get3A_688 = vector.shape_cast %get3A_687 : vector<1x16xf32> to vector<16xf32>
          %mul3A_689 = arith.mulf %get3A_688, %broadcast_in_dim3A_670 : vector<16xf32>
          %swap3A_690 = arith.index_cast %add3A_674 : i32 to index
          %swap3A_691 = arith.constant 16 : index
          %swap3A_692 = tpu.vector_load %arg7[%swap3A_690, %swap3A_691] {strides = array<i32>} : memref<80x128xf32, #tpu.memory_space<vmem>>, vector<1x16xf32>,
          %swap3A_693 = vector.shape_cast %swap3A_692 : vector<1x16xf32> to vector<16xf32>
          %swap3A_694 = vector.shape_cast %mul3A_689 : vector<16xf32> to vector<1x16xf32>
          tpu.vector_store %arg7[%swap3A_690, %swap3A_691], %swap3A_694 {strides = array<i32>} : memref<80x128xf32, #tpu.memory_space<vmem>>, vector<1x16xf32>,
          %get3A_695 = arith.index_cast %add3A_674 : i32 to index
          %get3A_696 = arith.constant 32 : index
          %get3A_697 = tpu.vector_load %arg7[%get3A_695, %get3A_696] {strides = array<i32>} : memref<80x128xf32, #tpu.memory_space<vmem>>, vector<1x16xf32>,
          %get3A_698 = vector.shape_cast %get3A_697 : vector<1x16xf32> to vector<16xf32>
          %mul3A_699 = arith.mulf %get3A_698, %broadcast_in_dim3A_670 : vector<16xf32>
          %swap3A_700 = arith.index_cast %add3A_674 : i32 to index
          %swap3A_701 = arith.constant 32 : index
          %swap3A_702 = tpu.vector_load %arg7[%swap3A_700, %swap3A_701] {strides = array<i32>} : memref<80x128xf32, #tpu.memory_space<vmem>>, vector<1x16xf32>,
          %swap3A_703 = vector.shape_cast %swap3A_702 : vector<1x16xf32> to vector<16xf32>
          %swap3A_704 = vector.shape_cast %mul3A_699 : vector<16xf32> to vector<1x16xf32>
          tpu.vector_store %arg7[%swap3A_700, %swap3A_701], %swap3A_704 {strides = array<i32>} : memref<80x128xf32, #tpu.memory_space<vmem>>, vector<1x16xf32>,
          %get3A_705 = arith.index_cast %add3A_674 : i32 to index
          %get3A_706 = arith.constant 48 : index
          %get3A_707 = tpu.vector_load %arg7[%get3A_705, %get3A_706] {strides = array<i32>} : memref<80x128xf32, #tpu.memory_space<vmem>>, vector<1x16xf32>,
          %get3A_708 = vector.shape_cast %get3A_707 : vector<1x16xf32> to vector<16xf32>
          %mul3A_709 = arith.mulf %get3A_708, %broadcast_in_dim3A_670 : vector<16xf32>
          %swap3A_710 = arith.index_cast %add3A_674 : i32 to index
          %swap3A_711 = arith.constant 48 : index
          %swap3A_712 = tpu.vector_load %arg7[%swap3A_710, %swap3A_711] {strides = array<i32>} : memref<80x128xf32, #tpu.memory_space<vmem>>, vector<1x16xf32>,
          %swap3A_713 = vector.shape_cast %swap3A_712 : vector<1x16xf32> to vector<16xf32>
          %swap3A_714 = vector.shape_cast %mul3A_709 : vector<16xf32> to vector<1x16xf32>
          tpu.vector_store %arg7[%swap3A_710, %swap3A_711], %swap3A_714 {strides = array<i32>} : memref<80x128xf32, #tpu.memory_space<vmem>>, vector<1x16xf32>,
          %get3A_715 = arith.index_cast %add3A_674 : i32 to index
          %get3A_716 = arith.constant 64 : index
          %get3A_717 = tpu.vector_load %arg7[%get3A_715, %get3A_716] {strides = array<i32>} : memref<80x128xf32, #tpu.memory_space<vmem>>, vector<1x16xf32>,
          %get3A_718 = vector.shape_cast %get3A_717 : vector<1x16xf32> to vector<16xf32>
          %mul3A_719 = arith.mulf %get3A_718, %broadcast_in_dim3A_670 : vector<16xf32>
          %swap3A_720 = arith.index_cast %add3A_674 : i32 to index
          %swap3A_721 = arith.constant 64 : index
          %swap3A_722 = tpu.vector_load %arg7[%swap3A_720, %swap3A_721] {strides = array<i32>} : memref<80x128xf32, #tpu.memory_space<vmem>>, vector<1x16xf32>,
          %swap3A_723 = vector.shape_cast %swap3A_722 : vector<1x16xf32> to vector<16xf32>
          %swap3A_724 = vector.shape_cast %mul3A_719 : vector<16xf32> to vector<1x16xf32>
          tpu.vector_store %arg7[%swap3A_720, %swap3A_721], %swap3A_724 {strides = array<i32>} : memref<80x128xf32, #tpu.memory_space<vmem>>, vector<1x16xf32>,
          %get3A_725 = arith.index_cast %add3A_674 : i32 to index
          %get3A_726 = arith.constant 80 : index
          %get3A_727 = tpu.vector_load %arg7[%get3A_725, %get3A_726] {strides = array<i32>} : memref<80x128xf32, #tpu.memory_space<vmem>>, vector<1x16xf32>,
          %get3A_728 = vector.shape_cast %get3A_727 : vector<1x16xf32> to vector<16xf32>
          %mul3A_729 = arith.mulf %get3A_728, %broadcast_in_dim3A_670 : vector<16xf32>
          %swap3A_730 = arith.index_cast %add3A_674 : i32 to index
          %swap3A_731 = arith.constant 80 : index
          %swap3A_732 = tpu.vector_load %arg7[%swap3A_730, %swap3A_731] {strides = array<i32>} : memref<80x128xf32, #tpu.memory_space<vmem>>, vector<1x16xf32>,
          %swap3A_733 = vector.shape_cast %swap3A_732 : vector<1x16xf32> to vector<16xf32>
          %swap3A_734 = vector.shape_cast %mul3A_729 : vector<16xf32> to vector<1x16xf32>
          tpu.vector_store %arg7[%swap3A_730, %swap3A_731], %swap3A_734 {strides = array<i32>} : memref<80x128xf32, #tpu.memory_space<vmem>>, vector<1x16xf32>,
          %get3A_735 = arith.index_cast %add3A_674 : i32 to index
          %get3A_736 = arith.constant 96 : index
          %get3A_737 = tpu.vector_load %arg7[%get3A_735, %get3A_736] {strides = array<i32>} : memref<80x128xf32, #tpu.memory_space<vmem>>, vector<1x16xf32>,
          %get3A_738 = vector.shape_cast %get3A_737 : vector<1x16xf32> to vector<16xf32>
          %mul3A_739 = arith.mulf %get3A_738, %broadcast_in_dim3A_670 : vector<16xf32>
          %swap3A_740 = arith.index_cast %add3A_674 : i32 to index
          %swap3A_741 = arith.constant 96 : index
          %swap3A_742 = tpu.vector_load %arg7[%swap3A_740, %swap3A_741] {strides = array<i32>} : memref<80x128xf32, #tpu.memory_space<vmem>>, vector<1x16xf32>,
          %swap3A_743 = vector.shape_cast %swap3A_742 : vector<1x16xf32> to vector<16xf32>
          %swap3A_744 = vector.shape_cast %mul3A_739 : vector<16xf32> to vector<1x16xf32>
          tpu.vector_store %arg7[%swap3A_740, %swap3A_741], %swap3A_744 {strides = array<i32>} : memref<80x128xf32, #tpu.memory_space<vmem>>, vector<1x16xf32>,
          %get3A_745 = arith.index_cast %add3A_674 : i32 to index
          %get3A_746 = arith.constant 112 : index
          %get3A_747 = tpu.vector_load %arg7[%get3A_745, %get3A_746] {strides = array<i32>} : memref<80x128xf32, #tpu.memory_space<vmem>>, vector<1x16xf32>,
          %get3A_748 = vector.shape_cast %get3A_747 : vector<1x16xf32> to vector<16xf32>
          %mul3A_749 = arith.mulf %get3A_748, %broadcast_in_dim3A_670 : vector<16xf32>
          %swap3A_750 = arith.index_cast %add3A_674 : i32 to index
          %swap3A_751 = arith.constant 112 : index
          %swap3A_752 = tpu.vector_load %arg7[%swap3A_750, %swap3A_751] {strides = array<i32>} : memref<80x128xf32, #tpu.memory_space<vmem>>, vector<1x16xf32>,
          %swap3A_753 = vector.shape_cast %swap3A_752 : vector<1x16xf32> to vector<16xf32>
          %swap3A_754 = vector.shape_cast %mul3A_749 : vector<16xf32> to vector<1x16xf32>
          tpu.vector_store %arg7[%swap3A_750, %swap3A_751], %swap3A_754 {strides = array<i32>} : memref<80x128xf32, #tpu.memory_space<vmem>>, vector<1x16xf32>,
          %slice3A_755 = vector.extract_strided_slice %bitcast_convert_type3A {offsets = [8], sizes = [1], strides = [1]} : vector<16xf32> to vector<1xf32>
          %squeeze3A_756 = vector.extract %slice3A_755[0] : f32 from vector<1xf32>
          %broadcast_in_dim3A_757 = vector.broadcast %squeeze3A_756 : f32 to vector<16xf32>
          %mul3A_758 = arith.constant 16 : i32
          %mul3A_759 = arith.muli %add3A_55, %mul3A_758 : i32
          %add3A_760 = arith.constant 8 : i32
          %add3A_761 = arith.addi %mul3A_759, %add3A_760 : i32
          %get3A_762 = arith.index_cast %add3A_761 : i32 to index
          %get3A_763 = arith.constant 0 : index
          %get3A_764 = tpu.vector_load %arg7[%get3A_762, %get3A_763] {strides = array<i32>} : memref<80x128xf32, #tpu.memory_space<vmem>>, vector<1x16xf32>,
          %get3A_765 = vector.shape_cast %get3A_764 : vector<1x16xf32> to vector<16xf32>
          %mul3A_766 = arith.mulf %get3A_765, %broadcast_in_dim3A_757 : vector<16xf32>
          %swap3A_767 = arith.index_cast %add3A_761 : i32 to index
          %swap3A_768 = arith.constant 0 : index
          %swap3A_769 = tpu.vector_load %arg7[%swap3A_767, %swap3A_768] {strides = array<i32>} : memref<80x128xf32, #tpu.memory_space<vmem>>, vector<1x16xf32>,
          %swap3A_770 = vector.shape_cast %swap3A_769 : vector<1x16xf32> to vector<16xf32>
          %swap3A_771 = vector.shape_cast %mul3A_766 : vector<16xf32> to vector<1x16xf32>
          tpu.vector_store %arg7[%swap3A_767, %swap3A_768], %swap3A_771 {strides = array<i32>} : memref<80x128xf32, #tpu.memory_space<vmem>>, vector<1x16xf32>,
          %get3A_772 = arith.index_cast %add3A_761 : i32 to index
          %get3A_773 = arith.constant 16 : index
          %get3A_774 = tpu.vector_load %arg7[%get3A_772, %get3A_773] {strides = array<i32>} : memref<80x128xf32, #tpu.memory_space<vmem>>, vector<1x16xf32>,
          %get3A_775 = vector.shape_cast %get3A_774 : vector<1x16xf32> to vector<16xf32>
          %mul3A_776 = arith.mulf %get3A_775, %broadcast_in_dim3A_757 : vector<16xf32>
          %swap3A_777 = arith.index_cast %add3A_761 : i32 to index
          %swap3A_778 = arith.constant 16 : index
          %swap3A_779 = tpu.vector_load %arg7[%swap3A_777, %swap3A_778] {strides = array<i32>} : memref<80x128xf32, #tpu.memory_space<vmem>>, vector<1x16xf32>,
          %swap3A_780 = vector.shape_cast %swap3A_779 : vector<1x16xf32> to vector<16xf32>
          %swap3A_781 = vector.shape_cast %mul3A_776 : vector<16xf32> to vector<1x16xf32>
          tpu.vector_store %arg7[%swap3A_777, %swap3A_778], %swap3A_781 {strides = array<i32>} : memref<80x128xf32, #tpu.memory_space<vmem>>, vector<1x16xf32>,
          %get3A_782 = arith.index_cast %add3A_761 : i32 to index
          %get3A_783 = arith.constant 32 : index
          %get3A_784 = tpu.vector_load %arg7[%get3A_782, %get3A_783] {strides = array<i32>} : memref<80x128xf32, #tpu.memory_space<vmem>>, vector<1x16xf32>,
          %get3A_785 = vector.shape_cast %get3A_784 : vector<1x16xf32> to vector<16xf32>
          %mul3A_786 = arith.mulf %get3A_785, %broadcast_in_dim3A_757 : vector<16xf32>
          %swap3A_787 = arith.index_cast %add3A_761 : i32 to index
          %swap3A_788 = arith.constant 32 : index
          %swap3A_789 = tpu.vector_load %arg7[%swap3A_787, %swap3A_788] {strides = array<i32>} : memref<80x128xf32, #tpu.memory_space<vmem>>, vector<1x16xf32>,
          %swap3A_790 = vector.shape_cast %swap3A_789 : vector<1x16xf32> to vector<16xf32>
          %swap3A_791 = vector.shape_cast %mul3A_786 : vector<16xf32> to vector<1x16xf32>
          tpu.vector_store %arg7[%swap3A_787, %swap3A_788], %swap3A_791 {strides = array<i32>} : memref<80x128xf32, #tpu.memory_space<vmem>>, vector<1x16xf32>,
          %get3A_792 = arith.index_cast %add3A_761 : i32 to index
          %get3A_793 = arith.constant 48 : index
          %get3A_794 = tpu.vector_load %arg7[%get3A_792, %get3A_793] {strides = array<i32>} : memref<80x128xf32, #tpu.memory_space<vmem>>, vector<1x16xf32>,
          %get3A_795 = vector.shape_cast %get3A_794 : vector<1x16xf32> to vector<16xf32>
          %mul3A_796 = arith.mulf %get3A_795, %broadcast_in_dim3A_757 : vector<16xf32>
          %swap3A_797 = arith.index_cast %add3A_761 : i32 to index
          %swap3A_798 = arith.constant 48 : index
          %swap3A_799 = tpu.vector_load %arg7[%swap3A_797, %swap3A_798] {strides = array<i32>} : memref<80x128xf32, #tpu.memory_space<vmem>>, vector<1x16xf32>,
          %swap3A_800 = vector.shape_cast %swap3A_799 : vector<1x16xf32> to vector<16xf32>
          %swap3A_801 = vector.shape_cast %mul3A_796 : vector<16xf32> to vector<1x16xf32>
          tpu.vector_store %arg7[%swap3A_797, %swap3A_798], %swap3A_801 {strides = array<i32>} : memref<80x128xf32, #tpu.memory_space<vmem>>, vector<1x16xf32>,
          %get3A_802 = arith.index_cast %add3A_761 : i32 to index
          %get3A_803 = arith.constant 64 : index
          %get3A_804 = tpu.vector_load %arg7[%get3A_802, %get3A_803] {strides = array<i32>} : memref<80x128xf32, #tpu.memory_space<vmem>>, vector<1x16xf32>,
          %get3A_805 = vector.shape_cast %get3A_804 : vector<1x16xf32> to vector<16xf32>
          %mul3A_806 = arith.mulf %get3A_805, %broadcast_in_dim3A_757 : vector<16xf32>
          %swap3A_807 = arith.index_cast %add3A_761 : i32 to index
          %swap3A_808 = arith.constant 64 : index
          %swap3A_809 = tpu.vector_load %arg7[%swap3A_807, %swap3A_808] {strides = array<i32>} : memref<80x128xf32, #tpu.memory_space<vmem>>, vector<1x16xf32>,
          %swap3A_810 = vector.shape_cast %swap3A_809 : vector<1x16xf32> to vector<16xf32>
          %swap3A_811 = vector.shape_cast %mul3A_806 : vector<16xf32> to vector<1x16xf32>
          tpu.vector_store %arg7[%swap3A_807, %swap3A_808], %swap3A_811 {strides = array<i32>} : memref<80x128xf32, #tpu.memory_space<vmem>>, vector<1x16xf32>,
          %get3A_812 = arith.index_cast %add3A_761 : i32 to index
          %get3A_813 = arith.constant 80 : index
          %get3A_814 = tpu.vector_load %arg7[%get3A_812, %get3A_813] {strides = array<i32>} : memref<80x128xf32, #tpu.memory_space<vmem>>, vector<1x16xf32>,
          %get3A_815 = vector.shape_cast %get3A_814 : vector<1x16xf32> to vector<16xf32>
          %mul3A_816 = arith.mulf %get3A_815, %broadcast_in_dim3A_757 : vector<16xf32>
          %swap3A_817 = arith.index_cast %add3A_761 : i32 to index
          %swap3A_818 = arith.constant 80 : index
          %swap3A_819 = tpu.vector_load %arg7[%swap3A_817, %swap3A_818] {strides = array<i32>} : memref<80x128xf32, #tpu.memory_space<vmem>>, vector<1x16xf32>,
          %swap3A_820 = vector.shape_cast %swap3A_819 : vector<1x16xf32> to vector<16xf32>
          %swap3A_821 = vector.shape_cast %mul3A_816 : vector<16xf32> to vector<1x16xf32>
          tpu.vector_store %arg7[%swap3A_817, %swap3A_818], %swap3A_821 {strides = array<i32>} : memref<80x128xf32, #tpu.memory_space<vmem>>, vector<1x16xf32>,
          %get3A_822 = arith.index_cast %add3A_761 : i32 to index
          %get3A_823 = arith.constant 96 : index
          %get3A_824 = tpu.vector_load %arg7[%get3A_822, %get3A_823] {strides = array<i32>} : memref<80x128xf32, #tpu.memory_space<vmem>>, vector<1x16xf32>,
          %get3A_825 = vector.shape_cast %get3A_824 : vector<1x16xf32> to vector<16xf32>
          %mul3A_826 = arith.mulf %get3A_825, %broadcast_in_dim3A_757 : vector<16xf32>
          %swap3A_827 = arith.index_cast %add3A_761 : i32 to index
          %swap3A_828 = arith.constant 96 : index
          %swap3A_829 = tpu.vector_load %arg7[%swap3A_827, %swap3A_828] {strides = array<i32>} : memref<80x128xf32, #tpu.memory_space<vmem>>, vector<1x16xf32>,
          %swap3A_830 = vector.shape_cast %swap3A_829 : vector<1x16xf32> to vector<16xf32>
          %swap3A_831 = vector.shape_cast %mul3A_826 : vector<16xf32> to vector<1x16xf32>
          tpu.vector_store %arg7[%swap3A_827, %swap3A_828], %swap3A_831 {strides = array<i32>} : memref<80x128xf32, #tpu.memory_space<vmem>>, vector<1x16xf32>,
          %get3A_832 = arith.index_cast %add3A_761 : i32 to index
          %get3A_833 = arith.constant 112 : index
          %get3A_834 = tpu.vector_load %arg7[%get3A_832, %get3A_833] {strides = array<i32>} : memref<80x128xf32, #tpu.memory_space<vmem>>, vector<1x16xf32>,
          %get3A_835 = vector.shape_cast %get3A_834 : vector<1x16xf32> to vector<16xf32>
          %mul3A_836 = arith.mulf %get3A_835, %broadcast_in_dim3A_757 : vector<16xf32>
          %swap3A_837 = arith.index_cast %add3A_761 : i32 to index
          %swap3A_838 = arith.constant 112 : index
          %swap3A_839 = tpu.vector_load %arg7[%swap3A_837, %swap3A_838] {strides = array<i32>} : memref<80x128xf32, #tpu.memory_space<vmem>>, vector<1x16xf32>,
          %swap3A_840 = vector.shape_cast %swap3A_839 : vector<1x16xf32> to vector<16xf32>
          %swap3A_841 = vector.shape_cast %mul3A_836 : vector<16xf32> to vector<1x16xf32>
          tpu.vector_store %arg7[%swap3A_837, %swap3A_838], %swap3A_841 {strides = array<i32>} : memref<80x128xf32, #tpu.memory_space<vmem>>, vector<1x16xf32>,
          %slice3A_842 = vector.extract_strided_slice %bitcast_convert_type3A {offsets = [9], sizes = [1], strides = [1]} : vector<16xf32> to vector<1xf32>
          %squeeze3A_843 = vector.extract %slice3A_842[0] : f32 from vector<1xf32>
          %broadcast_in_dim3A_844 = vector.broadcast %squeeze3A_843 : f32 to vector<16xf32>
          %mul3A_845 = arith.constant 16 : i32
          %mul3A_846 = arith.muli %add3A_55, %mul3A_845 : i32
          %add3A_847 = arith.constant 9 : i32
          %add3A_848 = arith.addi %mul3A_846, %add3A_847 : i32
          %get3A_849 = arith.index_cast %add3A_848 : i32 to index
          %get3A_850 = arith.constant 0 : index
          %get3A_851 = tpu.vector_load %arg7[%get3A_849, %get3A_850] {strides = array<i32>} : memref<80x128xf32, #tpu.memory_space<vmem>>, vector<1x16xf32>,
          %get3A_852 = vector.shape_cast %get3A_851 : vector<1x16xf32> to vector<16xf32>
          %mul3A_853 = arith.mulf %get3A_852, %broadcast_in_dim3A_844 : vector<16xf32>
          %swap3A_854 = arith.index_cast %add3A_848 : i32 to index
          %swap3A_855 = arith.constant 0 : index
          %swap3A_856 = tpu.vector_load %arg7[%swap3A_854, %swap3A_855] {strides = array<i32>} : memref<80x128xf32, #tpu.memory_space<vmem>>, vector<1x16xf32>,
          %swap3A_857 = vector.shape_cast %swap3A_856 : vector<1x16xf32> to vector<16xf32>
          %swap3A_858 = vector.shape_cast %mul3A_853 : vector<16xf32> to vector<1x16xf32>
          tpu.vector_store %arg7[%swap3A_854, %swap3A_855], %swap3A_858 {strides = array<i32>} : memref<80x128xf32, #tpu.memory_space<vmem>>, vector<1x16xf32>,
          %get3A_859 = arith.index_cast %add3A_848 : i32 to index
          %get3A_860 = arith.constant 16 : index
          %get3A_861 = tpu.vector_load %arg7[%get3A_859, %get3A_860] {strides = array<i32>} : memref<80x128xf32, #tpu.memory_space<vmem>>, vector<1x16xf32>,
          %get3A_862 = vector.shape_cast %get3A_861 : vector<1x16xf32> to vector<16xf32>
          %mul3A_863 = arith.mulf %get3A_862, %broadcast_in_dim3A_844 : vector<16xf32>
          %swap3A_864 = arith.index_cast %add3A_848 : i32 to index
          %swap3A_865 = arith.constant 16 : index
          %swap3A_866 = tpu.vector_load %arg7[%swap3A_864, %swap3A_865] {strides = array<i32>} : memref<80x128xf32, #tpu.memory_space<vmem>>, vector<1x16xf32>,
          %swap3A_867 = vector.shape_cast %swap3A_866 : vector<1x16xf32> to vector<16xf32>
          %swap3A_868 = vector.shape_cast %mul3A_863 : vector<16xf32> to vector<1x16xf32>
          tpu.vector_store %arg7[%swap3A_864, %swap3A_865], %swap3A_868 {strides = array<i32>} : memref<80x128xf32, #tpu.memory_space<vmem>>, vector<1x16xf32>,
          %get3A_869 = arith.index_cast %add3A_848 : i32 to index
          %get3A_870 = arith.constant 32 : index
          %get3A_871 = tpu.vector_load %arg7[%get3A_869, %get3A_870] {strides = array<i32>} : memref<80x128xf32, #tpu.memory_space<vmem>>, vector<1x16xf32>,
          %get3A_872 = vector.shape_cast %get3A_871 : vector<1x16xf32> to vector<16xf32>
          %mul3A_873 = arith.mulf %get3A_872, %broadcast_in_dim3A_844 : vector<16xf32>
          %swap3A_874 = arith.index_cast %add3A_848 : i32 to index
          %swap3A_875 = arith.constant 32 : index
          %swap3A_876 = tpu.vector_load %arg7[%swap3A_874, %swap3A_875] {strides = array<i32>} : memref<80x128xf32, #tpu.memory_space<vmem>>, vector<1x16xf32>,
          %swap3A_877 = vector.shape_cast %swap3A_876 : vector<1x16xf32> to vector<16xf32>
          %swap3A_878 = vector.shape_cast %mul3A_873 : vector<16xf32> to vector<1x16xf32>
          tpu.vector_store %arg7[%swap3A_874, %swap3A_875], %swap3A_878 {strides = array<i32>} : memref<80x128xf32, #tpu.memory_space<vmem>>, vector<1x16xf32>,
          %get3A_879 = arith.index_cast %add3A_848 : i32 to index
          %get3A_880 = arith.constant 48 : index
          %get3A_881 = tpu.vector_load %arg7[%get3A_879, %get3A_880] {strides = array<i32>} : memref<80x128xf32, #tpu.memory_space<vmem>>, vector<1x16xf32>,
          %get3A_882 = vector.shape_cast %get3A_881 : vector<1x16xf32> to vector<16xf32>
          %mul3A_883 = arith.mulf %get3A_882, %broadcast_in_dim3A_844 : vector<16xf32>
          %swap3A_884 = arith.index_cast %add3A_848 : i32 to index
          %swap3A_885 = arith.constant 48 : index
          %swap3A_886 = tpu.vector_load %arg7[%swap3A_884, %swap3A_885] {strides = array<i32>} : memref<80x128xf32, #tpu.memory_space<vmem>>, vector<1x16xf32>,
          %swap3A_887 = vector.shape_cast %swap3A_886 : vector<1x16xf32> to vector<16xf32>
          %swap3A_888 = vector.shape_cast %mul3A_883 : vector<16xf32> to vector<1x16xf32>
          tpu.vector_store %arg7[%swap3A_884, %swap3A_885], %swap3A_888 {strides = array<i32>} : memref<80x128xf32, #tpu.memory_space<vmem>>, vector<1x16xf32>,
          %get3A_889 = arith.index_cast %add3A_848 : i32 to index
          %get3A_890 = arith.constant 64 : index
          %get3A_891 = tpu.vector_load %arg7[%get3A_889, %get3A_890] {strides = array<i32>} : memref<80x128xf32, #tpu.memory_space<vmem>>, vector<1x16xf32>,
          %get3A_892 = vector.shape_cast %get3A_891 : vector<1x16xf32> to vector<16xf32>
          %mul3A_893 = arith.mulf %get3A_892, %broadcast_in_dim3A_844 : vector<16xf32>
          %swap3A_894 = arith.index_cast %add3A_848 : i32 to index
          %swap3A_895 = arith.constant 64 : index
          %swap3A_896 = tpu.vector_load %arg7[%swap3A_894, %swap3A_895] {strides = array<i32>} : memref<80x128xf32, #tpu.memory_space<vmem>>, vector<1x16xf32>,
          %swap3A_897 = vector.shape_cast %swap3A_896 : vector<1x16xf32> to vector<16xf32>
          %swap3A_898 = vector.shape_cast %mul3A_893 : vector<16xf32> to vector<1x16xf32>
          tpu.vector_store %arg7[%swap3A_894, %swap3A_895], %swap3A_898 {strides = array<i32>} : memref<80x128xf32, #tpu.memory_space<vmem>>, vector<1x16xf32>,
          %get3A_899 = arith.index_cast %add3A_848 : i32 to index
          %get3A_900 = arith.constant 80 : index
          %get3A_901 = tpu.vector_load %arg7[%get3A_899, %get3A_900] {strides = array<i32>} : memref<80x128xf32, #tpu.memory_space<vmem>>, vector<1x16xf32>,
          %get3A_902 = vector.shape_cast %get3A_901 : vector<1x16xf32> to vector<16xf32>
          %mul3A_903 = arith.mulf %get3A_902, %broadcast_in_dim3A_844 : vector<16xf32>
          %swap3A_904 = arith.index_cast %add3A_848 : i32 to index
          %swap3A_905 = arith.constant 80 : index
          %swap3A_906 = tpu.vector_load %arg7[%swap3A_904, %swap3A_905] {strides = array<i32>} : memref<80x128xf32, #tpu.memory_space<vmem>>, vector<1x16xf32>,
          %swap3A_907 = vector.shape_cast %swap3A_906 : vector<1x16xf32> to vector<16xf32>
          %swap3A_908 = vector.shape_cast %mul3A_903 : vector<16xf32> to vector<1x16xf32>
          tpu.vector_store %arg7[%swap3A_904, %swap3A_905], %swap3A_908 {strides = array<i32>} : memref<80x128xf32, #tpu.memory_space<vmem>>, vector<1x16xf32>,
          %get3A_909 = arith.index_cast %add3A_848 : i32 to index
          %get3A_910 = arith.constant 96 : index
          %get3A_911 = tpu.vector_load %arg7[%get3A_909, %get3A_910] {strides = array<i32>} : memref<80x128xf32, #tpu.memory_space<vmem>>, vector<1x16xf32>,
          %get3A_912 = vector.shape_cast %get3A_911 : vector<1x16xf32> to vector<16xf32>
          %mul3A_913 = arith.mulf %get3A_912, %broadcast_in_dim3A_844 : vector<16xf32>
          %swap3A_914 = arith.index_cast %add3A_848 : i32 to index
          %swap3A_915 = arith.constant 96 : index
          %swap3A_916 = tpu.vector_load %arg7[%swap3A_914, %swap3A_915] {strides = array<i32>} : memref<80x128xf32, #tpu.memory_space<vmem>>, vector<1x16xf32>,
          %swap3A_917 = vector.shape_cast %swap3A_916 : vector<1x16xf32> to vector<16xf32>
          %swap3A_918 = vector.shape_cast %mul3A_913 : vector<16xf32> to vector<1x16xf32>
          tpu.vector_store %arg7[%swap3A_914, %swap3A_915], %swap3A_918 {strides = array<i32>} : memref<80x128xf32, #tpu.memory_space<vmem>>, vector<1x16xf32>,
          %get3A_919 = arith.index_cast %add3A_848 : i32 to index
          %get3A_920 = arith.constant 112 : index
          %get3A_921 = tpu.vector_load %arg7[%get3A_919, %get3A_920] {strides = array<i32>} : memref<80x128xf32, #tpu.memory_space<vmem>>, vector<1x16xf32>,
          %get3A_922 = vector.shape_cast %get3A_921 : vector<1x16xf32> to vector<16xf32>
          %mul3A_923 = arith.mulf %get3A_922, %broadcast_in_dim3A_844 : vector<16xf32>
          %swap3A_924 = arith.index_cast %add3A_848 : i32 to index
          %swap3A_925 = arith.constant 112 : index
          %swap3A_926 = tpu.vector_load %arg7[%swap3A_924, %swap3A_925] {strides = array<i32>} : memref<80x128xf32, #tpu.memory_space<vmem>>, vector<1x16xf32>,
          %swap3A_927 = vector.shape_cast %swap3A_926 : vector<1x16xf32> to vector<16xf32>
          %swap3A_928 = vector.shape_cast %mul3A_923 : vector<16xf32> to vector<1x16xf32>
          tpu.vector_store %arg7[%swap3A_924, %swap3A_925], %swap3A_928 {strides = array<i32>} : memref<80x128xf32, #tpu.memory_space<vmem>>, vector<1x16xf32>,
          %slice3A_929 = vector.extract_strided_slice %bitcast_convert_type3A {offsets = [10], sizes = [1], strides = [1]} : vector<16xf32> to vector<1xf32>
          %squeeze3A_930 = vector.extract %slice3A_929[0] : f32 from vector<1xf32>
          %broadcast_in_dim3A_931 = vector.broadcast %squeeze3A_930 : f32 to vector<16xf32>
          %mul3A_932 = arith.constant 16 : i32
          %mul3A_933 = arith.muli %add3A_55, %mul3A_932 : i32
          %add3A_934 = arith.constant 10 : i32
          %add3A_935 = arith.addi %mul3A_933, %add3A_934 : i32
          %get3A_936 = arith.index_cast %add3A_935 : i32 to index
          %get3A_937 = arith.constant 0 : index
          %get3A_938 = tpu.vector_load %arg7[%get3A_936, %get3A_937] {strides = array<i32>} : memref<80x128xf32, #tpu.memory_space<vmem>>, vector<1x16xf32>,
          %get3A_939 = vector.shape_cast %get3A_938 : vector<1x16xf32> to vector<16xf32>
          %mul3A_940 = arith.mulf %get3A_939, %broadcast_in_dim3A_931 : vector<16xf32>
          %swap3A_941 = arith.index_cast %add3A_935 : i32 to index
          %swap3A_942 = arith.constant 0 : index
          %swap3A_943 = tpu.vector_load %arg7[%swap3A_941, %swap3A_942] {strides = array<i32>} : memref<80x128xf32, #tpu.memory_space<vmem>>, vector<1x16xf32>,
          %swap3A_944 = vector.shape_cast %swap3A_943 : vector<1x16xf32> to vector<16xf32>
          %swap3A_945 = vector.shape_cast %mul3A_940 : vector<16xf32> to vector<1x16xf32>
          tpu.vector_store %arg7[%swap3A_941, %swap3A_942], %swap3A_945 {strides = array<i32>} : memref<80x128xf32, #tpu.memory_space<vmem>>, vector<1x16xf32>,
          %get3A_946 = arith.index_cast %add3A_935 : i32 to index
          %get3A_947 = arith.constant 16 : index
          %get3A_948 = tpu.vector_load %arg7[%get3A_946, %get3A_947] {strides = array<i32>} : memref<80x128xf32, #tpu.memory_space<vmem>>, vector<1x16xf32>,
          %get3A_949 = vector.shape_cast %get3A_948 : vector<1x16xf32> to vector<16xf32>
          %mul3A_950 = arith.mulf %get3A_949, %broadcast_in_dim3A_931 : vector<16xf32>
          %swap3A_951 = arith.index_cast %add3A_935 : i32 to index
          %swap3A_952 = arith.constant 16 : index
          %swap3A_953 = tpu.vector_load %arg7[%swap3A_951, %swap3A_952] {strides = array<i32>} : memref<80x128xf32, #tpu.memory_space<vmem>>, vector<1x16xf32>,
          %swap3A_954 = vector.shape_cast %swap3A_953 : vector<1x16xf32> to vector<16xf32>
          %swap3A_955 = vector.shape_cast %mul3A_950 : vector<16xf32> to vector<1x16xf32>
          tpu.vector_store %arg7[%swap3A_951, %swap3A_952], %swap3A_955 {strides = array<i32>} : memref<80x128xf32, #tpu.memory_space<vmem>>, vector<1x16xf32>,
          %get3A_956 = arith.index_cast %add3A_935 : i32 to index
          %get3A_957 = arith.constant 32 : index
          %get3A_958 = tpu.vector_load %arg7[%get3A_956, %get3A_957] {strides = array<i32>} : memref<80x128xf32, #tpu.memory_space<vmem>>, vector<1x16xf32>,
          %get3A_959 = vector.shape_cast %get3A_958 : vector<1x16xf32> to vector<16xf32>
          %mul3A_960 = arith.mulf %get3A_959, %broadcast_in_dim3A_931 : vector<16xf32>
          %swap3A_961 = arith.index_cast %add3A_935 : i32 to index
          %swap3A_962 = arith.constant 32 : index
          %swap3A_963 = tpu.vector_load %arg7[%swap3A_961, %swap3A_962] {strides = array<i32>} : memref<80x128xf32, #tpu.memory_space<vmem>>, vector<1x16xf32>,
          %swap3A_964 = vector.shape_cast %swap3A_963 : vector<1x16xf32> to vector<16xf32>
          %swap3A_965 = vector.shape_cast %mul3A_960 : vector<16xf32> to vector<1x16xf32>
          tpu.vector_store %arg7[%swap3A_961, %swap3A_962], %swap3A_965 {strides = array<i32>} : memref<80x128xf32, #tpu.memory_space<vmem>>, vector<1x16xf32>,
          %get3A_966 = arith.index_cast %add3A_935 : i32 to index
          %get3A_967 = arith.constant 48 : index
          %get3A_968 = tpu.vector_load %arg7[%get3A_966, %get3A_967] {strides = array<i32>} : memref<80x128xf32, #tpu.memory_space<vmem>>, vector<1x16xf32>,
          %get3A_969 = vector.shape_cast %get3A_968 : vector<1x16xf32> to vector<16xf32>
          %mul3A_970 = arith.mulf %get3A_969, %broadcast_in_dim3A_931 : vector<16xf32>
          %swap3A_971 = arith.index_cast %add3A_935 : i32 to index
          %swap3A_972 = arith.constant 48 : index
          %swap3A_973 = tpu.vector_load %arg7[%swap3A_971, %swap3A_972] {strides = array<i32>} : memref<80x128xf32, #tpu.memory_space<vmem>>, vector<1x16xf32>,
          %swap3A_974 = vector.shape_cast %swap3A_973 : vector<1x16xf32> to vector<16xf32>
          %swap3A_975 = vector.shape_cast %mul3A_970 : vector<16xf32> to vector<1x16xf32>
          tpu.vector_store %arg7[%swap3A_971, %swap3A_972], %swap3A_975 {strides = array<i32>} : memref<80x128xf32, #tpu.memory_space<vmem>>, vector<1x16xf32>,
          %get3A_976 = arith.index_cast %add3A_935 : i32 to index
          %get3A_977 = arith.constant 64 : index
          %get3A_978 = tpu.vector_load %arg7[%get3A_976, %get3A_977] {strides = array<i32>} : memref<80x128xf32, #tpu.memory_space<vmem>>, vector<1x16xf32>,
          %get3A_979 = vector.shape_cast %get3A_978 : vector<1x16xf32> to vector<16xf32>
          %mul3A_980 = arith.mulf %get3A_979, %broadcast_in_dim3A_931 : vector<16xf32>
          %swap3A_981 = arith.index_cast %add3A_935 : i32 to index
          %swap3A_982 = arith.constant 64 : index
          %swap3A_983 = tpu.vector_load %arg7[%swap3A_981, %swap3A_982] {strides = array<i32>} : memref<80x128xf32, #tpu.memory_space<vmem>>, vector<1x16xf32>,
          %swap3A_984 = vector.shape_cast %swap3A_983 : vector<1x16xf32> to vector<16xf32>
          %swap3A_985 = vector.shape_cast %mul3A_980 : vector<16xf32> to vector<1x16xf32>
          tpu.vector_store %arg7[%swap3A_981, %swap3A_982], %swap3A_985 {strides = array<i32>} : memref<80x128xf32, #tpu.memory_space<vmem>>, vector<1x16xf32>,
          %get3A_986 = arith.index_cast %add3A_935 : i32 to index
          %get3A_987 = arith.constant 80 : index
          %get3A_988 = tpu.vector_load %arg7[%get3A_986, %get3A_987] {strides = array<i32>} : memref<80x128xf32, #tpu.memory_space<vmem>>, vector<1x16xf32>,
          %get3A_989 = vector.shape_cast %get3A_988 : vector<1x16xf32> to vector<16xf32>
          %mul3A_990 = arith.mulf %get3A_989, %broadcast_in_dim3A_931 : vector<16xf32>
          %swap3A_991 = arith.index_cast %add3A_935 : i32 to index
          %swap3A_992 = arith.constant 80 : index
          %swap3A_993 = tpu.vector_load %arg7[%swap3A_991, %swap3A_992] {strides = array<i32>} : memref<80x128xf32, #tpu.memory_space<vmem>>, vector<1x16xf32>,
          %swap3A_994 = vector.shape_cast %swap3A_993 : vector<1x16xf32> to vector<16xf32>
          %swap3A_995 = vector.shape_cast %mul3A_990 : vector<16xf32> to vector<1x16xf32>
          tpu.vector_store %arg7[%swap3A_991, %swap3A_992], %swap3A_995 {strides = array<i32>} : memref<80x128xf32, #tpu.memory_space<vmem>>, vector<1x16xf32>,
          %get3A_996 = arith.index_cast %add3A_935 : i32 to index
          %get3A_997 = arith.constant 96 : index
          %get3A_998 = tpu.vector_load %arg7[%get3A_996, %get3A_997] {strides = array<i32>} : memref<80x128xf32, #tpu.memory_space<vmem>>, vector<1x16xf32>,
          %get3A_999 = vector.shape_cast %get3A_998 : vector<1x16xf32> to vector<16xf32>
          %mul3A_1000 = arith.mulf %get3A_999, %broadcast_in_dim3A_931 : vector<16xf32>
          %swap3A_1001 = arith.index_cast %add3A_935 : i32 to index
          %swap3A_1002 = arith.constant 96 : index
          %swap3A_1003 = tpu.vector_load %arg7[%swap3A_1001, %swap3A_1002] {strides = array<i32>} : memref<80x128xf32, #tpu.memory_space<vmem>>, vector<1x16xf32>,
          %swap3A_1004 = vector.shape_cast %swap3A_1003 : vector<1x16xf32> to vector<16xf32>
          %swap3A_1005 = vector.shape_cast %mul3A_1000 : vector<16xf32> to vector<1x16xf32>
          tpu.vector_store %arg7[%swap3A_1001, %swap3A_1002], %swap3A_1005 {strides = array<i32>} : memref<80x128xf32, #tpu.memory_space<vmem>>, vector<1x16xf32>,
          %get3A_1006 = arith.index_cast %add3A_935 : i32 to index
          %get3A_1007 = arith.constant 112 : index
          %get3A_1008 = tpu.vector_load %arg7[%get3A_1006, %get3A_1007] {strides = array<i32>} : memref<80x128xf32, #tpu.memory_space<vmem>>, vector<1x16xf32>,
          %get3A_1009 = vector.shape_cast %get3A_1008 : vector<1x16xf32> to vector<16xf32>
          %mul3A_1010 = arith.mulf %get3A_1009, %broadcast_in_dim3A_931 : vector<16xf32>
          %swap3A_1011 = arith.index_cast %add3A_935 : i32 to index
          %swap3A_1012 = arith.constant 112 : index
          %swap3A_1013 = tpu.vector_load %arg7[%swap3A_1011, %swap3A_1012] {strides = array<i32>} : memref<80x128xf32, #tpu.memory_space<vmem>>, vector<1x16xf32>,
          %swap3A_1014 = vector.shape_cast %swap3A_1013 : vector<1x16xf32> to vector<16xf32>
          %swap3A_1015 = vector.shape_cast %mul3A_1010 : vector<16xf32> to vector<1x16xf32>
          tpu.vector_store %arg7[%swap3A_1011, %swap3A_1012], %swap3A_1015 {strides = array<i32>} : memref<80x128xf32, #tpu.memory_space<vmem>>, vector<1x16xf32>,
          %slice3A_1016 = vector.extract_strided_slice %bitcast_convert_type3A {offsets = [11], sizes = [1], strides = [1]} : vector<16xf32> to vector<1xf32>
          %squeeze3A_1017 = vector.extract %slice3A_1016[0] : f32 from vector<1xf32>
          %broadcast_in_dim3A_1018 = vector.broadcast %squeeze3A_1017 : f32 to vector<16xf32>
          %mul3A_1019 = arith.constant 16 : i32
          %mul3A_1020 = arith.muli %add3A_55, %mul3A_1019 : i32
          %add3A_1021 = arith.constant 11 : i32
          %add3A_1022 = arith.addi %mul3A_1020, %add3A_1021 : i32
          %get3A_1023 = arith.index_cast %add3A_1022 : i32 to index
          %get3A_1024 = arith.constant 0 : index
          %get3A_1025 = tpu.vector_load %arg7[%get3A_1023, %get3A_1024] {strides = array<i32>} : memref<80x128xf32, #tpu.memory_space<vmem>>, vector<1x16xf32>,
          %get3A_1026 = vector.shape_cast %get3A_1025 : vector<1x16xf32> to vector<16xf32>
          %mul3A_1027 = arith.mulf %get3A_1026, %broadcast_in_dim3A_1018 : vector<16xf32>
          %swap3A_1028 = arith.index_cast %add3A_1022 : i32 to index
          %swap3A_1029 = arith.constant 0 : index
          %swap3A_1030 = tpu.vector_load %arg7[%swap3A_1028, %swap3A_1029] {strides = array<i32>} : memref<80x128xf32, #tpu.memory_space<vmem>>, vector<1x16xf32>,
          %swap3A_1031 = vector.shape_cast %swap3A_1030 : vector<1x16xf32> to vector<16xf32>
          %swap3A_1032 = vector.shape_cast %mul3A_1027 : vector<16xf32> to vector<1x16xf32>
          tpu.vector_store %arg7[%swap3A_1028, %swap3A_1029], %swap3A_1032 {strides = array<i32>} : memref<80x128xf32, #tpu.memory_space<vmem>>, vector<1x16xf32>,
          %get3A_1033 = arith.index_cast %add3A_1022 : i32 to index
          %get3A_1034 = arith.constant 16 : index
          %get3A_1035 = tpu.vector_load %arg7[%get3A_1033, %get3A_1034] {strides = array<i32>} : memref<80x128xf32, #tpu.memory_space<vmem>>, vector<1x16xf32>,
          %get3A_1036 = vector.shape_cast %get3A_1035 : vector<1x16xf32> to vector<16xf32>
          %mul3A_1037 = arith.mulf %get3A_1036, %broadcast_in_dim3A_1018 : vector<16xf32>
          %swap3A_1038 = arith.index_cast %add3A_1022 : i32 to index
          %swap3A_1039 = arith.constant 16 : index
          %swap3A_1040 = tpu.vector_load %arg7[%swap3A_1038, %swap3A_1039] {strides = array<i32>} : memref<80x128xf32, #tpu.memory_space<vmem>>, vector<1x16xf32>,
          %swap3A_1041 = vector.shape_cast %swap3A_1040 : vector<1x16xf32> to vector<16xf32>
          %swap3A_1042 = vector.shape_cast %mul3A_1037 : vector<16xf32> to vector<1x16xf32>
          tpu.vector_store %arg7[%swap3A_1038, %swap3A_1039], %swap3A_1042 {strides = array<i32>} : memref<80x128xf32, #tpu.memory_space<vmem>>, vector<1x16xf32>,
          %get3A_1043 = arith.index_cast %add3A_1022 : i32 to index
          %get3A_1044 = arith.constant 32 : index
          %get3A_1045 = tpu.vector_load %arg7[%get3A_1043, %get3A_1044] {strides = array<i32>} : memref<80x128xf32, #tpu.memory_space<vmem>>, vector<1x16xf32>,
          %get3A_1046 = vector.shape_cast %get3A_1045 : vector<1x16xf32> to vector<16xf32>
          %mul3A_1047 = arith.mulf %get3A_1046, %broadcast_in_dim3A_1018 : vector<16xf32>
          %swap3A_1048 = arith.index_cast %add3A_1022 : i32 to index
          %swap3A_1049 = arith.constant 32 : index
          %swap3A_1050 = tpu.vector_load %arg7[%swap3A_1048, %swap3A_1049] {strides = array<i32>} : memref<80x128xf32, #tpu.memory_space<vmem>>, vector<1x16xf32>,
          %swap3A_1051 = vector.shape_cast %swap3A_1050 : vector<1x16xf32> to vector<16xf32>
          %swap3A_1052 = vector.shape_cast %mul3A_1047 : vector<16xf32> to vector<1x16xf32>
          tpu.vector_store %arg7[%swap3A_1048, %swap3A_1049], %swap3A_1052 {strides = array<i32>} : memref<80x128xf32, #tpu.memory_space<vmem>>, vector<1x16xf32>,
          %get3A_1053 = arith.index_cast %add3A_1022 : i32 to index
          %get3A_1054 = arith.constant 48 : index
          %get3A_1055 = tpu.vector_load %arg7[%get3A_1053, %get3A_1054] {strides = array<i32>} : memref<80x128xf32, #tpu.memory_space<vmem>>, vector<1x16xf32>,
          %get3A_1056 = vector.shape_cast %get3A_1055 : vector<1x16xf32> to vector<16xf32>
          %mul3A_1057 = arith.mulf %get3A_1056, %broadcast_in_dim3A_1018 : vector<16xf32>
          %swap3A_1058 = arith.index_cast %add3A_1022 : i32 to index
          %swap3A_1059 = arith.constant 48 : index
          %swap3A_1060 = tpu.vector_load %arg7[%swap3A_1058, %swap3A_1059] {strides = array<i32>} : memref<80x128xf32, #tpu.memory_space<vmem>>, vector<1x16xf32>,
          %swap3A_1061 = vector.shape_cast %swap3A_1060 : vector<1x16xf32> to vector<16xf32>
          %swap3A_1062 = vector.shape_cast %mul3A_1057 : vector<16xf32> to vector<1x16xf32>
          tpu.vector_store %arg7[%swap3A_1058, %swap3A_1059], %swap3A_1062 {strides = array<i32>} : memref<80x128xf32, #tpu.memory_space<vmem>>, vector<1x16xf32>,
          %get3A_1063 = arith.index_cast %add3A_1022 : i32 to index
          %get3A_1064 = arith.constant 64 : index
          %get3A_1065 = tpu.vector_load %arg7[%get3A_1063, %get3A_1064] {strides = array<i32>} : memref<80x128xf32, #tpu.memory_space<vmem>>, vector<1x16xf32>,
          %get3A_1066 = vector.shape_cast %get3A_1065 : vector<1x16xf32> to vector<16xf32>
          %mul3A_1067 = arith.mulf %get3A_1066, %broadcast_in_dim3A_1018 : vector<16xf32>
          %swap3A_1068 = arith.index_cast %add3A_1022 : i32 to index
          %swap3A_1069 = arith.constant 64 : index
          %swap3A_1070 = tpu.vector_load %arg7[%swap3A_1068, %swap3A_1069] {strides = array<i32>} : memref<80x128xf32, #tpu.memory_space<vmem>>, vector<1x16xf32>,
          %swap3A_1071 = vector.shape_cast %swap3A_1070 : vector<1x16xf32> to vector<16xf32>
          %swap3A_1072 = vector.shape_cast %mul3A_1067 : vector<16xf32> to vector<1x16xf32>
          tpu.vector_store %arg7[%swap3A_1068, %swap3A_1069], %swap3A_1072 {strides = array<i32>} : memref<80x128xf32, #tpu.memory_space<vmem>>, vector<1x16xf32>,
          %get3A_1073 = arith.index_cast %add3A_1022 : i32 to index
          %get3A_1074 = arith.constant 80 : index
          %get3A_1075 = tpu.vector_load %arg7[%get3A_1073, %get3A_1074] {strides = array<i32>} : memref<80x128xf32, #tpu.memory_space<vmem>>, vector<1x16xf32>,
          %get3A_1076 = vector.shape_cast %get3A_1075 : vector<1x16xf32> to vector<16xf32>
          %mul3A_1077 = arith.mulf %get3A_1076, %broadcast_in_dim3A_1018 : vector<16xf32>
          %swap3A_1078 = arith.index_cast %add3A_1022 : i32 to index
          %swap3A_1079 = arith.constant 80 : index
          %swap3A_1080 = tpu.vector_load %arg7[%swap3A_1078, %swap3A_1079] {strides = array<i32>} : memref<80x128xf32, #tpu.memory_space<vmem>>, vector<1x16xf32>,
          %swap3A_1081 = vector.shape_cast %swap3A_1080 : vector<1x16xf32> to vector<16xf32>
          %swap3A_1082 = vector.shape_cast %mul3A_1077 : vector<16xf32> to vector<1x16xf32>
          tpu.vector_store %arg7[%swap3A_1078, %swap3A_1079], %swap3A_1082 {strides = array<i32>} : memref<80x128xf32, #tpu.memory_space<vmem>>, vector<1x16xf32>,
          %get3A_1083 = arith.index_cast %add3A_1022 : i32 to index
          %get3A_1084 = arith.constant 96 : index
          %get3A_1085 = tpu.vector_load %arg7[%get3A_1083, %get3A_1084] {strides = array<i32>} : memref<80x128xf32, #tpu.memory_space<vmem>>, vector<1x16xf32>,
          %get3A_1086 = vector.shape_cast %get3A_1085 : vector<1x16xf32> to vector<16xf32>
          %mul3A_1087 = arith.mulf %get3A_1086, %broadcast_in_dim3A_1018 : vector<16xf32>
          %swap3A_1088 = arith.index_cast %add3A_1022 : i32 to index
          %swap3A_1089 = arith.constant 96 : index
          %swap3A_1090 = tpu.vector_load %arg7[%swap3A_1088, %swap3A_1089] {strides = array<i32>} : memref<80x128xf32, #tpu.memory_space<vmem>>, vector<1x16xf32>,
          %swap3A_1091 = vector.shape_cast %swap3A_1090 : vector<1x16xf32> to vector<16xf32>
          %swap3A_1092 = vector.shape_cast %mul3A_1087 : vector<16xf32> to vector<1x16xf32>
          tpu.vector_store %arg7[%swap3A_1088, %swap3A_1089], %swap3A_1092 {strides = array<i32>} : memref<80x128xf32, #tpu.memory_space<vmem>>, vector<1x16xf32>,
          %get3A_1093 = arith.index_cast %add3A_1022 : i32 to index
          %get3A_1094 = arith.constant 112 : index
          %get3A_1095 = tpu.vector_load %arg7[%get3A_1093, %get3A_1094] {strides = array<i32>} : memref<80x128xf32, #tpu.memory_space<vmem>>, vector<1x16xf32>,
          %get3A_1096 = vector.shape_cast %get3A_1095 : vector<1x16xf32> to vector<16xf32>
          %mul3A_1097 = arith.mulf %get3A_1096, %broadcast_in_dim3A_1018 : vector<16xf32>
          %swap3A_1098 = arith.index_cast %add3A_1022 : i32 to index
          %swap3A_1099 = arith.constant 112 : index
          %swap3A_1100 = tpu.vector_load %arg7[%swap3A_1098, %swap3A_1099] {strides = array<i32>} : memref<80x128xf32, #tpu.memory_space<vmem>>, vector<1x16xf32>,
          %swap3A_1101 = vector.shape_cast %swap3A_1100 : vector<1x16xf32> to vector<16xf32>
          %swap3A_1102 = vector.shape_cast %mul3A_1097 : vector<16xf32> to vector<1x16xf32>
          tpu.vector_store %arg7[%swap3A_1098, %swap3A_1099], %swap3A_1102 {strides = array<i32>} : memref<80x128xf32, #tpu.memory_space<vmem>>, vector<1x16xf32>,
          %slice3A_1103 = vector.extract_strided_slice %bitcast_convert_type3A {offsets = [12], sizes = [1], strides = [1]} : vector<16xf32> to vector<1xf32>
          %squeeze3A_1104 = vector.extract %slice3A_1103[0] : f32 from vector<1xf32>
          %broadcast_in_dim3A_1105 = vector.broadcast %squeeze3A_1104 : f32 to vector<16xf32>
          %mul3A_1106 = arith.constant 16 : i32
          %mul3A_1107 = arith.muli %add3A_55, %mul3A_1106 : i32
          %add3A_1108 = arith.constant 12 : i32
          %add3A_1109 = arith.addi %mul3A_1107, %add3A_1108 : i32
          %get3A_1110 = arith.index_cast %add3A_1109 : i32 to index
          %get3A_1111 = arith.constant 0 : index
          %get3A_1112 = tpu.vector_load %arg7[%get3A_1110, %get3A_1111] {strides = array<i32>} : memref<80x128xf32, #tpu.memory_space<vmem>>, vector<1x16xf32>,
          %get3A_1113 = vector.shape_cast %get3A_1112 : vector<1x16xf32> to vector<16xf32>
          %mul3A_1114 = arith.mulf %get3A_1113, %broadcast_in_dim3A_1105 : vector<16xf32>
          %swap3A_1115 = arith.index_cast %add3A_1109 : i32 to index
          %swap3A_1116 = arith.constant 0 : index
          %swap3A_1117 = tpu.vector_load %arg7[%swap3A_1115, %swap3A_1116] {strides = array<i32>} : memref<80x128xf32, #tpu.memory_space<vmem>>, vector<1x16xf32>,
          %swap3A_1118 = vector.shape_cast %swap3A_1117 : vector<1x16xf32> to vector<16xf32>
          %swap3A_1119 = vector.shape_cast %mul3A_1114 : vector<16xf32> to vector<1x16xf32>
          tpu.vector_store %arg7[%swap3A_1115, %swap3A_1116], %swap3A_1119 {strides = array<i32>} : memref<80x128xf32, #tpu.memory_space<vmem>>, vector<1x16xf32>,
          %get3A_1120 = arith.index_cast %add3A_1109 : i32 to index
          %get3A_1121 = arith.constant 16 : index
          %get3A_1122 = tpu.vector_load %arg7[%get3A_1120, %get3A_1121] {strides = array<i32>} : memref<80x128xf32, #tpu.memory_space<vmem>>, vector<1x16xf32>,
          %get3A_1123 = vector.shape_cast %get3A_1122 : vector<1x16xf32> to vector<16xf32>
          %mul3A_1124 = arith.mulf %get3A_1123, %broadcast_in_dim3A_1105 : vector<16xf32>
          %swap3A_1125 = arith.index_cast %add3A_1109 : i32 to index
          %swap3A_1126 = arith.constant 16 : index
          %swap3A_1127 = tpu.vector_load %arg7[%swap3A_1125, %swap3A_1126] {strides = array<i32>} : memref<80x128xf32, #tpu.memory_space<vmem>>, vector<1x16xf32>,
          %swap3A_1128 = vector.shape_cast %swap3A_1127 : vector<1x16xf32> to vector<16xf32>
          %swap3A_1129 = vector.shape_cast %mul3A_1124 : vector<16xf32> to vector<1x16xf32>
          tpu.vector_store %arg7[%swap3A_1125, %swap3A_1126], %swap3A_1129 {strides = array<i32>} : memref<80x128xf32, #tpu.memory_space<vmem>>, vector<1x16xf32>,
          %get3A_1130 = arith.index_cast %add3A_1109 : i32 to index
          %get3A_1131 = arith.constant 32 : index
          %get3A_1132 = tpu.vector_load %arg7[%get3A_1130, %get3A_1131] {strides = array<i32>} : memref<80x128xf32, #tpu.memory_space<vmem>>, vector<1x16xf32>,
          %get3A_1133 = vector.shape_cast %get3A_1132 : vector<1x16xf32> to vector<16xf32>
          %mul3A_1134 = arith.mulf %get3A_1133, %broadcast_in_dim3A_1105 : vector<16xf32>
          %swap3A_1135 = arith.index_cast %add3A_1109 : i32 to index
          %swap3A_1136 = arith.constant 32 : index
          %swap3A_1137 = tpu.vector_load %arg7[%swap3A_1135, %swap3A_1136] {strides = array<i32>} : memref<80x128xf32, #tpu.memory_space<vmem>>, vector<1x16xf32>,
          %swap3A_1138 = vector.shape_cast %swap3A_1137 : vector<1x16xf32> to vector<16xf32>
          %swap3A_1139 = vector.shape_cast %mul3A_1134 : vector<16xf32> to vector<1x16xf32>
          tpu.vector_store %arg7[%swap3A_1135, %swap3A_1136], %swap3A_1139 {strides = array<i32>} : memref<80x128xf32, #tpu.memory_space<vmem>>, vector<1x16xf32>,
          %get3A_1140 = arith.index_cast %add3A_1109 : i32 to index
          %get3A_1141 = arith.constant 48 : index
          %get3A_1142 = tpu.vector_load %arg7[%get3A_1140, %get3A_1141] {strides = array<i32>} : memref<80x128xf32, #tpu.memory_space<vmem>>, vector<1x16xf32>,
          %get3A_1143 = vector.shape_cast %get3A_1142 : vector<1x16xf32> to vector<16xf32>
          %mul3A_1144 = arith.mulf %get3A_1143, %broadcast_in_dim3A_1105 : vector<16xf32>
          %swap3A_1145 = arith.index_cast %add3A_1109 : i32 to index
          %swap3A_1146 = arith.constant 48 : index
          %swap3A_1147 = tpu.vector_load %arg7[%swap3A_1145, %swap3A_1146] {strides = array<i32>} : memref<80x128xf32, #tpu.memory_space<vmem>>, vector<1x16xf32>,
          %swap3A_1148 = vector.shape_cast %swap3A_1147 : vector<1x16xf32> to vector<16xf32>
          %swap3A_1149 = vector.shape_cast %mul3A_1144 : vector<16xf32> to vector<1x16xf32>
          tpu.vector_store %arg7[%swap3A_1145, %swap3A_1146], %swap3A_1149 {strides = array<i32>} : memref<80x128xf32, #tpu.memory_space<vmem>>, vector<1x16xf32>,
          %get3A_1150 = arith.index_cast %add3A_1109 : i32 to index
          %get3A_1151 = arith.constant 64 : index
          %get3A_1152 = tpu.vector_load %arg7[%get3A_1150, %get3A_1151] {strides = array<i32>} : memref<80x128xf32, #tpu.memory_space<vmem>>, vector<1x16xf32>,
          %get3A_1153 = vector.shape_cast %get3A_1152 : vector<1x16xf32> to vector<16xf32>
          %mul3A_1154 = arith.mulf %get3A_1153, %broadcast_in_dim3A_1105 : vector<16xf32>
          %swap3A_1155 = arith.index_cast %add3A_1109 : i32 to index
          %swap3A_1156 = arith.constant 64 : index
          %swap3A_1157 = tpu.vector_load %arg7[%swap3A_1155, %swap3A_1156] {strides = array<i32>} : memref<80x128xf32, #tpu.memory_space<vmem>>, vector<1x16xf32>,
          %swap3A_1158 = vector.shape_cast %swap3A_1157 : vector<1x16xf32> to vector<16xf32>
          %swap3A_1159 = vector.shape_cast %mul3A_1154 : vector<16xf32> to vector<1x16xf32>
          tpu.vector_store %arg7[%swap3A_1155, %swap3A_1156], %swap3A_1159 {strides = array<i32>} : memref<80x128xf32, #tpu.memory_space<vmem>>, vector<1x16xf32>,
          %get3A_1160 = arith.index_cast %add3A_1109 : i32 to index
          %get3A_1161 = arith.constant 80 : index
          %get3A_1162 = tpu.vector_load %arg7[%get3A_1160, %get3A_1161] {strides = array<i32>} : memref<80x128xf32, #tpu.memory_space<vmem>>, vector<1x16xf32>,
          %get3A_1163 = vector.shape_cast %get3A_1162 : vector<1x16xf32> to vector<16xf32>
          %mul3A_1164 = arith.mulf %get3A_1163, %broadcast_in_dim3A_1105 : vector<16xf32>
          %swap3A_1165 = arith.index_cast %add3A_1109 : i32 to index
          %swap3A_1166 = arith.constant 80 : index
          %swap3A_1167 = tpu.vector_load %arg7[%swap3A_1165, %swap3A_1166] {strides = array<i32>} : memref<80x128xf32, #tpu.memory_space<vmem>>, vector<1x16xf32>,
          %swap3A_1168 = vector.shape_cast %swap3A_1167 : vector<1x16xf32> to vector<16xf32>
          %swap3A_1169 = vector.shape_cast %mul3A_1164 : vector<16xf32> to vector<1x16xf32>
          tpu.vector_store %arg7[%swap3A_1165, %swap3A_1166], %swap3A_1169 {strides = array<i32>} : memref<80x128xf32, #tpu.memory_space<vmem>>, vector<1x16xf32>,
          %get3A_1170 = arith.index_cast %add3A_1109 : i32 to index
          %get3A_1171 = arith.constant 96 : index
          %get3A_1172 = tpu.vector_load %arg7[%get3A_1170, %get3A_1171] {strides = array<i32>} : memref<80x128xf32, #tpu.memory_space<vmem>>, vector<1x16xf32>,
          %get3A_1173 = vector.shape_cast %get3A_1172 : vector<1x16xf32> to vector<16xf32>
          %mul3A_1174 = arith.mulf %get3A_1173, %broadcast_in_dim3A_1105 : vector<16xf32>
          %swap3A_1175 = arith.index_cast %add3A_1109 : i32 to index
          %swap3A_1176 = arith.constant 96 : index
          %swap3A_1177 = tpu.vector_load %arg7[%swap3A_1175, %swap3A_1176] {strides = array<i32>} : memref<80x128xf32, #tpu.memory_space<vmem>>, vector<1x16xf32>,
          %swap3A_1178 = vector.shape_cast %swap3A_1177 : vector<1x16xf32> to vector<16xf32>
          %swap3A_1179 = vector.shape_cast %mul3A_1174 : vector<16xf32> to vector<1x16xf32>
          tpu.vector_store %arg7[%swap3A_1175, %swap3A_1176], %swap3A_1179 {strides = array<i32>} : memref<80x128xf32, #tpu.memory_space<vmem>>, vector<1x16xf32>,
          %get3A_1180 = arith.index_cast %add3A_1109 : i32 to index
          %get3A_1181 = arith.constant 112 : index
          %get3A_1182 = tpu.vector_load %arg7[%get3A_1180, %get3A_1181] {strides = array<i32>} : memref<80x128xf32, #tpu.memory_space<vmem>>, vector<1x16xf32>,
          %get3A_1183 = vector.shape_cast %get3A_1182 : vector<1x16xf32> to vector<16xf32>
          %mul3A_1184 = arith.mulf %get3A_1183, %broadcast_in_dim3A_1105 : vector<16xf32>
          %swap3A_1185 = arith.index_cast %add3A_1109 : i32 to index
          %swap3A_1186 = arith.constant 112 : index
          %swap3A_1187 = tpu.vector_load %arg7[%swap3A_1185, %swap3A_1186] {strides = array<i32>} : memref<80x128xf32, #tpu.memory_space<vmem>>, vector<1x16xf32>,
          %swap3A_1188 = vector.shape_cast %swap3A_1187 : vector<1x16xf32> to vector<16xf32>
          %swap3A_1189 = vector.shape_cast %mul3A_1184 : vector<16xf32> to vector<1x16xf32>
          tpu.vector_store %arg7[%swap3A_1185, %swap3A_1186], %swap3A_1189 {strides = array<i32>} : memref<80x128xf32, #tpu.memory_space<vmem>>, vector<1x16xf32>,
          %slice3A_1190 = vector.extract_strided_slice %bitcast_convert_type3A {offsets = [13], sizes = [1], strides = [1]} : vector<16xf32> to vector<1xf32>
          %squeeze3A_1191 = vector.extract %slice3A_1190[0] : f32 from vector<1xf32>
          %broadcast_in_dim3A_1192 = vector.broadcast %squeeze3A_1191 : f32 to vector<16xf32>
          %mul3A_1193 = arith.constant 16 : i32
          %mul3A_1194 = arith.muli %add3A_55, %mul3A_1193 : i32
          %add3A_1195 = arith.constant 13 : i32
          %add3A_1196 = arith.addi %mul3A_1194, %add3A_1195 : i32
          %get3A_1197 = arith.index_cast %add3A_1196 : i32 to index
          %get3A_1198 = arith.constant 0 : index
          %get3A_1199 = tpu.vector_load %arg7[%get3A_1197, %get3A_1198] {strides = array<i32>} : memref<80x128xf32, #tpu.memory_space<vmem>>, vector<1x16xf32>,
          %get3A_1200 = vector.shape_cast %get3A_1199 : vector<1x16xf32> to vector<16xf32>
          %mul3A_1201 = arith.mulf %get3A_1200, %broadcast_in_dim3A_1192 : vector<16xf32>
          %swap3A_1202 = arith.index_cast %add3A_1196 : i32 to index
          %swap3A_1203 = arith.constant 0 : index
          %swap3A_1204 = tpu.vector_load %arg7[%swap3A_1202, %swap3A_1203] {strides = array<i32>} : memref<80x128xf32, #tpu.memory_space<vmem>>, vector<1x16xf32>,
          %swap3A_1205 = vector.shape_cast %swap3A_1204 : vector<1x16xf32> to vector<16xf32>
          %swap3A_1206 = vector.shape_cast %mul3A_1201 : vector<16xf32> to vector<1x16xf32>
          tpu.vector_store %arg7[%swap3A_1202, %swap3A_1203], %swap3A_1206 {strides = array<i32>} : memref<80x128xf32, #tpu.memory_space<vmem>>, vector<1x16xf32>,
          %get3A_1207 = arith.index_cast %add3A_1196 : i32 to index
          %get3A_1208 = arith.constant 16 : index
          %get3A_1209 = tpu.vector_load %arg7[%get3A_1207, %get3A_1208] {strides = array<i32>} : memref<80x128xf32, #tpu.memory_space<vmem>>, vector<1x16xf32>,
          %get3A_1210 = vector.shape_cast %get3A_1209 : vector<1x16xf32> to vector<16xf32>
          %mul3A_1211 = arith.mulf %get3A_1210, %broadcast_in_dim3A_1192 : vector<16xf32>
          %swap3A_1212 = arith.index_cast %add3A_1196 : i32 to index
          %swap3A_1213 = arith.constant 16 : index
          %swap3A_1214 = tpu.vector_load %arg7[%swap3A_1212, %swap3A_1213] {strides = array<i32>} : memref<80x128xf32, #tpu.memory_space<vmem>>, vector<1x16xf32>,
          %swap3A_1215 = vector.shape_cast %swap3A_1214 : vector<1x16xf32> to vector<16xf32>
          %swap3A_1216 = vector.shape_cast %mul3A_1211 : vector<16xf32> to vector<1x16xf32>
          tpu.vector_store %arg7[%swap3A_1212, %swap3A_1213], %swap3A_1216 {strides = array<i32>} : memref<80x128xf32, #tpu.memory_space<vmem>>, vector<1x16xf32>,
          %get3A_1217 = arith.index_cast %add3A_1196 : i32 to index
          %get3A_1218 = arith.constant 32 : index
          %get3A_1219 = tpu.vector_load %arg7[%get3A_1217, %get3A_1218] {strides = array<i32>} : memref<80x128xf32, #tpu.memory_space<vmem>>, vector<1x16xf32>,
          %get3A_1220 = vector.shape_cast %get3A_1219 : vector<1x16xf32> to vector<16xf32>
          %mul3A_1221 = arith.mulf %get3A_1220, %broadcast_in_dim3A_1192 : vector<16xf32>
          %swap3A_1222 = arith.index_cast %add3A_1196 : i32 to index
          %swap3A_1223 = arith.constant 32 : index
          %swap3A_1224 = tpu.vector_load %arg7[%swap3A_1222, %swap3A_1223] {strides = array<i32>} : memref<80x128xf32, #tpu.memory_space<vmem>>, vector<1x16xf32>,
          %swap3A_1225 = vector.shape_cast %swap3A_1224 : vector<1x16xf32> to vector<16xf32>
          %swap3A_1226 = vector.shape_cast %mul3A_1221 : vector<16xf32> to vector<1x16xf32>
          tpu.vector_store %arg7[%swap3A_1222, %swap3A_1223], %swap3A_1226 {strides = array<i32>} : memref<80x128xf32, #tpu.memory_space<vmem>>, vector<1x16xf32>,
          %get3A_1227 = arith.index_cast %add3A_1196 : i32 to index
          %get3A_1228 = arith.constant 48 : index
          %get3A_1229 = tpu.vector_load %arg7[%get3A_1227, %get3A_1228] {strides = array<i32>} : memref<80x128xf32, #tpu.memory_space<vmem>>, vector<1x16xf32>,
          %get3A_1230 = vector.shape_cast %get3A_1229 : vector<1x16xf32> to vector<16xf32>
          %mul3A_1231 = arith.mulf %get3A_1230, %broadcast_in_dim3A_1192 : vector<16xf32>
          %swap3A_1232 = arith.index_cast %add3A_1196 : i32 to index
          %swap3A_1233 = arith.constant 48 : index
          %swap3A_1234 = tpu.vector_load %arg7[%swap3A_1232, %swap3A_1233] {strides = array<i32>} : memref<80x128xf32, #tpu.memory_space<vmem>>, vector<1x16xf32>,
          %swap3A_1235 = vector.shape_cast %swap3A_1234 : vector<1x16xf32> to vector<16xf32>
          %swap3A_1236 = vector.shape_cast %mul3A_1231 : vector<16xf32> to vector<1x16xf32>
          tpu.vector_store %arg7[%swap3A_1232, %swap3A_1233], %swap3A_1236 {strides = array<i32>} : memref<80x128xf32, #tpu.memory_space<vmem>>, vector<1x16xf32>,
          %get3A_1237 = arith.index_cast %add3A_1196 : i32 to index
          %get3A_1238 = arith.constant 64 : index
          %get3A_1239 = tpu.vector_load %arg7[%get3A_1237, %get3A_1238] {strides = array<i32>} : memref<80x128xf32, #tpu.memory_space<vmem>>, vector<1x16xf32>,
          %get3A_1240 = vector.shape_cast %get3A_1239 : vector<1x16xf32> to vector<16xf32>
          %mul3A_1241 = arith.mulf %get3A_1240, %broadcast_in_dim3A_1192 : vector<16xf32>
          %swap3A_1242 = arith.index_cast %add3A_1196 : i32 to index
          %swap3A_1243 = arith.constant 64 : index
          %swap3A_1244 = tpu.vector_load %arg7[%swap3A_1242, %swap3A_1243] {strides = array<i32>} : memref<80x128xf32, #tpu.memory_space<vmem>>, vector<1x16xf32>,
          %swap3A_1245 = vector.shape_cast %swap3A_1244 : vector<1x16xf32> to vector<16xf32>
          %swap3A_1246 = vector.shape_cast %mul3A_1241 : vector<16xf32> to vector<1x16xf32>
          tpu.vector_store %arg7[%swap3A_1242, %swap3A_1243], %swap3A_1246 {strides = array<i32>} : memref<80x128xf32, #tpu.memory_space<vmem>>, vector<1x16xf32>,
          %get3A_1247 = arith.index_cast %add3A_1196 : i32 to index
          %get3A_1248 = arith.constant 80 : index
          %get3A_1249 = tpu.vector_load %arg7[%get3A_1247, %get3A_1248] {strides = array<i32>} : memref<80x128xf32, #tpu.memory_space<vmem>>, vector<1x16xf32>,
          %get3A_1250 = vector.shape_cast %get3A_1249 : vector<1x16xf32> to vector<16xf32>
          %mul3A_1251 = arith.mulf %get3A_1250, %broadcast_in_dim3A_1192 : vector<16xf32>
          %swap3A_1252 = arith.index_cast %add3A_1196 : i32 to index
          %swap3A_1253 = arith.constant 80 : index
          %swap3A_1254 = tpu.vector_load %arg7[%swap3A_1252, %swap3A_1253] {strides = array<i32>} : memref<80x128xf32, #tpu.memory_space<vmem>>, vector<1x16xf32>,
          %swap3A_1255 = vector.shape_cast %swap3A_1254 : vector<1x16xf32> to vector<16xf32>
          %swap3A_1256 = vector.shape_cast %mul3A_1251 : vector<16xf32> to vector<1x16xf32>
          tpu.vector_store %arg7[%swap3A_1252, %swap3A_1253], %swap3A_1256 {strides = array<i32>} : memref<80x128xf32, #tpu.memory_space<vmem>>, vector<1x16xf32>,
          %get3A_1257 = arith.index_cast %add3A_1196 : i32 to index
          %get3A_1258 = arith.constant 96 : index
          %get3A_1259 = tpu.vector_load %arg7[%get3A_1257, %get3A_1258] {strides = array<i32>} : memref<80x128xf32, #tpu.memory_space<vmem>>, vector<1x16xf32>,
          %get3A_1260 = vector.shape_cast %get3A_1259 : vector<1x16xf32> to vector<16xf32>
          %mul3A_1261 = arith.mulf %get3A_1260, %broadcast_in_dim3A_1192 : vector<16xf32>
          %swap3A_1262 = arith.index_cast %add3A_1196 : i32 to index
          %swap3A_1263 = arith.constant 96 : index
          %swap3A_1264 = tpu.vector_load %arg7[%swap3A_1262, %swap3A_1263] {strides = array<i32>} : memref<80x128xf32, #tpu.memory_space<vmem>>, vector<1x16xf32>,
          %swap3A_1265 = vector.shape_cast %swap3A_1264 : vector<1x16xf32> to vector<16xf32>
          %swap3A_1266 = vector.shape_cast %mul3A_1261 : vector<16xf32> to vector<1x16xf32>
          tpu.vector_store %arg7[%swap3A_1262, %swap3A_1263], %swap3A_1266 {strides = array<i32>} : memref<80x128xf32, #tpu.memory_space<vmem>>, vector<1x16xf32>,
          %get3A_1267 = arith.index_cast %add3A_1196 : i32 to index
          %get3A_1268 = arith.constant 112 : index
          %get3A_1269 = tpu.vector_load %arg7[%get3A_1267, %get3A_1268] {strides = array<i32>} : memref<80x128xf32, #tpu.memory_space<vmem>>, vector<1x16xf32>,
          %get3A_1270 = vector.shape_cast %get3A_1269 : vector<1x16xf32> to vector<16xf32>
          %mul3A_1271 = arith.mulf %get3A_1270, %broadcast_in_dim3A_1192 : vector<16xf32>
          %swap3A_1272 = arith.index_cast %add3A_1196 : i32 to index
          %swap3A_1273 = arith.constant 112 : index
          %swap3A_1274 = tpu.vector_load %arg7[%swap3A_1272, %swap3A_1273] {strides = array<i32>} : memref<80x128xf32, #tpu.memory_space<vmem>>, vector<1x16xf32>,
          %swap3A_1275 = vector.shape_cast %swap3A_1274 : vector<1x16xf32> to vector<16xf32>
          %swap3A_1276 = vector.shape_cast %mul3A_1271 : vector<16xf32> to vector<1x16xf32>
          tpu.vector_store %arg7[%swap3A_1272, %swap3A_1273], %swap3A_1276 {strides = array<i32>} : memref<80x128xf32, #tpu.memory_space<vmem>>, vector<1x16xf32>,
          %slice3A_1277 = vector.extract_strided_slice %bitcast_convert_type3A {offsets = [14], sizes = [1], strides = [1]} : vector<16xf32> to vector<1xf32>
          %squeeze3A_1278 = vector.extract %slice3A_1277[0] : f32 from vector<1xf32>
          %broadcast_in_dim3A_1279 = vector.broadcast %squeeze3A_1278 : f32 to vector<16xf32>
          %mul3A_1280 = arith.constant 16 : i32
          %mul3A_1281 = arith.muli %add3A_55, %mul3A_1280 : i32
          %add3A_1282 = arith.constant 14 : i32
          %add3A_1283 = arith.addi %mul3A_1281, %add3A_1282 : i32
          %get3A_1284 = arith.index_cast %add3A_1283 : i32 to index
          %get3A_1285 = arith.constant 0 : index
          %get3A_1286 = tpu.vector_load %arg7[%get3A_1284, %get3A_1285] {strides = array<i32>} : memref<80x128xf32, #tpu.memory_space<vmem>>, vector<1x16xf32>,
          %get3A_1287 = vector.shape_cast %get3A_1286 : vector<1x16xf32> to vector<16xf32>
          %mul3A_1288 = arith.mulf %get3A_1287, %broadcast_in_dim3A_1279 : vector<16xf32>
          %swap3A_1289 = arith.index_cast %add3A_1283 : i32 to index
          %swap3A_1290 = arith.constant 0 : index
          %swap3A_1291 = tpu.vector_load %arg7[%swap3A_1289, %swap3A_1290] {strides = array<i32>} : memref<80x128xf32, #tpu.memory_space<vmem>>, vector<1x16xf32>,
          %swap3A_1292 = vector.shape_cast %swap3A_1291 : vector<1x16xf32> to vector<16xf32>
          %swap3A_1293 = vector.shape_cast %mul3A_1288 : vector<16xf32> to vector<1x16xf32>
          tpu.vector_store %arg7[%swap3A_1289, %swap3A_1290], %swap3A_1293 {strides = array<i32>} : memref<80x128xf32, #tpu.memory_space<vmem>>, vector<1x16xf32>,
          %get3A_1294 = arith.index_cast %add3A_1283 : i32 to index
          %get3A_1295 = arith.constant 16 : index
          %get3A_1296 = tpu.vector_load %arg7[%get3A_1294, %get3A_1295] {strides = array<i32>} : memref<80x128xf32, #tpu.memory_space<vmem>>, vector<1x16xf32>,
          %get3A_1297 = vector.shape_cast %get3A_1296 : vector<1x16xf32> to vector<16xf32>
          %mul3A_1298 = arith.mulf %get3A_1297, %broadcast_in_dim3A_1279 : vector<16xf32>
          %swap3A_1299 = arith.index_cast %add3A_1283 : i32 to index
          %swap3A_1300 = arith.constant 16 : index
          %swap3A_1301 = tpu.vector_load %arg7[%swap3A_1299, %swap3A_1300] {strides = array<i32>} : memref<80x128xf32, #tpu.memory_space<vmem>>, vector<1x16xf32>,
          %swap3A_1302 = vector.shape_cast %swap3A_1301 : vector<1x16xf32> to vector<16xf32>
          %swap3A_1303 = vector.shape_cast %mul3A_1298 : vector<16xf32> to vector<1x16xf32>
          tpu.vector_store %arg7[%swap3A_1299, %swap3A_1300], %swap3A_1303 {strides = array<i32>} : memref<80x128xf32, #tpu.memory_space<vmem>>, vector<1x16xf32>,
          %get3A_1304 = arith.index_cast %add3A_1283 : i32 to index
          %get3A_1305 = arith.constant 32 : index
          %get3A_1306 = tpu.vector_load %arg7[%get3A_1304, %get3A_1305] {strides = array<i32>} : memref<80x128xf32, #tpu.memory_space<vmem>>, vector<1x16xf32>,
          %get3A_1307 = vector.shape_cast %get3A_1306 : vector<1x16xf32> to vector<16xf32>
          %mul3A_1308 = arith.mulf %get3A_1307, %broadcast_in_dim3A_1279 : vector<16xf32>
          %swap3A_1309 = arith.index_cast %add3A_1283 : i32 to index
          %swap3A_1310 = arith.constant 32 : index
          %swap3A_1311 = tpu.vector_load %arg7[%swap3A_1309, %swap3A_1310] {strides = array<i32>} : memref<80x128xf32, #tpu.memory_space<vmem>>, vector<1x16xf32>,
          %swap3A_1312 = vector.shape_cast %swap3A_1311 : vector<1x16xf32> to vector<16xf32>
          %swap3A_1313 = vector.shape_cast %mul3A_1308 : vector<16xf32> to vector<1x16xf32>
          tpu.vector_store %arg7[%swap3A_1309, %swap3A_1310], %swap3A_1313 {strides = array<i32>} : memref<80x128xf32, #tpu.memory_space<vmem>>, vector<1x16xf32>,
          %get3A_1314 = arith.index_cast %add3A_1283 : i32 to index
          %get3A_1315 = arith.constant 48 : index
          %get3A_1316 = tpu.vector_load %arg7[%get3A_1314, %get3A_1315] {strides = array<i32>} : memref<80x128xf32, #tpu.memory_space<vmem>>, vector<1x16xf32>,
          %get3A_1317 = vector.shape_cast %get3A_1316 : vector<1x16xf32> to vector<16xf32>
          %mul3A_1318 = arith.mulf %get3A_1317, %broadcast_in_dim3A_1279 : vector<16xf32>
          %swap3A_1319 = arith.index_cast %add3A_1283 : i32 to index
          %swap3A_1320 = arith.constant 48 : index
          %swap3A_1321 = tpu.vector_load %arg7[%swap3A_1319, %swap3A_1320] {strides = array<i32>} : memref<80x128xf32, #tpu.memory_space<vmem>>, vector<1x16xf32>,
          %swap3A_1322 = vector.shape_cast %swap3A_1321 : vector<1x16xf32> to vector<16xf32>
          %swap3A_1323 = vector.shape_cast %mul3A_1318 : vector<16xf32> to vector<1x16xf32>
          tpu.vector_store %arg7[%swap3A_1319, %swap3A_1320], %swap3A_1323 {strides = array<i32>} : memref<80x128xf32, #tpu.memory_space<vmem>>, vector<1x16xf32>,
          %get3A_1324 = arith.index_cast %add3A_1283 : i32 to index
          %get3A_1325 = arith.constant 64 : index
          %get3A_1326 = tpu.vector_load %arg7[%get3A_1324, %get3A_1325] {strides = array<i32>} : memref<80x128xf32, #tpu.memory_space<vmem>>, vector<1x16xf32>,
          %get3A_1327 = vector.shape_cast %get3A_1326 : vector<1x16xf32> to vector<16xf32>
          %mul3A_1328 = arith.mulf %get3A_1327, %broadcast_in_dim3A_1279 : vector<16xf32>
          %swap3A_1329 = arith.index_cast %add3A_1283 : i32 to index
          %swap3A_1330 = arith.constant 64 : index
          %swap3A_1331 = tpu.vector_load %arg7[%swap3A_1329, %swap3A_1330] {strides = array<i32>} : memref<80x128xf32, #tpu.memory_space<vmem>>, vector<1x16xf32>,
          %swap3A_1332 = vector.shape_cast %swap3A_1331 : vector<1x16xf32> to vector<16xf32>
          %swap3A_1333 = vector.shape_cast %mul3A_1328 : vector<16xf32> to vector<1x16xf32>
          tpu.vector_store %arg7[%swap3A_1329, %swap3A_1330], %swap3A_1333 {strides = array<i32>} : memref<80x128xf32, #tpu.memory_space<vmem>>, vector<1x16xf32>,
          %get3A_1334 = arith.index_cast %add3A_1283 : i32 to index
          %get3A_1335 = arith.constant 80 : index
          %get3A_1336 = tpu.vector_load %arg7[%get3A_1334, %get3A_1335] {strides = array<i32>} : memref<80x128xf32, #tpu.memory_space<vmem>>, vector<1x16xf32>,
          %get3A_1337 = vector.shape_cast %get3A_1336 : vector<1x16xf32> to vector<16xf32>
          %mul3A_1338 = arith.mulf %get3A_1337, %broadcast_in_dim3A_1279 : vector<16xf32>
          %swap3A_1339 = arith.index_cast %add3A_1283 : i32 to index
          %swap3A_1340 = arith.constant 80 : index
          %swap3A_1341 = tpu.vector_load %arg7[%swap3A_1339, %swap3A_1340] {strides = array<i32>} : memref<80x128xf32, #tpu.memory_space<vmem>>, vector<1x16xf32>,
          %swap3A_1342 = vector.shape_cast %swap3A_1341 : vector<1x16xf32> to vector<16xf32>
          %swap3A_1343 = vector.shape_cast %mul3A_1338 : vector<16xf32> to vector<1x16xf32>
          tpu.vector_store %arg7[%swap3A_1339, %swap3A_1340], %swap3A_1343 {strides = array<i32>} : memref<80x128xf32, #tpu.memory_space<vmem>>, vector<1x16xf32>,
          %get3A_1344 = arith.index_cast %add3A_1283 : i32 to index
          %get3A_1345 = arith.constant 96 : index
          %get3A_1346 = tpu.vector_load %arg7[%get3A_1344, %get3A_1345] {strides = array<i32>} : memref<80x128xf32, #tpu.memory_space<vmem>>, vector<1x16xf32>,
          %get3A_1347 = vector.shape_cast %get3A_1346 : vector<1x16xf32> to vector<16xf32>
          %mul3A_1348 = arith.mulf %get3A_1347, %broadcast_in_dim3A_1279 : vector<16xf32>
          %swap3A_1349 = arith.index_cast %add3A_1283 : i32 to index
          %swap3A_1350 = arith.constant 96 : index
          %swap3A_1351 = tpu.vector_load %arg7[%swap3A_1349, %swap3A_1350] {strides = array<i32>} : memref<80x128xf32, #tpu.memory_space<vmem>>, vector<1x16xf32>,
          %swap3A_1352 = vector.shape_cast %swap3A_1351 : vector<1x16xf32> to vector<16xf32>
          %swap3A_1353 = vector.shape_cast %mul3A_1348 : vector<16xf32> to vector<1x16xf32>
          tpu.vector_store %arg7[%swap3A_1349, %swap3A_1350], %swap3A_1353 {strides = array<i32>} : memref<80x128xf32, #tpu.memory_space<vmem>>, vector<1x16xf32>,
          %get3A_1354 = arith.index_cast %add3A_1283 : i32 to index
          %get3A_1355 = arith.constant 112 : index
          %get3A_1356 = tpu.vector_load %arg7[%get3A_1354, %get3A_1355] {strides = array<i32>} : memref<80x128xf32, #tpu.memory_space<vmem>>, vector<1x16xf32>,
          %get3A_1357 = vector.shape_cast %get3A_1356 : vector<1x16xf32> to vector<16xf32>
          %mul3A_1358 = arith.mulf %get3A_1357, %broadcast_in_dim3A_1279 : vector<16xf32>
          %swap3A_1359 = arith.index_cast %add3A_1283 : i32 to index
          %swap3A_1360 = arith.constant 112 : index
          %swap3A_1361 = tpu.vector_load %arg7[%swap3A_1359, %swap3A_1360] {strides = array<i32>} : memref<80x128xf32, #tpu.memory_space<vmem>>, vector<1x16xf32>,
          %swap3A_1362 = vector.shape_cast %swap3A_1361 : vector<1x16xf32> to vector<16xf32>
          %swap3A_1363 = vector.shape_cast %mul3A_1358 : vector<16xf32> to vector<1x16xf32>
          tpu.vector_store %arg7[%swap3A_1359, %swap3A_1360], %swap3A_1363 {strides = array<i32>} : memref<80x128xf32, #tpu.memory_space<vmem>>, vector<1x16xf32>,
          %slice3A_1364 = vector.extract_strided_slice %bitcast_convert_type3A {offsets = [15], sizes = [1], strides = [1]} : vector<16xf32> to vector<1xf32>
          %squeeze3A_1365 = vector.extract %slice3A_1364[0] : f32 from vector<1xf32>
          %broadcast_in_dim3A_1366 = vector.broadcast %squeeze3A_1365 : f32 to vector<16xf32>
          %mul3A_1367 = arith.constant 16 : i32
          %mul3A_1368 = arith.muli %add3A_55, %mul3A_1367 : i32
          %add3A_1369 = arith.constant 15 : i32
          %add3A_1370 = arith.addi %mul3A_1368, %add3A_1369 : i32
          %get3A_1371 = arith.index_cast %add3A_1370 : i32 to index
          %get3A_1372 = arith.constant 0 : index
          %get3A_1373 = tpu.vector_load %arg7[%get3A_1371, %get3A_1372] {strides = array<i32>} : memref<80x128xf32, #tpu.memory_space<vmem>>, vector<1x16xf32>,
          %get3A_1374 = vector.shape_cast %get3A_1373 : vector<1x16xf32> to vector<16xf32>
          %mul3A_1375 = arith.mulf %get3A_1374, %broadcast_in_dim3A_1366 : vector<16xf32>
          %swap3A_1376 = arith.index_cast %add3A_1370 : i32 to index
          %swap3A_1377 = arith.constant 0 : index
          %swap3A_1378 = tpu.vector_load %arg7[%swap3A_1376, %swap3A_1377] {strides = array<i32>} : memref<80x128xf32, #tpu.memory_space<vmem>>, vector<1x16xf32>,
          %swap3A_1379 = vector.shape_cast %swap3A_1378 : vector<1x16xf32> to vector<16xf32>
          %swap3A_1380 = vector.shape_cast %mul3A_1375 : vector<16xf32> to vector<1x16xf32>
          tpu.vector_store %arg7[%swap3A_1376, %swap3A_1377], %swap3A_1380 {strides = array<i32>} : memref<80x128xf32, #tpu.memory_space<vmem>>, vector<1x16xf32>,
          %get3A_1381 = arith.index_cast %add3A_1370 : i32 to index
          %get3A_1382 = arith.constant 16 : index
          %get3A_1383 = tpu.vector_load %arg7[%get3A_1381, %get3A_1382] {strides = array<i32>} : memref<80x128xf32, #tpu.memory_space<vmem>>, vector<1x16xf32>,
          %get3A_1384 = vector.shape_cast %get3A_1383 : vector<1x16xf32> to vector<16xf32>
          %mul3A_1385 = arith.mulf %get3A_1384, %broadcast_in_dim3A_1366 : vector<16xf32>
          %swap3A_1386 = arith.index_cast %add3A_1370 : i32 to index
          %swap3A_1387 = arith.constant 16 : index
          %swap3A_1388 = tpu.vector_load %arg7[%swap3A_1386, %swap3A_1387] {strides = array<i32>} : memref<80x128xf32, #tpu.memory_space<vmem>>, vector<1x16xf32>,
          %swap3A_1389 = vector.shape_cast %swap3A_1388 : vector<1x16xf32> to vector<16xf32>
          %swap3A_1390 = vector.shape_cast %mul3A_1385 : vector<16xf32> to vector<1x16xf32>
          tpu.vector_store %arg7[%swap3A_1386, %swap3A_1387], %swap3A_1390 {strides = array<i32>} : memref<80x128xf32, #tpu.memory_space<vmem>>, vector<1x16xf32>,
          %get3A_1391 = arith.index_cast %add3A_1370 : i32 to index
          %get3A_1392 = arith.constant 32 : index
          %get3A_1393 = tpu.vector_load %arg7[%get3A_1391, %get3A_1392] {strides = array<i32>} : memref<80x128xf32, #tpu.memory_space<vmem>>, vector<1x16xf32>,
          %get3A_1394 = vector.shape_cast %get3A_1393 : vector<1x16xf32> to vector<16xf32>
          %mul3A_1395 = arith.mulf %get3A_1394, %broadcast_in_dim3A_1366 : vector<16xf32>
          %swap3A_1396 = arith.index_cast %add3A_1370 : i32 to index
          %swap3A_1397 = arith.constant 32 : index
          %swap3A_1398 = tpu.vector_load %arg7[%swap3A_1396, %swap3A_1397] {strides = array<i32>} : memref<80x128xf32, #tpu.memory_space<vmem>>, vector<1x16xf32>,
          %swap3A_1399 = vector.shape_cast %swap3A_1398 : vector<1x16xf32> to vector<16xf32>
          %swap3A_1400 = vector.shape_cast %mul3A_1395 : vector<16xf32> to vector<1x16xf32>
          tpu.vector_store %arg7[%swap3A_1396, %swap3A_1397], %swap3A_1400 {strides = array<i32>} : memref<80x128xf32, #tpu.memory_space<vmem>>, vector<1x16xf32>,
          %get3A_1401 = arith.index_cast %add3A_1370 : i32 to index
          %get3A_1402 = arith.constant 48 : index
          %get3A_1403 = tpu.vector_load %arg7[%get3A_1401, %get3A_1402] {strides = array<i32>} : memref<80x128xf32, #tpu.memory_space<vmem>>, vector<1x16xf32>,
          %get3A_1404 = vector.shape_cast %get3A_1403 : vector<1x16xf32> to vector<16xf32>
          %mul3A_1405 = arith.mulf %get3A_1404, %broadcast_in_dim3A_1366 : vector<16xf32>
          %swap3A_1406 = arith.index_cast %add3A_1370 : i32 to index
          %swap3A_1407 = arith.constant 48 : index
          %swap3A_1408 = tpu.vector_load %arg7[%swap3A_1406, %swap3A_1407] {strides = array<i32>} : memref<80x128xf32, #tpu.memory_space<vmem>>, vector<1x16xf32>,
          %swap3A_1409 = vector.shape_cast %swap3A_1408 : vector<1x16xf32> to vector<16xf32>
          %swap3A_1410 = vector.shape_cast %mul3A_1405 : vector<16xf32> to vector<1x16xf32>
          tpu.vector_store %arg7[%swap3A_1406, %swap3A_1407], %swap3A_1410 {strides = array<i32>} : memref<80x128xf32, #tpu.memory_space<vmem>>, vector<1x16xf32>,
          %get3A_1411 = arith.index_cast %add3A_1370 : i32 to index
          %get3A_1412 = arith.constant 64 : index
          %get3A_1413 = tpu.vector_load %arg7[%get3A_1411, %get3A_1412] {strides = array<i32>} : memref<80x128xf32, #tpu.memory_space<vmem>>, vector<1x16xf32>,
          %get3A_1414 = vector.shape_cast %get3A_1413 : vector<1x16xf32> to vector<16xf32>
          %mul3A_1415 = arith.mulf %get3A_1414, %broadcast_in_dim3A_1366 : vector<16xf32>
          %swap3A_1416 = arith.index_cast %add3A_1370 : i32 to index
          %swap3A_1417 = arith.constant 64 : index
          %swap3A_1418 = tpu.vector_load %arg7[%swap3A_1416, %swap3A_1417] {strides = array<i32>} : memref<80x128xf32, #tpu.memory_space<vmem>>, vector<1x16xf32>,
          %swap3A_1419 = vector.shape_cast %swap3A_1418 : vector<1x16xf32> to vector<16xf32>
          %swap3A_1420 = vector.shape_cast %mul3A_1415 : vector<16xf32> to vector<1x16xf32>
          tpu.vector_store %arg7[%swap3A_1416, %swap3A_1417], %swap3A_1420 {strides = array<i32>} : memref<80x128xf32, #tpu.memory_space<vmem>>, vector<1x16xf32>,
          %get3A_1421 = arith.index_cast %add3A_1370 : i32 to index
          %get3A_1422 = arith.constant 80 : index
          %get3A_1423 = tpu.vector_load %arg7[%get3A_1421, %get3A_1422] {strides = array<i32>} : memref<80x128xf32, #tpu.memory_space<vmem>>, vector<1x16xf32>,
          %get3A_1424 = vector.shape_cast %get3A_1423 : vector<1x16xf32> to vector<16xf32>
          %mul3A_1425 = arith.mulf %get3A_1424, %broadcast_in_dim3A_1366 : vector<16xf32>
          %swap3A_1426 = arith.index_cast %add3A_1370 : i32 to index
          %swap3A_1427 = arith.constant 80 : index
          %swap3A_1428 = tpu.vector_load %arg7[%swap3A_1426, %swap3A_1427] {strides = array<i32>} : memref<80x128xf32, #tpu.memory_space<vmem>>, vector<1x16xf32>,
          %swap3A_1429 = vector.shape_cast %swap3A_1428 : vector<1x16xf32> to vector<16xf32>
          %swap3A_1430 = vector.shape_cast %mul3A_1425 : vector<16xf32> to vector<1x16xf32>
          tpu.vector_store %arg7[%swap3A_1426, %swap3A_1427], %swap3A_1430 {strides = array<i32>} : memref<80x128xf32, #tpu.memory_space<vmem>>, vector<1x16xf32>,
          %get3A_1431 = arith.index_cast %add3A_1370 : i32 to index
          %get3A_1432 = arith.constant 96 : index
          %get3A_1433 = tpu.vector_load %arg7[%get3A_1431, %get3A_1432] {strides = array<i32>} : memref<80x128xf32, #tpu.memory_space<vmem>>, vector<1x16xf32>,
          %get3A_1434 = vector.shape_cast %get3A_1433 : vector<1x16xf32> to vector<16xf32>
          %mul3A_1435 = arith.mulf %get3A_1434, %broadcast_in_dim3A_1366 : vector<16xf32>
          %swap3A_1436 = arith.index_cast %add3A_1370 : i32 to index
          %swap3A_1437 = arith.constant 96 : index
          %swap3A_1438 = tpu.vector_load %arg7[%swap3A_1436, %swap3A_1437] {strides = array<i32>} : memref<80x128xf32, #tpu.memory_space<vmem>>, vector<1x16xf32>,
          %swap3A_1439 = vector.shape_cast %swap3A_1438 : vector<1x16xf32> to vector<16xf32>
          %swap3A_1440 = vector.shape_cast %mul3A_1435 : vector<16xf32> to vector<1x16xf32>
          tpu.vector_store %arg7[%swap3A_1436, %swap3A_1437], %swap3A_1440 {strides = array<i32>} : memref<80x128xf32, #tpu.memory_space<vmem>>, vector<1x16xf32>,
          %get3A_1441 = arith.index_cast %add3A_1370 : i32 to index
          %get3A_1442 = arith.constant 112 : index
          %get3A_1443 = tpu.vector_load %arg7[%get3A_1441, %get3A_1442] {strides = array<i32>} : memref<80x128xf32, #tpu.memory_space<vmem>>, vector<1x16xf32>,
          %get3A_1444 = vector.shape_cast %get3A_1443 : vector<1x16xf32> to vector<16xf32>
          %mul3A_1445 = arith.mulf %get3A_1444, %broadcast_in_dim3A_1366 : vector<16xf32>
          %swap3A_1446 = arith.index_cast %add3A_1370 : i32 to index
          %swap3A_1447 = arith.constant 112 : index
          %swap3A_1448 = tpu.vector_load %arg7[%swap3A_1446, %swap3A_1447] {strides = array<i32>} : memref<80x128xf32, #tpu.memory_space<vmem>>, vector<1x16xf32>,
          %swap3A_1449 = vector.shape_cast %swap3A_1448 : vector<1x16xf32> to vector<16xf32>
          %swap3A_1450 = vector.shape_cast %mul3A_1445 : vector<16xf32> to vector<1x16xf32>
          tpu.vector_store %arg7[%swap3A_1446, %swap3A_1447], %swap3A_1450 {strides = array<i32>} : memref<80x128xf32, #tpu.memory_space<vmem>>, vector<1x16xf32>,
        }
        %scan3A_49 = arith.constant 5 : i32
        %run_scoped3A_50 = arith.constant 1 : i32
        "tpu.region"() ({
          %run_scoped3A_51 = tpu.sem_alloc : memref<!tpu.dma_semaphore, #tpu.memory_space<semaphore_mem>>
          %dma_start3A = arith.constant 0 : i32
          %dma_start3A_52 = tpu.memref_slice %arg6[%add3A_44, %run_scoped3A_50, %dma_start3A] : memref<25x3x80xi32, #tpu.memory_space<vmem>> -> memref<1x1x80xi32, #tpu.memory_space<vmem>>
          %dma_start3A_53 = tpu.memref_squeeze %dma_start3A_52 : memref<1x1x80xi32, #tpu.memory_space<vmem>> -> memref<80xi32, #tpu.memory_space<vmem>>
          %dma_start3A_54 = arith.constant 0 : i32
          %dma_start3A_55 = arith.constant 0 : i32
          %dma_start3A_56 = tpu.memref_slice %arg5[%dma_start3A_54, %dma_start3A_55] : memref<10000x128xf32, #tpu.memory_space<vmem_shared>> -> memref<10000x128xf32, #tpu.memory_space<vmem_shared>>
          tpu.enqueue_indirect_dma source(%arg7 : memref<80x128xf32, #tpu.memory_space<vmem>>) target(%dma_start3A_56 : memref<10000x128xf32, #tpu.memory_space<vmem_shared>>) offsets(%dma_start3A_53 : memref<80xi32, #tpu.memory_space<vmem>>) semaphore(%run_scoped3A_51 : memref<!tpu.dma_semaphore, #tpu.memory_space<semaphore_mem>>) {add = true}
          %dma_wait3A = arith.constant 0 : i32
          %dma_wait3A_57 = tpu.memref_slice %arg6[%add3A_44, %run_scoped3A_50, %dma_wait3A] : memref<25x3x80xi32, #tpu.memory_space<vmem>> -> memref<1x1x80xi32, #tpu.memory_space<vmem>>
          %dma_wait3A_58 = tpu.memref_squeeze %dma_wait3A_57 : memref<1x1x80xi32, #tpu.memory_space<vmem>> -> memref<80xi32, #tpu.memory_space<vmem>>
          %dma_wait3A_59 = arith.constant 0 : i32
          %dma_wait3A_60 = arith.constant 0 : i32
          %dma_wait3A_61 = tpu.memref_slice %arg5[%dma_wait3A_59, %dma_wait3A_60] : memref<10000x128xf32, #tpu.memory_space<vmem_shared>> -> memref<10000x128xf32, #tpu.memory_space<vmem_shared>>
          tpu.wait_indirect_dma semaphore(%run_scoped3A_51 : memref<!tpu.dma_semaphore, #tpu.memory_space<semaphore_mem>>) src(%arg7 : memref<80x128xf32, #tpu.memory_space<vmem>>) dst(%dma_wait3A_61 : memref<10000x128xf32, #tpu.memory_space<vmem_shared>>)
          tpu.yield
        }) : () -> ()
      }
      %scan3A_39 = arith.constant 25 : i32
    }
    %scan3A_18 = arith.constant 5 : i32
    %barrier3A_19 = arith.constant 0 : index
    tpu.barrier barrier_id(%barrier3A_19)
    %scan3A_20 = arith.constant 0 : i32
    %scan3A_21 = arith.constant 13 : i32
    %scan3A_22 = arith.addi %scan3A_20, %scan3A_21 : i32
    %scan3A_23 = arith.constant 1 : i32
    scf.for %scan3A_30 = %scan3A_20 to %scan3A_22 step %scan3A_23  : i32 {
      %mul3A_31 = arith.constant 1 : i32
      %mul3A_32 = arith.muli %scan3A_30, %mul3A_31 : i32
      %add3A_33 = arith.constant 0 : i32
      %add3A_34 = arith.addi %add3A_33, %mul3A_32 : i32
      %mul3A_35 = arith.constant 48 : i32
      %mul3A_36 = arith.muli %add3A_34, %mul3A_35 : i32
      %add3A_37 = arith.addi %mul3A_6, %mul3A_36 : i32
      "tpu.region"() ({
        %run_scoped3A = tpu.sem_alloc : memref<!tpu.dma_semaphore, #tpu.memory_space<semaphore_mem>>
        %dma_start3A = arith.constant 0 : i32
        %dma_start3A_38 = arith.constant 0 : i32
        %dma_start3A_39 = tpu.memref_slice %arg7[%dma_start3A, %dma_start3A_38] : memref<80x128xf32, #tpu.memory_space<vmem>> -> memref<48x128xf32, #tpu.memory_space<vmem>>
        %dma_start3A_40 = arith.constant 0 : i32
        %dma_start3A_41 = tpu.memref_slice %arg5[%add3A_37, %dma_start3A_40] : memref<10000x128xf32, #tpu.memory_space<vmem_shared>> -> memref<48x128xf32, #tpu.memory_space<vmem_shared>>
        %dma_start3A_42 = arith.constant 0 : i32
        %dma_start3A_43 = arith.constant 0 : i32
        %dma_start3A_44 = tpu.memref_slice %arg7[%dma_start3A_42, %dma_start3A_43] : memref<80x128xf32, #tpu.memory_space<vmem>> -> memref<48x128xf32, #tpu.memory_space<vmem>>
        %dma_start3A_45 = arith.constant 0 : i32
        %dma_start3A_46 = tpu.memref_slice %arg5[%add3A_37, %dma_start3A_45] : memref<10000x128xf32, #tpu.memory_space<vmem_shared>> -> memref<48x128xf32, #tpu.memory_space<vmem_shared>>
        tpu.enqueue_dma source(%dma_start3A_46 : memref<48x128xf32, #tpu.memory_space<vmem_shared>>) target(%dma_start3A_44 : memref<48x128xf32, #tpu.memory_space<vmem>>) target_semaphore(%run_scoped3A : memref<!tpu.dma_semaphore, #tpu.memory_space<semaphore_mem>>)
        %dma_wait3A = arith.constant 0 : i32
        %dma_wait3A_47 = arith.constant 0 : i32
        %dma_wait3A_48 = tpu.memref_slice %arg7[%dma_wait3A, %dma_wait3A_47] : memref<80x128xf32, #tpu.memory_space<vmem>> -> memref<48x128xf32, #tpu.memory_space<vmem>>
        %dma_wait3A_49 = arith.constant 0 : i32
        %dma_wait3A_50 = tpu.memref_slice %arg5[%add3A_37, %dma_wait3A_49] : memref<10000x128xf32, #tpu.memory_space<vmem_shared>> -> memref<48x128xf32, #tpu.memory_space<vmem_shared>>
        %dma_wait3A_51 = arith.constant 0 : i32
        %dma_wait3A_52 = arith.constant 0 : i32
        %dma_wait3A_53 = tpu.memref_slice %arg7[%dma_wait3A_51, %dma_wait3A_52] : memref<80x128xf32, #tpu.memory_space<vmem>> -> memref<48x128xf32, #tpu.memory_space<vmem>>
        %dma_wait3A_54 = arith.constant 0 : i32
        %dma_wait3A_55 = tpu.memref_slice %arg5[%add3A_37, %dma_wait3A_54] : memref<10000x128xf32, #tpu.memory_space<vmem_shared>> -> memref<48x128xf32, #tpu.memory_space<vmem_shared>>
        tpu.wait_dma2 semaphore(%run_scoped3A : memref<!tpu.dma_semaphore, #tpu.memory_space<semaphore_mem>>) src(%dma_wait3A_55 : memref<48x128xf32, #tpu.memory_space<vmem_shared>>) dst(%dma_wait3A_53 : memref<48x128xf32, #tpu.memory_space<vmem>>)
        tpu.yield
      }) : () -> ()
      "tpu.region"() ({
        %run_scoped3A = tpu.sem_alloc : memref<!tpu.dma_semaphore, #tpu.memory_space<semaphore_mem>>
        %dma_start3A = arith.constant 0 : i32
        %dma_start3A_38 = arith.constant 0 : i32
        %dma_start3A_39 = tpu.memref_slice %arg7[%dma_start3A, %dma_start3A_38] : memref<80x128xf32, #tpu.memory_space<vmem>> -> memref<48x128xf32, #tpu.memory_space<vmem>>
        %dma_start3A_40 = arith.constant 0 : i32
        %dma_start3A_41 = tpu.memref_slice %arg4[%arg0, %add3A_37, %dma_start3A_40] : memref<2x10000x128xf32, #tpu.memory_space<hbm>> -> memref<1x48x128xf32, #tpu.memory_space<hbm>>
        %dma_start3A_42 = tpu.memref_squeeze %dma_start3A_41 : memref<1x48x128xf32, #tpu.memory_space<hbm>> -> memref<48x128xf32, #tpu.memory_space<hbm>>
        %dma_start3A_43 = arith.constant 0 : i32
        %dma_start3A_44 = tpu.memref_slice %arg4[%arg0, %add3A_37, %dma_start3A_43] : memref<2x10000x128xf32, #tpu.memory_space<hbm>> -> memref<1x48x128xf32, #tpu.memory_space<hbm>>
        %dma_start3A_45 = tpu.memref_squeeze %dma_start3A_44 : memref<1x48x128xf32, #tpu.memory_space<hbm>> -> memref<48x128xf32, #tpu.memory_space<hbm>>
        %dma_start3A_46 = arith.constant 0 : i32
        %dma_start3A_47 = arith.constant 0 : i32
        %dma_start3A_48 = tpu.memref_slice %arg7[%dma_start3A_46, %dma_start3A_47] : memref<80x128xf32, #tpu.memory_space<vmem>> -> memref<48x128xf32, #tpu.memory_space<vmem>>
        tpu.enqueue_dma source(%dma_start3A_48 : memref<48x128xf32, #tpu.memory_space<vmem>>) target(%dma_start3A_45 : memref<48x128xf32, #tpu.memory_space<hbm>>) target_semaphore(%run_scoped3A : memref<!tpu.dma_semaphore, #tpu.memory_space<semaphore_mem>>)
        %dma_wait3A = arith.constant 0 : i32
        %dma_wait3A_49 = arith.constant 0 : i32
        %dma_wait3A_50 = tpu.memref_slice %arg7[%dma_wait3A, %dma_wait3A_49] : memref<80x128xf32, #tpu.memory_space<vmem>> -> memref<48x128xf32, #tpu.memory_space<vmem>>
        %dma_wait3A_51 = arith.constant 0 : i32
        %dma_wait3A_52 = tpu.memref_slice %arg4[%arg0, %add3A_37, %dma_wait3A_51] : memref<2x10000x128xf32, #tpu.memory_space<hbm>> -> memref<1x48x128xf32, #tpu.memory_space<hbm>>
        %dma_wait3A_53 = tpu.memref_squeeze %dma_wait3A_52 : memref<1x48x128xf32, #tpu.memory_space<hbm>> -> memref<48x128xf32, #tpu.memory_space<hbm>>
        %dma_wait3A_54 = arith.constant 0 : i32
        %dma_wait3A_55 = tpu.memref_slice %arg4[%arg0, %add3A_37, %dma_wait3A_54] : memref<2x10000x128xf32, #tpu.memory_space<hbm>> -> memref<1x48x128xf32, #tpu.memory_space<hbm>>
        %dma_wait3A_56 = tpu.memref_squeeze %dma_wait3A_55 : memref<1x48x128xf32, #tpu.memory_space<hbm>> -> memref<48x128xf32, #tpu.memory_space<hbm>>
        %dma_wait3A_57 = arith.constant 0 : i32
        %dma_wait3A_58 = arith.constant 0 : i32
        %dma_wait3A_59 = tpu.memref_slice %arg7[%dma_wait3A_57, %dma_wait3A_58] : memref<80x128xf32, #tpu.memory_space<vmem>> -> memref<48x128xf32, #tpu.memory_space<vmem>>
        tpu.wait_dma2 semaphore(%run_scoped3A : memref<!tpu.dma_semaphore, #tpu.memory_space<semaphore_mem>>) src(%dma_wait3A_59 : memref<48x128xf32, #tpu.memory_space<vmem>>) dst(%dma_wait3A_56 : memref<48x128xf32, #tpu.memory_space<hbm>>)
        tpu.yield
      }) : () -> ()
    }
    %scan3A_24 = arith.constant 13 : i32
    %eq3A_25 = arith.constant 15 : i32
    %eq3A_26 = arith.cmpi eq, %arg1, %eq3A_25 : i32
    %convert_element_type3A_27 = arith.extui %eq3A_26 : i1 to i32
    %cond3A_28 = arith.constant 0 : i32
    %cond3A_29 = arith.cmpi ne, %convert_element_type3A_27, %cond3A_28 : i32
    scf.if %cond3A_29 {
      "tpu.region"() ({
        %run_scoped3A = tpu.sem_alloc : memref<!tpu.dma_semaphore, #tpu.memory_space<semaphore_mem>>
        %dma_start3A = arith.constant 0 : i32
        %dma_start3A_30 = arith.constant 0 : i32
        %dma_start3A_31 = tpu.memref_slice %arg7[%dma_start3A, %dma_start3A_30] : memref<80x128xf32, #tpu.memory_space<vmem>> -> memref<16x128xf32, #tpu.memory_space<vmem>>
        %dma_start3A_32 = arith.constant 9984 : i32
        %dma_start3A_33 = arith.constant 0 : i32
        %dma_start3A_34 = tpu.memref_slice %arg5[%dma_start3A_32, %dma_start3A_33] : memref<10000x128xf32, #tpu.memory_space<vmem_shared>> -> memref<16x128xf32, #tpu.memory_space<vmem_shared>>
        %dma_start3A_35 = arith.constant 0 : i32
        %dma_start3A_36 = arith.constant 0 : i32
        %dma_start3A_37 = tpu.memref_slice %arg7[%dma_start3A_35, %dma_start3A_36] : memref<80x128xf32, #tpu.memory_space<vmem>> -> memref<16x128xf32, #tpu.memory_space<vmem>>
        %dma_start3A_38 = arith.constant 9984 : i32
        %dma_start3A_39 = arith.constant 0 : i32
        %dma_start3A_40 = tpu.memref_slice %arg5[%dma_start3A_38, %dma_start3A_39] : memref<10000x128xf32, #tpu.memory_space<vmem_shared>> -> memref<16x128xf32, #tpu.memory_space<vmem_shared>>
        tpu.enqueue_dma source(%dma_start3A_40 : memref<16x128xf32, #tpu.memory_space<vmem_shared>>) target(%dma_start3A_37 : memref<16x128xf32, #tpu.memory_space<vmem>>) target_semaphore(%run_scoped3A : memref<!tpu.dma_semaphore, #tpu.memory_space<semaphore_mem>>)
        %dma_wait3A = arith.constant 0 : i32
        %dma_wait3A_41 = arith.constant 0 : i32
        %dma_wait3A_42 = tpu.memref_slice %arg7[%dma_wait3A, %dma_wait3A_41] : memref<80x128xf32, #tpu.memory_space<vmem>> -> memref<16x128xf32, #tpu.memory_space<vmem>>
        %dma_wait3A_43 = arith.constant 9984 : i32
        %dma_wait3A_44 = arith.constant 0 : i32
        %dma_wait3A_45 = tpu.memref_slice %arg5[%dma_wait3A_43, %dma_wait3A_44] : memref<10000x128xf32, #tpu.memory_space<vmem_shared>> -> memref<16x128xf32, #tpu.memory_space<vmem_shared>>
        %dma_wait3A_46 = arith.constant 0 : i32
        %dma_wait3A_47 = arith.constant 0 : i32
        %dma_wait3A_48 = tpu.memref_slice %arg7[%dma_wait3A_46, %dma_wait3A_47] : memref<80x128xf32, #tpu.memory_space<vmem>> -> memref<16x128xf32, #tpu.memory_space<vmem>>
        %dma_wait3A_49 = arith.constant 9984 : i32
        %dma_wait3A_50 = arith.constant 0 : i32
        %dma_wait3A_51 = tpu.memref_slice %arg5[%dma_wait3A_49, %dma_wait3A_50] : memref<10000x128xf32, #tpu.memory_space<vmem_shared>> -> memref<16x128xf32, #tpu.memory_space<vmem_shared>>
        tpu.wait_dma2 semaphore(%run_scoped3A : memref<!tpu.dma_semaphore, #tpu.memory_space<semaphore_mem>>) src(%dma_wait3A_51 : memref<16x128xf32, #tpu.memory_space<vmem_shared>>) dst(%dma_wait3A_48 : memref<16x128xf32, #tpu.memory_space<vmem>>)
        tpu.yield
      }) : () -> ()
      "tpu.region"() ({
        %run_scoped3A = tpu.sem_alloc : memref<!tpu.dma_semaphore, #tpu.memory_space<semaphore_mem>>
        %dma_start3A = arith.constant 0 : i32
        %dma_start3A_30 = arith.constant 0 : i32
        %dma_start3A_31 = tpu.memref_slice %arg7[%dma_start3A, %dma_start3A_30] : memref<80x128xf32, #tpu.memory_space<vmem>> -> memref<16x128xf32, #tpu.memory_space<vmem>>
        %dma_start3A_32 = arith.constant 9984 : i32
        %dma_start3A_33 = arith.constant 0 : i32
        %dma_start3A_34 = tpu.memref_slice %arg4[%arg0, %dma_start3A_32, %dma_start3A_33] : memref<2x10000x128xf32, #tpu.memory_space<hbm>> -> memref<1x16x128xf32, #tpu.memory_space<hbm>>
        %dma_start3A_35 = tpu.memref_squeeze %dma_start3A_34 : memref<1x16x128xf32, #tpu.memory_space<hbm>> -> memref<16x128xf32, #tpu.memory_space<hbm>>
        %dma_start3A_36 = arith.constant 9984 : i32
        %dma_start3A_37 = arith.constant 0 : i32
        %dma_start3A_38 = tpu.memref_slice %arg4[%arg0, %dma_start3A_36, %dma_start3A_37] : memref<2x10000x128xf32, #tpu.memory_space<hbm>> -> memref<1x16x128xf32, #tpu.memory_space<hbm>>
        %dma_start3A_39 = tpu.memref_squeeze %dma_start3A_38 : memref<1x16x128xf32, #tpu.memory_space<hbm>> -> memref<16x128xf32, #tpu.memory_space<hbm>>
        %dma_start3A_40 = arith.constant 0 : i32
        %dma_start3A_41 = arith.constant 0 : i32
        %dma_start3A_42 = tpu.memref_slice %arg7[%dma_start3A_40, %dma_start3A_41] : memref<80x128xf32, #tpu.memory_space<vmem>> -> memref<16x128xf32, #tpu.memory_space<vmem>>
        tpu.enqueue_dma source(%dma_start3A_42 : memref<16x128xf32, #tpu.memory_space<vmem>>) target(%dma_start3A_39 : memref<16x128xf32, #tpu.memory_space<hbm>>) target_semaphore(%run_scoped3A : memref<!tpu.dma_semaphore, #tpu.memory_space<semaphore_mem>>)
        %dma_wait3A = arith.constant 0 : i32
        %dma_wait3A_43 = arith.constant 0 : i32
        %dma_wait3A_44 = tpu.memref_slice %arg7[%dma_wait3A, %dma_wait3A_43] : memref<80x128xf32, #tpu.memory_space<vmem>> -> memref<16x128xf32, #tpu.memory_space<vmem>>
        %dma_wait3A_45 = arith.constant 9984 : i32
        %dma_wait3A_46 = arith.constant 0 : i32
        %dma_wait3A_47 = tpu.memref_slice %arg4[%arg0, %dma_wait3A_45, %dma_wait3A_46] : memref<2x10000x128xf32, #tpu.memory_space<hbm>> -> memref<1x16x128xf32, #tpu.memory_space<hbm>>
        %dma_wait3A_48 = tpu.memref_squeeze %dma_wait3A_47 : memref<1x16x128xf32, #tpu.memory_space<hbm>> -> memref<16x128xf32, #tpu.memory_space<hbm>>
        %dma_wait3A_49 = arith.constant 9984 : i32
        %dma_wait3A_50 = arith.constant 0 : i32
        %dma_wait3A_51 = tpu.memref_slice %arg4[%arg0, %dma_wait3A_49, %dma_wait3A_50] : memref<2x10000x128xf32, #tpu.memory_space<hbm>> -> memref<1x16x128xf32, #tpu.memory_space<hbm>>
        %dma_wait3A_52 = tpu.memref_squeeze %dma_wait3A_51 : memref<1x16x128xf32, #tpu.memory_space<hbm>> -> memref<16x128xf32, #tpu.memory_space<hbm>>
        %dma_wait3A_53 = arith.constant 0 : i32
        %dma_wait3A_54 = arith.constant 0 : i32
        %dma_wait3A_55 = tpu.memref_slice %arg7[%dma_wait3A_53, %dma_wait3A_54] : memref<80x128xf32, #tpu.memory_space<vmem>> -> memref<16x128xf32, #tpu.memory_space<vmem>>
        tpu.wait_dma2 semaphore(%run_scoped3A : memref<!tpu.dma_semaphore, #tpu.memory_space<semaphore_mem>>) src(%dma_wait3A_55 : memref<16x128xf32, #tpu.memory_space<vmem>>) dst(%dma_wait3A_52 : memref<16x128xf32, #tpu.memory_space<hbm>>)
        tpu.yield
      }) : () -> ()
    } else {
    }
    return
  }
}

module attributes {stable_mosaic.version = 14 : i64} {
  func.func @_layer_body(%arg0: i32, %arg1: memref<2x2000x128xf32, #tpu.memory_space<vmem>>, %arg2: memref<2000x128xf32, #tpu.memory_space<vmem>>, %arg3: memref<128x128xf32, #tpu.memory_space<vmem>>, %arg4: memref<1x128xf32, #tpu.memory_space<vmem>>, %arg5: memref<128x128xf32, #tpu.memory_space<vmem>>, %arg6: memref<2000x128xf32, #tpu.memory_space<vmem>>) attributes {dimension_semantics = [#tpu.dimension_semantics<arbitrary>], iteration_bounds = array<i64: 5>, scalar_prefetch = 0 : i64, scratch_operands = 0 : i64, tpu.core_type = #tpu.core_type<tc>, window_params = [{transform_indices = @transform_0, window_bounds = array<i64: 2, 2000, 128>}, {transform_indices = @transform_1, window_bounds = array<i64: 2000, 128>}, {pipeline_mode = #tpu.pipeline_mode<synchronous>, transform_indices = @transform_2, window_bounds = array<i64: 128, 128>}, {pipeline_mode = #tpu.pipeline_mode<synchronous>, transform_indices = @transform_3, window_bounds = array<i64: 1, 128>}, {pipeline_mode = #tpu.pipeline_mode<synchronous>, transform_indices = @transform_4, window_bounds = array<i64: 128, 128>}, {transform_indices = @transform_5, window_bounds = array<i64: 2000, 128>}]} {
    %get3A = arith.constant 0 : index
    %get3A_0 = arith.constant 0 : index
    %get3A_1 = arith.constant 0 : index
    %get3A_2 = vector.load %arg1[%get3A, %get3A_0, %get3A_1] : memref<2x2000x128xf32, #tpu.memory_space<vmem>>, vector<1x2000x128xf32>
    %get3A_3 = vector.shape_cast %get3A_2 : vector<1x2000x128xf32> to vector<2000x128xf32>
    %get3A_4 = arith.constant 1 : index
    %get3A_5 = arith.constant 0 : index
    %get3A_6 = arith.constant 0 : index
    %get3A_7 = vector.load %arg1[%get3A_4, %get3A_5, %get3A_6] : memref<2x2000x128xf32, #tpu.memory_space<vmem>>, vector<1x2000x128xf32>
    %get3A_8 = vector.shape_cast %get3A_7 : vector<1x2000x128xf32> to vector<2000x128xf32>
    %add3A = arith.addf %get3A_3, %get3A_8 : vector<2000x128xf32>
    %get3A_9 = arith.constant 0 : index
    %get3A_10 = arith.constant 0 : index
    %get3A_11 = vector.load %arg3[%get3A_9, %get3A_10] : memref<128x128xf32, #tpu.memory_space<vmem>>, vector<128x128xf32>
    %dot_general3A = arith.constant dense<0.000000e+00> : vector<2000x128xf32>
    %dot_general3A_12 = tpu.matmul %add3A, %get3A_11, %dot_general3A {dimension_numbers = #tpu.dot_dimension_numbers<[1], [1], [0], [0], [0, 0, 1, 0], [], []>, transpose_lhs_hint = false} : vector<2000x128xf32>, vector<128x128xf32>, vector<2000x128xf32> -> vector<2000x128xf32>
    %get3A_13 = arith.constant 0 : index
    %get3A_14 = arith.constant 0 : index
    %get3A_15 = vector.load %arg2[%get3A_13, %get3A_14] : memref<2000x128xf32, #tpu.memory_space<vmem>>, vector<2000x128xf32>
    %get3A_16 = arith.constant 0 : index
    %get3A_17 = arith.constant 0 : index
    %get3A_18 = vector.load %arg5[%get3A_16, %get3A_17] : memref<128x128xf32, #tpu.memory_space<vmem>>, vector<128x128xf32>
    %dot_general3A_19 = arith.constant dense<0.000000e+00> : vector<2000x128xf32>
    %dot_general3A_20 = tpu.matmul %get3A_15, %get3A_18, %dot_general3A_19 {dimension_numbers = #tpu.dot_dimension_numbers<[1], [1], [0], [0], [0, 0, 1, 0], [], []>, transpose_lhs_hint = false} : vector<2000x128xf32>, vector<128x128xf32>, vector<2000x128xf32> -> vector<2000x128xf32>
    %add3A_21 = arith.addf %dot_general3A_12, %dot_general3A_20 : vector<2000x128xf32>
    %get3A_22 = arith.constant 0 : index
    %get3A_23 = arith.constant 0 : index
    %get3A_24 = vector.load %arg4[%get3A_22, %get3A_23] : memref<1x128xf32, #tpu.memory_space<vmem>>, vector<1x128xf32>
    %add3A_25 = vector.broadcast %get3A_24 : vector<1x128xf32> to vector<2000x128xf32>
    %add3A_26 = arith.addf %add3A_21, %add3A_25 : vector<2000x128xf32>
    %max3A = arith.constant 0.000000e+00 : f32
    %max3A_27 = vector.broadcast %max3A : f32 to vector<2000x128xf32>
    %max3A_28 = arith.maximumf %add3A_26, %max3A_27 : vector<2000x128xf32>
    %swap3A = arith.constant 0 : index
    %swap3A_29 = arith.constant 0 : index
    %swap3A_30 = vector.load %arg6[%swap3A, %swap3A_29] : memref<2000x128xf32, #tpu.memory_space<vmem>>, vector<2000x128xf32>
    tpu.vector_store %arg6[%swap3A, %swap3A_29], %max3A_28 {strides = array<i32>} : memref<2000x128xf32, #tpu.memory_space<vmem>>, vector<2000x128xf32>,
    return
  }
  func.func @transform_0(%arg0: i32) -> (i32, i32, i32) {
    %c0_i32 = arith.constant 0 : i32
    %c0_i32_0 = arith.constant 0 : i32
    %c0_i32_1 = arith.constant 0 : i32
    return %c0_i32, %arg0, %c0_i32_0 : i32, i32, i32
  }
  func.func @transform_1(%arg0: i32) -> (i32, i32) {
    %c0_i32 = arith.constant 0 : i32
    %c0_i32_0 = arith.constant 0 : i32
    return %arg0, %c0_i32 : i32, i32
  }
  func.func @transform_2(%arg0: i32) -> (i32, i32) {
    %c0_i32 = arith.constant 0 : i32
    %c0_i32_0 = arith.constant 0 : i32
    %c0_i32_1 = arith.constant 0 : i32
    return %c0_i32, %c0_i32_0 : i32, i32
  }
  func.func @transform_3(%arg0: i32) -> (i32, i32) {
    %c0_i32 = arith.constant 0 : i32
    %c0_i32_0 = arith.constant 0 : i32
    %c0_i32_1 = arith.constant 0 : i32
    return %c0_i32, %c0_i32_0 : i32, i32
  }
  func.func @transform_4(%arg0: i32) -> (i32, i32) {
    %c0_i32 = arith.constant 0 : i32
    %c0_i32_0 = arith.constant 0 : i32
    %c0_i32_1 = arith.constant 0 : i32
    return %c0_i32, %c0_i32_0 : i32, i32
  }
  func.func @transform_5(%arg0: i32) -> (i32, i32) {
    %c0_i32 = arith.constant 0 : i32
    %c0_i32_0 = arith.constant 0 : i32
    return %arg0, %c0_i32 : i32, i32
  }
}

module attributes {stable_mosaic.version = 14 : i64} {
  func.func @_final_body(%arg0: i32, %arg1: memref<2x2000x128xf32, #tpu.memory_space<vmem>>, %arg2: memref<2000x128xf32, #tpu.memory_space<vmem>>, %arg3: memref<128x128xf32, #tpu.memory_space<vmem>>, %arg4: memref<1x128xf32, #tpu.memory_space<vmem>>, %arg5: memref<128x128xf32, #tpu.memory_space<vmem>>, %arg6: memref<64x128xf32, #tpu.memory_space<vmem>>, %arg7: memref<1x64xf32, #tpu.memory_space<vmem>>, %arg8: memref<2000x64xf32, #tpu.memory_space<vmem>>) attributes {dimension_semantics = [#tpu.dimension_semantics<arbitrary>], iteration_bounds = array<i64: 5>, scalar_prefetch = 0 : i64, scratch_operands = 0 : i64, tpu.core_type = #tpu.core_type<tc>, window_params = [{transform_indices = @transform_0, window_bounds = array<i64: 2, 2000, 128>}, {transform_indices = @transform_1, window_bounds = array<i64: 2000, 128>}, {pipeline_mode = #tpu.pipeline_mode<synchronous>, transform_indices = @transform_2, window_bounds = array<i64: 128, 128>}, {pipeline_mode = #tpu.pipeline_mode<synchronous>, transform_indices = @transform_3, window_bounds = array<i64: 1, 128>}, {pipeline_mode = #tpu.pipeline_mode<synchronous>, transform_indices = @transform_4, window_bounds = array<i64: 128, 128>}, {pipeline_mode = #tpu.pipeline_mode<synchronous>, transform_indices = @transform_5, window_bounds = array<i64: 64, 128>}, {pipeline_mode = #tpu.pipeline_mode<synchronous>, transform_indices = @transform_6, window_bounds = array<i64: 1, 64>}, {transform_indices = @transform_7, window_bounds = array<i64: 2000, 64>}]} {
    %get3A = arith.constant 0 : index
    %get3A_0 = arith.constant 0 : index
    %get3A_1 = arith.constant 0 : index
    %get3A_2 = vector.load %arg1[%get3A, %get3A_0, %get3A_1] : memref<2x2000x128xf32, #tpu.memory_space<vmem>>, vector<1x2000x128xf32>
    %get3A_3 = vector.shape_cast %get3A_2 : vector<1x2000x128xf32> to vector<2000x128xf32>
    %get3A_4 = arith.constant 1 : index
    %get3A_5 = arith.constant 0 : index
    %get3A_6 = arith.constant 0 : index
    %get3A_7 = vector.load %arg1[%get3A_4, %get3A_5, %get3A_6] : memref<2x2000x128xf32, #tpu.memory_space<vmem>>, vector<1x2000x128xf32>
    %get3A_8 = vector.shape_cast %get3A_7 : vector<1x2000x128xf32> to vector<2000x128xf32>
    %add3A = arith.addf %get3A_3, %get3A_8 : vector<2000x128xf32>
    %get3A_9 = arith.constant 0 : index
    %get3A_10 = arith.constant 0 : index
    %get3A_11 = vector.load %arg3[%get3A_9, %get3A_10] : memref<128x128xf32, #tpu.memory_space<vmem>>, vector<128x128xf32>
    %dot_general3A = arith.constant dense<0.000000e+00> : vector<2000x128xf32>
    %dot_general3A_12 = tpu.matmul %add3A, %get3A_11, %dot_general3A {dimension_numbers = #tpu.dot_dimension_numbers<[1], [1], [0], [0], [0, 0, 1, 0], [], []>, transpose_lhs_hint = false} : vector<2000x128xf32>, vector<128x128xf32>, vector<2000x128xf32> -> vector<2000x128xf32>
    %get3A_13 = arith.constant 0 : index
    %get3A_14 = arith.constant 0 : index
    %get3A_15 = vector.load %arg2[%get3A_13, %get3A_14] : memref<2000x128xf32, #tpu.memory_space<vmem>>, vector<2000x128xf32>
    %get3A_16 = arith.constant 0 : index
    %get3A_17 = arith.constant 0 : index
    %get3A_18 = vector.load %arg5[%get3A_16, %get3A_17] : memref<128x128xf32, #tpu.memory_space<vmem>>, vector<128x128xf32>
    %dot_general3A_19 = arith.constant dense<0.000000e+00> : vector<2000x128xf32>
    %dot_general3A_20 = tpu.matmul %get3A_15, %get3A_18, %dot_general3A_19 {dimension_numbers = #tpu.dot_dimension_numbers<[1], [1], [0], [0], [0, 0, 1, 0], [], []>, transpose_lhs_hint = false} : vector<2000x128xf32>, vector<128x128xf32>, vector<2000x128xf32> -> vector<2000x128xf32>
    %add3A_21 = arith.addf %dot_general3A_12, %dot_general3A_20 : vector<2000x128xf32>
    %get3A_22 = arith.constant 0 : index
    %get3A_23 = arith.constant 0 : index
    %get3A_24 = vector.load %arg4[%get3A_22, %get3A_23] : memref<1x128xf32, #tpu.memory_space<vmem>>, vector<1x128xf32>
    %add3A_25 = vector.broadcast %get3A_24 : vector<1x128xf32> to vector<2000x128xf32>
    %add3A_26 = arith.addf %add3A_21, %add3A_25 : vector<2000x128xf32>
    %max3A = arith.constant 0.000000e+00 : f32
    %max3A_27 = vector.broadcast %max3A : f32 to vector<2000x128xf32>
    %max3A_28 = arith.maximumf %add3A_26, %max3A_27 : vector<2000x128xf32>
    %get3A_29 = arith.constant 0 : index
    %get3A_30 = arith.constant 0 : index
    %get3A_31 = vector.load %arg6[%get3A_29, %get3A_30] : memref<64x128xf32, #tpu.memory_space<vmem>>, vector<64x128xf32>
    %dot_general3A_32 = arith.constant dense<0.000000e+00> : vector<2000x64xf32>
    %dot_general3A_33 = tpu.matmul %max3A_28, %get3A_31, %dot_general3A_32 {dimension_numbers = #tpu.dot_dimension_numbers<[1], [1], [0], [0], [0, 0, 1, 0], [], []>, transpose_lhs_hint = false} : vector<2000x128xf32>, vector<64x128xf32>, vector<2000x64xf32> -> vector<2000x64xf32>
    %get3A_34 = arith.constant 0 : index
    %get3A_35 = arith.constant 0 : index
    %get3A_36 = vector.load %arg7[%get3A_34, %get3A_35] : memref<1x64xf32, #tpu.memory_space<vmem>>, vector<1x64xf32>
    %add3A_37 = vector.broadcast %get3A_36 : vector<1x64xf32> to vector<2000x64xf32>
    %add3A_38 = arith.addf %dot_general3A_33, %add3A_37 : vector<2000x64xf32>
    %swap3A = arith.constant 0 : index
    %swap3A_39 = arith.constant 0 : index
    %swap3A_40 = vector.load %arg8[%swap3A, %swap3A_39] : memref<2000x64xf32, #tpu.memory_space<vmem>>, vector<2000x64xf32>
    tpu.vector_store %arg8[%swap3A, %swap3A_39], %add3A_38 {strides = array<i32>} : memref<2000x64xf32, #tpu.memory_space<vmem>>, vector<2000x64xf32>,
    return
  }
  func.func @transform_0(%arg0: i32) -> (i32, i32, i32) {
    %c0_i32 = arith.constant 0 : i32
    %c0_i32_0 = arith.constant 0 : i32
    %c0_i32_1 = arith.constant 0 : i32
    return %c0_i32, %arg0, %c0_i32_0 : i32, i32, i32
  }
  func.func @transform_1(%arg0: i32) -> (i32, i32) {
    %c0_i32 = arith.constant 0 : i32
    %c0_i32_0 = arith.constant 0 : i32
    return %arg0, %c0_i32 : i32, i32
  }
  func.func @transform_2(%arg0: i32) -> (i32, i32) {
    %c0_i32 = arith.constant 0 : i32
    %c0_i32_0 = arith.constant 0 : i32
    %c0_i32_1 = arith.constant 0 : i32
    return %c0_i32, %c0_i32_0 : i32, i32
  }
  func.func @transform_3(%arg0: i32) -> (i32, i32) {
    %c0_i32 = arith.constant 0 : i32
    %c0_i32_0 = arith.constant 0 : i32
    %c0_i32_1 = arith.constant 0 : i32
    return %c0_i32, %c0_i32_0 : i32, i32
  }
  func.func @transform_4(%arg0: i32) -> (i32, i32) {
    %c0_i32 = arith.constant 0 : i32
    %c0_i32_0 = arith.constant 0 : i32
    %c0_i32_1 = arith.constant 0 : i32
    return %c0_i32, %c0_i32_0 : i32, i32
  }
  func.func @transform_5(%arg0: i32) -> (i32, i32) {
    %c0_i32 = arith.constant 0 : i32
    %c0_i32_0 = arith.constant 0 : i32
    %c0_i32_1 = arith.constant 0 : i32
    return %c0_i32, %c0_i32_0 : i32, i32
  }
  func.func @transform_6(%arg0: i32) -> (i32, i32) {
    %c0_i32 = arith.constant 0 : i32
    %c0_i32_0 = arith.constant 0 : i32
    %c0_i32_1 = arith.constant 0 : i32
    return %c0_i32, %c0_i32_0 : i32, i32
  }
  func.func @transform_7(%arg0: i32) -> (i32, i32) {
    %c0_i32 = arith.constant 0 : i32
    %c0_i32_0 = arith.constant 0 : i32
    return %arg0, %c0_i32 : i32, i32
  }
}

</mosaic_0001>

<sc_bundles>
// kernel: kernel.6.cloned.1.call-start
scs
__scs_entry_jumppad:
0x0: {  	(pc) =	sbr.rel $0x88, $3  }
0x1: {  	(tag) =	ssettag $0x0;
	lr =	simm.s32 $0x1  }
0x2: {  	[smem:$0x3F96] =	sst lr;
	_ =	strace $0xD0000000  }
0x3: {  	_ = 	snop  }
0x4: {  	_ = 	snop  }
0x5: {  	_ = 	snop  }
0x6: {  	_ = 	snop  }
0x7: {  	_ = 	snop  }
__scs_overlays_trampoline_lowered:
0x8: {  	[smem:$0x3FA5] =	sst s0  }
0x9: {  	[smem:$0x3FA6] =	sst s1  }
0xa: {  	[smem:$0x3FA7] =	sst s2  }
0xb: {  	[smem:$0x3FA8] =	sst s3  }
0xc: {  	[smem:$0x3FA9] =	sst s4  }
0xd: {  	[smem:$0x3FAA] =	sst s5  }
0xe: {  	[smem:$0x3FAB] =	sst s6  }
0xf: {  	[smem:$0x3FAC] =	sst s7  }
0x10: {  	[smem:$0x3FAD] =	sst s8  }
0x11: {  	[smem:$0x3FAE] =	sst s9;
	s0 =	simm.s32 @!p0 $0x0  }
0x12: {  	s1 =	sld [smem:$0x3F94];
	s0 =	simm.s32 @p0 $0x1  }
0x13: {  	[smem:$0x3FAF] =	sst s0;
	s0 =	simm.s32 @!p1 $0x0  }
0x14: {  	s2 =	sld [smem:$0x3F93];
	s0 =	simm.s32 @p1 $0x1  }
0x15: {  	[smem:$0x3FB0] =	sst s0;
	s0 =	simm.s32 @!p2 $0x0  }
0x16: {  	s3 =	sld [smem:$0x3FDB];
	s0 =	simm.s32 @p2 $0x1  }
0x17: {  	s4 =	simm.s32 $0x1BF5;
	[smem:$0x3FB2] =	sst s0  }
0x18: {  	s0 =	sld [smem:$0x3F95];
	_ =	swait.ge [sflag:s4], $0x0  }
0x19: {  	s7 =	sld [smem:$0x3F96]  }
0x1a: {  	s8 =	sadd.s32 $0xFFFFE003, lr  }
0x1b: {  	s9 =	sadd.s32 $0xFFFFFEF7, lr;
	s5 =	simm.s32 $0xFFFFFFFF;
	p2 =	slt.u32 s8, $0xFFFFF086  }
0x1c: {  	p1 =	slt.u32 s9, $0xF7A;
	s5 =	simm.s32 @!p2 $0x0  }
0x1d: {  	s5 =	simm.s32 @p1 $0x1;
	p0 =	seq.s32 s7, s2  }
0x1e: {  	s7 =	smul.u32 @!p0 $0xF7A, s2;
	p2 =	seq.s32 @!p0 s5, $0x0  }
0x1f: {  	s9 =	smul.u32 $0xF7A, s1;
	s8 =	simm.s32 @!p0 $0x1BF5;
	p2 =	por !p2, p0  }
0x20: {  	[sflag:s8] =	ssyncset.s32 @!p0 $0xFFFFF086;
	s6 =	sadd.s32 @!p0 s3, s7;
	s7 =	simm.s32 @!p0 $0x108  }
0x21: {  	s3 =	sadd.s32 s3, s9;
	s6 =	sadd.s32 @!p0 $0x88, s6;
	s7 =	simm.s32 @p2 $0x1082  }
0x22: {  	[simem:s7], [sflag:s8] =	dma.local @!p0 [hbm:s6], $0xF7A  }
0x23: {  	s9 =	sor.u32 $0xD0000000, s2;
	s6 =	simm.s32 $0x108;
	_ =	swait.ge @!p0 [sflag:s8], $0x0  }
0x24: {  	s3 =	sadd.s32 $0x88, s3;
	s6 =	simm.s32 @!p1 $0x1082;
	[sflag:s4] =	ssyncset.s32 $0xFFFFF086  }
0x25: {  	[simem:s6], [sflag:s4] =	dma.local [hbm:s3], $0xF7A  }
0x26: {  	[smem:$0x3F96] =	sst s1;
	(tag) =	ssettag s2;
	_ =	strace s9  }
0x27: {  	s1 =	sld [smem:$0x3FA6]  }
0x28: {  	s2 =	sld [smem:$0x3FA7]  }
0x29: {  	s4 =	sld [smem:$0x3FA9]  }
0x2a: {  	p0 =	seq.s32 s5, $0x0;
	s5 =	sld [smem:$0x3FAA]  }
0x2b: {  	s6 =	sld [smem:$0x3FAB]  }
0x2c: {  	s7 =	sld [smem:$0x3FAC]  }
0x2d: {  	s3 =	simm.s32 $0x108;
	s8 =	sld [smem:$0x3FAD]  }
0x2e: {  	s3 =	simm.s32 @!p0 $0x1082;
	s9 =	sld [smem:$0x3FAE]  }
0x2f: {  	lr =	sadd.s32 s0, s3;
	s0 =	sld [smem:$0x3FA5]  }
0x30: {  	s3 =	sld [smem:$0x3FA8]  }
0x31: {  	[smem:$0x3FB1] =	sst s10  }
0x32: {  	s10 =	sld [smem:$0x3FAF];
	_ =	sdelay $0x3  }
0x33: {  	p0 =	seq.s32 s10, $0x1;
	s10 =	sld [smem:$0x3FB1];
	_ =	sdelay $0x3  }
0x34: {  	[smem:$0x3FB1] =	sst s10  }
0x35: {  	s10 =	sld [smem:$0x3FB0];
	_ =	sdelay $0x3  }
0x36: {  	p1 =	seq.s32 s10, $0x1;
	s10 =	sld [smem:$0x3FB1];
	_ =	sdelay $0x3  }
0x37: {  	[smem:$0x3FB1] =	sst s10  }
0x38: {  	s10 =	sld [smem:$0x3FB2]  }
0x39: {  	_ = 	snop;
	(pc) =	sbr.ind lr, $3  }
0x3a: {  	_ = 	snop  }
0x3b: {  	_ = 	snop  }
0x3c: {  	p2 =	seq.s32 s10, $0x1;
	s10 =	sld [smem:$0x3FB1]  }
0x3d: {  	_ =	shalt  }
0x3e: {  	_ =	shalt  }
0x3f: {  	_ =	shalt  }
0x40: {  	_ =	shalt  }
0x41: {  	_ =	shalt  }
0x42: {  	_ =	shalt  }
0x43: {  	_ =	shalt  }
0x44: {  	_ =	shalt  }
0x45: {  	_ =	shalt  }
0x46: {  	_ =	shalt  }
0x47: {  	_ =	shalt  }
0x48: {  	_ =	shalt  }
0x49: {  	_ =	shalt  }
0x4a: {  	_ =	shalt  }
0x4b: {  	_ =	shalt  }
0x4c: {  	_ =	shalt  }
0x4d: {  	_ =	shalt  }
0x4e: {  	_ =	shalt  }
0x4f: {  	_ =	shalt  }
0x50: {  	_ =	shalt  }
0x51: {  	_ =	shalt  }
0x52: {  	_ =	shalt  }
0x53: {  	_ =	shalt  }
0x54: {  	_ =	shalt  }
0x55: {  	_ =	shalt  }
0x56: {  	_ =	shalt  }
0x57: {  	_ =	shalt  }
0x58: {  	_ =	shalt  }
0x59: {  	_ =	shalt  }
0x5a: {  	_ =	shalt  }
0x5b: {  	_ =	shalt  }
0x5c: {  	_ =	shalt  }
0x5d: {  	_ =	shalt  }
0x5e: {  	_ =	shalt  }
0x5f: {  	_ =	shalt  }
0x60: {  	_ =	shalt  }
0x61: {  	_ =	shalt  }
0x62: {  	_ =	shalt  }
0x63: {  	_ =	shalt  }
0x64: {  	_ =	shalt  }
0x65: {  	_ =	shalt  }
0x66: {  	_ =	shalt  }
0x67: {  	_ =	shalt  }
0x68: {  	_ =	shalt  }
0x69: {  	_ =	shalt  }
0x6a: {  	_ =	shalt  }
0x6b: {  	_ =	shalt  }
0x6c: {  	_ =	shalt  }
0x6d: {  	_ =	shalt  }
0x6e: {  	_ =	shalt  }
0x6f: {  	_ =	shalt  }
0x70: {  	_ =	shalt  }
0x71: {  	_ =	shalt  }
0x72: {  	_ =	shalt  }
0x73: {  	_ =	shalt  }
0x74: {  	_ =	shalt  }
0x75: {  	_ =	shalt  }
0x76: {  	_ =	shalt  }
0x77: {  	_ =	shalt  }
0x78: {  	_ =	shalt  }
0x79: {  	_ =	shalt  }
0x7a: {  	_ =	shalt  }
0x7b: {  	_ =	shalt  }
0x7c: {  	_ =	shalt  }
0x7d: {  	_ =	shalt  }
0x7e: {  	_ =	shalt  }
0x7f: {  	_ =	shalt  }
0x80: {  	_ =	shalt  }
0x81: {  	_ =	shalt  }
0x82: {  	_ =	shalt  }
0x83: {  	_ =	shalt  }
0x84: {  	_ =	shalt  }
0x85: {  	_ =	shalt  }
0x86: {  	_ =	shalt  }
0x87: {  	_ =	shalt  }
.Lfunc_end0:
.L_simem_size_0:
called_computation_lowered:
.L_overlay_start_0:
0x88: {  	s2 =	sld [smem:$0x3FD9]  }
0x89: {  	s3 =	sld [smem:$0x3FFE];
	_ =	sdelay $0x1  }
0x8a: {  	s1 =	srdreg.scid  }
0x8b: {  	s0 =	sand.u32 $0x1, s1  }
0x8c: {  	s17 =	sshll.u32 s0, $0xA;
	s2 =	sadd.s32 s3, s2  }
0x8d: {  	s2 =	sadd.s32 s2, s17  }
0x8e: {  	[smem:$0x3FBD] =	sst s2  }
0x8f: {  	_ = 	snop  }
0x90: {  	s2 =	sld [smem:$0x3FC9];
	(tm) =	ssettm $0x1  }
0x91: {  	s18 =	sld [smem:$0x3FFB];
	_ =	sdelay $0x3  }
0x92: {  	_ =	strace s18  }
0x93: {  	s3 =	sld [smem:$0x3FFC];
	_ =	sdelay $0x3  }
0x94: {  	_ =	strace s3  }
0x95: {  	s3 =	sld [smem:$0x3FFD];
	_ =	sdelay $0x3  }
0x96: {  	_ =	strace s3  }
0x97: {  	_ =	strace $0x8FFFFFFF  }
0x98: {  	s19 =	sld [smem:$0x3FDB];
	_ =	sdelay $0x1  }
0x99: {  	s4 =	simm.s32 $_scs_section_size  }
0x9a: {  	s5 =	simm.s32 $_size__tile_overlayer_lowered;
	s6 =	simm.s32 $_tile_overlayer_lowered  }
0x9b: {  	s22 =	simm.s32 $0x1BFF;
	s21 =	sshll.u32 s6, $0x1;
	s3 =	sadd.s32 s4, s19  }
0x9c: {  	s7 =	simm.s32 $0x0;
	s20 =	sshll.u32 s5, $0x1;
	s5 =	sadd.s32 s21, s3  }
0x9d: {  	[timem:s7], [sflag:s22] =	dma.local [hbm:s5], s20  }
0x9e: {  	_ =	swait.ge [sflag:s22], s20  }
0x9f: {  	s4 =	ssub.s32 $0x0, s20;
	[sflag:s22] =	ssyncset.done $0x0  }
0xa0: {  	[sflag:s22] =	ssyncadd.s32 s4;
	_ =	sdelay $0x1  }
0xa1: {  	s23 =	simm.s32 $0x1B8B  }
0xa2: {  	_ =	swait.ge [sflag:s23], $0x1  }
0xa3: {  	[sflag:s23] =	ssyncset.done $0x0  }
0xa4: {  	s25 =	simm.s32 $0x1B8E;
	s24 =	sld [smem:$0x3FFE];
	[sflag:s23] =	ssyncadd.s32 $0xFFFFFFFF  }
0xa5: {  	s26 =	simm.s32 $execute0_lowered;
	[smem:$0x3FD2] =	sst s25  }
0xa6: {  	s5 =	sshll.u32 s26, $0x1;
	_ =	strace $0x80000046;
	[dreg:$0x1] =	wrdreg $0xFFFFFFFF  }
0xa7: {  	s28 =	simm.s32 $_size_execute0_lowered;
	s3 =	sadd.s32 s3, s5;
	[dreg:$0x0] =	wrdreg $0x0  }
0xa8: {  	s5 =	sshll.u32 s28, $0x1;
	[dreg:$0x2] =	wrdreg s3  }
0xa9: {  	[dreg:$0x3] =	wrdreg s5  }
0xaa: {  	[dreg:$0x4] =	wrdreg $0xC0  }
0xab: {  	_ =	task [dreg:s7], $0x5FFFF  }
0xac: {  	[dreg:$0x1] =	wrdreg $0xFFFFFFFF  }
0xad: {  	[dreg:$0x0] =	wrdreg $0x60  }
0xae: {  	[dreg:$0x2] =	wrdreg s2  }
0xaf: {  	[dreg:$0x3] =	wrdreg s24  }
0xb0: {  	[dreg:$0x4] =	wrdreg $0x0  }
0xb1: {  	[dreg:$0x5] =	wrdreg $0x9  }
0xb2: {  	_ =	task.clear_ibuf [dreg:s7], $0x6FFFF;
	_ =	strace $0x90000046  }
0xb3: {  	s29 =	simm.s32 $0x9;
	_ =	strace $0x80000048  }
0xb4: {  	_ =	swait.ge [sflag:s29], $0x1  }
0xb5: {  	[sflag:s29] =	ssyncadd.s32 $0xFFFFFFFF  }
0xb6: {  	_ =	strace $0x90000048  }
0xb7: {  	_ =	sfence  }
0xb8: {  	s30 =	sld [smem:$0x0];
	_ =	sdelay $0x2  }
0xb9: {  	s31 =	sshll.u32 s1, $0xD;
	s1 =	sshrl.u32 s1, $0x2  }
0xba: {  	s3 =	sand.u32 $0x4000, s31;
	s1 =	sadd.s32 s1, s30  }
0xbb: {  	s0 =	sor.u32 s3, s0;
	s1 =	sshll.u32 s1, $0x11  }
0xbc: {  	s0 =	sor.u32 s1, s0  }
0xbd: {  	s0 =	sadd.s32 $0x8F2B, s0  }
0xbe: {  	[sflag:s0] =	ssyncadd.remote.s32 $0x1  }
0xbf: {  	_ =	sfence.sel $0xFFFF  }
0xc0: {  	[dreg:$0x0] =	wrdreg $0xFFFFFFFF;
	(pc) =	sbr.abs _section_cstart, $3  }
0xc1: {  	[dreg:$0x1] =	wrdreg $0xFFFFFFFF  }
0xc2: {  	_ =	task.clear_ibuf [dreg:s7], $0x2FFFF;
	_ =	strace $0x9FFFFFFF  }
0xc3: {  	(tm) =	ssettm $0x7FFFFFFF  }
tec
execute0_lowered:
.L_overlay_start_1:
0x0: {  	(tag) =	ssettag $0x1  }
0x1: {  	s1 =	rddreg [dreg:$0x0]  }
0x2: {  	s0 =	rddreg [dreg:$0x1]  }
0x3: {  	s2 =	rddreg [dreg:$0x2]  }
0x4: {  	s3 =	simm.s32 $0x0;
	s4 =	srdreg.scid;
	s24 =	stileid.u32  }
0x5: {  	s25 =	simm.s32 $0x1;
	s26 =	simm.s32 $0x50;
	s28 =	simm.s32 $0x0  }
0x6: {  	[smem:$0x7FF] =	sst s3;
	s4 =	sand.u32 $0x1, s4;
	s10 =	smul.u32 $0x4E000, s24  }
0x7: {  	s5 =	sadd.s32 $0x2200, s0;
	s0 =	sadd.s32 $0x40A00, s0;
	s31 =	smul.u32 $0x13800, s24  }
0x8: {  	p0 =	sne.s32 s24, $0xF;
	_ =	strace $0x80000047;
	s6 =	ssub.s32 $0x2, s4  }
0x9: {  	s8 =	smul.u32 $0x138800, s4;
	s4 =	sshll.u32 s4, $0x4;
	s7 =	sshrl.u32 s6, $0x1  }
0xa: {  	s4 =	sor.u32 s24, s4;
	s10 =	sshrl.u32 s10, $0x2;
	s24 =	simm.s32 $0x16A80  }
0xb: {  	s9 =	ssub.s32 s6, s7;
	s6 =	sadd.s32 $0x138000, s2;
	s11 =	sshrl.u32 s8, $0x3  }
0xc: {  	s7 =	smul.u32 $0xFA00, s4;
	s10 =	sadd.s32 s10, s2;
	s30 =	sadd.s32 s0, s11  }
0xd: {  	s9 =	smax.u32 s9, $0x1;
	s11 =	sadd.s32 $0x1800, s10;
	s12 =	sadd.s32 $0x3000, s10  }
0xe: {  	s13 =	sadd.s32 $0x4800, s10;
	s14 =	sadd.s32 $0x6000, s10;
	s15 =	sadd.s32 $0x7800, s10  }
0xf: {  	s16 =	sadd.s32 $0x9000, s10;
	s17 =	sadd.s32 $0xA800, s10;
	s4 =	sadd.s32 $0x27000, s30  }
0x10: {  	s18 =	sadd.s32 $0xC000, s10;
	[dreg:$0x4] =	wrdreg s4;
	s4 =	sadd.s32 s31, s8  }
0x11: {  	s19 =	sadd.s32 $0xD800, s10;
	s20 =	sadd.s32 $0xF000, s10;
	s4 =	sshrl.u32 s4, $0x3  }
0x12: {  	v0 =	vimm.f32 $0.0e+00;
	s21 =	sadd.s32 $0x10800, s10;
	s22 =	sadd.s32 $0x12000, s10;
	s23 =	sadd.s32 s4, s0  }
.LBB2_1:
0x13: {  	s0 =	simm.s32 $0x0;
	s4 =	simm.s32 $0x200  }
.LBB2_2:
0x14: {  	p1 =	sne.s32 s4, $0x5E00;
	[tilespmem:s0+$0x16AF0] =	vst v0  }
0x15: {  	[tilespmem:s0+$0x16A80] =	vst v0  }
0x16: {  	[tilespmem:s0+$0x16A90] =	vst v0  }
.Ltmp0:
0x17: {  	[tilespmem:s0+$0x16AA0] =	vst v0;
	(pc) =	sbr.rel @p1 .LBB2_2-.Ltmp0, $4  }
0x18: {  	[tilespmem:s0+$0x16AB0] =	vst v0  }
0x19: {  	[tilespmem:s0+$0x16AC0] =	vst v0  }
0x1a: {  	[tilespmem:s0+$0x16AD0] =	vst v0  }
0x1b: {  	[tilespmem:s0+$0x16AE0] =	vst v0;
	s0 =	sshra.s32 s4, $0x2;
	s4 =	sadd.s32 $0x200, s4  }
0x1c: {  	[tilespmem:s0+$0x16AF0] =	vst v0  }
0x1d: {  	[tilespmem:s0+$0x16A80] =	vst v0  }
0x1e: {  	[tilespmem:s0+$0x16A90] =	vst v0  }
0x1f: {  	[tilespmem:s0+$0x16AA0] =	vst v0  }
0x20: {  	[tilespmem:s0+$0x16AB0] =	vst v0  }
0x21: {  	[tilespmem:s0+$0x16AC0] =	vst v0  }
0x22: {  	[tilespmem:s0+$0x16AD0] =	vst v0  }
0x23: {  	[tilespmem:s0+$0x16AE0] =	vst v0  }
0x24: {  	[spmem:s10] =	stream.linear.scatter [tilespmem:s24], [sflag:$0x1], $0x1800, $0x38;
	[tilespmem:$0x19280] =	vst v63  }
0x25: {  	_ =	swait.ge [sflag:s25], $0x1800  }
0x26: {  	[sflag:s25] =	ssyncset.done $0x0  }
0x27: {  	[sflag:s25] =	ssyncadd.s32 $0xFFFFE800  }
0x28: {  	[spmem:s11] =	stream.linear.scatter [tilespmem:s24], [sflag:$0x1], $0x1800, $0x38;
	[tilespmem:$0x19280] =	vst v63  }
0x29: {  	_ =	swait.ge [sflag:s25], $0x1800  }
0x2a: {  	[sflag:s25] =	ssyncset.done $0x0  }
0x2b: {  	[sflag:s25] =	ssyncadd.s32 $0xFFFFE800  }
0x2c: {  	[spmem:s12] =	stream.linear.scatter [tilespmem:s24], [sflag:$0x1], $0x1800, $0x38;
	[tilespmem:$0x19280] =	vst v63  }
0x2d: {  	_ =	swait.ge [sflag:s25], $0x1800  }
0x2e: {  	[sflag:s25] =	ssyncset.done $0x0  }
0x2f: {  	[sflag:s25] =	ssyncadd.s32 $0xFFFFE800  }
0x30: {  	[spmem:s13] =	stream.linear.scatter [tilespmem:s24], [sflag:$0x1], $0x1800, $0x38;
	[tilespmem:$0x19280] =	vst v63  }
0x31: {  	_ =	swait.ge [sflag:s25], $0x1800  }
0x32: {  	[sflag:s25] =	ssyncset.done $0x0  }
0x33: {  	[sflag:s25] =	ssyncadd.s32 $0xFFFFE800  }
0x34: {  	[spmem:s14] =	stream.linear.scatter [tilespmem:s24], [sflag:$0x1], $0x1800, $0x38;
	[tilespmem:$0x19280] =	vst v63  }
0x35: {  	_ =	swait.ge [sflag:s25], $0x1800  }
0x36: {  	[sflag:s25] =	ssyncset.done $0x0  }
0x37: {  	[sflag:s25] =	ssyncadd.s32 $0xFFFFE800  }
0x38: {  	[spmem:s15] =	stream.linear.scatter [tilespmem:s24], [sflag:$0x1], $0x1800, $0x38;
	[tilespmem:$0x19280] =	vst v63  }
0x39: {  	_ =	swait.ge [sflag:s25], $0x1800  }
0x3a: {  	[sflag:s25] =	ssyncset.done $0x0  }
0x3b: {  	[sflag:s25] =	ssyncadd.s32 $0xFFFFE800  }
0x3c: {  	[spmem:s16] =	stream.linear.scatter [tilespmem:s24], [sflag:$0x1], $0x1800, $0x38;
	[tilespmem:$0x19280] =	vst v63  }
0x3d: {  	_ =	swait.ge [sflag:s25], $0x1800  }
0x3e: {  	[sflag:s25] =	ssyncset.done $0x0  }
0x3f: {  	[sflag:s25] =	ssyncadd.s32 $0xFFFFE800  }
0x40: {  	[spmem:s17] =	stream.linear.scatter [tilespmem:s24], [sflag:$0x1], $0x1800, $0x38;
	[tilespmem:$0x19280] =	vst v63  }
0x41: {  	_ =	swait.ge [sflag:s25], $0x1800  }
0x42: {  	[sflag:s25] =	ssyncset.done $0x0  }
0x43: {  	[sflag:s25] =	ssyncadd.s32 $0xFFFFE800  }
0x44: {  	[spmem:s18] =	stream.linear.scatter [tilespmem:s24], [sflag:$0x1], $0x1800, $0x38;
	[tilespmem:$0x19280] =	vst v63  }
0x45: {  	_ =	swait.ge [sflag:s25], $0x1800  }
0x46: {  	[sflag:s25] =	ssyncset.done $0x0  }
0x47: {  	[sflag:s25] =	ssyncadd.s32 $0xFFFFE800  }
0x48: {  	[spmem:s19] =	stream.linear.scatter [tilespmem:s24], [sflag:$0x1], $0x1800, $0x38;
	[tilespmem:$0x19280] =	vst v63  }
0x49: {  	_ =	swait.ge [sflag:s25], $0x1800  }
0x4a: {  	[sflag:s25] =	ssyncset.done $0x0  }
0x4b: {  	[sflag:s25] =	ssyncadd.s32 $0xFFFFE800  }
0x4c: {  	[spmem:s20] =	stream.linear.scatter [tilespmem:s24], [sflag:$0x1], $0x1800, $0x38;
	[tilespmem:$0x19280] =	vst v63  }
0x4d: {  	_ =	swait.ge [sflag:s25], $0x1800  }
0x4e: {  	[sflag:s25] =	ssyncset.done $0x0  }
0x4f: {  	[sflag:s25] =	ssyncadd.s32 $0xFFFFE800  }
0x50: {  	[spmem:s21] =	stream.linear.scatter [tilespmem:s24], [sflag:$0x1], $0x1800, $0x38;
	[tilespmem:$0x19280] =	vst v63  }
0x51: {  	_ =	swait.ge [sflag:s25], $0x1800  }
0x52: {  	[sflag:s25] =	ssyncset.done $0x0  }
0x53: {  	[sflag:s25] =	ssyncadd.s32 $0xFFFFE800  }
0x54: {  	[spmem:s22] =	stream.linear.scatter [tilespmem:s24], [sflag:$0x1], $0x1800, $0x38;
	[tilespmem:$0x19280] =	vst v63  }
0x55: {  	_ =	swait.ge [sflag:s25], $0x1800  }
0x56: {  	[sflag:s25] =	ssyncset.done $0x0  }
0x57: {  	s0 =	simm.s32 @!p0 $0x16A80;
	[sflag:s25] =	ssyncadd.s32 $0xFFFFE800  }
0x58: {  	[spmem:s6] =	stream.linear.scatter @!p0 [tilespmem:s0], [sflag:$0x1], $0x800, $0x38;
	[tilespmem:$0x19280] =	vst v63  }
0x59: {  	s0 =	simm.s32 @!p0 $0x1  }
0x5a: {  	_ =	swait.ge @!p0 [sflag:s0], $0x800  }
0x5b: {  	[sflag:s0] =	ssyncset.done @!p0 $0x0  }
0x5c: {  	[sflag:s0] =	ssyncadd.s32 @!p0 $0xFFFFF800  }
0x5d: {  	s29 =	simm.s32 $0x0;
	[bflag:$0x0] =	sbarrier.arrive $0xFFFF  }
.LBB2_4:
0x5e: {  	s0 =	smul.u32 $0x3200, s29;
	_ =	sdelay $0x1  }
0x5f: {  	s0 =	sadd.s32 s7, s0  }
0x60: {  	s0 =	sshrl.u32 s0, $0x3  }
0x61: {  	s4 =	simm.s32 $0x13880;
	s0 =	sadd.s32 s5, s0  }
0x62: {  	s30 =	simm.s32 $0x40;
	s31 =	simm.s32 $0x13A80;
	s8 =	sadd.s32 $0x0, s0  }
.LBB2_5:
0x63: {  	[tilespmem:s4], [sflag:$0x1] =	stream.linear.gather [hbm4b:s8+s3], $0x180, $0x38;
	[tilespmem:$0x19280] =	vst v63  }
0x64: {  	s8 =	smov.u32 s30;
	s4 =	smov.u32 s31;
	p1 =	sne.s32 s30, $0x600  }
.Ltmp1:
0x65: {  	s30 =	sadd.s32 $0x40, s30;
	(pc) =	sbr.rel @p1 .LBB2_5-.Ltmp1, $2  }
0x66: {  	_ =	sdelay $0x2  }
0x67: {  	s31 =	sadd.s32 $0x200, s31;
	s8 =	sadd.s32 s8, s0  }
0x68: {  	[tilespmem:s4], [sflag:$0x1] =	stream.linear.gather [hbm4b:s8+s3], $0x180, $0x38;
	[tilespmem:$0x19280] =	vst v63  }
0x69: {  	_ =	swait.ge [sflag:s25], $0x2580  }
0x6a: {  	[sflag:s25] =	ssyncset.done $0x0  }
0x6b: {  	s30 =	simm.s32 $0x0;
	[sflag:s25] =	ssyncadd.s32 $0xFFFFDA80  }
.LBB2_7:
0x6c: {  	s0 =	sshll.u32 s30, $0x9  }
0x6d: {  	s31 =	sand.u32 $0x3FFFFE00, s0  }
0x6e: {  	s0 =	sadd.s32 $0x13880, s31;
	s8 =	sadd.s32 $0x13980, s31  }
0x6f: {  	[tilespmem:s24], [sflag:$0x1] =	stream.indirect.gather [hbm4b:s1+s26], $0x80, s0, s26, $0xb8;
	[tilespmem:$0x19280] =	vst v63  }
0x70: {  	v1 =	vmov s8;
	_ =	swait.ge [sflag:s25], $0x2800  }
0x71: {  	[sflag:s25] =	ssyncset.done $0x0  }
0x72: {  	s0 =	simm.s32 $0x0;
	[sflag:s25] =	ssyncadd.s32 $0xFFFFD800  }
.LBB2_8:
0x73: {  	s4 =	sshll.u32 s0, $0x4  }
0x74: {  	s4 =	sand.u32 $0x3FFFFFF0, s4  }
0x75: {  	s8 =	sshll.u32 s0, $0xB;
	v2 =	vld.idx.msk [tilespmem:v1+s4+$0x0 ss:$0x1], $0xffff  }
0x76: {  	s4 =	sand.u32 $0x3FFFF800, s8  }
0x77: {  	v3 =	vld [tilespmem:s4+$0x16A80]  }
0x78: {  	v4 =	vld [tilespmem:s4+$0x16A90]  }
0x79: {  	v5 =	vld [tilespmem:s4+$0x16AA0]  }
0x7a: {  	v7 =	vld [tilespmem:s4+$0x16AB0];
	v6 =	vbroadcast v2, $0x0  }
0x7b: {  	v8 =	vld [tilespmem:s4+$0x16AC0]  }
0x7c: {  	v9 =	vld [tilespmem:s4+$0x16AD0];
	v3 =	vmul.f32 v6, v3  }
0x7d: {  	v10 =	vld [tilespmem:s4+$0x16AE0];
	v4 =	vmul.f32 v4, v6  }
0x7e: {  	v24 =	vld [tilespmem:s4+$0x16AF0];
	[tilespmem:s4+$0x16A80] =	vst v3;
	v3 =	vmul.f32 v5, v6  }
0x7f: {  	v26 =	vld [tilespmem:s4+$0x16B00];
	v25 =	vmul.f32 v7, v6;
	[tilespmem:s4+$0x16A90] =	vst v4  }
0x80: {  	v27 =	vld [tilespmem:s4+$0x16B10];
	[tilespmem:s4+$0x16AA0] =	vst v3;
	v3 =	vmul.f32 v8, v6  }
0x81: {  	v29 =	vld [tilespmem:s4+$0x16B20];
	v28 =	vmul.f32 v9, v6;
	[tilespmem:s4+$0x16AB0] =	vst v25  }
0x82: {  	v11 =	vld [tilespmem:s4+$0x16B30];
	v30 =	vbroadcast v2, $0x1;
	[tilespmem:s4+$0x16AC0] =	vst v3;
	v3 =	vmul.f32 v10, v6  }
0x83: {  	v32 =	vld [tilespmem:s4+$0x16B40];
	v31 =	vmul.f32 v24, v6;
	[tilespmem:s4+$0x16AD0] =	vst v28  }
0x84: {  	v33 =	vld [tilespmem:s4+$0x16B50];
	[tilespmem:s4+$0x16AE0] =	vst v3;
	v3 =	vmul.f32 v26, v30  }
0x85: {  	v35 =	vld [tilespmem:s4+$0x16B60];
	v34 =	vmul.f32 v27, v30;
	[tilespmem:s4+$0x16AF0] =	vst v31  }
0x86: {  	v36 =	vld [tilespmem:s4+$0x16B70];
	[tilespmem:s4+$0x16B00] =	vst v3;
	v3 =	vmul.f32 v29, v30  }
0x87: {  	v38 =	vld [tilespmem:s4+$0x16B80];
	v37 =	vmul.f32 v11, v30;
	[tilespmem:s4+$0x16B10] =	vst v34  }
0x88: {  	v39 =	vld [tilespmem:s4+$0x16B90];
	[tilespmem:s4+$0x16B20] =	vst v3;
	v3 =	vmul.f32 v32, v30  }
0x89: {  	v41 =	vld [tilespmem:s4+$0x16BA0];
	v40 =	vmul.f32 v33, v30;
	[tilespmem:s4+$0x16B30] =	vst v37  }
0x8a: {  	v43 =	vld [tilespmem:s4+$0x16BB0];
	v42 =	vbroadcast v2, $0x2;
	[tilespmem:s4+$0x16B40] =	vst v3;
	v3 =	vmul.f32 v35, v30  }
0x8b: {  	v45 =	vld [tilespmem:s4+$0x16BC0];
	v44 =	vmul.f32 v36, v30;
	[tilespmem:s4+$0x16B50] =	vst v40  }
0x8c: {  	v46 =	vld [tilespmem:s4+$0x16BD0];
	[tilespmem:s4+$0x16B60] =	vst v3;
	v3 =	vmul.f32 v38, v42  }
0x8d: {  	v48 =	vld [tilespmem:s4+$0x16BE0];
	v47 =	vmul.f32 v39, v42;
	[tilespmem:s4+$0x16B70] =	vst v44  }
0x8e: {  	v49 =	vld [tilespmem:s4+$0x16BF0];
	[tilespmem:s4+$0x16B80] =	vst v3;
	v3 =	vmul.f32 v41, v42  }
0x8f: {  	v51 =	vld [tilespmem:s4+$0x16C00];
	v50 =	vmul.f32 v43, v42;
	[tilespmem:s4+$0x16B90] =	vst v47  }
0x90: {  	v52 =	vld [tilespmem:s4+$0x16C10];
	[tilespmem:s4+$0x16BA0] =	vst v3;
	v3 =	vmul.f32 v45, v42  }
0x91: {  	v54 =	vld [tilespmem:s4+$0x16C20];
	v53 =	vmul.f32 v46, v42;
	[tilespmem:s4+$0x16BB0] =	vst v50  }
0x92: {  	v56 =	vld [tilespmem:s4+$0x16C30];
	v55 =	vbroadcast v2, $0x3;
	[tilespmem:s4+$0x16BC0] =	vst v3;
	v3 =	vmul.f32 v48, v42  }
0x93: {  	v58 =	vld [tilespmem:s4+$0x16C40];
	v57 =	vmul.f32 v49, v42;
	[tilespmem:s4+$0x16BD0] =	vst v53  }
0x94: {  	v59 =	vld [tilespmem:s4+$0x16C50];
	[tilespmem:s4+$0x16BE0] =	vst v3;
	v3 =	vmul.f32 v51, v55  }
0x95: {  	v61 =	vld [tilespmem:s4+$0x16C60];
	v60 =	vmul.f32 v52, v55;
	[tilespmem:s4+$0x16BF0] =	vst v57  }
0x96: {  	v62 =	vld [tilespmem:s4+$0x16C70];
	[tilespmem:s4+$0x16C00] =	vst v3;
	v3 =	vmul.f32 v54, v55  }
0x97: {  	v12 =	vld [tilespmem:s4+$0x16C80];
	v63 =	vmul.f32 v56, v55;
	[tilespmem:s4+$0x16C10] =	vst v60  }
0x98: {  	v13 =	vld [tilespmem:s4+$0x16C90];
	[tilespmem:s4+$0x16C20] =	vst v3;
	v3 =	vmul.f32 v58, v55  }
0x99: {  	v15 =	vld [tilespmem:s4+$0x16CA0];
	v14 =	vmul.f32 v59, v55;
	[tilespmem:s4+$0x16C30] =	vst v63  }
0x9a: {  	v17 =	vld [tilespmem:s4+$0x16CB0];
	v16 =	vbroadcast v2, $0x4;
	[tilespmem:s4+$0x16C40] =	vst v3;
	v3 =	vmul.f32 v61, v55  }
0x9b: {  	v19 =	vld [tilespmem:s4+$0x16CC0];
	v18 =	vmul.f32 v62, v55;
	[tilespmem:s4+$0x16C50] =	vst v14  }
0x9c: {  	v20 =	vld [tilespmem:s4+$0x16CD0];
	[tilespmem:s4+$0x16C60] =	vst v3;
	v3 =	vmul.f32 v12, v16  }
0x9d: {  	v22 =	vld [tilespmem:s4+$0x16CE0];
	v21 =	vmul.f32 v13, v16;
	[tilespmem:s4+$0x16C70] =	vst v18  }
0x9e: {  	v23 =	vld [tilespmem:s4+$0x16CF0];
	[tilespmem:s4+$0x16C80] =	vst v3;
	v3 =	vmul.f32 v15, v16  }
0x9f: {  	v24 =	vmul.f32 v17, v16;
	[tilespmem:s4+$0x16C90] =	vst v21;
	v25 =	vld [tilespmem:s4+$0x16D00]  }
0xa0: {  	v33 =	vld [tilespmem:s4+$0x16D50];
	[tilespmem:s4+$0x16CA0] =	vst v3;
	v3 =	vmul.f32 v19, v16  }
0xa1: {  	v27 =	vmul.f32 v20, v16;
	[tilespmem:s4+$0x16CB0] =	vst v24;
	v28 =	vld [tilespmem:s4+$0x16D20]  }
0xa2: {  	v36 =	vld [tilespmem:s4+$0x16D70];
	v29 =	vbroadcast v2, $0x5;
	[tilespmem:s4+$0x16CC0] =	vst v3;
	v3 =	vmul.f32 v22, v16  }
0xa3: {  	[tilespmem:s4+$0x16CD0] =	vst v27;
	v31 =	vmul.f32 v23, v16;
	v32 =	vld [tilespmem:s4+$0x16D40]  }
0xa4: {  	v26 =	vld [tilespmem:s4+$0x16D10];
	[tilespmem:s4+$0x16CE0] =	vst v3;
	v3 =	vmul.f32 v25, v29  }
0xa5: {  	[tilespmem:s4+$0x16CF0] =	vst v31;
	v40 =	vmul.f32 v33, v29;
	v35 =	vld [tilespmem:s4+$0x16D60]  }
0xa6: {  	v30 =	vld [tilespmem:s4+$0x16D30];
	[tilespmem:s4+$0x16D00] =	vst v3;
	v3 =	vmul.f32 v28, v29  }
0xa7: {  	v44 =	vmul.f32 v36, v29;
	[tilespmem:s4+$0x16D50] =	vst v40;
	v38 =	vld [tilespmem:s4+$0x16D80]  }
0xa8: {  	v39 =	vld [tilespmem:s4+$0x16D90];
	[tilespmem:s4+$0x16D20] =	vst v3;
	v3 =	vmul.f32 v32, v29  }
0xa9: {  	v34 =	vmul.f32 v26, v29;
	[tilespmem:s4+$0x16D70] =	vst v44;
	v41 =	vld [tilespmem:s4+$0x16DA0]  }
0xaa: {  	v43 =	vld [tilespmem:s4+$0x16DB0];
	v42 =	vbroadcast v2, $0x6;
	[tilespmem:s4+$0x16D40] =	vst v3;
	v3 =	vmul.f32 v35, v29  }
0xab: {  	[tilespmem:s4+$0x16D10] =	vst v34;
	v37 =	vmul.f32 v30, v29;
	v45 =	vld [tilespmem:s4+$0x16DC0]  }
0xac: {  	v46 =	vld [tilespmem:s4+$0x16DD0];
	[tilespmem:s4+$0x16D60] =	vst v3;
	v3 =	vmul.f32 v38, v42  }
0xad: {  	[tilespmem:s4+$0x16D30] =	vst v37;
	v48 =	vld [tilespmem:s4+$0x16DE0];
	v47 =	vmul.f32 v39, v42  }
0xae: {  	v49 =	vld [tilespmem:s4+$0x16DF0];
	[tilespmem:s4+$0x16D80] =	vst v3;
	v3 =	vmul.f32 v41, v42  }
0xaf: {  	v50 =	vmul.f32 v43, v42;
	v51 =	vld [tilespmem:s4+$0x16E00];
	[tilespmem:s4+$0x16D90] =	vst v47  }
0xb0: {  	v52 =	vld [tilespmem:s4+$0x16E10];
	[tilespmem:s4+$0x16DA0] =	vst v3;
	v3 =	vmul.f32 v45, v42  }
0xb1: {  	v53 =	vmul.f32 v46, v42;
	[tilespmem:s4+$0x16DB0] =	vst v50;
	v54 =	vld [tilespmem:s4+$0x16E20]  }
0xb2: {  	v56 =	vld [tilespmem:s4+$0x16E30];
	v55 =	vbroadcast v2, $0x7;
	[tilespmem:s4+$0x16DC0] =	vst v3;
	v3 =	vmul.f32 v48, v42  }
0xb3: {  	v57 =	vmul.f32 v49, v42;
	[tilespmem:s4+$0x16DD0] =	vst v53;
	v58 =	vld [tilespmem:s4+$0x16E40]  }
0xb4: {  	v59 =	vld [tilespmem:s4+$0x16E50];
	[tilespmem:s4+$0x16DE0] =	vst v3;
	v3 =	vmul.f32 v51, v55  }
0xb5: {  	[tilespmem:s4+$0x16DF0] =	vst v57;
	v61 =	vld [tilespmem:s4+$0x16E60];
	v60 =	vmul.f32 v52, v55  }
0xb6: {  	v62 =	vld [tilespmem:s4+$0x16E70];
	[tilespmem:s4+$0x16E00] =	vst v3;
	v3 =	vmul.f32 v54, v55  }
0xb7: {  	v63 =	vmul.f32 v56, v55;
	v12 =	vld [tilespmem:s4+$0x16E80];
	[tilespmem:s4+$0x16E10] =	vst v60  }
0xb8: {  	v13 =	vld [tilespmem:s4+$0x16E90];
	[tilespmem:s4+$0x16E20] =	vst v3;
	v3 =	vmul.f32 v58, v55  }
0xb9: {  	v14 =	vmul.f32 v59, v55;
	[tilespmem:s4+$0x16E30] =	vst v63;
	v15 =	vld [tilespmem:s4+$0x16EA0]  }
0xba: {  	v17 =	vld [tilespmem:s4+$0x16EB0];
	v16 =	vbroadcast v2, $0x8;
	[tilespmem:s4+$0x16E40] =	vst v3;
	v3 =	vmul.f32 v61, v55  }
0xbb: {  	v18 =	vmul.f32 v62, v55;
	[tilespmem:s4+$0x16E50] =	vst v14;
	v19 =	vld [tilespmem:s4+$0x16EC0]  }
0xbc: {  	v20 =	vld [tilespmem:s4+$0x16ED0];
	[tilespmem:s4+$0x16E60] =	vst v3;
	v3 =	vmul.f32 v12, v16  }
0xbd: {  	[tilespmem:s4+$0x16E70] =	vst v18;
	v22 =	vld [tilespmem:s4+$0x16EE0];
	v21 =	vmul.f32 v13, v16  }
0xbe: {  	v23 =	vld [tilespmem:s4+$0x16EF0];
	[tilespmem:s4+$0x16E80] =	vst v3;
	v3 =	vmul.f32 v15, v16  }
0xbf: {  	v24 =	vmul.f32 v17, v16;
	v25 =	vld [tilespmem:s4+$0x16F00];
	[tilespmem:s4+$0x16E90] =	vst v21  }
0xc0: {  	v26 =	vld [tilespmem:s4+$0x16F10];
	[tilespmem:s4+$0x16EA0] =	vst v3;
	v3 =	vmul.f32 v19, v16  }
0xc1: {  	v27 =	vmul.f32 v20, v16;
	[tilespmem:s4+$0x16EB0] =	vst v24;
	v28 =	vld [tilespmem:s4+$0x16F20]  }
0xc2: {  	v30 =	vld [tilespmem:s4+$0x16F30];
	v29 =	vbroadcast v2, $0x9;
	[tilespmem:s4+$0x16EC0] =	vst v3;
	v3 =	vmul.f32 v22, v16  }
0xc3: {  	v31 =	vmul.f32 v23, v16;
	[tilespmem:s4+$0x16ED0] =	vst v27;
	v32 =	vld [tilespmem:s4+$0x16F40]  }
0xc4: {  	v33 =	vld [tilespmem:s4+$0x16F50];
	[tilespmem:s4+$0x16EE0] =	vst v3;
	v3 =	vmul.f32 v25, v29  }
0xc5: {  	[tilespmem:s4+$0x16EF0] =	vst v31;
	v35 =	vld [tilespmem:s4+$0x16F60];
	v34 =	vmul.f32 v26, v29  }
0xc6: {  	v36 =	vld [tilespmem:s4+$0x16F70];
	[tilespmem:s4+$0x16F00] =	vst v3;
	v3 =	vmul.f32 v28, v29  }
0xc7: {  	v37 =	vmul.f32 v30, v29;
	v38 =	vld [tilespmem:s4+$0x16F80];
	[tilespmem:s4+$0x16F10] =	vst v34  }
0xc8: {  	v39 =	vld [tilespmem:s4+$0x16F90];
	[tilespmem:s4+$0x16F20] =	vst v3;
	v3 =	vmul.f32 v32, v29  }
0xc9: {  	v40 =	vmul.f32 v33, v29;
	[tilespmem:s4+$0x16F30] =	vst v37;
	v41 =	vld [tilespmem:s4+$0x16FA0]  }
0xca: {  	v43 =	vld [tilespmem:s4+$0x16FB0];
	v42 =	vbroadcast v2, $0xA;
	[tilespmem:s4+$0x16F40] =	vst v3;
	v3 =	vmul.f32 v35, v29  }
0xcb: {  	v44 =	vmul.f32 v36, v29;
	[tilespmem:s4+$0x16F50] =	vst v40;
	v45 =	vld [tilespmem:s4+$0x16FC0]  }
0xcc: {  	v46 =	vld [tilespmem:s4+$0x16FD0];
	[tilespmem:s4+$0x16F60] =	vst v3;
	v3 =	vmul.f32 v38, v42  }
0xcd: {  	[tilespmem:s4+$0x16F70] =	vst v44;
	v48 =	vld [tilespmem:s4+$0x16FE0];
	v47 =	vmul.f32 v39, v42  }
0xce: {  	v49 =	vld [tilespmem:s4+$0x16FF0];
	[tilespmem:s4+$0x16F80] =	vst v3;
	v3 =	vmul.f32 v41, v42  }
0xcf: {  	v50 =	vmul.f32 v43, v42;
	v51 =	vld [tilespmem:s4+$0x17000];
	[tilespmem:s4+$0x16F90] =	vst v47  }
0xd0: {  	v52 =	vld [tilespmem:s4+$0x17010];
	[tilespmem:s4+$0x16FA0] =	vst v3;
	v3 =	vmul.f32 v45, v42  }
0xd1: {  	v53 =	vmul.f32 v46, v42;
	[tilespmem:s4+$0x16FB0] =	vst v50;
	v54 =	vld [tilespmem:s4+$0x17020]  }
0xd2: {  	v56 =	vld [tilespmem:s4+$0x17030];
	v55 =	vbroadcast v2, $0xB;
	[tilespmem:s4+$0x16FC0] =	vst v3;
	v3 =	vmul.f32 v48, v42  }
0xd3: {  	v57 =	vmul.f32 v49, v42;
	[tilespmem:s4+$0x16FD0] =	vst v53;
	v58 =	vld [tilespmem:s4+$0x17040]  }
0xd4: {  	v59 =	vld [tilespmem:s4+$0x17050];
	[tilespmem:s4+$0x16FE0] =	vst v3;
	v3 =	vmul.f32 v51, v55  }
0xd5: {  	[tilespmem:s4+$0x16FF0] =	vst v57;
	v61 =	vld [tilespmem:s4+$0x17060];
	v60 =	vmul.f32 v52, v55  }
0xd6: {  	v62 =	vld [tilespmem:s4+$0x17070];
	[tilespmem:s4+$0x17000] =	vst v3;
	v3 =	vmul.f32 v54, v55  }
0xd7: {  	v63 =	vmul.f32 v56, v55;
	v12 =	vld [tilespmem:s4+$0x17080];
	[tilespmem:s4+$0x17010] =	vst v60  }
0xd8: {  	v13 =	vld [tilespmem:s4+$0x17090];
	[tilespmem:s4+$0x17020] =	vst v3;
	v3 =	vmul.f32 v58, v55  }
0xd9: {  	v14 =	vmul.f32 v59, v55;
	[tilespmem:s4+$0x17030] =	vst v63;
	v15 =	vld [tilespmem:s4+$0x170A0]  }
0xda: {  	v17 =	vld [tilespmem:s4+$0x170B0];
	v16 =	vbroadcast v2, $0xC;
	[tilespmem:s4+$0x17040] =	vst v3;
	v3 =	vmul.f32 v61, v55  }
0xdb: {  	v18 =	vmul.f32 v62, v55;
	[tilespmem:s4+$0x17050] =	vst v14;
	v19 =	vld [tilespmem:s4+$0x170C0]  }
0xdc: {  	v20 =	vld [tilespmem:s4+$0x170D0];
	[tilespmem:s4+$0x17060] =	vst v3;
	v3 =	vmul.f32 v12, v16  }
0xdd: {  	[tilespmem:s4+$0x17070] =	vst v18;
	v22 =	vld [tilespmem:s4+$0x170E0];
	v21 =	vmul.f32 v13, v16  }
0xde: {  	v23 =	vld [tilespmem:s4+$0x170F0];
	[tilespmem:s4+$0x17080] =	vst v3;
	v3 =	vmul.f32 v15, v16  }
0xdf: {  	v24 =	vmul.f32 v17, v16;
	v25 =	vld [tilespmem:s4+$0x17100];
	[tilespmem:s4+$0x17090] =	vst v21  }
0xe0: {  	v26 =	vld [tilespmem:s4+$0x17110];
	[tilespmem:s4+$0x170A0] =	vst v3;
	v3 =	vmul.f32 v19, v16  }
0xe1: {  	v27 =	vmul.f32 v20, v16;
	[tilespmem:s4+$0x170B0] =	vst v24;
	v28 =	vld [tilespmem:s4+$0x17120]  }
0xe2: {  	v30 =	vld [tilespmem:s4+$0x17130];
	v29 =	vbroadcast v2, $0xD;
	[tilespmem:s4+$0x170C0] =	vst v3;
	v3 =	vmul.f32 v22, v16  }
0xe3: {  	v31 =	vmul.f32 v23, v16;
	[tilespmem:s4+$0x170D0] =	vst v27;
	v32 =	vld [tilespmem:s4+$0x17140]  }
0xe4: {  	v33 =	vld [tilespmem:s4+$0x17150];
	[tilespmem:s4+$0x170E0] =	vst v3;
	v3 =	vmul.f32 v25, v29  }
0xe5: {  	[tilespmem:s4+$0x170F0] =	vst v31;
	v35 =	vld [tilespmem:s4+$0x17160];
	v34 =	vmul.f32 v26, v29  }
0xe6: {  	v36 =	vld [tilespmem:s4+$0x17170];
	[tilespmem:s4+$0x17100] =	vst v3;
	v3 =	vmul.f32 v28, v29  }
0xe7: {  	v37 =	vmul.f32 v30, v29;
	v38 =	vld [tilespmem:s4+$0x17180];
	[tilespmem:s4+$0x17110] =	vst v34  }
0xe8: {  	v39 =	vld [tilespmem:s4+$0x17190];
	[tilespmem:s4+$0x17120] =	vst v3;
	v3 =	vmul.f32 v32, v29  }
0xe9: {  	v40 =	vmul.f32 v33, v29;
	[tilespmem:s4+$0x17130] =	vst v37;
	v41 =	vld [tilespmem:s4+$0x171A0]  }
0xea: {  	v43 =	vld [tilespmem:s4+$0x171B0];
	v42 =	vbroadcast v2, $0xE;
	[tilespmem:s4+$0x17140] =	vst v3;
	v3 =	vmul.f32 v35, v29  }
0xeb: {  	v44 =	vmul.f32 v36, v29;
	[tilespmem:s4+$0x17150] =	vst v40;
	v45 =	vld [tilespmem:s4+$0x171C0]  }
0xec: {  	v46 =	vld [tilespmem:s4+$0x171D0];
	[tilespmem:s4+$0x17160] =	vst v3;
	v3 =	vmul.f32 v38, v42  }
0xed: {  	[tilespmem:s4+$0x17170] =	vst v44;
	v48 =	vld [tilespmem:s4+$0x171E0];
	v47 =	vmul.f32 v39, v42  }
0xee: {  	v49 =	vld [tilespmem:s4+$0x171F0];
	[tilespmem:s4+$0x17180] =	vst v3;
	v3 =	vmul.f32 v41, v42  }
0xef: {  	v50 =	vmul.f32 v43, v42;
	v51 =	vld [tilespmem:s4+$0x17200];
	[tilespmem:s4+$0x17190] =	vst v47  }
0xf0: {  	v52 =	vld [tilespmem:s4+$0x17210];
	[tilespmem:s4+$0x171A0] =	vst v3;
	v3 =	vmul.f32 v45, v42  }
0xf1: {  	v53 =	vmul.f32 v46, v42;
	[tilespmem:s4+$0x171B0] =	vst v50;
	v54 =	vld [tilespmem:s4+$0x17220]  }
0xf2: {  	v2 =	vbroadcast v2, $0xF;
	v58 =	vld [tilespmem:s4+$0x17250];
	[tilespmem:s4+$0x171C0] =	vst v3;
	v3 =	vmul.f32 v48, v42  }
0xf3: {  	v57 =	vld [tilespmem:s4+$0x17240];
	v56 =	vmul.f32 v49, v42;
	[tilespmem:s4+$0x171D0] =	vst v53  }
0xf4: {  	v55 =	vld [tilespmem:s4+$0x17230];
	[tilespmem:s4+$0x171E0] =	vst v3;
	v3 =	vmul.f32 v51, v2  }
0xf5: {  	v60 =	vld [tilespmem:s4+$0x17260];
	v59 =	vmul.f32 v52, v2;
	[tilespmem:s4+$0x171F0] =	vst v56  }
0xf6: {  	v61 =	vld [tilespmem:s4+$0x17270];
	[tilespmem:s4+$0x17200] =	vst v3;
	v3 =	vmul.f32 v54, v2  }
0xf7: {  	[tilespmem:s4+$0x17210] =	vst v59;
	v63 =	vmul.f32 v58, v2  }
0xf8: {  	p1 =	sne.s32 s0, $0x4;
	[tilespmem:s4+$0x17220] =	vst v3;
	v3 =	vmul.f32 v57, v2  }
.Ltmp2:
0xf9: {  	v62 =	vmul.f32 v55, v2;
	[tilespmem:s4+$0x17250] =	vst v63;
	(pc) =	sbr.rel @p1 .LBB2_8-.Ltmp2, $4  }
0xfa: {  	[tilespmem:s4+$0x17240] =	vst v3;
	v3 =	vmul.f32 v60, v2  }
0xfb: {  	[tilespmem:s4+$0x17230] =	vst v62;
	v2 =	vmul.f32 v61, v2  }
0xfc: {  	[tilespmem:s4+$0x17260] =	vst v3  }
0xfd: {  	s0 =	sadd.s32 $0x1, s0;
	[tilespmem:s4+$0x17270] =	vst v2  }
0xfe: {  	s30 =	sadd.s32 $0x1, s30  }
0xff: {  	p1 =	sne.s32 s30, $0x19  }
.Ltmp3:
0x100: {  	s0 =	sadd.s32 $0x13900, s31;
	(pc) =	sbr.rel @p1 .LBB2_7-.Ltmp3, $4  }
0x101: {  	[spmem:s2] =	stream.indirect.scatter.add.f32 [tilespmem:s24], [sflag:$0x1], $0x80, s0, s26, $0xb8;
	[tilespmem:$0x19280] =	vst v63  }
0x102: {  	_ =	swait.ge [sflag:s25], $0x2800  }
0x103: {  	[sflag:s25] =	ssyncset.done $0x0  }
0x104: {  	[sflag:s25] =	ssyncadd.s32 $0xFFFFD800  }
0x105: {  	s29 =	sadd.s32 $0x1, s29  }
0x106: {  	p1 =	sne.s32 s29, $0x5  }
.Ltmp4:
0x107: {  	_ = 	snop;
	(pc) =	sbr.rel @p1 .LBB2_4-.Ltmp4, $1  }
0x108: {  	_ =	sdelay $0x3  }
0x109: {  	[bflag:$0x0] =	sbarrier.arrive $0xFFFF  }
0x10a: {  	[tilespmem:s24], [sflag:$0x1] =	stream.linear.gather [spmem:s10], $0x1800, $0x38;
	[tilespmem:$0x19280] =	vst v63  }
0x10b: {  	_ =	swait.ge [sflag:s25], $0x1800  }
0x10c: {  	[sflag:s25] =	ssyncset.done $0x0  }
0x10d: {  	s0 =	sadd.s32 $0x0, s23;
	[sflag:s25] =	ssyncadd.s32 $0xFFFFE800  }
0x10e: {  	[hbm4b:s0+s3] =	stream.linear.scatter [tilespmem:s24], [sflag:$0x1], $0x1800, $0x38;
	[tilespmem:$0x19280] =	vst v63  }
0x10f: {  	_ =	swait.ge [sflag:s25], $0x1800  }
0x110: {  	s4 =	smov.u32 s10;
	s0 =	simm.s32 $0x300;
	[sflag:s25] =	ssyncset.done $0x0  }
.LBB2_12:
0x111: {  	p1 =	sne.s32 s0, $0x2400;
	[sflag:s25] =	ssyncadd.s32 $0xFFFFE800;
	s4 =	sadd.s32 $0x1800, s4  }
0x112: {  	[tilespmem:s24], [sflag:$0x1] =	stream.linear.gather [spmem:s4], $0x1800, $0x38;
	[tilespmem:$0x19280] =	vst v63  }
0x113: {  	s8 =	smov.u32 s0;
	s0 =	sadd.s32 $0x300, s0;
	_ =	swait.ge [sflag:s25], $0x1800  }
.Ltmp5:
0x114: {  	[sflag:s25] =	ssyncset.done $0x0;
	(pc) =	sbr.rel @p1 .LBB2_12-.Ltmp5, $4  }
0x115: {  	s8 =	sadd.s32 s8, s23;
	[sflag:s25] =	ssyncadd.s32 $0xFFFFE800  }
0x116: {  	[hbm4b:s8+s3] =	stream.linear.scatter [tilespmem:s24], [sflag:$0x1], $0x1800, $0x38;
	[tilespmem:$0x19280] =	vst v63  }
0x117: {  	_ =	swait.ge [sflag:s25], $0x1800  }
0x118: {  	[sflag:s25] =	ssyncset.done $0x0  }
0x119: {  	[sflag:s25] =	ssyncadd.s32 $0xFFFFE800;
	s0 =	simm.s32 @!p0 $0x16A80;
	s4 =	simm.s32 @!p0 $0x1  }
0x11a: {  	[tilespmem:s0], [sflag:$0x1] =	stream.linear.gather @!p0 [spmem:s6], $0x800, $0x38;
	[tilespmem:$0x19280] =	vst v63  }
0x11b: {  	s28 =	sadd.s32 $0x1, s28;
	_ =	swait.ge @!p0 [sflag:s4], $0x800  }
0x11c: {  	s8 =	simm.s32 @!p0 $0x0;
	p1 =	sne.s32 s28, s9;
	[sflag:s4] =	ssyncset.done @!p0 $0x0  }
.Ltmp6:
0x11d: {  	s29 =	rddreg [dreg:$0x4];
	[sflag:s4] =	ssyncadd.s32 @!p0 $0xFFFFF800;
	(pc) =	sbr.rel @p1 .LBB2_1-.Ltmp6, $4  }
0x11e: {  	[hbm4b:s29+s8] =	stream.linear.scatter @!p0 [tilespmem:s0], [sflag:$0x1], $0x800, $0x38;
	[tilespmem:$0x19280] =	vst v63  }
0x11f: {  	_ =	swait.ge @!p0 [sflag:s4], $0x800  }
0x120: {  	[sflag:s4] =	ssyncset.done @!p0 $0x0  }
0x121: {  	[sflag:s4] =	ssyncadd.s32 @!p0 $0xFFFFF800  }
0x122: {  	_ =	sfence.sel $0x180000  }
0x123: {  	[bflag:$0x0] =	sbarrier.arrive $0xFFFF  }
0x124: {  	_ =	strace $0x90000047  }
0x125: {  	s0 =	stileid.u32;
	[bflag:$0x2] =	sbarrier.arrive $0xFFFF  }
0x126: {  	p0 =	sne.s32 s0, $0x0;
	s0 =	rddreg [dreg:$0x3]  }
0x127: {  	s0 =	sadd.s32 @!p0 $0x100000, s0  }
0x128: {  	[sflag:s0] =	ssyncadd.tile.s32 @!p0 $0x1;
	_ =	shalt  }
.Lfunc_end2:
_tile_overlayer_lowered:
.L_overlay_start_2:
0x129: {  	(tag) =	ssettag $0x2  }
0x12a: {  	s0 =	rddreg [dreg:$0x0];
	s2 =	stileid.u32  }
0x12b: {  	s1 =	rddreg [dreg:$0x1];
	p0 =	sne.s32 s2, $0x0  }
0x12c: {  	s3 =	rddreg [dreg:$0x2];
	[bflag:$0x3] =	sbarrier.arrive $0xFFFF;
	s2 =	simm.s32 @!p0 $0x1C01  }
0x12d: {  	[timem:s3], [sflag:s2] =	dma.local @!p0 [hbm:s0], s1  }
0x12e: {  	s0 =	simm.s32 @!p0 $0x1  }
0x12f: {  	_ =	swait.ge @!p0 [sflag:s0], s1  }
0x130: {  	s1 =	ssub.s32 @!p0 $0x0, s1;
	[sflag:s0] =	ssyncset.done @!p0 $0x0  }
0x131: {  	[sflag:s0] =	ssyncadd.s32 @!p0 s1  }
0x132: {  	[bflag:$0x3] =	sbarrier.arrive $0xFFFF  }
0x133: {  	_ =	shalt  }

// kernel: kernel.9.cloned.1.call-start
scs
__scs_entry_jumppad:
0x0: {  	(pc) =	sbr.rel $0x88, $3  }
0x1: {  	(tag) =	ssettag $0x0;
	lr =	simm.s32 $0x1  }
0x2: {  	[smem:$0x3F96] =	sst lr;
	_ =	strace $0xD0000000  }
0x3: {  	_ = 	snop  }
0x4: {  	_ = 	snop  }
0x5: {  	_ = 	snop  }
0x6: {  	_ = 	snop  }
0x7: {  	_ = 	snop  }
__scs_overlays_trampoline_lowered:
0x8: {  	[smem:$0x3FA5] =	sst s0  }
0x9: {  	[smem:$0x3FA6] =	sst s1  }
0xa: {  	[smem:$0x3FA7] =	sst s2  }
0xb: {  	[smem:$0x3FA8] =	sst s3  }
0xc: {  	[smem:$0x3FA9] =	sst s4  }
0xd: {  	[smem:$0x3FAA] =	sst s5  }
0xe: {  	[smem:$0x3FAB] =	sst s6  }
0xf: {  	[smem:$0x3FAC] =	sst s7  }
0x10: {  	[smem:$0x3FAD] =	sst s8  }
0x11: {  	[smem:$0x3FAE] =	sst s9;
	s0 =	simm.s32 @!p0 $0x0  }
0x12: {  	s1 =	sld [smem:$0x3F94];
	s0 =	simm.s32 @p0 $0x1  }
0x13: {  	[smem:$0x3FAF] =	sst s0;
	s0 =	simm.s32 @!p1 $0x0  }
0x14: {  	s2 =	sld [smem:$0x3F93];
	s0 =	simm.s32 @p1 $0x1  }
0x15: {  	[smem:$0x3FB0] =	sst s0;
	s0 =	simm.s32 @!p2 $0x0  }
0x16: {  	s3 =	sld [smem:$0x3FDB];
	s0 =	simm.s32 @p2 $0x1  }
0x17: {  	s4 =	simm.s32 $0x1BF5;
	[smem:$0x3FB2] =	sst s0  }
0x18: {  	s0 =	sld [smem:$0x3F95];
	_ =	swait.ge [sflag:s4], $0x0  }
0x19: {  	s7 =	sld [smem:$0x3F96]  }
0x1a: {  	s8 =	sadd.s32 $0xFFFFE003, lr  }
0x1b: {  	s9 =	sadd.s32 $0xFFFFFEF7, lr;
	s5 =	simm.s32 $0xFFFFFFFF;
	p2 =	slt.u32 s8, $0xFFFFF086  }
0x1c: {  	p1 =	slt.u32 s9, $0xF7A;
	s5 =	simm.s32 @!p2 $0x0  }
0x1d: {  	s5 =	simm.s32 @p1 $0x1;
	p0 =	seq.s32 s7, s2  }
0x1e: {  	s7 =	smul.u32 @!p0 $0xF7A, s2;
	p2 =	seq.s32 @!p0 s5, $0x0  }
0x1f: {  	s9 =	smul.u32 $0xF7A, s1;
	s8 =	simm.s32 @!p0 $0x1BF5;
	p2 =	por !p2, p0  }
0x20: {  	[sflag:s8] =	ssyncset.s32 @!p0 $0xFFFFF086;
	s6 =	sadd.s32 @!p0 s3, s7;
	s7 =	simm.s32 @!p0 $0x108  }
0x21: {  	s3 =	sadd.s32 s3, s9;
	s6 =	sadd.s32 @!p0 $0x88, s6;
	s7 =	simm.s32 @p2 $0x1082  }
0x22: {  	[simem:s7], [sflag:s8] =	dma.local @!p0 [hbm:s6], $0xF7A  }
0x23: {  	s9 =	sor.u32 $0xD0000000, s2;
	s6 =	simm.s32 $0x108;
	_ =	swait.ge @!p0 [sflag:s8], $0x0  }
0x24: {  	s3 =	sadd.s32 $0x88, s3;
	s6 =	simm.s32 @!p1 $0x1082;
	[sflag:s4] =	ssyncset.s32 $0xFFFFF086  }
0x25: {  	[simem:s6], [sflag:s4] =	dma.local [hbm:s3], $0xF7A  }
0x26: {  	[smem:$0x3F96] =	sst s1;
	(tag) =	ssettag s2;
	_ =	strace s9  }
0x27: {  	s1 =	sld [smem:$0x3FA6]  }
0x28: {  	s2 =	sld [smem:$0x3FA7]  }
0x29: {  	s4 =	sld [smem:$0x3FA9]  }
0x2a: {  	p0 =	seq.s32 s5, $0x0;
	s5 =	sld [smem:$0x3FAA]  }
0x2b: {  	s6 =	sld [smem:$0x3FAB]  }
0x2c: {  	s7 =	sld [smem:$0x3FAC]  }
0x2d: {  	s3 =	simm.s32 $0x108;
	s8 =	sld [smem:$0x3FAD]  }
0x2e: {  	s3 =	simm.s32 @!p0 $0x1082;
	s9 =	sld [smem:$0x3FAE]  }
0x2f: {  	lr =	sadd.s32 s0, s3;
	s0 =	sld [smem:$0x3FA5]  }
0x30: {  	s3 =	sld [smem:$0x3FA8]  }
0x31: {  	[smem:$0x3FB1] =	sst s10  }
0x32: {  	s10 =	sld [smem:$0x3FAF];
	_ =	sdelay $0x3  }
0x33: {  	p0 =	seq.s32 s10, $0x1;
	s10 =	sld [smem:$0x3FB1];
	_ =	sdelay $0x3  }
0x34: {  	[smem:$0x3FB1] =	sst s10  }
0x35: {  	s10 =	sld [smem:$0x3FB0];
	_ =	sdelay $0x3  }
0x36: {  	p1 =	seq.s32 s10, $0x1;
	s10 =	sld [smem:$0x3FB1];
	_ =	sdelay $0x3  }
0x37: {  	[smem:$0x3FB1] =	sst s10  }
0x38: {  	s10 =	sld [smem:$0x3FB2]  }
0x39: {  	_ = 	snop;
	(pc) =	sbr.ind lr, $3  }
0x3a: {  	_ = 	snop  }
0x3b: {  	_ = 	snop  }
0x3c: {  	p2 =	seq.s32 s10, $0x1;
	s10 =	sld [smem:$0x3FB1]  }
0x3d: {  	_ =	shalt  }
0x3e: {  	_ =	shalt  }
0x3f: {  	_ =	shalt  }
0x40: {  	_ =	shalt  }
0x41: {  	_ =	shalt  }
0x42: {  	_ =	shalt  }
0x43: {  	_ =	shalt  }
0x44: {  	_ =	shalt  }
0x45: {  	_ =	shalt  }
0x46: {  	_ =	shalt  }
0x47: {  	_ =	shalt  }
0x48: {  	_ =	shalt  }
0x49: {  	_ =	shalt  }
0x4a: {  	_ =	shalt  }
0x4b: {  	_ =	shalt  }
0x4c: {  	_ =	shalt  }
0x4d: {  	_ =	shalt  }
0x4e: {  	_ =	shalt  }
0x4f: {  	_ =	shalt  }
0x50: {  	_ =	shalt  }
0x51: {  	_ =	shalt  }
0x52: {  	_ =	shalt  }
0x53: {  	_ =	shalt  }
0x54: {  	_ =	shalt  }
0x55: {  	_ =	shalt  }
0x56: {  	_ =	shalt  }
0x57: {  	_ =	shalt  }
0x58: {  	_ =	shalt  }
0x59: {  	_ =	shalt  }
0x5a: {  	_ =	shalt  }
0x5b: {  	_ =	shalt  }
0x5c: {  	_ =	shalt  }
0x5d: {  	_ =	shalt  }
0x5e: {  	_ =	shalt  }
0x5f: {  	_ =	shalt  }
0x60: {  	_ =	shalt  }
0x61: {  	_ =	shalt  }
0x62: {  	_ =	shalt  }
0x63: {  	_ =	shalt  }
0x64: {  	_ =	shalt  }
0x65: {  	_ =	shalt  }
0x66: {  	_ =	shalt  }
0x67: {  	_ =	shalt  }
0x68: {  	_ =	shalt  }
0x69: {  	_ =	shalt  }
0x6a: {  	_ =	shalt  }
0x6b: {  	_ =	shalt  }
0x6c: {  	_ =	shalt  }
0x6d: {  	_ =	shalt  }
0x6e: {  	_ =	shalt  }
0x6f: {  	_ =	shalt  }
0x70: {  	_ =	shalt  }
0x71: {  	_ =	shalt  }
0x72: {  	_ =	shalt  }
0x73: {  	_ =	shalt  }
0x74: {  	_ =	shalt  }
0x75: {  	_ =	shalt  }
0x76: {  	_ =	shalt  }
0x77: {  	_ =	shalt  }
0x78: {  	_ =	shalt  }
0x79: {  	_ =	shalt  }
0x7a: {  	_ =	shalt  }
0x7b: {  	_ =	shalt  }
0x7c: {  	_ =	shalt  }
0x7d: {  	_ =	shalt  }
0x7e: {  	_ =	shalt  }
0x7f: {  	_ =	shalt  }
0x80: {  	_ =	shalt  }
0x81: {  	_ =	shalt  }
0x82: {  	_ =	shalt  }
0x83: {  	_ =	shalt  }
0x84: {  	_ =	shalt  }
0x85: {  	_ =	shalt  }
0x86: {  	_ =	shalt  }
0x87: {  	_ =	shalt  }
.Lfunc_end0:
.L_simem_size_0:
called_computation.1_lowered:
.L_overlay_start_0:
0x88: {  	s2 =	sld [smem:$0x3FD9]  }
0x89: {  	s3 =	sld [smem:$0x3FFE];
	_ =	sdelay $0x1  }
0x8a: {  	s1 =	srdreg.scid  }
0x8b: {  	s0 =	sand.u32 $0x1, s1  }
0x8c: {  	s16 =	sshll.u32 s0, $0xA;
	s2 =	sadd.s32 s3, s2  }
0x8d: {  	s2 =	sadd.s32 s2, s16  }
0x8e: {  	[smem:$0x3FBD] =	sst s2  }
0x8f: {  	_ = 	snop  }
0x90: {  	(tm) =	ssettm $0x1  }
0x91: {  	s17 =	sld [smem:$0x3FFB];
	_ =	sdelay $0x3  }
0x92: {  	_ =	strace s17  }
0x93: {  	s2 =	sld [smem:$0x3FFC];
	_ =	sdelay $0x3  }
0x94: {  	_ =	strace s2  }
0x95: {  	s2 =	sld [smem:$0x3FFD];
	_ =	sdelay $0x3  }
0x96: {  	_ =	strace s2  }
0x97: {  	_ =	strace $0x8FFFFFFF  }
0x98: {  	s18 =	sld [smem:$0x3FDB];
	_ =	sdelay $0x1  }
0x99: {  	s19 =	simm.s32 $_scs_section_size  }
0x9a: {  	s4 =	simm.s32 $_size__tile_overlayer_lowered;
	s5 =	simm.s32 $_tile_overlayer_lowered  }
0x9b: {  	s22 =	simm.s32 $0x1BFF;
	s21 =	sshll.u32 s5, $0x1;
	s2 =	sadd.s32 s19, s18  }
0x9c: {  	s6 =	simm.s32 $0x0;
	s20 =	sshll.u32 s4, $0x1;
	s4 =	sadd.s32 s21, s2  }
0x9d: {  	[timem:s6], [sflag:s22] =	dma.local [hbm:s4], s20  }
0x9e: {  	_ =	swait.ge [sflag:s22], s20  }
0x9f: {  	s3 =	ssub.s32 $0x0, s20;
	[sflag:s22] =	ssyncset.done $0x0  }
0xa0: {  	[sflag:s22] =	ssyncadd.s32 s3;
	_ =	sdelay $0x1  }
0xa1: {  	s23 =	simm.s32 $0x1B8B  }
0xa2: {  	_ =	swait.ge [sflag:s23], $0x1  }
0xa3: {  	[sflag:s23] =	ssyncset.done $0x0  }
0xa4: {  	s25 =	simm.s32 $0x1B8E;
	s24 =	sld [smem:$0x3FFE];
	[sflag:s23] =	ssyncadd.s32 $0xFFFFFFFF  }
0xa5: {  	s26 =	simm.s32 $execute0_lowered;
	[smem:$0x3FD2] =	sst s25  }
0xa6: {  	s4 =	sshll.u32 s26, $0x1;
	_ =	strace $0x80000049;
	[dreg:$0x1] =	wrdreg $0xFFFFFFFF  }
0xa7: {  	s28 =	simm.s32 $_size_execute0_lowered;
	s2 =	sadd.s32 s2, s4;
	[dreg:$0x0] =	wrdreg $0x0  }
0xa8: {  	s4 =	sshll.u32 s28, $0x1;
	[dreg:$0x2] =	wrdreg s2  }
0xa9: {  	[dreg:$0x3] =	wrdreg s4  }
0xaa: {  	[dreg:$0x4] =	wrdreg $0xC0  }
0xab: {  	_ =	task [dreg:s6], $0x5FFFF  }
0xac: {  	[dreg:$0x1] =	wrdreg $0xFFFFFFFF  }
0xad: {  	[dreg:$0x0] =	wrdreg $0x60  }
0xae: {  	[dreg:$0x2] =	wrdreg s24  }
0xaf: {  	[dreg:$0x3] =	wrdreg $0x0  }
0xb0: {  	[dreg:$0x4] =	wrdreg $0x9  }
0xb1: {  	_ =	task.clear_ibuf [dreg:s6], $0x5FFFF;
	_ =	strace $0x90000049  }
0xb2: {  	s29 =	simm.s32 $0x9;
	_ =	strace $0x8000004B  }
0xb3: {  	_ =	swait.ge [sflag:s29], $0x1  }
0xb4: {  	[sflag:s29] =	ssyncadd.s32 $0xFFFFFFFF  }
0xb5: {  	_ =	strace $0x9000004B  }
0xb6: {  	_ =	sfence  }
0xb7: {  	s30 =	sld [smem:$0x0];
	_ =	sdelay $0x2  }
0xb8: {  	s31 =	sshll.u32 s1, $0xD;
	s1 =	sshrl.u32 s1, $0x2  }
0xb9: {  	s3 =	sand.u32 $0x4000, s31;
	s1 =	sadd.s32 s1, s30  }
0xba: {  	s0 =	sor.u32 s3, s0;
	s1 =	sshll.u32 s1, $0x11  }
0xbb: {  	s0 =	sor.u32 s1, s0  }
0xbc: {  	s0 =	sadd.s32 $0x8F2B, s0  }
0xbd: {  	[sflag:s0] =	ssyncadd.remote.s32 $0x1  }
0xbe: {  	_ =	sfence.sel $0xFFFF  }
0xbf: {  	[dreg:$0x0] =	wrdreg $0xFFFFFFFF;
	(pc) =	sbr.abs _section_cstart, $3  }
0xc0: {  	[dreg:$0x1] =	wrdreg $0xFFFFFFFF  }
0xc1: {  	_ =	task.clear_ibuf [dreg:s6], $0x2FFFF;
	_ =	strace $0x9FFFFFFF  }
0xc2: {  	(tm) =	ssettm $0x7FFFFFFF  }
0xc3: {  	_ =	shalt  }
tec
execute0_lowered:
.L_overlay_start_1:
0x0: {  	(tag) =	ssettag $0x1  }
0x1: {  	s0 =	rddreg [dreg:$0x0]  }
0x2: {  	s1 =	rddreg [dreg:$0x1];
	s2 =	simm.s32 $0x0  }
0x3: {  	s4 =	srdreg.scid;
	s24 =	stileid.u32;
	s25 =	simm.s32 $0x1  }
0x4: {  	s26 =	simm.s32 $0x50;
	s28 =	simm.s32 $0x0;
	[smem:$0x7FF] =	sst s2  }
0x5: {  	s3 =	sadd.s32 $0x40A00, s0;
	s4 =	sand.u32 $0x1, s4;
	s10 =	smul.u32 $0x4E000, s24  }
0x6: {  	s5 =	sadd.s32 $0x2200, s0;
	s0 =	sadd.s32 $0x67C00, s0;
	s31 =	smul.u32 $0x13800, s24  }
0x7: {  	p0 =	sne.s32 s24, $0xF;
	_ =	strace $0x8000004A;
	s6 =	ssub.s32 $0x2, s4  }
0x8: {  	s8 =	smul.u32 $0x138800, s4;
	s4 =	sshll.u32 s4, $0x4;
	s7 =	sshrl.u32 s6, $0x1  }
0x9: {  	s4 =	sor.u32 s24, s4;
	s10 =	sshrl.u32 s10, $0x2;
	s24 =	simm.s32 $0x16A80  }
0xa: {  	s9 =	ssub.s32 s6, s7;
	s6 =	sadd.s32 $0x138000, s1;
	s11 =	sshrl.u32 s8, $0x3  }
0xb: {  	s7 =	smul.u32 $0xFA00, s4;
	s10 =	sadd.s32 s10, s1;
	s30 =	sadd.s32 s0, s11  }
0xc: {  	s9 =	smax.u32 s9, $0x1;
	s11 =	sadd.s32 $0x1800, s10;
	s12 =	sadd.s32 $0x3000, s10  }
0xd: {  	s13 =	sadd.s32 $0x4800, s10;
	s14 =	sadd.s32 $0x6000, s10;
	s15 =	sadd.s32 $0x7800, s10  }
0xe: {  	s16 =	sadd.s32 $0x9000, s10;
	s17 =	sadd.s32 $0xA800, s10;
	s4 =	sadd.s32 $0x27000, s30  }
0xf: {  	s18 =	sadd.s32 $0xC000, s10;
	[dreg:$0x3] =	wrdreg s4;
	s4 =	sadd.s32 s31, s8  }
0x10: {  	s19 =	sadd.s32 $0xD800, s10;
	s20 =	sadd.s32 $0xF000, s10;
	s4 =	sshrl.u32 s4, $0x3  }
0x11: {  	v0 =	vimm.f32 $0.0e+00;
	s21 =	sadd.s32 $0x10800, s10;
	s22 =	sadd.s32 $0x12000, s10;
	s23 =	sadd.s32 s4, s0  }
.LBB2_1:
0x12: {  	s0 =	simm.s32 $0x0;
	s4 =	simm.s32 $0x200  }
.LBB2_2:
0x13: {  	p1 =	sne.s32 s4, $0x5E00;
	[tilespmem:s0+$0x16AF0] =	vst v0  }
0x14: {  	[tilespmem:s0+$0x16A80] =	vst v0  }
0x15: {  	[tilespmem:s0+$0x16A90] =	vst v0  }
.Ltmp0:
0x16: {  	[tilespmem:s0+$0x16AA0] =	vst v0;
	(pc) =	sbr.rel @p1 .LBB2_2-.Ltmp0, $4  }
0x17: {  	[tilespmem:s0+$0x16AB0] =	vst v0  }
0x18: {  	[tilespmem:s0+$0x16AC0] =	vst v0  }
0x19: {  	[tilespmem:s0+$0x16AD0] =	vst v0  }
0x1a: {  	[tilespmem:s0+$0x16AE0] =	vst v0;
	s0 =	sshra.s32 s4, $0x2;
	s4 =	sadd.s32 $0x200, s4  }
0x1b: {  	[tilespmem:s0+$0x16AF0] =	vst v0  }
0x1c: {  	[tilespmem:s0+$0x16A80] =	vst v0  }
0x1d: {  	[tilespmem:s0+$0x16A90] =	vst v0  }
0x1e: {  	[tilespmem:s0+$0x16AA0] =	vst v0  }
0x1f: {  	[tilespmem:s0+$0x16AB0] =	vst v0  }
0x20: {  	[tilespmem:s0+$0x16AC0] =	vst v0  }
0x21: {  	[tilespmem:s0+$0x16AD0] =	vst v0  }
0x22: {  	[tilespmem:s0+$0x16AE0] =	vst v0  }
0x23: {  	[spmem:s10] =	stream.linear.scatter [tilespmem:s24], [sflag:$0x1], $0x1800, $0x38;
	[tilespmem:$0x19280] =	vst v63  }
0x24: {  	_ =	swait.ge [sflag:s25], $0x1800  }
0x25: {  	[sflag:s25] =	ssyncset.done $0x0  }
0x26: {  	[sflag:s25] =	ssyncadd.s32 $0xFFFFE800  }
0x27: {  	[spmem:s11] =	stream.linear.scatter [tilespmem:s24], [sflag:$0x1], $0x1800, $0x38;
	[tilespmem:$0x19280] =	vst v63  }
0x28: {  	_ =	swait.ge [sflag:s25], $0x1800  }
0x29: {  	[sflag:s25] =	ssyncset.done $0x0  }
0x2a: {  	[sflag:s25] =	ssyncadd.s32 $0xFFFFE800  }
0x2b: {  	[spmem:s12] =	stream.linear.scatter [tilespmem:s24], [sflag:$0x1], $0x1800, $0x38;
	[tilespmem:$0x19280] =	vst v63  }
0x2c: {  	_ =	swait.ge [sflag:s25], $0x1800  }
0x2d: {  	[sflag:s25] =	ssyncset.done $0x0  }
0x2e: {  	[sflag:s25] =	ssyncadd.s32 $0xFFFFE800  }
0x2f: {  	[spmem:s13] =	stream.linear.scatter [tilespmem:s24], [sflag:$0x1], $0x1800, $0x38;
	[tilespmem:$0x19280] =	vst v63  }
0x30: {  	_ =	swait.ge [sflag:s25], $0x1800  }
0x31: {  	[sflag:s25] =	ssyncset.done $0x0  }
0x32: {  	[sflag:s25] =	ssyncadd.s32 $0xFFFFE800  }
0x33: {  	[spmem:s14] =	stream.linear.scatter [tilespmem:s24], [sflag:$0x1], $0x1800, $0x38;
	[tilespmem:$0x19280] =	vst v63  }
0x34: {  	_ =	swait.ge [sflag:s25], $0x1800  }
0x35: {  	[sflag:s25] =	ssyncset.done $0x0  }
0x36: {  	[sflag:s25] =	ssyncadd.s32 $0xFFFFE800  }
0x37: {  	[spmem:s15] =	stream.linear.scatter [tilespmem:s24], [sflag:$0x1], $0x1800, $0x38;
	[tilespmem:$0x19280] =	vst v63  }
0x38: {  	_ =	swait.ge [sflag:s25], $0x1800  }
0x39: {  	[sflag:s25] =	ssyncset.done $0x0  }
0x3a: {  	[sflag:s25] =	ssyncadd.s32 $0xFFFFE800  }
0x3b: {  	[spmem:s16] =	stream.linear.scatter [tilespmem:s24], [sflag:$0x1], $0x1800, $0x38;
	[tilespmem:$0x19280] =	vst v63  }
0x3c: {  	_ =	swait.ge [sflag:s25], $0x1800  }
0x3d: {  	[sflag:s25] =	ssyncset.done $0x0  }
0x3e: {  	[sflag:s25] =	ssyncadd.s32 $0xFFFFE800  }
0x3f: {  	[spmem:s17] =	stream.linear.scatter [tilespmem:s24], [sflag:$0x1], $0x1800, $0x38;
	[tilespmem:$0x19280] =	vst v63  }
0x40: {  	_ =	swait.ge [sflag:s25], $0x1800  }
0x41: {  	[sflag:s25] =	ssyncset.done $0x0  }
0x42: {  	[sflag:s25] =	ssyncadd.s32 $0xFFFFE800  }
0x43: {  	[spmem:s18] =	stream.linear.scatter [tilespmem:s24], [sflag:$0x1], $0x1800, $0x38;
	[tilespmem:$0x19280] =	vst v63  }
0x44: {  	_ =	swait.ge [sflag:s25], $0x1800  }
0x45: {  	[sflag:s25] =	ssyncset.done $0x0  }
0x46: {  	[sflag:s25] =	ssyncadd.s32 $0xFFFFE800  }
0x47: {  	[spmem:s19] =	stream.linear.scatter [tilespmem:s24], [sflag:$0x1], $0x1800, $0x38;
	[tilespmem:$0x19280] =	vst v63  }
0x48: {  	_ =	swait.ge [sflag:s25], $0x1800  }
0x49: {  	[sflag:s25] =	ssyncset.done $0x0  }
0x4a: {  	[sflag:s25] =	ssyncadd.s32 $0xFFFFE800  }
0x4b: {  	[spmem:s20] =	stream.linear.scatter [tilespmem:s24], [sflag:$0x1], $0x1800, $0x38;
	[tilespmem:$0x19280] =	vst v63  }
0x4c: {  	_ =	swait.ge [sflag:s25], $0x1800  }
0x4d: {  	[sflag:s25] =	ssyncset.done $0x0  }
0x4e: {  	[sflag:s25] =	ssyncadd.s32 $0xFFFFE800  }
0x4f: {  	[spmem:s21] =	stream.linear.scatter [tilespmem:s24], [sflag:$0x1], $0x1800, $0x38;
	[tilespmem:$0x19280] =	vst v63  }
0x50: {  	_ =	swait.ge [sflag:s25], $0x1800  }
0x51: {  	[sflag:s25] =	ssyncset.done $0x0  }
0x52: {  	[sflag:s25] =	ssyncadd.s32 $0xFFFFE800  }
0x53: {  	[spmem:s22] =	stream.linear.scatter [tilespmem:s24], [sflag:$0x1], $0x1800, $0x38;
	[tilespmem:$0x19280] =	vst v63  }
0x54: {  	_ =	swait.ge [sflag:s25], $0x1800  }
0x55: {  	[sflag:s25] =	ssyncset.done $0x0  }
0x56: {  	s0 =	simm.s32 @!p0 $0x16A80;
	[sflag:s25] =	ssyncadd.s32 $0xFFFFE800  }
0x57: {  	[spmem:s6] =	stream.linear.scatter @!p0 [tilespmem:s0], [sflag:$0x1], $0x800, $0x38;
	[tilespmem:$0x19280] =	vst v63  }
0x58: {  	s0 =	simm.s32 @!p0 $0x1  }
0x59: {  	_ =	swait.ge @!p0 [sflag:s0], $0x800  }
0x5a: {  	[sflag:s0] =	ssyncset.done @!p0 $0x0  }
0x5b: {  	[sflag:s0] =	ssyncadd.s32 @!p0 $0xFFFFF800  }
0x5c: {  	s29 =	simm.s32 $0x0;
	[bflag:$0x0] =	sbarrier.arrive $0xFFFF  }
.LBB2_4:
0x5d: {  	s0 =	smul.u32 $0x3200, s29;
	_ =	sdelay $0x1  }
0x5e: {  	s0 =	sadd.s32 s7, s0  }
0x5f: {  	s0 =	sshrl.u32 s0, $0x3  }
0x60: {  	s4 =	simm.s32 $0x13880;
	s0 =	sadd.s32 s5, s0  }
0x61: {  	s30 =	simm.s32 $0x40;
	s31 =	simm.s32 $0x13A80;
	s8 =	sadd.s32 $0x0, s0  }
.LBB2_5:
0x62: {  	[tilespmem:s4], [sflag:$0x1] =	stream.linear.gather [hbm4b:s8+s2], $0x180, $0x38;
	[tilespmem:$0x19280] =	vst v63  }
0x63: {  	s8 =	smov.u32 s30;
	s4 =	smov.u32 s31;
	p1 =	sne.s32 s30, $0x600  }
.Ltmp1:
0x64: {  	s30 =	sadd.s32 $0x40, s30;
	(pc) =	sbr.rel @p1 .LBB2_5-.Ltmp1, $2  }
0x65: {  	_ =	sdelay $0x2  }
0x66: {  	s31 =	sadd.s32 $0x200, s31;
	s8 =	sadd.s32 s8, s0  }
0x67: {  	[tilespmem:s4], [sflag:$0x1] =	stream.linear.gather [hbm4b:s8+s2], $0x180, $0x38;
	[tilespmem:$0x19280] =	vst v63  }
0x68: {  	_ =	swait.ge [sflag:s25], $0x2580  }
0x69: {  	[sflag:s25] =	ssyncset.done $0x0  }
0x6a: {  	s30 =	simm.s32 $0x0;
	[sflag:s25] =	ssyncadd.s32 $0xFFFFDA80  }
.LBB2_7:
0x6b: {  	s0 =	sshll.u32 s30, $0x9  }
0x6c: {  	s31 =	sand.u32 $0x3FFFFE00, s0  }
0x6d: {  	s0 =	sadd.s32 $0x13880, s31;
	s8 =	sadd.s32 $0x13980, s31  }
0x6e: {  	[tilespmem:s24], [sflag:$0x1] =	stream.indirect.gather [hbm4b:s3+s26], $0x80, s0, s26, $0xb8;
	[tilespmem:$0x19280] =	vst v63  }
0x6f: {  	v1 =	vmov s8;
	_ =	swait.ge [sflag:s25], $0x2800  }
0x70: {  	[sflag:s25] =	ssyncset.done $0x0  }
0x71: {  	s0 =	simm.s32 $0x0;
	[sflag:s25] =	ssyncadd.s32 $0xFFFFD800  }
.LBB2_8:
0x72: {  	s4 =	sshll.u32 s0, $0x4  }
0x73: {  	s4 =	sand.u32 $0x3FFFFFF0, s4  }
0x74: {  	s8 =	sshll.u32 s0, $0xB;
	v2 =	vld.idx.msk [tilespmem:v1+s4+$0x0 ss:$0x1], $0xffff  }
0x75: {  	s4 =	sand.u32 $0x3FFFF800, s8  }
0x76: {  	v3 =	vld [tilespmem:s4+$0x16A80]  }
0x77: {  	v4 =	vld [tilespmem:s4+$0x16A90]  }
0x78: {  	v5 =	vld [tilespmem:s4+$0x16AA0]  }
0x79: {  	v7 =	vld [tilespmem:s4+$0x16AB0];
	v6 =	vbroadcast v2, $0x0  }
0x7a: {  	v8 =	vld [tilespmem:s4+$0x16AC0]  }
0x7b: {  	v9 =	vld [tilespmem:s4+$0x16AD0];
	v3 =	vmul.f32 v6, v3  }
0x7c: {  	v10 =	vld [tilespmem:s4+$0x16AE0];
	v4 =	vmul.f32 v4, v6  }
0x7d: {  	v24 =	vld [tilespmem:s4+$0x16AF0];
	[tilespmem:s4+$0x16A80] =	vst v3;
	v3 =	vmul.f32 v5, v6  }
0x7e: {  	v26 =	vld [tilespmem:s4+$0x16B00];
	v25 =	vmul.f32 v7, v6;
	[tilespmem:s4+$0x16A90] =	vst v4  }
0x7f: {  	v27 =	vld [tilespmem:s4+$0x16B10];
	[tilespmem:s4+$0x16AA0] =	vst v3;
	v3 =	vmul.f32 v8, v6  }
0x80: {  	v29 =	vld [tilespmem:s4+$0x16B20];
	v28 =	vmul.f32 v9, v6;
	[tilespmem:s4+$0x16AB0] =	vst v25  }
0x81: {  	v11 =	vld [tilespmem:s4+$0x16B30];
	v30 =	vbroadcast v2, $0x1;
	[tilespmem:s4+$0x16AC0] =	vst v3;
	v3 =	vmul.f32 v10, v6  }
0x82: {  	v32 =	vld [tilespmem:s4+$0x16B40];
	v31 =	vmul.f32 v24, v6;
	[tilespmem:s4+$0x16AD0] =	vst v28  }
0x83: {  	v33 =	vld [tilespmem:s4+$0x16B50];
	[tilespmem:s4+$0x16AE0] =	vst v3;
	v3 =	vmul.f32 v26, v30  }
0x84: {  	v35 =	vld [tilespmem:s4+$0x16B60];
	v34 =	vmul.f32 v27, v30;
	[tilespmem:s4+$0x16AF0] =	vst v31  }
0x85: {  	v36 =	vld [tilespmem:s4+$0x16B70];
	[tilespmem:s4+$0x16B00] =	vst v3;
	v3 =	vmul.f32 v29, v30  }
0x86: {  	v38 =	vld [tilespmem:s4+$0x16B80];
	v37 =	vmul.f32 v11, v30;
	[tilespmem:s4+$0x16B10] =	vst v34  }
0x87: {  	v39 =	vld [tilespmem:s4+$0x16B90];
	[tilespmem:s4+$0x16B20] =	vst v3;
	v3 =	vmul.f32 v32, v30  }
0x88: {  	v41 =	vld [tilespmem:s4+$0x16BA0];
	v40 =	vmul.f32 v33, v30;
	[tilespmem:s4+$0x16B30] =	vst v37  }
0x89: {  	v43 =	vld [tilespmem:s4+$0x16BB0];
	v42 =	vbroadcast v2, $0x2;
	[tilespmem:s4+$0x16B40] =	vst v3;
	v3 =	vmul.f32 v35, v30  }
0x8a: {  	v45 =	vld [tilespmem:s4+$0x16BC0];
	v44 =	vmul.f32 v36, v30;
	[tilespmem:s4+$0x16B50] =	vst v40  }
0x8b: {  	v46 =	vld [tilespmem:s4+$0x16BD0];
	[tilespmem:s4+$0x16B60] =	vst v3;
	v3 =	vmul.f32 v38, v42  }
0x8c: {  	v48 =	vld [tilespmem:s4+$0x16BE0];
	v47 =	vmul.f32 v39, v42;
	[tilespmem:s4+$0x16B70] =	vst v44  }
0x8d: {  	v49 =	vld [tilespmem:s4+$0x16BF0];
	[tilespmem:s4+$0x16B80] =	vst v3;
	v3 =	vmul.f32 v41, v42  }
0x8e: {  	v51 =	vld [tilespmem:s4+$0x16C00];
	v50 =	vmul.f32 v43, v42;
	[tilespmem:s4+$0x16B90] =	vst v47  }
0x8f: {  	v52 =	vld [tilespmem:s4+$0x16C10];
	[tilespmem:s4+$0x16BA0] =	vst v3;
	v3 =	vmul.f32 v45, v42  }
0x90: {  	v54 =	vld [tilespmem:s4+$0x16C20];
	v53 =	vmul.f32 v46, v42;
	[tilespmem:s4+$0x16BB0] =	vst v50  }
0x91: {  	v56 =	vld [tilespmem:s4+$0x16C30];
	v55 =	vbroadcast v2, $0x3;
	[tilespmem:s4+$0x16BC0] =	vst v3;
	v3 =	vmul.f32 v48, v42  }
0x92: {  	v58 =	vld [tilespmem:s4+$0x16C40];
	v57 =	vmul.f32 v49, v42;
	[tilespmem:s4+$0x16BD0] =	vst v53  }
0x93: {  	v59 =	vld [tilespmem:s4+$0x16C50];
	[tilespmem:s4+$0x16BE0] =	vst v3;
	v3 =	vmul.f32 v51, v55  }
0x94: {  	v61 =	vld [tilespmem:s4+$0x16C60];
	v60 =	vmul.f32 v52, v55;
	[tilespmem:s4+$0x16BF0] =	vst v57  }
0x95: {  	v62 =	vld [tilespmem:s4+$0x16C70];
	[tilespmem:s4+$0x16C00] =	vst v3;
	v3 =	vmul.f32 v54, v55  }
0x96: {  	v12 =	vld [tilespmem:s4+$0x16C80];
	v63 =	vmul.f32 v56, v55;
	[tilespmem:s4+$0x16C10] =	vst v60  }
0x97: {  	v13 =	vld [tilespmem:s4+$0x16C90];
	[tilespmem:s4+$0x16C20] =	vst v3;
	v3 =	vmul.f32 v58, v55  }
0x98: {  	v15 =	vld [tilespmem:s4+$0x16CA0];
	v14 =	vmul.f32 v59, v55;
	[tilespmem:s4+$0x16C30] =	vst v63  }
0x99: {  	v17 =	vld [tilespmem:s4+$0x16CB0];
	v16 =	vbroadcast v2, $0x4;
	[tilespmem:s4+$0x16C40] =	vst v3;
	v3 =	vmul.f32 v61, v55  }
0x9a: {  	v19 =	vld [tilespmem:s4+$0x16CC0];
	v18 =	vmul.f32 v62, v55;
	[tilespmem:s4+$0x16C50] =	vst v14  }
0x9b: {  	v20 =	vld [tilespmem:s4+$0x16CD0];
	[tilespmem:s4+$0x16C60] =	vst v3;
	v3 =	vmul.f32 v12, v16  }
0x9c: {  	v22 =	vld [tilespmem:s4+$0x16CE0];
	v21 =	vmul.f32 v13, v16;
	[tilespmem:s4+$0x16C70] =	vst v18  }
0x9d: {  	v23 =	vld [tilespmem:s4+$0x16CF0];
	[tilespmem:s4+$0x16C80] =	vst v3;
	v3 =	vmul.f32 v15, v16  }
0x9e: {  	v24 =	vmul.f32 v17, v16;
	[tilespmem:s4+$0x16C90] =	vst v21;
	v25 =	vld [tilespmem:s4+$0x16D00]  }
0x9f: {  	v33 =	vld [tilespmem:s4+$0x16D50];
	[tilespmem:s4+$0x16CA0] =	vst v3;
	v3 =	vmul.f32 v19, v16  }
0xa0: {  	v27 =	vmul.f32 v20, v16;
	[tilespmem:s4+$0x16CB0] =	vst v24;
	v28 =	vld [tilespmem:s4+$0x16D20]  }
0xa1: {  	v36 =	vld [tilespmem:s4+$0x16D70];
	v29 =	vbroadcast v2, $0x5;
	[tilespmem:s4+$0x16CC0] =	vst v3;
	v3 =	vmul.f32 v22, v16  }
0xa2: {  	[tilespmem:s4+$0x16CD0] =	vst v27;
	v31 =	vmul.f32 v23, v16;
	v32 =	vld [tilespmem:s4+$0x16D40]  }
0xa3: {  	v26 =	vld [tilespmem:s4+$0x16D10];
	[tilespmem:s4+$0x16CE0] =	vst v3;
	v3 =	vmul.f32 v25, v29  }
0xa4: {  	[tilespmem:s4+$0x16CF0] =	vst v31;
	v40 =	vmul.f32 v33, v29;
	v35 =	vld [tilespmem:s4+$0x16D60]  }
0xa5: {  	v30 =	vld [tilespmem:s4+$0x16D30];
	[tilespmem:s4+$0x16D00] =	vst v3;
	v3 =	vmul.f32 v28, v29  }
0xa6: {  	v44 =	vmul.f32 v36, v29;
	[tilespmem:s4+$0x16D50] =	vst v40;
	v38 =	vld [tilespmem:s4+$0x16D80]  }
0xa7: {  	v39 =	vld [tilespmem:s4+$0x16D90];
	[tilespmem:s4+$0x16D20] =	vst v3;
	v3 =	vmul.f32 v32, v29  }
0xa8: {  	v34 =	vmul.f32 v26, v29;
	[tilespmem:s4+$0x16D70] =	vst v44;
	v41 =	vld [tilespmem:s4+$0x16DA0]  }
0xa9: {  	v43 =	vld [tilespmem:s4+$0x16DB0];
	v42 =	vbroadcast v2, $0x6;
	[tilespmem:s4+$0x16D40] =	vst v3;
	v3 =	vmul.f32 v35, v29  }
0xaa: {  	[tilespmem:s4+$0x16D10] =	vst v34;
	v37 =	vmul.f32 v30, v29;
	v45 =	vld [tilespmem:s4+$0x16DC0]  }
0xab: {  	v46 =	vld [tilespmem:s4+$0x16DD0];
	[tilespmem:s4+$0x16D60] =	vst v3;
	v3 =	vmul.f32 v38, v42  }
0xac: {  	[tilespmem:s4+$0x16D30] =	vst v37;
	v48 =	vld [tilespmem:s4+$0x16DE0];
	v47 =	vmul.f32 v39, v42  }
0xad: {  	v49 =	vld [tilespmem:s4+$0x16DF0];
	[tilespmem:s4+$0x16D80] =	vst v3;
	v3 =	vmul.f32 v41, v42  }
0xae: {  	v50 =	vmul.f32 v43, v42;
	v51 =	vld [tilespmem:s4+$0x16E00];
	[tilespmem:s4+$0x16D90] =	vst v47  }
0xaf: {  	v52 =	vld [tilespmem:s4+$0x16E10];
	[tilespmem:s4+$0x16DA0] =	vst v3;
	v3 =	vmul.f32 v45, v42  }
0xb0: {  	v53 =	vmul.f32 v46, v42;
	[tilespmem:s4+$0x16DB0] =	vst v50;
	v54 =	vld [tilespmem:s4+$0x16E20]  }
0xb1: {  	v56 =	vld [tilespmem:s4+$0x16E30];
	v55 =	vbroadcast v2, $0x7;
	[tilespmem:s4+$0x16DC0] =	vst v3;
	v3 =	vmul.f32 v48, v42  }
0xb2: {  	v57 =	vmul.f32 v49, v42;
	[tilespmem:s4+$0x16DD0] =	vst v53;
	v58 =	vld [tilespmem:s4+$0x16E40]  }
0xb3: {  	v59 =	vld [tilespmem:s4+$0x16E50];
	[tilespmem:s4+$0x16DE0] =	vst v3;
	v3 =	vmul.f32 v51, v55  }
0xb4: {  	[tilespmem:s4+$0x16DF0] =	vst v57;
	v61 =	vld [tilespmem:s4+$0x16E60];
	v60 =	vmul.f32 v52, v55  }
0xb5: {  	v62 =	vld [tilespmem:s4+$0x16E70];
	[tilespmem:s4+$0x16E00] =	vst v3;
	v3 =	vmul.f32 v54, v55  }
0xb6: {  	v63 =	vmul.f32 v56, v55;
	v12 =	vld [tilespmem:s4+$0x16E80];
	[tilespmem:s4+$0x16E10] =	vst v60  }
0xb7: {  	v13 =	vld [tilespmem:s4+$0x16E90];
	[tilespmem:s4+$0x16E20] =	vst v3;
	v3 =	vmul.f32 v58, v55  }
0xb8: {  	v14 =	vmul.f32 v59, v55;
	[tilespmem:s4+$0x16E30] =	vst v63;
	v15 =	vld [tilespmem:s4+$0x16EA0]  }
0xb9: {  	v17 =	vld [tilespmem:s4+$0x16EB0];
	v16 =	vbroadcast v2, $0x8;
	[tilespmem:s4+$0x16E40] =	vst v3;
	v3 =	vmul.f32 v61, v55  }
0xba: {  	v18 =	vmul.f32 v62, v55;
	[tilespmem:s4+$0x16E50] =	vst v14;
	v19 =	vld [tilespmem:s4+$0x16EC0]  }
0xbb: {  	v20 =	vld [tilespmem:s4+$0x16ED0];
	[tilespmem:s4+$0x16E60] =	vst v3;
	v3 =	vmul.f32 v12, v16  }
0xbc: {  	[tilespmem:s4+$0x16E70] =	vst v18;
	v22 =	vld [tilespmem:s4+$0x16EE0];
	v21 =	vmul.f32 v13, v16  }
0xbd: {  	v23 =	vld [tilespmem:s4+$0x16EF0];
	[tilespmem:s4+$0x16E80] =	vst v3;
	v3 =	vmul.f32 v15, v16  }
0xbe: {  	v24 =	vmul.f32 v17, v16;
	v25 =	vld [tilespmem:s4+$0x16F00];
	[tilespmem:s4+$0x16E90] =	vst v21  }
0xbf: {  	v26 =	vld [tilespmem:s4+$0x16F10];
	[tilespmem:s4+$0x16EA0] =	vst v3;
	v3 =	vmul.f32 v19, v16  }
0xc0: {  	v27 =	vmul.f32 v20, v16;
	[tilespmem:s4+$0x16EB0] =	vst v24;
	v28 =	vld [tilespmem:s4+$0x16F20]  }
0xc1: {  	v30 =	vld [tilespmem:s4+$0x16F30];
	v29 =	vbroadcast v2, $0x9;
	[tilespmem:s4+$0x16EC0] =	vst v3;
	v3 =	vmul.f32 v22, v16  }
0xc2: {  	v31 =	vmul.f32 v23, v16;
	[tilespmem:s4+$0x16ED0] =	vst v27;
	v32 =	vld [tilespmem:s4+$0x16F40]  }
0xc3: {  	v33 =	vld [tilespmem:s4+$0x16F50];
	[tilespmem:s4+$0x16EE0] =	vst v3;
	v3 =	vmul.f32 v25, v29  }
0xc4: {  	[tilespmem:s4+$0x16EF0] =	vst v31;
	v35 =	vld [tilespmem:s4+$0x16F60];
	v34 =	vmul.f32 v26, v29  }
0xc5: {  	v36 =	vld [tilespmem:s4+$0x16F70];
	[tilespmem:s4+$0x16F00] =	vst v3;
	v3 =	vmul.f32 v28, v29  }
0xc6: {  	v37 =	vmul.f32 v30, v29;
	v38 =	vld [tilespmem:s4+$0x16F80];
	[tilespmem:s4+$0x16F10] =	vst v34  }
0xc7: {  	v39 =	vld [tilespmem:s4+$0x16F90];
	[tilespmem:s4+$0x16F20] =	vst v3;
	v3 =	vmul.f32 v32, v29  }
0xc8: {  	v40 =	vmul.f32 v33, v29;
	[tilespmem:s4+$0x16F30] =	vst v37;
	v41 =	vld [tilespmem:s4+$0x16FA0]  }
0xc9: {  	v43 =	vld [tilespmem:s4+$0x16FB0];
	v42 =	vbroadcast v2, $0xA;
	[tilespmem:s4+$0x16F40] =	vst v3;
	v3 =	vmul.f32 v35, v29  }
0xca: {  	v44 =	vmul.f32 v36, v29;
	[tilespmem:s4+$0x16F50] =	vst v40;
	v45 =	vld [tilespmem:s4+$0x16FC0]  }
0xcb: {  	v46 =	vld [tilespmem:s4+$0x16FD0];
	[tilespmem:s4+$0x16F60] =	vst v3;
	v3 =	vmul.f32 v38, v42  }
0xcc: {  	[tilespmem:s4+$0x16F70] =	vst v44;
	v48 =	vld [tilespmem:s4+$0x16FE0];
	v47 =	vmul.f32 v39, v42  }
0xcd: {  	v49 =	vld [tilespmem:s4+$0x16FF0];
	[tilespmem:s4+$0x16F80] =	vst v3;
	v3 =	vmul.f32 v41, v42  }
0xce: {  	v50 =	vmul.f32 v43, v42;
	v51 =	vld [tilespmem:s4+$0x17000];
	[tilespmem:s4+$0x16F90] =	vst v47  }
0xcf: {  	v52 =	vld [tilespmem:s4+$0x17010];
	[tilespmem:s4+$0x16FA0] =	vst v3;
	v3 =	vmul.f32 v45, v42  }
0xd0: {  	v53 =	vmul.f32 v46, v42;
	[tilespmem:s4+$0x16FB0] =	vst v50;
	v54 =	vld [tilespmem:s4+$0x17020]  }
0xd1: {  	v56 =	vld [tilespmem:s4+$0x17030];
	v55 =	vbroadcast v2, $0xB;
	[tilespmem:s4+$0x16FC0] =	vst v3;
	v3 =	vmul.f32 v48, v42  }
0xd2: {  	v57 =	vmul.f32 v49, v42;
	[tilespmem:s4+$0x16FD0] =	vst v53;
	v58 =	vld [tilespmem:s4+$0x17040]  }
0xd3: {  	v59 =	vld [tilespmem:s4+$0x17050];
	[tilespmem:s4+$0x16FE0] =	vst v3;
	v3 =	vmul.f32 v51, v55  }
0xd4: {  	[tilespmem:s4+$0x16FF0] =	vst v57;
	v61 =	vld [tilespmem:s4+$0x17060];
	v60 =	vmul.f32 v52, v55  }
0xd5: {  	v62 =	vld [tilespmem:s4+$0x17070];
	[tilespmem:s4+$0x17000] =	vst v3;
	v3 =	vmul.f32 v54, v55  }
0xd6: {  	v63 =	vmul.f32 v56, v55;
	v12 =	vld [tilespmem:s4+$0x17080];
	[tilespmem:s4+$0x17010] =	vst v60  }
0xd7: {  	v13 =	vld [tilespmem:s4+$0x17090];
	[tilespmem:s4+$0x17020] =	vst v3;
	v3 =	vmul.f32 v58, v55  }
0xd8: {  	v14 =	vmul.f32 v59, v55;
	[tilespmem:s4+$0x17030] =	vst v63;
	v15 =	vld [tilespmem:s4+$0x170A0]  }
0xd9: {  	v17 =	vld [tilespmem:s4+$0x170B0];
	v16 =	vbroadcast v2, $0xC;
	[tilespmem:s4+$0x17040] =	vst v3;
	v3 =	vmul.f32 v61, v55  }
0xda: {  	v18 =	vmul.f32 v62, v55;
	[tilespmem:s4+$0x17050] =	vst v14;
	v19 =	vld [tilespmem:s4+$0x170C0]  }
0xdb: {  	v20 =	vld [tilespmem:s4+$0x170D0];
	[tilespmem:s4+$0x17060] =	vst v3;
	v3 =	vmul.f32 v12, v16  }
0xdc: {  	[tilespmem:s4+$0x17070] =	vst v18;
	v22 =	vld [tilespmem:s4+$0x170E0];
	v21 =	vmul.f32 v13, v16  }
0xdd: {  	v23 =	vld [tilespmem:s4+$0x170F0];
	[tilespmem:s4+$0x17080] =	vst v3;
	v3 =	vmul.f32 v15, v16  }
0xde: {  	v24 =	vmul.f32 v17, v16;
	v25 =	vld [tilespmem:s4+$0x17100];
	[tilespmem:s4+$0x17090] =	vst v21  }
0xdf: {  	v26 =	vld [tilespmem:s4+$0x17110];
	[tilespmem:s4+$0x170A0] =	vst v3;
	v3 =	vmul.f32 v19, v16  }
0xe0: {  	v27 =	vmul.f32 v20, v16;
	[tilespmem:s4+$0x170B0] =	vst v24;
	v28 =	vld [tilespmem:s4+$0x17120]  }
0xe1: {  	v30 =	vld [tilespmem:s4+$0x17130];
	v29 =	vbroadcast v2, $0xD;
	[tilespmem:s4+$0x170C0] =	vst v3;
	v3 =	vmul.f32 v22, v16  }
0xe2: {  	v31 =	vmul.f32 v23, v16;
	[tilespmem:s4+$0x170D0] =	vst v27;
	v32 =	vld [tilespmem:s4+$0x17140]  }
0xe3: {  	v33 =	vld [tilespmem:s4+$0x17150];
	[tilespmem:s4+$0x170E0] =	vst v3;
	v3 =	vmul.f32 v25, v29  }
0xe4: {  	[tilespmem:s4+$0x170F0] =	vst v31;
	v35 =	vld [tilespmem:s4+$0x17160];
	v34 =	vmul.f32 v26, v29  }
0xe5: {  	v36 =	vld [tilespmem:s4+$0x17170];
	[tilespmem:s4+$0x17100] =	vst v3;
	v3 =	vmul.f32 v28, v29  }
0xe6: {  	v37 =	vmul.f32 v30, v29;
	v38 =	vld [tilespmem:s4+$0x17180];
	[tilespmem:s4+$0x17110] =	vst v34  }
0xe7: {  	v39 =	vld [tilespmem:s4+$0x17190];
	[tilespmem:s4+$0x17120] =	vst v3;
	v3 =	vmul.f32 v32, v29  }
0xe8: {  	v40 =	vmul.f32 v33, v29;
	[tilespmem:s4+$0x17130] =	vst v37;
	v41 =	vld [tilespmem:s4+$0x171A0]  }
0xe9: {  	v43 =	vld [tilespmem:s4+$0x171B0];
	v42 =	vbroadcast v2, $0xE;
	[tilespmem:s4+$0x17140] =	vst v3;
	v3 =	vmul.f32 v35, v29  }
0xea: {  	v44 =	vmul.f32 v36, v29;
	[tilespmem:s4+$0x17150] =	vst v40;
	v45 =	vld [tilespmem:s4+$0x171C0]  }
0xeb: {  	v46 =	vld [tilespmem:s4+$0x171D0];
	[tilespmem:s4+$0x17160] =	vst v3;
	v3 =	vmul.f32 v38, v42  }
0xec: {  	[tilespmem:s4+$0x17170] =	vst v44;
	v48 =	vld [tilespmem:s4+$0x171E0];
	v47 =	vmul.f32 v39, v42  }
0xed: {  	v49 =	vld [tilespmem:s4+$0x171F0];
	[tilespmem:s4+$0x17180] =	vst v3;
	v3 =	vmul.f32 v41, v42  }
0xee: {  	v50 =	vmul.f32 v43, v42;
	v51 =	vld [tilespmem:s4+$0x17200];
	[tilespmem:s4+$0x17190] =	vst v47  }
0xef: {  	v52 =	vld [tilespmem:s4+$0x17210];
	[tilespmem:s4+$0x171A0] =	vst v3;
	v3 =	vmul.f32 v45, v42  }
0xf0: {  	v53 =	vmul.f32 v46, v42;
	[tilespmem:s4+$0x171B0] =	vst v50;
	v54 =	vld [tilespmem:s4+$0x17220]  }
0xf1: {  	v2 =	vbroadcast v2, $0xF;
	v58 =	vld [tilespmem:s4+$0x17250];
	[tilespmem:s4+$0x171C0] =	vst v3;
	v3 =	vmul.f32 v48, v42  }
0xf2: {  	v57 =	vld [tilespmem:s4+$0x17240];
	v56 =	vmul.f32 v49, v42;
	[tilespmem:s4+$0x171D0] =	vst v53  }
0xf3: {  	v55 =	vld [tilespmem:s4+$0x17230];
	[tilespmem:s4+$0x171E0] =	vst v3;
	v3 =	vmul.f32 v51, v2  }
0xf4: {  	v60 =	vld [tilespmem:s4+$0x17260];
	v59 =	vmul.f32 v52, v2;
	[tilespmem:s4+$0x171F0] =	vst v56  }
0xf5: {  	v61 =	vld [tilespmem:s4+$0x17270];
	[tilespmem:s4+$0x17200] =	vst v3;
	v3 =	vmul.f32 v54, v2  }
0xf6: {  	[tilespmem:s4+$0x17210] =	vst v59;
	v63 =	vmul.f32 v58, v2  }
0xf7: {  	p1 =	sne.s32 s0, $0x4;
	[tilespmem:s4+$0x17220] =	vst v3;
	v3 =	vmul.f32 v57, v2  }
.Ltmp2:
0xf8: {  	v62 =	vmul.f32 v55, v2;
	[tilespmem:s4+$0x17250] =	vst v63;
	(pc) =	sbr.rel @p1 .LBB2_8-.Ltmp2, $4  }
0xf9: {  	[tilespmem:s4+$0x17240] =	vst v3;
	v3 =	vmul.f32 v60, v2  }
0xfa: {  	[tilespmem:s4+$0x17230] =	vst v62;
	v2 =	vmul.f32 v61, v2  }
0xfb: {  	[tilespmem:s4+$0x17260] =	vst v3  }
0xfc: {  	s0 =	sadd.s32 $0x1, s0;
	[tilespmem:s4+$0x17270] =	vst v2  }
0xfd: {  	s30 =	sadd.s32 $0x1, s30  }
0xfe: {  	p1 =	sne.s32 s30, $0x19  }
.Ltmp3:
0xff: {  	s0 =	sadd.s32 $0x13900, s31;
	(pc) =	sbr.rel @p1 .LBB2_7-.Ltmp3, $4  }
0x100: {  	[spmem:s1] =	stream.indirect.scatter.add.f32 [tilespmem:s24], [sflag:$0x1], $0x80, s0, s26, $0xb8;
	[tilespmem:$0x19280] =	vst v63  }
0x101: {  	_ =	swait.ge [sflag:s25], $0x2800  }
0x102: {  	[sflag:s25] =	ssyncset.done $0x0  }
0x103: {  	[sflag:s25] =	ssyncadd.s32 $0xFFFFD800  }
0x104: {  	s29 =	sadd.s32 $0x1, s29  }
0x105: {  	p1 =	sne.s32 s29, $0x5  }
.Ltmp4:
0x106: {  	_ = 	snop;
	(pc) =	sbr.rel @p1 .LBB2_4-.Ltmp4, $1  }
0x107: {  	_ =	sdelay $0x3  }
0x108: {  	[bflag:$0x0] =	sbarrier.arrive $0xFFFF  }
0x109: {  	[tilespmem:s24], [sflag:$0x1] =	stream.linear.gather [spmem:s10], $0x1800, $0x38;
	[tilespmem:$0x19280] =	vst v63  }
0x10a: {  	_ =	swait.ge [sflag:s25], $0x1800  }
0x10b: {  	[sflag:s25] =	ssyncset.done $0x0  }
0x10c: {  	s0 =	sadd.s32 $0x0, s23;
	[sflag:s25] =	ssyncadd.s32 $0xFFFFE800  }
0x10d: {  	[hbm4b:s0+s2] =	stream.linear.scatter [tilespmem:s24], [sflag:$0x1], $0x1800, $0x38;
	[tilespmem:$0x19280] =	vst v63  }
0x10e: {  	_ =	swait.ge [sflag:s25], $0x1800  }
0x10f: {  	s4 =	smov.u32 s10;
	s0 =	simm.s32 $0x300;
	[sflag:s25] =	ssyncset.done $0x0  }
.LBB2_12:
0x110: {  	p1 =	sne.s32 s0, $0x2400;
	[sflag:s25] =	ssyncadd.s32 $0xFFFFE800;
	s4 =	sadd.s32 $0x1800, s4  }
0x111: {  	[tilespmem:s24], [sflag:$0x1] =	stream.linear.gather [spmem:s4], $0x1800, $0x38;
	[tilespmem:$0x19280] =	vst v63  }
0x112: {  	s8 =	smov.u32 s0;
	s0 =	sadd.s32 $0x300, s0;
	_ =	swait.ge [sflag:s25], $0x1800  }
.Ltmp5:
0x113: {  	[sflag:s25] =	ssyncset.done $0x0;
	(pc) =	sbr.rel @p1 .LBB2_12-.Ltmp5, $4  }
0x114: {  	s8 =	sadd.s32 s8, s23;
	[sflag:s25] =	ssyncadd.s32 $0xFFFFE800  }
0x115: {  	[hbm4b:s8+s2] =	stream.linear.scatter [tilespmem:s24], [sflag:$0x1], $0x1800, $0x38;
	[tilespmem:$0x19280] =	vst v63  }
0x116: {  	_ =	swait.ge [sflag:s25], $0x1800  }
0x117: {  	[sflag:s25] =	ssyncset.done $0x0  }
0x118: {  	[sflag:s25] =	ssyncadd.s32 $0xFFFFE800;
	s0 =	simm.s32 @!p0 $0x16A80;
	s4 =	simm.s32 @!p0 $0x1  }
0x119: {  	[tilespmem:s0], [sflag:$0x1] =	stream.linear.gather @!p0 [spmem:s6], $0x800, $0x38;
	[tilespmem:$0x19280] =	vst v63  }
0x11a: {  	s28 =	sadd.s32 $0x1, s28;
	_ =	swait.ge @!p0 [sflag:s4], $0x800  }
0x11b: {  	s8 =	simm.s32 @!p0 $0x0;
	p1 =	sne.s32 s28, s9;
	[sflag:s4] =	ssyncset.done @!p0 $0x0  }
.Ltmp6:
0x11c: {  	s29 =	rddreg [dreg:$0x3];
	[sflag:s4] =	ssyncadd.s32 @!p0 $0xFFFFF800;
	(pc) =	sbr.rel @p1 .LBB2_1-.Ltmp6, $4  }
0x11d: {  	[hbm4b:s29+s8] =	stream.linear.scatter @!p0 [tilespmem:s0], [sflag:$0x1], $0x800, $0x38;
	[tilespmem:$0x19280] =	vst v63  }
0x11e: {  	_ =	swait.ge @!p0 [sflag:s4], $0x800  }
0x11f: {  	[sflag:s4] =	ssyncset.done @!p0 $0x0  }
0x120: {  	[sflag:s4] =	ssyncadd.s32 @!p0 $0xFFFFF800  }
0x121: {  	_ =	sfence.sel $0x180000  }
0x122: {  	[bflag:$0x0] =	sbarrier.arrive $0xFFFF  }
0x123: {  	_ =	strace $0x9000004A  }
0x124: {  	s0 =	stileid.u32;
	[bflag:$0x2] =	sbarrier.arrive $0xFFFF  }
0x125: {  	p0 =	sne.s32 s0, $0x0;
	s0 =	rddreg [dreg:$0x2]  }
0x126: {  	s0 =	sadd.s32 @!p0 $0x100000, s0  }
0x127: {  	[sflag:s0] =	ssyncadd.tile.s32 @!p0 $0x1;
	_ =	shalt  }
.Lfunc_end2:
_tile_overlayer_lowered:
.L_overlay_start_2:
0x128: {  	(tag) =	ssettag $0x2  }
0x129: {  	s0 =	rddreg [dreg:$0x0];
	s2 =	stileid.u32  }
0x12a: {  	s1 =	rddreg [dreg:$0x1];
	p0 =	sne.s32 s2, $0x0  }
0x12b: {  	s3 =	rddreg [dreg:$0x2];
	[bflag:$0x3] =	sbarrier.arrive $0xFFFF;
	s2 =	simm.s32 @!p0 $0x1C01  }
0x12c: {  	[timem:s3], [sflag:s2] =	dma.local @!p0 [hbm:s0], s1  }
0x12d: {  	s0 =	simm.s32 @!p0 $0x1  }
0x12e: {  	_ =	swait.ge @!p0 [sflag:s0], s1  }
0x12f: {  	s1 =	ssub.s32 @!p0 $0x0, s1;
	[sflag:s0] =	ssyncset.done @!p0 $0x0  }
0x130: {  	[sflag:s0] =	ssyncadd.s32 @!p0 s1  }
0x131: {  	[bflag:$0x3] =	sbarrier.arrive $0xFFFF  }
0x132: {  	_ =	shalt  }

</sc_bundles>
